<compile_context>
chip_gen: v7x
topology: tpu7x:2x2x1
jax: 0.10.2.dev20260603
libtpu: 0.0.44.dev20260713+nightly
codegen_flags: <defaults>
</compile_context>

<pallas_src>
import functools

import jax
import jax.numpy as jnp
from jax import lax
from jax.experimental import pallas as pl
from jax.experimental.pallas import tpu as pltpu
from jax.experimental.pallas import tpu_sc as plsc

B = 16384
DIM = 64
NW = 32
ROWS_PER_W = B // NW
GS = 7
GROUPS = 74
PAD = 16


def _body(mT_hbm, g_hbm, midx_hbm, gidx_hbm, perm_hbm, wb_hbm, out_hbm,
          midx_v, gidx_v, perm_v, win0_v, win1_v, gr0_v, gr1_v, res_v,
          tmp_v, wb_v, sem0, sem1):
    wid = lax.axis_index("s") * 2 + lax.axis_index("c")
    base = wid * ROWS_PER_W

    pltpu.sync_copy(wb_hbm, wb_v)
    for c in range(ROWS_PER_W // 128):
        pltpu.sync_copy(perm_hbm.at[pl.ds(base + c * 128, 128)],
                        perm_v.at[c])
    for c in range(ROWS_PER_W // 128):
        pltpu.async_copy(midx_hbm.at[perm_v.at[c]],
                         midx_v.at[pl.ds(c * 128, 128)], sem0)
        pltpu.async_copy(gidx_hbm.at[perm_v.at[c]],
                         gidx_v.at[pl.ds(c * 128, 128)], sem1)
    for c in range(ROWS_PER_W // 128):
        pltpu.make_async_copy(midx_hbm.at[pl.ds(0, 128)],
                              midx_v.at[pl.ds(c * 128, 128)], sem0).wait()
        pltpu.make_async_copy(gidx_hbm.at[pl.ds(0, 128)],
                              gidx_v.at[pl.ds(c * 128, 128)], sem1).wait()
    zpad = jnp.zeros((16,), jnp.int32)
    midx_v[pl.ds(ROWS_PER_W, 16)] = zpad
    gidx_v[pl.ds(ROWS_PER_W, 16)] = zpad

    w = wb_v[0, :]
    bb = wb_v[1, :]
    iota = lax.iota(jnp.int32, 16)
    samp16 = jnp.minimum(iota >> 1, GS - 1)
    jhalf = iota & 1
    fold1 = iota ^ 1
    maskst = ((iota & 1) == 0) & (iota < 2 * GS)
    zero16 = jnp.zeros((16,), jnp.int32)
    one16 = jnp.ones((16,), jnp.int32)
    two16 = jnp.full((16,), 2, jnp.int32)

    def windows(g):
        mv = midx_v[pl.ds(g * GS, 16)]
        ws = [mv[k] >> 7 for k in range(GS)]
        news = [True] + [ws[k] != ws[k - 1] for k in range(1, GS)]
        return ws, news

    def fire(g, win_v, gr_v, sem):
        gv = gidx_v[pl.ds(g * GS, 16)]
        ws, news = windows(g)
        for k in range(GS):
            woff = pl.multiple_of(ws[k] * 128, 128)
            if k == 0:
                pltpu.async_copy(mT_hbm.at[:, pl.ds(woff, 128)],
                                 win_v.at[k], sem)
            else:
                @pl.when(news[k])
                def _(woff=woff, k=k):
                    pltpu.async_copy(mT_hbm.at[:, pl.ds(woff, 128)],
                                     win_v.at[k], sem)
            pltpu.async_copy(g_hbm.at[pl.ds(gv[k], 1)],
                             gr_v.at[pl.ds(k, 1)], sem)

    def drain(g, win_v, gr_v, sem):
        _, news = windows(g)
        for k in range(GS):
            if k == 0:
                pltpu.make_async_copy(mT_hbm.at[:, pl.ds(0, 128)],
                                      win_v.at[k], sem).wait()
            else:
                @pl.when(news[k])
                def _(k=k):
                    pltpu.make_async_copy(mT_hbm.at[:, pl.ds(0, 128)],
                                          win_v.at[k], sem).wait()
        pltpu.make_async_copy(g_hbm.at[pl.ds(0, GS)], gr_v, sem).wait()

    def compute(g, win_v, gr_v):
        goff = g * GS
        ws, news = windows(g)
        slots = [jnp.int32(0)]
        for k in range(1, GS):
            slots.append(jnp.where(news[k], jnp.int32(k), slots[k - 1]))
        slotvec = slots[GS - 1]
        for k in range(GS - 2, -1, -1):
            slotvec = jnp.where(samp16 == k, slots[k], slotvec)
        lanevec = plsc.load_gather(midx_v, [goff + samp16]) & 127
        zero = jnp.zeros((16,), jnp.float32)
        dot = zero
        nm2 = zero
        ng2 = zero
        for jb in range(0, DIM, 2):
            jv = jhalf + jb
            mj = plsc.load_gather(win_v, [slotvec, jv, lanevec])
            gj = plsc.load_gather(gr_v, [samp16, jv])
            dot = dot + mj * gj
            nm2 = nm2 + mj * mj
            ng2 = ng2 + gj * gj
        tmp_v[0, :] = dot
        tmp_v[1, :] = nm2
        tmp_v[2, :] = ng2
        dot = dot + plsc.load_gather(tmp_v, [zero16, fold1])
        nm2 = nm2 + plsc.load_gather(tmp_v, [one16, fold1])
        ng2 = ng2 + plsc.load_gather(tmp_v, [two16, fold1])
        d = jnp.maximum(nm2, 1e-16) * jnp.maximum(ng2, 1e-16)
        di = plsc.bitcast(d, jnp.int32)
        y = plsc.bitcast(jnp.int32(0x5F3759DF) - (di >> 1), jnp.float32)
        for _ in range(3):
            y = y * (1.5 - 0.5 * d * y * y)
        cos = dot * y
        z = cos * w + bb
        sig = 1.0 / (1.0 + jnp.exp(-z))
        plsc.store_compressed(res_v.at[pl.ds(goff, 16)], sig, mask=maskst)

    fire(0, win0_v, gr0_v, sem0)

    def pair(g2, _):
        g0 = g2 * 2
        fire(g0 + 1, win1_v, gr1_v, sem1)
        drain(g0, win0_v, gr0_v, sem0)
        compute(g0, win0_v, gr0_v)

        @pl.when(g0 + 2 < GROUPS)
        def _():
            fire(g0 + 2, win0_v, gr0_v, sem0)

        drain(g0 + 1, win1_v, gr1_v, sem1)
        compute(g0 + 1, win1_v, gr1_v)
        return 0

    lax.fori_loop(0, GROUPS // 2, pair, 0)

    for c in range(ROWS_PER_W // 128):
        pltpu.async_copy(res_v.at[pl.ds(c * 128, 128)],
                         out_hbm.at[perm_v.at[c]], sem0)
    for c in range(ROWS_PER_W // 128):
        pltpu.make_async_copy(res_v.at[pl.ds(c * 128, 128)],
                              out_hbm.at[pl.ds(0, 128)], sem0).wait()


@jax.jit
def _run(mT, g_table, midx, gidx, perm, wb):
    mesh = plsc.VectorSubcoreMesh(core_axis_name="c", subcore_axis_name="s")
    f = functools.partial(
        pl.kernel,
        mesh=mesh,
        out_type=jax.ShapeDtypeStruct((B,), jnp.float32),
        scratch_types=[
            pltpu.VMEM((GROUPS * GS + PAD,), jnp.int32),
            pltpu.VMEM((GROUPS * GS + PAD,), jnp.int32),
            pltpu.VMEM((ROWS_PER_W // 128, 128), jnp.int32),
            pltpu.VMEM((GS, DIM, 128), jnp.float32),
            pltpu.VMEM((GS, DIM, 128), jnp.float32),
            pltpu.VMEM((GS, DIM), jnp.float32),
            pltpu.VMEM((GS, DIM), jnp.float32),
            pltpu.VMEM((GROUPS * GS + PAD,), jnp.float32),
            pltpu.VMEM((3, 16), jnp.float32),
            pltpu.VMEM((2, 16), jnp.float32),
            pltpu.SemaphoreType.DMA,
            pltpu.SemaphoreType.DMA,
        ],
        compiler_params=pltpu.CompilerParams(needs_layout_passes=False),
    )(_body)
    return f(mT, g_table, midx, gidx, perm, wb)


def kernel(x, m_table, g_table, fc_w, fc_b):
    mT = m_table.T
    midx = x[:, 0].astype(jnp.int32)
    gidx = x[:, 1].astype(jnp.int32)
    order = jnp.argsort(midx, stable=False).astype(jnp.int32)
    wb = jnp.stack([
        jnp.broadcast_to(fc_w.reshape(()), (16,)),
        jnp.broadcast_to(fc_b.reshape(()), (16,)),
    ]).astype(jnp.float32)
    out = _run(mT, g_table, midx, gidx, order, wb)
    return out.reshape(B, 1)

# --- scband reference (transcript-rebuilt; emitter-appended) ---
"""Pipeline reference for scband-movie-genre-embedding-20701742367011 (READ-ONLY COPY).

The authoritative reference and input builder live on the scoring server;
editing this copy changes nothing except your own understanding.
"""

import jax, jax.numpy as jnp
import numpy as np

B = 16384
LEN_MOVIES = 1000000
LEN_GENRES = 1000
DIM = 64


def setup_inputs(seed: int = 0) -> dict:
    key = jax.random.key(seed)
    k1, k2, k3, k4, k5, k6 = jax.random.split(key, 6)
    movie_ids = jax.random.randint(k1, (B,), 0, LEN_MOVIES, dtype=jnp.int64 if jax.config.read('jax_enable_x64') else jnp.int32)
    genre_ids = jax.random.randint(k2, (B,), 0, LEN_GENRES, dtype=movie_ids.dtype)
    x = jnp.stack([movie_ids, genre_ids], axis=1)
    m_table = jax.random.normal(k3, (LEN_MOVIES, DIM), dtype=jnp.float32)
    g_table = jax.random.normal(k4, (LEN_GENRES, DIM), dtype=jnp.float32)
    # nn.Linear(1, 1): weight [1,1], bias [1], uniform(-1, 1) since fan_in=1
    fc_w = jax.random.uniform(k5, (1, 1), minval=-1.0, maxval=1.0, dtype=jnp.float32)
    fc_b = jax.random.uniform(k6, (1,), minval=-1.0, maxval=1.0, dtype=jnp.float32)
    return {"x": x, "m_table": m_table, "g_table": g_table, "fc_w": fc_w, "fc_b": fc_b}


def reference(x, m_table, g_table, fc_w, fc_b):
    # embedding lookups (SparseCore gathers)
    memb = jnp.take(m_table, x[:, 0], axis=0)  # [B, DIM]
    gemb = jnp.take(g_table, x[:, 1], axis=0)  # [B, DIM]
    # torch.nn.CosineSimilarity(dim=1, eps=1e-8)
    dot = jnp.sum(memb * gemb, axis=1)
    nm = jnp.linalg.norm(memb, axis=1)
    ng = jnp.linalg.norm(gemb, axis=1)
    cos = dot / (jnp.maximum(nm, 1e-8) * jnp.maximum(ng, 1e-8))
    m_g = cos[:, None]  # [B, 1]
    out = jax.nn.sigmoid(m_g @ fc_w.T + fc_b)  # [B, 1]
    return out

if __name__ == "__main__":
    import jax
    _d = setup_inputs()
    print(jax.jit(kernel)(*tuple(_d.values())))

</pallas_src>

<mosaic_0001>
#map = affine_map<(d0, d1) -> (0, 0)>
#map1 = affine_map<(d0, d1) -> (0)>
module attributes {stable_mosaic.version = 14 : i64} {
  func.func @_body(%arg0: i32, %arg1: i32, %arg2: memref<64x1000000xf32, #tpu.memory_space<hbm>>, %arg3: memref<1000x64xf32, #tpu.memory_space<hbm>>, %arg4: memref<16384xi32, #tpu.memory_space<hbm>>, %arg5: memref<16384xi32, #tpu.memory_space<hbm>>, %arg6: memref<16384xi32, #tpu.memory_space<hbm>>, %arg7: memref<2x16xf32, #tpu.memory_space<hbm>>, %arg8: memref<16384xf32, #tpu.memory_space<hbm>>, %arg9: memref<534xi32, #tpu.memory_space<vmem>>, %arg10: memref<534xi32, #tpu.memory_space<vmem>>, %arg11: memref<4x128xi32, #tpu.memory_space<vmem>>, %arg12: memref<7x64x128xf32, #tpu.memory_space<vmem>>, %arg13: memref<7x64x128xf32, #tpu.memory_space<vmem>>, %arg14: memref<7x64xf32, #tpu.memory_space<vmem>>, %arg15: memref<7x64xf32, #tpu.memory_space<vmem>>, %arg16: memref<534xf32, #tpu.memory_space<vmem>>, %arg17: memref<3x16xf32, #tpu.memory_space<vmem>>, %arg18: memref<2x16xf32, #tpu.memory_space<vmem>>, %arg19: memref<!tpu.dma_semaphore, #tpu.memory_space<semaphore_mem>>, %arg20: memref<!tpu.dma_semaphore, #tpu.memory_space<semaphore_mem>>) attributes {dimension_semantics = [#tpu.dimension_semantics<core_parallel>, #tpu.dimension_semantics<subcore_parallel>], iteration_bounds = array<i64: 2, 16>, scalar_prefetch = 0 : i64, scratch_operands = 12 : i64, tpu.core_type = #tpu.core_type<sc_vector_subcore>, window_params = [{transform_indices = #map}, {transform_indices = #map}, {transform_indices = #map1}, {transform_indices = #map1}, {transform_indices = #map1}, {transform_indices = #map}, {transform_indices = #map1}]} {
    %mul3A = arith.constant 2 : i32
    %mul3A_0 = arith.muli %arg1, %mul3A : i32
    %add3A = arith.addi %mul3A_0, %arg0 : i32
    %mul3A_1 = arith.constant 512 : i32
    %mul3A_2 = arith.muli %add3A, %mul3A_1 : i32
    "tpu.region"() ({
      %run_scoped3A_411 = tpu.sem_alloc : memref<!tpu.dma_semaphore, #tpu.memory_space<semaphore_mem>>
      tpu.enqueue_dma source(%arg7 : memref<2x16xf32, #tpu.memory_space<hbm>>) target(%arg18 : memref<2x16xf32, #tpu.memory_space<vmem>>) target_semaphore(%run_scoped3A_411 : memref<!tpu.dma_semaphore, #tpu.memory_space<semaphore_mem>>)
      tpu.wait_dma2 semaphore(%run_scoped3A_411 : memref<!tpu.dma_semaphore, #tpu.memory_space<semaphore_mem>>) src(%arg7 : memref<2x16xf32, #tpu.memory_space<hbm>>) dst(%arg18 : memref<2x16xf32, #tpu.memory_space<vmem>>)
      tpu.yield
    }) : () -> ()
    %add3A_3 = arith.constant 0 : i32
    %add3A_4 = arith.addi %mul3A_2, %add3A_3 : i32
    %run_scoped3A = arith.constant 0 : i32
    "tpu.region"() ({
      %run_scoped3A_411 = tpu.sem_alloc : memref<!tpu.dma_semaphore, #tpu.memory_space<semaphore_mem>>
      %dma_start3A_412 = arith.constant 0 : i32
      %dma_start3A_413 = tpu.memref_slice %arg11[%run_scoped3A, %dma_start3A_412] : memref<4x128xi32, #tpu.memory_space<vmem>> -> memref<1x128xi32, #tpu.memory_space<vmem>>
      %dma_start3A_414 = tpu.memref_squeeze %dma_start3A_413 : memref<1x128xi32, #tpu.memory_space<vmem>> -> memref<128xi32, #tpu.memory_space<vmem>>
      %dma_start3A_415 = tpu.memref_slice %arg6[%add3A_4] : memref<16384xi32, #tpu.memory_space<hbm>> -> memref<128xi32, #tpu.memory_space<hbm>>
      %dma_start3A_416 = arith.constant 0 : i32
      %dma_start3A_417 = tpu.memref_slice %arg11[%run_scoped3A, %dma_start3A_416] : memref<4x128xi32, #tpu.memory_space<vmem>> -> memref<1x128xi32, #tpu.memory_space<vmem>>
      %dma_start3A_418 = tpu.memref_squeeze %dma_start3A_417 : memref<1x128xi32, #tpu.memory_space<vmem>> -> memref<128xi32, #tpu.memory_space<vmem>>
      %dma_start3A_419 = tpu.memref_slice %arg6[%add3A_4] : memref<16384xi32, #tpu.memory_space<hbm>> -> memref<128xi32, #tpu.memory_space<hbm>>
      tpu.enqueue_dma source(%dma_start3A_419 : memref<128xi32, #tpu.memory_space<hbm>>) target(%dma_start3A_418 : memref<128xi32, #tpu.memory_space<vmem>>) target_semaphore(%run_scoped3A_411 : memref<!tpu.dma_semaphore, #tpu.memory_space<semaphore_mem>>)
      %dma_wait3A_420 = arith.constant 0 : i32
      %dma_wait3A_421 = tpu.memref_slice %arg11[%run_scoped3A, %dma_wait3A_420] : memref<4x128xi32, #tpu.memory_space<vmem>> -> memref<1x128xi32, #tpu.memory_space<vmem>>
      %dma_wait3A_422 = tpu.memref_squeeze %dma_wait3A_421 : memref<1x128xi32, #tpu.memory_space<vmem>> -> memref<128xi32, #tpu.memory_space<vmem>>
      %dma_wait3A_423 = tpu.memref_slice %arg6[%add3A_4] : memref<16384xi32, #tpu.memory_space<hbm>> -> memref<128xi32, #tpu.memory_space<hbm>>
      %dma_wait3A_424 = arith.constant 0 : i32
      %dma_wait3A_425 = tpu.memref_slice %arg11[%run_scoped3A, %dma_wait3A_424] : memref<4x128xi32, #tpu.memory_space<vmem>> -> memref<1x128xi32, #tpu.memory_space<vmem>>
      %dma_wait3A_426 = tpu.memref_squeeze %dma_wait3A_425 : memref<1x128xi32, #tpu.memory_space<vmem>> -> memref<128xi32, #tpu.memory_space<vmem>>
      %dma_wait3A_427 = tpu.memref_slice %arg6[%add3A_4] : memref<16384xi32, #tpu.memory_space<hbm>> -> memref<128xi32, #tpu.memory_space<hbm>>
      tpu.wait_dma2 semaphore(%run_scoped3A_411 : memref<!tpu.dma_semaphore, #tpu.memory_space<semaphore_mem>>) src(%dma_wait3A_427 : memref<128xi32, #tpu.memory_space<hbm>>) dst(%dma_wait3A_426 : memref<128xi32, #tpu.memory_space<vmem>>)
      tpu.yield
    }) : () -> ()
    %add3A_5 = arith.constant 128 : i32
    %add3A_6 = arith.addi %mul3A_2, %add3A_5 : i32
    %run_scoped3A_7 = arith.constant 1 : i32
    "tpu.region"() ({
      %run_scoped3A_411 = tpu.sem_alloc : memref<!tpu.dma_semaphore, #tpu.memory_space<semaphore_mem>>
      %dma_start3A_412 = arith.constant 0 : i32
      %dma_start3A_413 = tpu.memref_slice %arg11[%run_scoped3A_7, %dma_start3A_412] : memref<4x128xi32, #tpu.memory_space<vmem>> -> memref<1x128xi32, #tpu.memory_space<vmem>>
      %dma_start3A_414 = tpu.memref_squeeze %dma_start3A_413 : memref<1x128xi32, #tpu.memory_space<vmem>> -> memref<128xi32, #tpu.memory_space<vmem>>
      %dma_start3A_415 = tpu.memref_slice %arg6[%add3A_6] : memref<16384xi32, #tpu.memory_space<hbm>> -> memref<128xi32, #tpu.memory_space<hbm>>
      %dma_start3A_416 = arith.constant 0 : i32
      %dma_start3A_417 = tpu.memref_slice %arg11[%run_scoped3A_7, %dma_start3A_416] : memref<4x128xi32, #tpu.memory_space<vmem>> -> memref<1x128xi32, #tpu.memory_space<vmem>>
      %dma_start3A_418 = tpu.memref_squeeze %dma_start3A_417 : memref<1x128xi32, #tpu.memory_space<vmem>> -> memref<128xi32, #tpu.memory_space<vmem>>
      %dma_start3A_419 = tpu.memref_slice %arg6[%add3A_6] : memref<16384xi32, #tpu.memory_space<hbm>> -> memref<128xi32, #tpu.memory_space<hbm>>
      tpu.enqueue_dma source(%dma_start3A_419 : memref<128xi32, #tpu.memory_space<hbm>>) target(%dma_start3A_418 : memref<128xi32, #tpu.memory_space<vmem>>) target_semaphore(%run_scoped3A_411 : memref<!tpu.dma_semaphore, #tpu.memory_space<semaphore_mem>>)
      %dma_wait3A_420 = arith.constant 0 : i32
      %dma_wait3A_421 = tpu.memref_slice %arg11[%run_scoped3A_7, %dma_wait3A_420] : memref<4x128xi32, #tpu.memory_space<vmem>> -> memref<1x128xi32, #tpu.memory_space<vmem>>
      %dma_wait3A_422 = tpu.memref_squeeze %dma_wait3A_421 : memref<1x128xi32, #tpu.memory_space<vmem>> -> memref<128xi32, #tpu.memory_space<vmem>>
      %dma_wait3A_423 = tpu.memref_slice %arg6[%add3A_6] : memref<16384xi32, #tpu.memory_space<hbm>> -> memref<128xi32, #tpu.memory_space<hbm>>
      %dma_wait3A_424 = arith.constant 0 : i32
      %dma_wait3A_425 = tpu.memref_slice %arg11[%run_scoped3A_7, %dma_wait3A_424] : memref<4x128xi32, #tpu.memory_space<vmem>> -> memref<1x128xi32, #tpu.memory_space<vmem>>
      %dma_wait3A_426 = tpu.memref_squeeze %dma_wait3A_425 : memref<1x128xi32, #tpu.memory_space<vmem>> -> memref<128xi32, #tpu.memory_space<vmem>>
      %dma_wait3A_427 = tpu.memref_slice %arg6[%add3A_6] : memref<16384xi32, #tpu.memory_space<hbm>> -> memref<128xi32, #tpu.memory_space<hbm>>
      tpu.wait_dma2 semaphore(%run_scoped3A_411 : memref<!tpu.dma_semaphore, #tpu.memory_space<semaphore_mem>>) src(%dma_wait3A_427 : memref<128xi32, #tpu.memory_space<hbm>>) dst(%dma_wait3A_426 : memref<128xi32, #tpu.memory_space<vmem>>)
      tpu.yield
    }) : () -> ()
    %add3A_8 = arith.constant 256 : i32
    %add3A_9 = arith.addi %mul3A_2, %add3A_8 : i32
    %run_scoped3A_10 = arith.constant 2 : i32
    "tpu.region"() ({
      %run_scoped3A_411 = tpu.sem_alloc : memref<!tpu.dma_semaphore, #tpu.memory_space<semaphore_mem>>
      %dma_start3A_412 = arith.constant 0 : i32
      %dma_start3A_413 = tpu.memref_slice %arg11[%run_scoped3A_10, %dma_start3A_412] : memref<4x128xi32, #tpu.memory_space<vmem>> -> memref<1x128xi32, #tpu.memory_space<vmem>>
      %dma_start3A_414 = tpu.memref_squeeze %dma_start3A_413 : memref<1x128xi32, #tpu.memory_space<vmem>> -> memref<128xi32, #tpu.memory_space<vmem>>
      %dma_start3A_415 = tpu.memref_slice %arg6[%add3A_9] : memref<16384xi32, #tpu.memory_space<hbm>> -> memref<128xi32, #tpu.memory_space<hbm>>
      %dma_start3A_416 = arith.constant 0 : i32
      %dma_start3A_417 = tpu.memref_slice %arg11[%run_scoped3A_10, %dma_start3A_416] : memref<4x128xi32, #tpu.memory_space<vmem>> -> memref<1x128xi32, #tpu.memory_space<vmem>>
      %dma_start3A_418 = tpu.memref_squeeze %dma_start3A_417 : memref<1x128xi32, #tpu.memory_space<vmem>> -> memref<128xi32, #tpu.memory_space<vmem>>
      %dma_start3A_419 = tpu.memref_slice %arg6[%add3A_9] : memref<16384xi32, #tpu.memory_space<hbm>> -> memref<128xi32, #tpu.memory_space<hbm>>
      tpu.enqueue_dma source(%dma_start3A_419 : memref<128xi32, #tpu.memory_space<hbm>>) target(%dma_start3A_418 : memref<128xi32, #tpu.memory_space<vmem>>) target_semaphore(%run_scoped3A_411 : memref<!tpu.dma_semaphore, #tpu.memory_space<semaphore_mem>>)
      %dma_wait3A_420 = arith.constant 0 : i32
      %dma_wait3A_421 = tpu.memref_slice %arg11[%run_scoped3A_10, %dma_wait3A_420] : memref<4x128xi32, #tpu.memory_space<vmem>> -> memref<1x128xi32, #tpu.memory_space<vmem>>
      %dma_wait3A_422 = tpu.memref_squeeze %dma_wait3A_421 : memref<1x128xi32, #tpu.memory_space<vmem>> -> memref<128xi32, #tpu.memory_space<vmem>>
      %dma_wait3A_423 = tpu.memref_slice %arg6[%add3A_9] : memref<16384xi32, #tpu.memory_space<hbm>> -> memref<128xi32, #tpu.memory_space<hbm>>
      %dma_wait3A_424 = arith.constant 0 : i32
      %dma_wait3A_425 = tpu.memref_slice %arg11[%run_scoped3A_10, %dma_wait3A_424] : memref<4x128xi32, #tpu.memory_space<vmem>> -> memref<1x128xi32, #tpu.memory_space<vmem>>
      %dma_wait3A_426 = tpu.memref_squeeze %dma_wait3A_425 : memref<1x128xi32, #tpu.memory_space<vmem>> -> memref<128xi32, #tpu.memory_space<vmem>>
      %dma_wait3A_427 = tpu.memref_slice %arg6[%add3A_9] : memref<16384xi32, #tpu.memory_space<hbm>> -> memref<128xi32, #tpu.memory_space<hbm>>
      tpu.wait_dma2 semaphore(%run_scoped3A_411 : memref<!tpu.dma_semaphore, #tpu.memory_space<semaphore_mem>>) src(%dma_wait3A_427 : memref<128xi32, #tpu.memory_space<hbm>>) dst(%dma_wait3A_426 : memref<128xi32, #tpu.memory_space<vmem>>)
      tpu.yield
    }) : () -> ()
    %add3A_11 = arith.constant 384 : i32
    %add3A_12 = arith.addi %mul3A_2, %add3A_11 : i32
    %run_scoped3A_13 = arith.constant 3 : i32
    "tpu.region"() ({
      %run_scoped3A_411 = tpu.sem_alloc : memref<!tpu.dma_semaphore, #tpu.memory_space<semaphore_mem>>
      %dma_start3A_412 = arith.constant 0 : i32
      %dma_start3A_413 = tpu.memref_slice %arg11[%run_scoped3A_13, %dma_start3A_412] : memref<4x128xi32, #tpu.memory_space<vmem>> -> memref<1x128xi32, #tpu.memory_space<vmem>>
      %dma_start3A_414 = tpu.memref_squeeze %dma_start3A_413 : memref<1x128xi32, #tpu.memory_space<vmem>> -> memref<128xi32, #tpu.memory_space<vmem>>
      %dma_start3A_415 = tpu.memref_slice %arg6[%add3A_12] : memref<16384xi32, #tpu.memory_space<hbm>> -> memref<128xi32, #tpu.memory_space<hbm>>
      %dma_start3A_416 = arith.constant 0 : i32
      %dma_start3A_417 = tpu.memref_slice %arg11[%run_scoped3A_13, %dma_start3A_416] : memref<4x128xi32, #tpu.memory_space<vmem>> -> memref<1x128xi32, #tpu.memory_space<vmem>>
      %dma_start3A_418 = tpu.memref_squeeze %dma_start3A_417 : memref<1x128xi32, #tpu.memory_space<vmem>> -> memref<128xi32, #tpu.memory_space<vmem>>
      %dma_start3A_419 = tpu.memref_slice %arg6[%add3A_12] : memref<16384xi32, #tpu.memory_space<hbm>> -> memref<128xi32, #tpu.memory_space<hbm>>
      tpu.enqueue_dma source(%dma_start3A_419 : memref<128xi32, #tpu.memory_space<hbm>>) target(%dma_start3A_418 : memref<128xi32, #tpu.memory_space<vmem>>) target_semaphore(%run_scoped3A_411 : memref<!tpu.dma_semaphore, #tpu.memory_space<semaphore_mem>>)
      %dma_wait3A_420 = arith.constant 0 : i32
      %dma_wait3A_421 = tpu.memref_slice %arg11[%run_scoped3A_13, %dma_wait3A_420] : memref<4x128xi32, #tpu.memory_space<vmem>> -> memref<1x128xi32, #tpu.memory_space<vmem>>
      %dma_wait3A_422 = tpu.memref_squeeze %dma_wait3A_421 : memref<1x128xi32, #tpu.memory_space<vmem>> -> memref<128xi32, #tpu.memory_space<vmem>>
      %dma_wait3A_423 = tpu.memref_slice %arg6[%add3A_12] : memref<16384xi32, #tpu.memory_space<hbm>> -> memref<128xi32, #tpu.memory_space<hbm>>
      %dma_wait3A_424 = arith.constant 0 : i32
      %dma_wait3A_425 = tpu.memref_slice %arg11[%run_scoped3A_13, %dma_wait3A_424] : memref<4x128xi32, #tpu.memory_space<vmem>> -> memref<1x128xi32, #tpu.memory_space<vmem>>
      %dma_wait3A_426 = tpu.memref_squeeze %dma_wait3A_425 : memref<1x128xi32, #tpu.memory_space<vmem>> -> memref<128xi32, #tpu.memory_space<vmem>>
      %dma_wait3A_427 = tpu.memref_slice %arg6[%add3A_12] : memref<16384xi32, #tpu.memory_space<hbm>> -> memref<128xi32, #tpu.memory_space<hbm>>
      tpu.wait_dma2 semaphore(%run_scoped3A_411 : memref<!tpu.dma_semaphore, #tpu.memory_space<semaphore_mem>>) src(%dma_wait3A_427 : memref<128xi32, #tpu.memory_space<hbm>>) dst(%dma_wait3A_426 : memref<128xi32, #tpu.memory_space<vmem>>)
      tpu.yield
    }) : () -> ()
    %dma_start3A = arith.constant 0 : i32
    %dma_start3A_14 = arith.constant 0 : i32
    %dma_start3A_15 = tpu.memref_slice %arg9[%dma_start3A_14] : memref<534xi32, #tpu.memory_space<vmem>> -> memref<128xi32, #tpu.memory_space<vmem>>
    %dma_start3A_16 = arith.constant 0 : i32
    %dma_start3A_17 = tpu.memref_slice %arg11[%dma_start3A, %dma_start3A_16] : memref<4x128xi32, #tpu.memory_space<vmem>> -> memref<1x128xi32, #tpu.memory_space<vmem>>
    %dma_start3A_18 = tpu.memref_squeeze %dma_start3A_17 : memref<1x128xi32, #tpu.memory_space<vmem>> -> memref<128xi32, #tpu.memory_space<vmem>>
    %dma_start3A_19 = arith.constant 0 : i32
    %dma_start3A_20 = tpu.memref_slice %arg4[%dma_start3A_19] : memref<16384xi32, #tpu.memory_space<hbm>> -> memref<16384xi32, #tpu.memory_space<hbm>>
    tpu.enqueue_indirect_dma source(%dma_start3A_20 : memref<16384xi32, #tpu.memory_space<hbm>>) target(%dma_start3A_15 : memref<128xi32, #tpu.memory_space<vmem>>) offsets(%dma_start3A_18 : memref<128xi32, #tpu.memory_space<vmem>>) semaphore(%arg19 : memref<!tpu.dma_semaphore, #tpu.memory_space<semaphore_mem>>)
    %dma_start3A_21 = arith.constant 0 : i32
    %dma_start3A_22 = arith.constant 0 : i32
    %dma_start3A_23 = tpu.memref_slice %arg10[%dma_start3A_22] : memref<534xi32, #tpu.memory_space<vmem>> -> memref<128xi32, #tpu.memory_space<vmem>>
    %dma_start3A_24 = arith.constant 0 : i32
    %dma_start3A_25 = tpu.memref_slice %arg11[%dma_start3A_21, %dma_start3A_24] : memref<4x128xi32, #tpu.memory_space<vmem>> -> memref<1x128xi32, #tpu.memory_space<vmem>>
    %dma_start3A_26 = tpu.memref_squeeze %dma_start3A_25 : memref<1x128xi32, #tpu.memory_space<vmem>> -> memref<128xi32, #tpu.memory_space<vmem>>
    %dma_start3A_27 = arith.constant 0 : i32
    %dma_start3A_28 = tpu.memref_slice %arg5[%dma_start3A_27] : memref<16384xi32, #tpu.memory_space<hbm>> -> memref<16384xi32, #tpu.memory_space<hbm>>
    tpu.enqueue_indirect_dma source(%dma_start3A_28 : memref<16384xi32, #tpu.memory_space<hbm>>) target(%dma_start3A_23 : memref<128xi32, #tpu.memory_space<vmem>>) offsets(%dma_start3A_26 : memref<128xi32, #tpu.memory_space<vmem>>) semaphore(%arg20 : memref<!tpu.dma_semaphore, #tpu.memory_space<semaphore_mem>>)
    %dma_start3A_29 = arith.constant 1 : i32
    %dma_start3A_30 = arith.constant 128 : i32
    %dma_start3A_31 = tpu.memref_slice %arg9[%dma_start3A_30] : memref<534xi32, #tpu.memory_space<vmem>> -> memref<128xi32, #tpu.memory_space<vmem>>
    %dma_start3A_32 = arith.constant 0 : i32
    %dma_start3A_33 = tpu.memref_slice %arg11[%dma_start3A_29, %dma_start3A_32] : memref<4x128xi32, #tpu.memory_space<vmem>> -> memref<1x128xi32, #tpu.memory_space<vmem>>
    %dma_start3A_34 = tpu.memref_squeeze %dma_start3A_33 : memref<1x128xi32, #tpu.memory_space<vmem>> -> memref<128xi32, #tpu.memory_space<vmem>>
    %dma_start3A_35 = arith.constant 0 : i32
    %dma_start3A_36 = tpu.memref_slice %arg4[%dma_start3A_35] : memref<16384xi32, #tpu.memory_space<hbm>> -> memref<16384xi32, #tpu.memory_space<hbm>>
    tpu.enqueue_indirect_dma source(%dma_start3A_36 : memref<16384xi32, #tpu.memory_space<hbm>>) target(%dma_start3A_31 : memref<128xi32, #tpu.memory_space<vmem>>) offsets(%dma_start3A_34 : memref<128xi32, #tpu.memory_space<vmem>>) semaphore(%arg19 : memref<!tpu.dma_semaphore, #tpu.memory_space<semaphore_mem>>)
    %dma_start3A_37 = arith.constant 1 : i32
    %dma_start3A_38 = arith.constant 128 : i32
    %dma_start3A_39 = tpu.memref_slice %arg10[%dma_start3A_38] : memref<534xi32, #tpu.memory_space<vmem>> -> memref<128xi32, #tpu.memory_space<vmem>>
    %dma_start3A_40 = arith.constant 0 : i32
    %dma_start3A_41 = tpu.memref_slice %arg11[%dma_start3A_37, %dma_start3A_40] : memref<4x128xi32, #tpu.memory_space<vmem>> -> memref<1x128xi32, #tpu.memory_space<vmem>>
    %dma_start3A_42 = tpu.memref_squeeze %dma_start3A_41 : memref<1x128xi32, #tpu.memory_space<vmem>> -> memref<128xi32, #tpu.memory_space<vmem>>
    %dma_start3A_43 = arith.constant 0 : i32
    %dma_start3A_44 = tpu.memref_slice %arg5[%dma_start3A_43] : memref<16384xi32, #tpu.memory_space<hbm>> -> memref<16384xi32, #tpu.memory_space<hbm>>
    tpu.enqueue_indirect_dma source(%dma_start3A_44 : memref<16384xi32, #tpu.memory_space<hbm>>) target(%dma_start3A_39 : memref<128xi32, #tpu.memory_space<vmem>>) offsets(%dma_start3A_42 : memref<128xi32, #tpu.memory_space<vmem>>) semaphore(%arg20 : memref<!tpu.dma_semaphore, #tpu.memory_space<semaphore_mem>>)
    %dma_start3A_45 = arith.constant 2 : i32
    %dma_start3A_46 = arith.constant 256 : i32
    %dma_start3A_47 = tpu.memref_slice %arg9[%dma_start3A_46] : memref<534xi32, #tpu.memory_space<vmem>> -> memref<128xi32, #tpu.memory_space<vmem>>
    %dma_start3A_48 = arith.constant 0 : i32
    %dma_start3A_49 = tpu.memref_slice %arg11[%dma_start3A_45, %dma_start3A_48] : memref<4x128xi32, #tpu.memory_space<vmem>> -> memref<1x128xi32, #tpu.memory_space<vmem>>
    %dma_start3A_50 = tpu.memref_squeeze %dma_start3A_49 : memref<1x128xi32, #tpu.memory_space<vmem>> -> memref<128xi32, #tpu.memory_space<vmem>>
    %dma_start3A_51 = arith.constant 0 : i32
    %dma_start3A_52 = tpu.memref_slice %arg4[%dma_start3A_51] : memref<16384xi32, #tpu.memory_space<hbm>> -> memref<16384xi32, #tpu.memory_space<hbm>>
    tpu.enqueue_indirect_dma source(%dma_start3A_52 : memref<16384xi32, #tpu.memory_space<hbm>>) target(%dma_start3A_47 : memref<128xi32, #tpu.memory_space<vmem>>) offsets(%dma_start3A_50 : memref<128xi32, #tpu.memory_space<vmem>>) semaphore(%arg19 : memref<!tpu.dma_semaphore, #tpu.memory_space<semaphore_mem>>)
    %dma_start3A_53 = arith.constant 2 : i32
    %dma_start3A_54 = arith.constant 256 : i32
    %dma_start3A_55 = tpu.memref_slice %arg10[%dma_start3A_54] : memref<534xi32, #tpu.memory_space<vmem>> -> memref<128xi32, #tpu.memory_space<vmem>>
    %dma_start3A_56 = arith.constant 0 : i32
    %dma_start3A_57 = tpu.memref_slice %arg11[%dma_start3A_53, %dma_start3A_56] : memref<4x128xi32, #tpu.memory_space<vmem>> -> memref<1x128xi32, #tpu.memory_space<vmem>>
    %dma_start3A_58 = tpu.memref_squeeze %dma_start3A_57 : memref<1x128xi32, #tpu.memory_space<vmem>> -> memref<128xi32, #tpu.memory_space<vmem>>
    %dma_start3A_59 = arith.constant 0 : i32
    %dma_start3A_60 = tpu.memref_slice %arg5[%dma_start3A_59] : memref<16384xi32, #tpu.memory_space<hbm>> -> memref<16384xi32, #tpu.memory_space<hbm>>
    tpu.enqueue_indirect_dma source(%dma_start3A_60 : memref<16384xi32, #tpu.memory_space<hbm>>) target(%dma_start3A_55 : memref<128xi32, #tpu.memory_space<vmem>>) offsets(%dma_start3A_58 : memref<128xi32, #tpu.memory_space<vmem>>) semaphore(%arg20 : memref<!tpu.dma_semaphore, #tpu.memory_space<semaphore_mem>>)
    %dma_start3A_61 = arith.constant 3 : i32
    %dma_start3A_62 = arith.constant 384 : i32
    %dma_start3A_63 = tpu.memref_slice %arg9[%dma_start3A_62] : memref<534xi32, #tpu.memory_space<vmem>> -> memref<128xi32, #tpu.memory_space<vmem>>
    %dma_start3A_64 = arith.constant 0 : i32
    %dma_start3A_65 = tpu.memref_slice %arg11[%dma_start3A_61, %dma_start3A_64] : memref<4x128xi32, #tpu.memory_space<vmem>> -> memref<1x128xi32, #tpu.memory_space<vmem>>
    %dma_start3A_66 = tpu.memref_squeeze %dma_start3A_65 : memref<1x128xi32, #tpu.memory_space<vmem>> -> memref<128xi32, #tpu.memory_space<vmem>>
    %dma_start3A_67 = arith.constant 0 : i32
    %dma_start3A_68 = tpu.memref_slice %arg4[%dma_start3A_67] : memref<16384xi32, #tpu.memory_space<hbm>> -> memref<16384xi32, #tpu.memory_space<hbm>>
    tpu.enqueue_indirect_dma source(%dma_start3A_68 : memref<16384xi32, #tpu.memory_space<hbm>>) target(%dma_start3A_63 : memref<128xi32, #tpu.memory_space<vmem>>) offsets(%dma_start3A_66 : memref<128xi32, #tpu.memory_space<vmem>>) semaphore(%arg19 : memref<!tpu.dma_semaphore, #tpu.memory_space<semaphore_mem>>)
    %dma_start3A_69 = arith.constant 3 : i32
    %dma_start3A_70 = arith.constant 384 : i32
    %dma_start3A_71 = tpu.memref_slice %arg10[%dma_start3A_70] : memref<534xi32, #tpu.memory_space<vmem>> -> memref<128xi32, #tpu.memory_space<vmem>>
    %dma_start3A_72 = arith.constant 0 : i32
    %dma_start3A_73 = tpu.memref_slice %arg11[%dma_start3A_69, %dma_start3A_72] : memref<4x128xi32, #tpu.memory_space<vmem>> -> memref<1x128xi32, #tpu.memory_space<vmem>>
    %dma_start3A_74 = tpu.memref_squeeze %dma_start3A_73 : memref<1x128xi32, #tpu.memory_space<vmem>> -> memref<128xi32, #tpu.memory_space<vmem>>
    %dma_start3A_75 = arith.constant 0 : i32
    %dma_start3A_76 = tpu.memref_slice %arg5[%dma_start3A_75] : memref<16384xi32, #tpu.memory_space<hbm>> -> memref<16384xi32, #tpu.memory_space<hbm>>
    tpu.enqueue_indirect_dma source(%dma_start3A_76 : memref<16384xi32, #tpu.memory_space<hbm>>) target(%dma_start3A_71 : memref<128xi32, #tpu.memory_space<vmem>>) offsets(%dma_start3A_74 : memref<128xi32, #tpu.memory_space<vmem>>) semaphore(%arg20 : memref<!tpu.dma_semaphore, #tpu.memory_space<semaphore_mem>>)
    %dma_wait3A = arith.constant 0 : i32
    %dma_wait3A_77 = tpu.memref_slice %arg9[%dma_wait3A] : memref<534xi32, #tpu.memory_space<vmem>> -> memref<128xi32, #tpu.memory_space<vmem>>
    %dma_wait3A_78 = arith.constant 0 : i32
    %dma_wait3A_79 = tpu.memref_slice %arg4[%dma_wait3A_78] : memref<16384xi32, #tpu.memory_space<hbm>> -> memref<128xi32, #tpu.memory_space<hbm>>
    %dma_wait3A_80 = arith.constant 0 : i32
    %dma_wait3A_81 = tpu.memref_slice %arg9[%dma_wait3A_80] : memref<534xi32, #tpu.memory_space<vmem>> -> memref<128xi32, #tpu.memory_space<vmem>>
    %dma_wait3A_82 = arith.constant 0 : i32
    %dma_wait3A_83 = tpu.memref_slice %arg4[%dma_wait3A_82] : memref<16384xi32, #tpu.memory_space<hbm>> -> memref<128xi32, #tpu.memory_space<hbm>>
    tpu.wait_dma2 semaphore(%arg19 : memref<!tpu.dma_semaphore, #tpu.memory_space<semaphore_mem>>) src(%dma_wait3A_83 : memref<128xi32, #tpu.memory_space<hbm>>) dst(%dma_wait3A_81 : memref<128xi32, #tpu.memory_space<vmem>>)
    %dma_wait3A_84 = arith.constant 0 : i32
    %dma_wait3A_85 = tpu.memref_slice %arg10[%dma_wait3A_84] : memref<534xi32, #tpu.memory_space<vmem>> -> memref<128xi32, #tpu.memory_space<vmem>>
    %dma_wait3A_86 = arith.constant 0 : i32
    %dma_wait3A_87 = tpu.memref_slice %arg5[%dma_wait3A_86] : memref<16384xi32, #tpu.memory_space<hbm>> -> memref<128xi32, #tpu.memory_space<hbm>>
    %dma_wait3A_88 = arith.constant 0 : i32
    %dma_wait3A_89 = tpu.memref_slice %arg10[%dma_wait3A_88] : memref<534xi32, #tpu.memory_space<vmem>> -> memref<128xi32, #tpu.memory_space<vmem>>
    %dma_wait3A_90 = arith.constant 0 : i32
    %dma_wait3A_91 = tpu.memref_slice %arg5[%dma_wait3A_90] : memref<16384xi32, #tpu.memory_space<hbm>> -> memref<128xi32, #tpu.memory_space<hbm>>
    tpu.wait_dma2 semaphore(%arg20 : memref<!tpu.dma_semaphore, #tpu.memory_space<semaphore_mem>>) src(%dma_wait3A_91 : memref<128xi32, #tpu.memory_space<hbm>>) dst(%dma_wait3A_89 : memref<128xi32, #tpu.memory_space<vmem>>)
    %dma_wait3A_92 = arith.constant 128 : i32
    %dma_wait3A_93 = tpu.memref_slice %arg9[%dma_wait3A_92] : memref<534xi32, #tpu.memory_space<vmem>> -> memref<128xi32, #tpu.memory_space<vmem>>
    %dma_wait3A_94 = arith.constant 0 : i32
    %dma_wait3A_95 = tpu.memref_slice %arg4[%dma_wait3A_94] : memref<16384xi32, #tpu.memory_space<hbm>> -> memref<128xi32, #tpu.memory_space<hbm>>
    %dma_wait3A_96 = arith.constant 128 : i32
    %dma_wait3A_97 = tpu.memref_slice %arg9[%dma_wait3A_96] : memref<534xi32, #tpu.memory_space<vmem>> -> memref<128xi32, #tpu.memory_space<vmem>>
    %dma_wait3A_98 = arith.constant 0 : i32
    %dma_wait3A_99 = tpu.memref_slice %arg4[%dma_wait3A_98] : memref<16384xi32, #tpu.memory_space<hbm>> -> memref<128xi32, #tpu.memory_space<hbm>>
    tpu.wait_dma2 semaphore(%arg19 : memref<!tpu.dma_semaphore, #tpu.memory_space<semaphore_mem>>) src(%dma_wait3A_99 : memref<128xi32, #tpu.memory_space<hbm>>) dst(%dma_wait3A_97 : memref<128xi32, #tpu.memory_space<vmem>>)
    %dma_wait3A_100 = arith.constant 128 : i32
    %dma_wait3A_101 = tpu.memref_slice %arg10[%dma_wait3A_100] : memref<534xi32, #tpu.memory_space<vmem>> -> memref<128xi32, #tpu.memory_space<vmem>>
    %dma_wait3A_102 = arith.constant 0 : i32
    %dma_wait3A_103 = tpu.memref_slice %arg5[%dma_wait3A_102] : memref<16384xi32, #tpu.memory_space<hbm>> -> memref<128xi32, #tpu.memory_space<hbm>>
    %dma_wait3A_104 = arith.constant 128 : i32
    %dma_wait3A_105 = tpu.memref_slice %arg10[%dma_wait3A_104] : memref<534xi32, #tpu.memory_space<vmem>> -> memref<128xi32, #tpu.memory_space<vmem>>
    %dma_wait3A_106 = arith.constant 0 : i32
    %dma_wait3A_107 = tpu.memref_slice %arg5[%dma_wait3A_106] : memref<16384xi32, #tpu.memory_space<hbm>> -> memref<128xi32, #tpu.memory_space<hbm>>
    tpu.wait_dma2 semaphore(%arg20 : memref<!tpu.dma_semaphore, #tpu.memory_space<semaphore_mem>>) src(%dma_wait3A_107 : memref<128xi32, #tpu.memory_space<hbm>>) dst(%dma_wait3A_105 : memref<128xi32, #tpu.memory_space<vmem>>)
    %dma_wait3A_108 = arith.constant 256 : i32
    %dma_wait3A_109 = tpu.memref_slice %arg9[%dma_wait3A_108] : memref<534xi32, #tpu.memory_space<vmem>> -> memref<128xi32, #tpu.memory_space<vmem>>
    %dma_wait3A_110 = arith.constant 0 : i32
    %dma_wait3A_111 = tpu.memref_slice %arg4[%dma_wait3A_110] : memref<16384xi32, #tpu.memory_space<hbm>> -> memref<128xi32, #tpu.memory_space<hbm>>
    %dma_wait3A_112 = arith.constant 256 : i32
    %dma_wait3A_113 = tpu.memref_slice %arg9[%dma_wait3A_112] : memref<534xi32, #tpu.memory_space<vmem>> -> memref<128xi32, #tpu.memory_space<vmem>>
    %dma_wait3A_114 = arith.constant 0 : i32
    %dma_wait3A_115 = tpu.memref_slice %arg4[%dma_wait3A_114] : memref<16384xi32, #tpu.memory_space<hbm>> -> memref<128xi32, #tpu.memory_space<hbm>>
    tpu.wait_dma2 semaphore(%arg19 : memref<!tpu.dma_semaphore, #tpu.memory_space<semaphore_mem>>) src(%dma_wait3A_115 : memref<128xi32, #tpu.memory_space<hbm>>) dst(%dma_wait3A_113 : memref<128xi32, #tpu.memory_space<vmem>>)
    %dma_wait3A_116 = arith.constant 256 : i32
    %dma_wait3A_117 = tpu.memref_slice %arg10[%dma_wait3A_116] : memref<534xi32, #tpu.memory_space<vmem>> -> memref<128xi32, #tpu.memory_space<vmem>>
    %dma_wait3A_118 = arith.constant 0 : i32
    %dma_wait3A_119 = tpu.memref_slice %arg5[%dma_wait3A_118] : memref<16384xi32, #tpu.memory_space<hbm>> -> memref<128xi32, #tpu.memory_space<hbm>>
    %dma_wait3A_120 = arith.constant 256 : i32
    %dma_wait3A_121 = tpu.memref_slice %arg10[%dma_wait3A_120] : memref<534xi32, #tpu.memory_space<vmem>> -> memref<128xi32, #tpu.memory_space<vmem>>
    %dma_wait3A_122 = arith.constant 0 : i32
    %dma_wait3A_123 = tpu.memref_slice %arg5[%dma_wait3A_122] : memref<16384xi32, #tpu.memory_space<hbm>> -> memref<128xi32, #tpu.memory_space<hbm>>
    tpu.wait_dma2 semaphore(%arg20 : memref<!tpu.dma_semaphore, #tpu.memory_space<semaphore_mem>>) src(%dma_wait3A_123 : memref<128xi32, #tpu.memory_space<hbm>>) dst(%dma_wait3A_121 : memref<128xi32, #tpu.memory_space<vmem>>)
    %dma_wait3A_124 = arith.constant 384 : i32
    %dma_wait3A_125 = tpu.memref_slice %arg9[%dma_wait3A_124] : memref<534xi32, #tpu.memory_space<vmem>> -> memref<128xi32, #tpu.memory_space<vmem>>
    %dma_wait3A_126 = arith.constant 0 : i32
    %dma_wait3A_127 = tpu.memref_slice %arg4[%dma_wait3A_126] : memref<16384xi32, #tpu.memory_space<hbm>> -> memref<128xi32, #tpu.memory_space<hbm>>
    %dma_wait3A_128 = arith.constant 384 : i32
    %dma_wait3A_129 = tpu.memref_slice %arg9[%dma_wait3A_128] : memref<534xi32, #tpu.memory_space<vmem>> -> memref<128xi32, #tpu.memory_space<vmem>>
    %dma_wait3A_130 = arith.constant 0 : i32
    %dma_wait3A_131 = tpu.memref_slice %arg4[%dma_wait3A_130] : memref<16384xi32, #tpu.memory_space<hbm>> -> memref<128xi32, #tpu.memory_space<hbm>>
    tpu.wait_dma2 semaphore(%arg19 : memref<!tpu.dma_semaphore, #tpu.memory_space<semaphore_mem>>) src(%dma_wait3A_131 : memref<128xi32, #tpu.memory_space<hbm>>) dst(%dma_wait3A_129 : memref<128xi32, #tpu.memory_space<vmem>>)
    %dma_wait3A_132 = arith.constant 384 : i32
    %dma_wait3A_133 = tpu.memref_slice %arg10[%dma_wait3A_132] : memref<534xi32, #tpu.memory_space<vmem>> -> memref<128xi32, #tpu.memory_space<vmem>>
    %dma_wait3A_134 = arith.constant 0 : i32
    %dma_wait3A_135 = tpu.memref_slice %arg5[%dma_wait3A_134] : memref<16384xi32, #tpu.memory_space<hbm>> -> memref<128xi32, #tpu.memory_space<hbm>>
    %dma_wait3A_136 = arith.constant 384 : i32
    %dma_wait3A_137 = tpu.memref_slice %arg10[%dma_wait3A_136] : memref<534xi32, #tpu.memory_space<vmem>> -> memref<128xi32, #tpu.memory_space<vmem>>
    %dma_wait3A_138 = arith.constant 0 : i32
    %dma_wait3A_139 = tpu.memref_slice %arg5[%dma_wait3A_138] : memref<16384xi32, #tpu.memory_space<hbm>> -> memref<128xi32, #tpu.memory_space<hbm>>
    tpu.wait_dma2 semaphore(%arg20 : memref<!tpu.dma_semaphore, #tpu.memory_space<semaphore_mem>>) src(%dma_wait3A_139 : memref<128xi32, #tpu.memory_space<hbm>>) dst(%dma_wait3A_137 : memref<128xi32, #tpu.memory_space<vmem>>)
    %broadcast_in_dim3A = arith.constant 0 : i32
    %broadcast_in_dim3A_140 = vector.broadcast %broadcast_in_dim3A : i32 to vector<16xi32>
    %swap3A = arith.constant 512 : index
    %swap3A_141 = tpu.vector_load %arg9[%swap3A] {strides = array<i32>} : memref<534xi32, #tpu.memory_space<vmem>>, vector<16xi32>,
    tpu.vector_store %arg9[%swap3A], %broadcast_in_dim3A_140 {strides = array<i32>} : memref<534xi32, #tpu.memory_space<vmem>>, vector<16xi32>,
    %swap3A_142 = arith.constant 512 : index
    %swap3A_143 = tpu.vector_load %arg10[%swap3A_142] {strides = array<i32>} : memref<534xi32, #tpu.memory_space<vmem>>, vector<16xi32>,
    tpu.vector_store %arg10[%swap3A_142], %broadcast_in_dim3A_140 {strides = array<i32>} : memref<534xi32, #tpu.memory_space<vmem>>, vector<16xi32>,
    %get3A = arith.constant 0 : i32
    %get3A_144 = arith.index_cast %get3A : i32 to index
    %get3A_145 = arith.constant 0 : index
    %get3A_146 = tpu.vector_load %arg18[%get3A_144, %get3A_145] {strides = array<i32>} : memref<2x16xf32, #tpu.memory_space<vmem>>, vector<16xf32>,
    %get3A_147 = arith.constant 1 : i32
    %get3A_148 = arith.index_cast %get3A_147 : i32 to index
    %get3A_149 = arith.constant 0 : index
    %get3A_150 = tpu.vector_load %arg18[%get3A_148, %get3A_149] {strides = array<i32>} : memref<2x16xf32, #tpu.memory_space<vmem>>, vector<16xf32>,
    %iota3A = tpu.iota {dimensions = array<i32: 0>} : vector<16xi32>
    %shift_right_arithmetic3A = arith.constant 1 : i32
    %shift_right_arithmetic3A_151 = vector.broadcast %shift_right_arithmetic3A : i32 to vector<16xi32>
    %shift_right_arithmetic3A_152 = arith.shrsi %iota3A, %shift_right_arithmetic3A_151 : vector<16xi32>
    %min3A = arith.constant 6 : i32
    %min3A_153 = vector.broadcast %min3A : i32 to vector<16xi32>
    %min3A_154 = arith.minsi %shift_right_arithmetic3A_152, %min3A_153 : vector<16xi32>
    %and3A = arith.constant 1 : i32
    %and3A_155 = vector.broadcast %and3A : i32 to vector<16xi32>
    %and3A_156 = arith.andi %iota3A, %and3A_155 : vector<16xi32>
    %xor3A = arith.constant 1 : i32
    %xor3A_157 = vector.broadcast %xor3A : i32 to vector<16xi32>
    %xor3A_158 = arith.xori %iota3A, %xor3A_157 : vector<16xi32>
    %and3A_159 = arith.constant 1 : i32
    %and3A_160 = vector.broadcast %and3A_159 : i32 to vector<16xi32>
    %and3A_161 = arith.andi %iota3A, %and3A_160 : vector<16xi32>
    %eq3A = arith.constant 0 : i32
    %eq3A_162 = vector.broadcast %eq3A : i32 to vector<16xi32>
    %eq3A_163 = arith.cmpi eq, %and3A_161, %eq3A_162 : vector<16xi32>
    %lt3A = arith.constant 14 : i32
    %lt3A_164 = vector.broadcast %lt3A : i32 to vector<16xi32>
    %lt3A_165 = arith.cmpi slt, %iota3A, %lt3A_164 : vector<16xi32>
    %and3A_166 = arith.andi %eq3A_163, %lt3A_165 : vector<16xi1>
    %broadcast_in_dim3A_167 = arith.constant 0 : i32
    %broadcast_in_dim3A_168 = vector.broadcast %broadcast_in_dim3A_167 : i32 to vector<16xi32>
    %broadcast_in_dim3A_169 = arith.constant 1 : i32
    %broadcast_in_dim3A_170 = vector.broadcast %broadcast_in_dim3A_169 : i32 to vector<16xi32>
    %broadcast_in_dim3A_171 = arith.constant 2 : i32
    %broadcast_in_dim3A_172 = vector.broadcast %broadcast_in_dim3A_171 : i32 to vector<16xi32>
    %get3A_173 = arith.constant 0 : index
    %get3A_174 = tpu.vector_load %arg10[%get3A_173] {strides = array<i32>} : memref<534xi32, #tpu.memory_space<vmem>>, vector<16xi32>,
    %get3A_175 = arith.constant 0 : index
    %get3A_176 = tpu.vector_load %arg9[%get3A_175] {strides = array<i32>} : memref<534xi32, #tpu.memory_space<vmem>>, vector<16xi32>,
    %slice3A = vector.extract_strided_slice %get3A_176 {offsets = [0], sizes = [1], strides = [1]} : vector<16xi32> to vector<1xi32>
    %squeeze3A = vector.extract %slice3A[0] : i32 from vector<1xi32>
    %shift_right_arithmetic3A_177 = arith.constant 7 : i32
    %shift_right_arithmetic3A_178 = arith.shrsi %squeeze3A, %shift_right_arithmetic3A_177 : i32
    %slice3A_179 = vector.extract_strided_slice %get3A_176 {offsets = [1], sizes = [1], strides = [1]} : vector<16xi32> to vector<1xi32>
    %squeeze3A_180 = vector.extract %slice3A_179[0] : i32 from vector<1xi32>
    %shift_right_arithmetic3A_181 = arith.constant 7 : i32
    %shift_right_arithmetic3A_182 = arith.shrsi %squeeze3A_180, %shift_right_arithmetic3A_181 : i32
    %slice3A_183 = vector.extract_strided_slice %get3A_176 {offsets = [2], sizes = [1], strides = [1]} : vector<16xi32> to vector<1xi32>
    %squeeze3A_184 = vector.extract %slice3A_183[0] : i32 from vector<1xi32>
    %shift_right_arithmetic3A_185 = arith.constant 7 : i32
    %shift_right_arithmetic3A_186 = arith.shrsi %squeeze3A_184, %shift_right_arithmetic3A_185 : i32
    %slice3A_187 = vector.extract_strided_slice %get3A_176 {offsets = [3], sizes = [1], strides = [1]} : vector<16xi32> to vector<1xi32>
    %squeeze3A_188 = vector.extract %slice3A_187[0] : i32 from vector<1xi32>
    %shift_right_arithmetic3A_189 = arith.constant 7 : i32
    %shift_right_arithmetic3A_190 = arith.shrsi %squeeze3A_188, %shift_right_arithmetic3A_189 : i32
    %slice3A_191 = vector.extract_strided_slice %get3A_176 {offsets = [4], sizes = [1], strides = [1]} : vector<16xi32> to vector<1xi32>
    %squeeze3A_192 = vector.extract %slice3A_191[0] : i32 from vector<1xi32>
    %shift_right_arithmetic3A_193 = arith.constant 7 : i32
    %shift_right_arithmetic3A_194 = arith.shrsi %squeeze3A_192, %shift_right_arithmetic3A_193 : i32
    %slice3A_195 = vector.extract_strided_slice %get3A_176 {offsets = [5], sizes = [1], strides = [1]} : vector<16xi32> to vector<1xi32>
    %squeeze3A_196 = vector.extract %slice3A_195[0] : i32 from vector<1xi32>
    %shift_right_arithmetic3A_197 = arith.constant 7 : i32
    %shift_right_arithmetic3A_198 = arith.shrsi %squeeze3A_196, %shift_right_arithmetic3A_197 : i32
    %slice3A_199 = vector.extract_strided_slice %get3A_176 {offsets = [6], sizes = [1], strides = [1]} : vector<16xi32> to vector<1xi32>
    %squeeze3A_200 = vector.extract %slice3A_199[0] : i32 from vector<1xi32>
    %shift_right_arithmetic3A_201 = arith.constant 7 : i32
    %shift_right_arithmetic3A_202 = arith.shrsi %squeeze3A_200, %shift_right_arithmetic3A_201 : i32
    %ne3A = arith.cmpi ne, %shift_right_arithmetic3A_182, %shift_right_arithmetic3A_178 : i32
    %ne3A_203 = arith.cmpi ne, %shift_right_arithmetic3A_186, %shift_right_arithmetic3A_182 : i32
    %ne3A_204 = arith.cmpi ne, %shift_right_arithmetic3A_190, %shift_right_arithmetic3A_186 : i32
    %ne3A_205 = arith.cmpi ne, %shift_right_arithmetic3A_194, %shift_right_arithmetic3A_190 : i32
    %ne3A_206 = arith.cmpi ne, %shift_right_arithmetic3A_198, %shift_right_arithmetic3A_194 : i32
    %ne3A_207 = arith.cmpi ne, %shift_right_arithmetic3A_202, %shift_right_arithmetic3A_198 : i32
    %mul3A_208 = arith.constant 128 : i32
    %mul3A_209 = arith.muli %shift_right_arithmetic3A_178, %mul3A_208 : i32
    %multiple_of3A = tpu.assume_multiple %mul3A_209, 128 : i32
    %dma_start3A_210 = arith.constant 0 : i32
    %dma_start3A_211 = arith.constant 0 : i32
    %dma_start3A_212 = arith.constant 0 : i32
    %dma_start3A_213 = tpu.memref_slice %arg12[%dma_start3A_210, %dma_start3A_211, %dma_start3A_212] : memref<7x64x128xf32, #tpu.memory_space<vmem>> -> memref<1x64x128xf32, #tpu.memory_space<vmem>>
    %dma_start3A_214 = tpu.memref_squeeze %dma_start3A_213 : memref<1x64x128xf32, #tpu.memory_space<vmem>> -> memref<64x128xf32, #tpu.memory_space<vmem>>
    %dma_start3A_215 = arith.constant 0 : i32
    %dma_start3A_216 = tpu.memref_slice %arg2[%dma_start3A_215, %multiple_of3A] : memref<64x1000000xf32, #tpu.memory_space<hbm>> -> memref<64x128xf32, #tpu.memory_space<hbm>>
    %dma_start3A_217 = arith.constant 0 : i32
    %dma_start3A_218 = arith.constant 0 : i32
    %dma_start3A_219 = tpu.memref_slice %arg12[%dma_start3A_210, %dma_start3A_217, %dma_start3A_218] : memref<7x64x128xf32, #tpu.memory_space<vmem>> -> memref<1x64x128xf32, #tpu.memory_space<vmem>>
    %dma_start3A_220 = tpu.memref_squeeze %dma_start3A_219 : memref<1x64x128xf32, #tpu.memory_space<vmem>> -> memref<64x128xf32, #tpu.memory_space<vmem>>
    %dma_start3A_221 = arith.constant 0 : i32
    %dma_start3A_222 = tpu.memref_slice %arg2[%dma_start3A_221, %multiple_of3A] : memref<64x1000000xf32, #tpu.memory_space<hbm>> -> memref<64x128xf32, #tpu.memory_space<hbm>>
    tpu.enqueue_dma source(%dma_start3A_222 : memref<64x128xf32, #tpu.memory_space<hbm>>) target(%dma_start3A_220 : memref<64x128xf32, #tpu.memory_space<vmem>>) target_semaphore(%arg19 : memref<!tpu.dma_semaphore, #tpu.memory_space<semaphore_mem>>)
    %slice3A_223 = vector.extract_strided_slice %get3A_174 {offsets = [0], sizes = [1], strides = [1]} : vector<16xi32> to vector<1xi32>
    %squeeze3A_224 = vector.extract %slice3A_223[0] : i32 from vector<1xi32>
    %dma_start3A_225 = arith.constant 0 : i32
    %dma_start3A_226 = arith.constant 0 : i32
    %dma_start3A_227 = tpu.memref_slice %arg14[%dma_start3A_225, %dma_start3A_226] : memref<7x64xf32, #tpu.memory_space<vmem>> -> memref<1x64xf32, #tpu.memory_space<vmem>>
    %dma_start3A_228 = arith.constant 0 : i32
    %dma_start3A_229 = tpu.memref_slice %arg3[%squeeze3A_224, %dma_start3A_228] : memref<1000x64xf32, #tpu.memory_space<hbm>> -> memref<1x64xf32, #tpu.memory_space<hbm>>
    %dma_start3A_230 = arith.constant 0 : i32
    %dma_start3A_231 = arith.constant 0 : i32
    %dma_start3A_232 = tpu.memref_slice %arg14[%dma_start3A_230, %dma_start3A_231] : memref<7x64xf32, #tpu.memory_space<vmem>> -> memref<1x64xf32, #tpu.memory_space<vmem>>
    %dma_start3A_233 = arith.constant 0 : i32
    %dma_start3A_234 = tpu.memref_slice %arg3[%squeeze3A_224, %dma_start3A_233] : memref<1000x64xf32, #tpu.memory_space<hbm>> -> memref<1x64xf32, #tpu.memory_space<hbm>>
    tpu.enqueue_dma source(%dma_start3A_234 : memref<1x64xf32, #tpu.memory_space<hbm>>) target(%dma_start3A_232 : memref<1x64xf32, #tpu.memory_space<vmem>>) target_semaphore(%arg19 : memref<!tpu.dma_semaphore, #tpu.memory_space<semaphore_mem>>)
    %mul3A_235 = arith.constant 128 : i32
    %mul3A_236 = arith.muli %shift_right_arithmetic3A_182, %mul3A_235 : i32
    %multiple_of3A_237 = tpu.assume_multiple %mul3A_236, 128 : i32
    %convert_element_type3A = arith.extui %ne3A : i1 to i32
    %cond3A = arith.constant 0 : i32
    %cond3A_238 = arith.cmpi ne, %convert_element_type3A, %cond3A : i32
    scf.if %cond3A_238 {
      %dma_start3A_411 = arith.constant 1 : i32
      %dma_start3A_412 = arith.constant 0 : i32
      %dma_start3A_413 = arith.constant 0 : i32
      %dma_start3A_414 = tpu.memref_slice %arg12[%dma_start3A_411, %dma_start3A_412, %dma_start3A_413] : memref<7x64x128xf32, #tpu.memory_space<vmem>> -> memref<1x64x128xf32, #tpu.memory_space<vmem>>
      %dma_start3A_415 = tpu.memref_squeeze %dma_start3A_414 : memref<1x64x128xf32, #tpu.memory_space<vmem>> -> memref<64x128xf32, #tpu.memory_space<vmem>>
      %dma_start3A_416 = arith.constant 0 : i32
      %dma_start3A_417 = tpu.memref_slice %arg2[%dma_start3A_416, %multiple_of3A_237] : memref<64x1000000xf32, #tpu.memory_space<hbm>> -> memref<64x128xf32, #tpu.memory_space<hbm>>
      %dma_start3A_418 = arith.constant 0 : i32
      %dma_start3A_419 = arith.constant 0 : i32
      %dma_start3A_420 = tpu.memref_slice %arg12[%dma_start3A_411, %dma_start3A_418, %dma_start3A_419] : memref<7x64x128xf32, #tpu.memory_space<vmem>> -> memref<1x64x128xf32, #tpu.memory_space<vmem>>
      %dma_start3A_421 = tpu.memref_squeeze %dma_start3A_420 : memref<1x64x128xf32, #tpu.memory_space<vmem>> -> memref<64x128xf32, #tpu.memory_space<vmem>>
      %dma_start3A_422 = arith.constant 0 : i32
      %dma_start3A_423 = tpu.memref_slice %arg2[%dma_start3A_422, %multiple_of3A_237] : memref<64x1000000xf32, #tpu.memory_space<hbm>> -> memref<64x128xf32, #tpu.memory_space<hbm>>
      tpu.enqueue_dma source(%dma_start3A_423 : memref<64x128xf32, #tpu.memory_space<hbm>>) target(%dma_start3A_421 : memref<64x128xf32, #tpu.memory_space<vmem>>) target_semaphore(%arg19 : memref<!tpu.dma_semaphore, #tpu.memory_space<semaphore_mem>>)
    } else {
    }
    %slice3A_239 = vector.extract_strided_slice %get3A_174 {offsets = [1], sizes = [1], strides = [1]} : vector<16xi32> to vector<1xi32>
    %squeeze3A_240 = vector.extract %slice3A_239[0] : i32 from vector<1xi32>
    %dma_start3A_241 = arith.constant 1 : i32
    %dma_start3A_242 = arith.constant 0 : i32
    %dma_start3A_243 = tpu.memref_slice %arg14[%dma_start3A_241, %dma_start3A_242] : memref<7x64xf32, #tpu.memory_space<vmem>> -> memref<1x64xf32, #tpu.memory_space<vmem>>
    %dma_start3A_244 = arith.constant 0 : i32
    %dma_start3A_245 = tpu.memref_slice %arg3[%squeeze3A_240, %dma_start3A_244] : memref<1000x64xf32, #tpu.memory_space<hbm>> -> memref<1x64xf32, #tpu.memory_space<hbm>>
    %dma_start3A_246 = arith.constant 1 : i32
    %dma_start3A_247 = arith.constant 0 : i32
    %dma_start3A_248 = tpu.memref_slice %arg14[%dma_start3A_246, %dma_start3A_247] : memref<7x64xf32, #tpu.memory_space<vmem>> -> memref<1x64xf32, #tpu.memory_space<vmem>>
    %dma_start3A_249 = arith.constant 0 : i32
    %dma_start3A_250 = tpu.memref_slice %arg3[%squeeze3A_240, %dma_start3A_249] : memref<1000x64xf32, #tpu.memory_space<hbm>> -> memref<1x64xf32, #tpu.memory_space<hbm>>
    tpu.enqueue_dma source(%dma_start3A_250 : memref<1x64xf32, #tpu.memory_space<hbm>>) target(%dma_start3A_248 : memref<1x64xf32, #tpu.memory_space<vmem>>) target_semaphore(%arg19 : memref<!tpu.dma_semaphore, #tpu.memory_space<semaphore_mem>>)
    %mul3A_251 = arith.constant 128 : i32
    %mul3A_252 = arith.muli %shift_right_arithmetic3A_186, %mul3A_251 : i32
    %multiple_of3A_253 = tpu.assume_multiple %mul3A_252, 128 : i32
    %convert_element_type3A_254 = arith.extui %ne3A_203 : i1 to i32
    %cond3A_255 = arith.constant 0 : i32
    %cond3A_256 = arith.cmpi ne, %convert_element_type3A_254, %cond3A_255 : i32
    scf.if %cond3A_256 {
      %dma_start3A_411 = arith.constant 2 : i32
      %dma_start3A_412 = arith.constant 0 : i32
      %dma_start3A_413 = arith.constant 0 : i32
      %dma_start3A_414 = tpu.memref_slice %arg12[%dma_start3A_411, %dma_start3A_412, %dma_start3A_413] : memref<7x64x128xf32, #tpu.memory_space<vmem>> -> memref<1x64x128xf32, #tpu.memory_space<vmem>>
      %dma_start3A_415 = tpu.memref_squeeze %dma_start3A_414 : memref<1x64x128xf32, #tpu.memory_space<vmem>> -> memref<64x128xf32, #tpu.memory_space<vmem>>
      %dma_start3A_416 = arith.constant 0 : i32
      %dma_start3A_417 = tpu.memref_slice %arg2[%dma_start3A_416, %multiple_of3A_253] : memref<64x1000000xf32, #tpu.memory_space<hbm>> -> memref<64x128xf32, #tpu.memory_space<hbm>>
      %dma_start3A_418 = arith.constant 0 : i32
      %dma_start3A_419 = arith.constant 0 : i32
      %dma_start3A_420 = tpu.memref_slice %arg12[%dma_start3A_411, %dma_start3A_418, %dma_start3A_419] : memref<7x64x128xf32, #tpu.memory_space<vmem>> -> memref<1x64x128xf32, #tpu.memory_space<vmem>>
      %dma_start3A_421 = tpu.memref_squeeze %dma_start3A_420 : memref<1x64x128xf32, #tpu.memory_space<vmem>> -> memref<64x128xf32, #tpu.memory_space<vmem>>
      %dma_start3A_422 = arith.constant 0 : i32
      %dma_start3A_423 = tpu.memref_slice %arg2[%dma_start3A_422, %multiple_of3A_253] : memref<64x1000000xf32, #tpu.memory_space<hbm>> -> memref<64x128xf32, #tpu.memory_space<hbm>>
      tpu.enqueue_dma source(%dma_start3A_423 : memref<64x128xf32, #tpu.memory_space<hbm>>) target(%dma_start3A_421 : memref<64x128xf32, #tpu.memory_space<vmem>>) target_semaphore(%arg19 : memref<!tpu.dma_semaphore, #tpu.memory_space<semaphore_mem>>)
    } else {
    }
    %slice3A_257 = vector.extract_strided_slice %get3A_174 {offsets = [2], sizes = [1], strides = [1]} : vector<16xi32> to vector<1xi32>
    %squeeze3A_258 = vector.extract %slice3A_257[0] : i32 from vector<1xi32>
    %dma_start3A_259 = arith.constant 2 : i32
    %dma_start3A_260 = arith.constant 0 : i32
    %dma_start3A_261 = tpu.memref_slice %arg14[%dma_start3A_259, %dma_start3A_260] : memref<7x64xf32, #tpu.memory_space<vmem>> -> memref<1x64xf32, #tpu.memory_space<vmem>>
    %dma_start3A_262 = arith.constant 0 : i32
    %dma_start3A_263 = tpu.memref_slice %arg3[%squeeze3A_258, %dma_start3A_262] : memref<1000x64xf32, #tpu.memory_space<hbm>> -> memref<1x64xf32, #tpu.memory_space<hbm>>
    %dma_start3A_264 = arith.constant 2 : i32
    %dma_start3A_265 = arith.constant 0 : i32
    %dma_start3A_266 = tpu.memref_slice %arg14[%dma_start3A_264, %dma_start3A_265] : memref<7x64xf32, #tpu.memory_space<vmem>> -> memref<1x64xf32, #tpu.memory_space<vmem>>
    %dma_start3A_267 = arith.constant 0 : i32
    %dma_start3A_268 = tpu.memref_slice %arg3[%squeeze3A_258, %dma_start3A_267] : memref<1000x64xf32, #tpu.memory_space<hbm>> -> memref<1x64xf32, #tpu.memory_space<hbm>>
    tpu.enqueue_dma source(%dma_start3A_268 : memref<1x64xf32, #tpu.memory_space<hbm>>) target(%dma_start3A_266 : memref<1x64xf32, #tpu.memory_space<vmem>>) target_semaphore(%arg19 : memref<!tpu.dma_semaphore, #tpu.memory_space<semaphore_mem>>)
    %mul3A_269 = arith.constant 128 : i32
    %mul3A_270 = arith.muli %shift_right_arithmetic3A_190, %mul3A_269 : i32
    %multiple_of3A_271 = tpu.assume_multiple %mul3A_270, 128 : i32
    %convert_element_type3A_272 = arith.extui %ne3A_204 : i1 to i32
    %cond3A_273 = arith.constant 0 : i32
    %cond3A_274 = arith.cmpi ne, %convert_element_type3A_272, %cond3A_273 : i32
    scf.if %cond3A_274 {
      %dma_start3A_411 = arith.constant 3 : i32
      %dma_start3A_412 = arith.constant 0 : i32
      %dma_start3A_413 = arith.constant 0 : i32
      %dma_start3A_414 = tpu.memref_slice %arg12[%dma_start3A_411, %dma_start3A_412, %dma_start3A_413] : memref<7x64x128xf32, #tpu.memory_space<vmem>> -> memref<1x64x128xf32, #tpu.memory_space<vmem>>
      %dma_start3A_415 = tpu.memref_squeeze %dma_start3A_414 : memref<1x64x128xf32, #tpu.memory_space<vmem>> -> memref<64x128xf32, #tpu.memory_space<vmem>>
      %dma_start3A_416 = arith.constant 0 : i32
      %dma_start3A_417 = tpu.memref_slice %arg2[%dma_start3A_416, %multiple_of3A_271] : memref<64x1000000xf32, #tpu.memory_space<hbm>> -> memref<64x128xf32, #tpu.memory_space<hbm>>
      %dma_start3A_418 = arith.constant 0 : i32
      %dma_start3A_419 = arith.constant 0 : i32
      %dma_start3A_420 = tpu.memref_slice %arg12[%dma_start3A_411, %dma_start3A_418, %dma_start3A_419] : memref<7x64x128xf32, #tpu.memory_space<vmem>> -> memref<1x64x128xf32, #tpu.memory_space<vmem>>
      %dma_start3A_421 = tpu.memref_squeeze %dma_start3A_420 : memref<1x64x128xf32, #tpu.memory_space<vmem>> -> memref<64x128xf32, #tpu.memory_space<vmem>>
      %dma_start3A_422 = arith.constant 0 : i32
      %dma_start3A_423 = tpu.memref_slice %arg2[%dma_start3A_422, %multiple_of3A_271] : memref<64x1000000xf32, #tpu.memory_space<hbm>> -> memref<64x128xf32, #tpu.memory_space<hbm>>
      tpu.enqueue_dma source(%dma_start3A_423 : memref<64x128xf32, #tpu.memory_space<hbm>>) target(%dma_start3A_421 : memref<64x128xf32, #tpu.memory_space<vmem>>) target_semaphore(%arg19 : memref<!tpu.dma_semaphore, #tpu.memory_space<semaphore_mem>>)
    } else {
    }
    %slice3A_275 = vector.extract_strided_slice %get3A_174 {offsets = [3], sizes = [1], strides = [1]} : vector<16xi32> to vector<1xi32>
    %squeeze3A_276 = vector.extract %slice3A_275[0] : i32 from vector<1xi32>
    %dma_start3A_277 = arith.constant 3 : i32
    %dma_start3A_278 = arith.constant 0 : i32
    %dma_start3A_279 = tpu.memref_slice %arg14[%dma_start3A_277, %dma_start3A_278] : memref<7x64xf32, #tpu.memory_space<vmem>> -> memref<1x64xf32, #tpu.memory_space<vmem>>
    %dma_start3A_280 = arith.constant 0 : i32
    %dma_start3A_281 = tpu.memref_slice %arg3[%squeeze3A_276, %dma_start3A_280] : memref<1000x64xf32, #tpu.memory_space<hbm>> -> memref<1x64xf32, #tpu.memory_space<hbm>>
    %dma_start3A_282 = arith.constant 3 : i32
    %dma_start3A_283 = arith.constant 0 : i32
    %dma_start3A_284 = tpu.memref_slice %arg14[%dma_start3A_282, %dma_start3A_283] : memref<7x64xf32, #tpu.memory_space<vmem>> -> memref<1x64xf32, #tpu.memory_space<vmem>>
    %dma_start3A_285 = arith.constant 0 : i32
    %dma_start3A_286 = tpu.memref_slice %arg3[%squeeze3A_276, %dma_start3A_285] : memref<1000x64xf32, #tpu.memory_space<hbm>> -> memref<1x64xf32, #tpu.memory_space<hbm>>
    tpu.enqueue_dma source(%dma_start3A_286 : memref<1x64xf32, #tpu.memory_space<hbm>>) target(%dma_start3A_284 : memref<1x64xf32, #tpu.memory_space<vmem>>) target_semaphore(%arg19 : memref<!tpu.dma_semaphore, #tpu.memory_space<semaphore_mem>>)
    %mul3A_287 = arith.constant 128 : i32
    %mul3A_288 = arith.muli %shift_right_arithmetic3A_194, %mul3A_287 : i32
    %multiple_of3A_289 = tpu.assume_multiple %mul3A_288, 128 : i32
    %convert_element_type3A_290 = arith.extui %ne3A_205 : i1 to i32
    %cond3A_291 = arith.constant 0 : i32
    %cond3A_292 = arith.cmpi ne, %convert_element_type3A_290, %cond3A_291 : i32
    scf.if %cond3A_292 {
      %dma_start3A_411 = arith.constant 4 : i32
      %dma_start3A_412 = arith.constant 0 : i32
      %dma_start3A_413 = arith.constant 0 : i32
      %dma_start3A_414 = tpu.memref_slice %arg12[%dma_start3A_411, %dma_start3A_412, %dma_start3A_413] : memref<7x64x128xf32, #tpu.memory_space<vmem>> -> memref<1x64x128xf32, #tpu.memory_space<vmem>>
      %dma_start3A_415 = tpu.memref_squeeze %dma_start3A_414 : memref<1x64x128xf32, #tpu.memory_space<vmem>> -> memref<64x128xf32, #tpu.memory_space<vmem>>
      %dma_start3A_416 = arith.constant 0 : i32
      %dma_start3A_417 = tpu.memref_slice %arg2[%dma_start3A_416, %multiple_of3A_289] : memref<64x1000000xf32, #tpu.memory_space<hbm>> -> memref<64x128xf32, #tpu.memory_space<hbm>>
      %dma_start3A_418 = arith.constant 0 : i32
      %dma_start3A_419 = arith.constant 0 : i32
      %dma_start3A_420 = tpu.memref_slice %arg12[%dma_start3A_411, %dma_start3A_418, %dma_start3A_419] : memref<7x64x128xf32, #tpu.memory_space<vmem>> -> memref<1x64x128xf32, #tpu.memory_space<vmem>>
      %dma_start3A_421 = tpu.memref_squeeze %dma_start3A_420 : memref<1x64x128xf32, #tpu.memory_space<vmem>> -> memref<64x128xf32, #tpu.memory_space<vmem>>
      %dma_start3A_422 = arith.constant 0 : i32
      %dma_start3A_423 = tpu.memref_slice %arg2[%dma_start3A_422, %multiple_of3A_289] : memref<64x1000000xf32, #tpu.memory_space<hbm>> -> memref<64x128xf32, #tpu.memory_space<hbm>>
      tpu.enqueue_dma source(%dma_start3A_423 : memref<64x128xf32, #tpu.memory_space<hbm>>) target(%dma_start3A_421 : memref<64x128xf32, #tpu.memory_space<vmem>>) target_semaphore(%arg19 : memref<!tpu.dma_semaphore, #tpu.memory_space<semaphore_mem>>)
    } else {
    }
    %slice3A_293 = vector.extract_strided_slice %get3A_174 {offsets = [4], sizes = [1], strides = [1]} : vector<16xi32> to vector<1xi32>
    %squeeze3A_294 = vector.extract %slice3A_293[0] : i32 from vector<1xi32>
    %dma_start3A_295 = arith.constant 4 : i32
    %dma_start3A_296 = arith.constant 0 : i32
    %dma_start3A_297 = tpu.memref_slice %arg14[%dma_start3A_295, %dma_start3A_296] : memref<7x64xf32, #tpu.memory_space<vmem>> -> memref<1x64xf32, #tpu.memory_space<vmem>>
    %dma_start3A_298 = arith.constant 0 : i32
    %dma_start3A_299 = tpu.memref_slice %arg3[%squeeze3A_294, %dma_start3A_298] : memref<1000x64xf32, #tpu.memory_space<hbm>> -> memref<1x64xf32, #tpu.memory_space<hbm>>
    %dma_start3A_300 = arith.constant 4 : i32
    %dma_start3A_301 = arith.constant 0 : i32
    %dma_start3A_302 = tpu.memref_slice %arg14[%dma_start3A_300, %dma_start3A_301] : memref<7x64xf32, #tpu.memory_space<vmem>> -> memref<1x64xf32, #tpu.memory_space<vmem>>
    %dma_start3A_303 = arith.constant 0 : i32
    %dma_start3A_304 = tpu.memref_slice %arg3[%squeeze3A_294, %dma_start3A_303] : memref<1000x64xf32, #tpu.memory_space<hbm>> -> memref<1x64xf32, #tpu.memory_space<hbm>>
    tpu.enqueue_dma source(%dma_start3A_304 : memref<1x64xf32, #tpu.memory_space<hbm>>) target(%dma_start3A_302 : memref<1x64xf32, #tpu.memory_space<vmem>>) target_semaphore(%arg19 : memref<!tpu.dma_semaphore, #tpu.memory_space<semaphore_mem>>)
    %mul3A_305 = arith.constant 128 : i32
    %mul3A_306 = arith.muli %shift_right_arithmetic3A_198, %mul3A_305 : i32
    %multiple_of3A_307 = tpu.assume_multiple %mul3A_306, 128 : i32
    %convert_element_type3A_308 = arith.extui %ne3A_206 : i1 to i32
    %cond3A_309 = arith.constant 0 : i32
    %cond3A_310 = arith.cmpi ne, %convert_element_type3A_308, %cond3A_309 : i32
    scf.if %cond3A_310 {
      %dma_start3A_411 = arith.constant 5 : i32
      %dma_start3A_412 = arith.constant 0 : i32
      %dma_start3A_413 = arith.constant 0 : i32
      %dma_start3A_414 = tpu.memref_slice %arg12[%dma_start3A_411, %dma_start3A_412, %dma_start3A_413] : memref<7x64x128xf32, #tpu.memory_space<vmem>> -> memref<1x64x128xf32, #tpu.memory_space<vmem>>
      %dma_start3A_415 = tpu.memref_squeeze %dma_start3A_414 : memref<1x64x128xf32, #tpu.memory_space<vmem>> -> memref<64x128xf32, #tpu.memory_space<vmem>>
      %dma_start3A_416 = arith.constant 0 : i32
      %dma_start3A_417 = tpu.memref_slice %arg2[%dma_start3A_416, %multiple_of3A_307] : memref<64x1000000xf32, #tpu.memory_space<hbm>> -> memref<64x128xf32, #tpu.memory_space<hbm>>
      %dma_start3A_418 = arith.constant 0 : i32
      %dma_start3A_419 = arith.constant 0 : i32
      %dma_start3A_420 = tpu.memref_slice %arg12[%dma_start3A_411, %dma_start3A_418, %dma_start3A_419] : memref<7x64x128xf32, #tpu.memory_space<vmem>> -> memref<1x64x128xf32, #tpu.memory_space<vmem>>
      %dma_start3A_421 = tpu.memref_squeeze %dma_start3A_420 : memref<1x64x128xf32, #tpu.memory_space<vmem>> -> memref<64x128xf32, #tpu.memory_space<vmem>>
      %dma_start3A_422 = arith.constant 0 : i32
      %dma_start3A_423 = tpu.memref_slice %arg2[%dma_start3A_422, %multiple_of3A_307] : memref<64x1000000xf32, #tpu.memory_space<hbm>> -> memref<64x128xf32, #tpu.memory_space<hbm>>
      tpu.enqueue_dma source(%dma_start3A_423 : memref<64x128xf32, #tpu.memory_space<hbm>>) target(%dma_start3A_421 : memref<64x128xf32, #tpu.memory_space<vmem>>) target_semaphore(%arg19 : memref<!tpu.dma_semaphore, #tpu.memory_space<semaphore_mem>>)
    } else {
    }
    %slice3A_311 = vector.extract_strided_slice %get3A_174 {offsets = [5], sizes = [1], strides = [1]} : vector<16xi32> to vector<1xi32>
    %squeeze3A_312 = vector.extract %slice3A_311[0] : i32 from vector<1xi32>
    %dma_start3A_313 = arith.constant 5 : i32
    %dma_start3A_314 = arith.constant 0 : i32
    %dma_start3A_315 = tpu.memref_slice %arg14[%dma_start3A_313, %dma_start3A_314] : memref<7x64xf32, #tpu.memory_space<vmem>> -> memref<1x64xf32, #tpu.memory_space<vmem>>
    %dma_start3A_316 = arith.constant 0 : i32
    %dma_start3A_317 = tpu.memref_slice %arg3[%squeeze3A_312, %dma_start3A_316] : memref<1000x64xf32, #tpu.memory_space<hbm>> -> memref<1x64xf32, #tpu.memory_space<hbm>>
    %dma_start3A_318 = arith.constant 5 : i32
    %dma_start3A_319 = arith.constant 0 : i32
    %dma_start3A_320 = tpu.memref_slice %arg14[%dma_start3A_318, %dma_start3A_319] : memref<7x64xf32, #tpu.memory_space<vmem>> -> memref<1x64xf32, #tpu.memory_space<vmem>>
    %dma_start3A_321 = arith.constant 0 : i32
    %dma_start3A_322 = tpu.memref_slice %arg3[%squeeze3A_312, %dma_start3A_321] : memref<1000x64xf32, #tpu.memory_space<hbm>> -> memref<1x64xf32, #tpu.memory_space<hbm>>
    tpu.enqueue_dma source(%dma_start3A_322 : memref<1x64xf32, #tpu.memory_space<hbm>>) target(%dma_start3A_320 : memref<1x64xf32, #tpu.memory_space<vmem>>) target_semaphore(%arg19 : memref<!tpu.dma_semaphore, #tpu.memory_space<semaphore_mem>>)
    %mul3A_323 = arith.constant 128 : i32
    %mul3A_324 = arith.muli %shift_right_arithmetic3A_202, %mul3A_323 : i32
    %multiple_of3A_325 = tpu.assume_multiple %mul3A_324, 128 : i32
    %convert_element_type3A_326 = arith.extui %ne3A_207 : i1 to i32
    %cond3A_327 = arith.constant 0 : i32
    %cond3A_328 = arith.cmpi ne, %convert_element_type3A_326, %cond3A_327 : i32
    scf.if %cond3A_328 {
      %dma_start3A_411 = arith.constant 6 : i32
      %dma_start3A_412 = arith.constant 0 : i32
      %dma_start3A_413 = arith.constant 0 : i32
      %dma_start3A_414 = tpu.memref_slice %arg12[%dma_start3A_411, %dma_start3A_412, %dma_start3A_413] : memref<7x64x128xf32, #tpu.memory_space<vmem>> -> memref<1x64x128xf32, #tpu.memory_space<vmem>>
      %dma_start3A_415 = tpu.memref_squeeze %dma_start3A_414 : memref<1x64x128xf32, #tpu.memory_space<vmem>> -> memref<64x128xf32, #tpu.memory_space<vmem>>
      %dma_start3A_416 = arith.constant 0 : i32
      %dma_start3A_417 = tpu.memref_slice %arg2[%dma_start3A_416, %multiple_of3A_325] : memref<64x1000000xf32, #tpu.memory_space<hbm>> -> memref<64x128xf32, #tpu.memory_space<hbm>>
      %dma_start3A_418 = arith.constant 0 : i32
      %dma_start3A_419 = arith.constant 0 : i32
      %dma_start3A_420 = tpu.memref_slice %arg12[%dma_start3A_411, %dma_start3A_418, %dma_start3A_419] : memref<7x64x128xf32, #tpu.memory_space<vmem>> -> memref<1x64x128xf32, #tpu.memory_space<vmem>>
      %dma_start3A_421 = tpu.memref_squeeze %dma_start3A_420 : memref<1x64x128xf32, #tpu.memory_space<vmem>> -> memref<64x128xf32, #tpu.memory_space<vmem>>
      %dma_start3A_422 = arith.constant 0 : i32
      %dma_start3A_423 = tpu.memref_slice %arg2[%dma_start3A_422, %multiple_of3A_325] : memref<64x1000000xf32, #tpu.memory_space<hbm>> -> memref<64x128xf32, #tpu.memory_space<hbm>>
      tpu.enqueue_dma source(%dma_start3A_423 : memref<64x128xf32, #tpu.memory_space<hbm>>) target(%dma_start3A_421 : memref<64x128xf32, #tpu.memory_space<vmem>>) target_semaphore(%arg19 : memref<!tpu.dma_semaphore, #tpu.memory_space<semaphore_mem>>)
    } else {
    }
    %slice3A_329 = vector.extract_strided_slice %get3A_174 {offsets = [6], sizes = [1], strides = [1]} : vector<16xi32> to vector<1xi32>
    %squeeze3A_330 = vector.extract %slice3A_329[0] : i32 from vector<1xi32>
    %dma_start3A_331 = arith.constant 6 : i32
    %dma_start3A_332 = arith.constant 0 : i32
    %dma_start3A_333 = tpu.memref_slice %arg14[%dma_start3A_331, %dma_start3A_332] : memref<7x64xf32, #tpu.memory_space<vmem>> -> memref<1x64xf32, #tpu.memory_space<vmem>>
    %dma_start3A_334 = arith.constant 0 : i32
    %dma_start3A_335 = tpu.memref_slice %arg3[%squeeze3A_330, %dma_start3A_334] : memref<1000x64xf32, #tpu.memory_space<hbm>> -> memref<1x64xf32, #tpu.memory_space<hbm>>
    %dma_start3A_336 = arith.constant 6 : i32
    %dma_start3A_337 = arith.constant 0 : i32
    %dma_start3A_338 = tpu.memref_slice %arg14[%dma_start3A_336, %dma_start3A_337] : memref<7x64xf32, #tpu.memory_space<vmem>> -> memref<1x64xf32, #tpu.memory_space<vmem>>
    %dma_start3A_339 = arith.constant 0 : i32
    %dma_start3A_340 = tpu.memref_slice %arg3[%squeeze3A_330, %dma_start3A_339] : memref<1000x64xf32, #tpu.memory_space<hbm>> -> memref<1x64xf32, #tpu.memory_space<hbm>>
    tpu.enqueue_dma source(%dma_start3A_340 : memref<1x64xf32, #tpu.memory_space<hbm>>) target(%dma_start3A_338 : memref<1x64xf32, #tpu.memory_space<vmem>>) target_semaphore(%arg19 : memref<!tpu.dma_semaphore, #tpu.memory_space<semaphore_mem>>)
    %scan3A = arith.constant 0 : i32
    %scan3A_341 = arith.constant 0 : i32
    %scan3A_342 = arith.constant 37 : i32
    %scan3A_343 = arith.addi %scan3A_341, %scan3A_342 : i32
    %scan3A_344 = arith.constant 1 : i32
    %scan3A_345 = scf.for %scan3A_411 = %scan3A_341 to %scan3A_343 step %scan3A_344 iter_args(%scan3A_412 = %scan3A) -> (i32)  : i32 {
      %mul3A_413 = arith.constant 2 : i32
      %mul3A_414 = arith.muli %scan3A_411, %mul3A_413 : i32
      %add3A_415 = arith.constant 1 : i32
      %add3A_416 = arith.addi %mul3A_414, %add3A_415 : i32
      %mul3A_417 = arith.constant 7 : i32
      %mul3A_418 = arith.muli %add3A_416, %mul3A_417 : i32
      %get3A_419 = arith.index_cast %mul3A_418 : i32 to index
      %get3A_420 = tpu.vector_load %arg10[%get3A_419] {strides = array<i32>} : memref<534xi32, #tpu.memory_space<vmem>>, vector<16xi32>,
      %mul3A_421 = arith.constant 7 : i32
      %mul3A_422 = arith.muli %add3A_416, %mul3A_421 : i32
      %get3A_423 = arith.index_cast %mul3A_422 : i32 to index
      %get3A_424 = tpu.vector_load %arg9[%get3A_423] {strides = array<i32>} : memref<534xi32, #tpu.memory_space<vmem>>, vector<16xi32>,
      %slice3A_425 = vector.extract_strided_slice %get3A_424 {offsets = [0], sizes = [1], strides = [1]} : vector<16xi32> to vector<1xi32>
      %squeeze3A_426 = vector.extract %slice3A_425[0] : i32 from vector<1xi32>
      %shift_right_arithmetic3A_427 = arith.constant 7 : i32
      %shift_right_arithmetic3A_428 = arith.shrsi %squeeze3A_426, %shift_right_arithmetic3A_427 : i32
      %slice3A_429 = vector.extract_strided_slice %get3A_424 {offsets = [1], sizes = [1], strides = [1]} : vector<16xi32> to vector<1xi32>
      %squeeze3A_430 = vector.extract %slice3A_429[0] : i32 from vector<1xi32>
      %shift_right_arithmetic3A_431 = arith.constant 7 : i32
      %shift_right_arithmetic3A_432 = arith.shrsi %squeeze3A_430, %shift_right_arithmetic3A_431 : i32
      %slice3A_433 = vector.extract_strided_slice %get3A_424 {offsets = [2], sizes = [1], strides = [1]} : vector<16xi32> to vector<1xi32>
      %squeeze3A_434 = vector.extract %slice3A_433[0] : i32 from vector<1xi32>
      %shift_right_arithmetic3A_435 = arith.constant 7 : i32
      %shift_right_arithmetic3A_436 = arith.shrsi %squeeze3A_434, %shift_right_arithmetic3A_435 : i32
      %slice3A_437 = vector.extract_strided_slice %get3A_424 {offsets = [3], sizes = [1], strides = [1]} : vector<16xi32> to vector<1xi32>
      %squeeze3A_438 = vector.extract %slice3A_437[0] : i32 from vector<1xi32>
      %shift_right_arithmetic3A_439 = arith.constant 7 : i32
      %shift_right_arithmetic3A_440 = arith.shrsi %squeeze3A_438, %shift_right_arithmetic3A_439 : i32
      %slice3A_441 = vector.extract_strided_slice %get3A_424 {offsets = [4], sizes = [1], strides = [1]} : vector<16xi32> to vector<1xi32>
      %squeeze3A_442 = vector.extract %slice3A_441[0] : i32 from vector<1xi32>
      %shift_right_arithmetic3A_443 = arith.constant 7 : i32
      %shift_right_arithmetic3A_444 = arith.shrsi %squeeze3A_442, %shift_right_arithmetic3A_443 : i32
      %slice3A_445 = vector.extract_strided_slice %get3A_424 {offsets = [5], sizes = [1], strides = [1]} : vector<16xi32> to vector<1xi32>
      %squeeze3A_446 = vector.extract %slice3A_445[0] : i32 from vector<1xi32>
      %shift_right_arithmetic3A_447 = arith.constant 7 : i32
      %shift_right_arithmetic3A_448 = arith.shrsi %squeeze3A_446, %shift_right_arithmetic3A_447 : i32
      %slice3A_449 = vector.extract_strided_slice %get3A_424 {offsets = [6], sizes = [1], strides = [1]} : vector<16xi32> to vector<1xi32>
      %squeeze3A_450 = vector.extract %slice3A_449[0] : i32 from vector<1xi32>
      %shift_right_arithmetic3A_451 = arith.constant 7 : i32
      %shift_right_arithmetic3A_452 = arith.shrsi %squeeze3A_450, %shift_right_arithmetic3A_451 : i32
      %ne3A_453 = arith.cmpi ne, %shift_right_arithmetic3A_432, %shift_right_arithmetic3A_428 : i32
      %ne3A_454 = arith.cmpi ne, %shift_right_arithmetic3A_436, %shift_right_arithmetic3A_432 : i32
      %ne3A_455 = arith.cmpi ne, %shift_right_arithmetic3A_440, %shift_right_arithmetic3A_436 : i32
      %ne3A_456 = arith.cmpi ne, %shift_right_arithmetic3A_444, %shift_right_arithmetic3A_440 : i32
      %ne3A_457 = arith.cmpi ne, %shift_right_arithmetic3A_448, %shift_right_arithmetic3A_444 : i32
      %ne3A_458 = arith.cmpi ne, %shift_right_arithmetic3A_452, %shift_right_arithmetic3A_448 : i32
      %mul3A_459 = arith.constant 128 : i32
      %mul3A_460 = arith.muli %shift_right_arithmetic3A_428, %mul3A_459 : i32
      %multiple_of3A_461 = tpu.assume_multiple %mul3A_460, 128 : i32
      %dma_start3A_462 = arith.constant 0 : i32
      %dma_start3A_463 = arith.constant 0 : i32
      %dma_start3A_464 = arith.constant 0 : i32
      %dma_start3A_465 = tpu.memref_slice %arg13[%dma_start3A_462, %dma_start3A_463, %dma_start3A_464] : memref<7x64x128xf32, #tpu.memory_space<vmem>> -> memref<1x64x128xf32, #tpu.memory_space<vmem>>
      %dma_start3A_466 = tpu.memref_squeeze %dma_start3A_465 : memref<1x64x128xf32, #tpu.memory_space<vmem>> -> memref<64x128xf32, #tpu.memory_space<vmem>>
      %dma_start3A_467 = arith.constant 0 : i32
      %dma_start3A_468 = tpu.memref_slice %arg2[%dma_start3A_467, %multiple_of3A_461] : memref<64x1000000xf32, #tpu.memory_space<hbm>> -> memref<64x128xf32, #tpu.memory_space<hbm>>
      %dma_start3A_469 = arith.constant 0 : i32
      %dma_start3A_470 = arith.constant 0 : i32
      %dma_start3A_471 = tpu.memref_slice %arg13[%dma_start3A_462, %dma_start3A_469, %dma_start3A_470] : memref<7x64x128xf32, #tpu.memory_space<vmem>> -> memref<1x64x128xf32, #tpu.memory_space<vmem>>
      %dma_start3A_472 = tpu.memref_squeeze %dma_start3A_471 : memref<1x64x128xf32, #tpu.memory_space<vmem>> -> memref<64x128xf32, #tpu.memory_space<vmem>>
      %dma_start3A_473 = arith.constant 0 : i32
      %dma_start3A_474 = tpu.memref_slice %arg2[%dma_start3A_473, %multiple_of3A_461] : memref<64x1000000xf32, #tpu.memory_space<hbm>> -> memref<64x128xf32, #tpu.memory_space<hbm>>
      tpu.enqueue_dma source(%dma_start3A_474 : memref<64x128xf32, #tpu.memory_space<hbm>>) target(%dma_start3A_472 : memref<64x128xf32, #tpu.memory_space<vmem>>) target_semaphore(%arg20 : memref<!tpu.dma_semaphore, #tpu.memory_space<semaphore_mem>>)
      %slice3A_475 = vector.extract_strided_slice %get3A_420 {offsets = [0], sizes = [1], strides = [1]} : vector<16xi32> to vector<1xi32>
      %squeeze3A_476 = vector.extract %slice3A_475[0] : i32 from vector<1xi32>
      %dma_start3A_477 = arith.constant 0 : i32
      %dma_start3A_478 = arith.constant 0 : i32
      %dma_start3A_479 = tpu.memref_slice %arg15[%dma_start3A_477, %dma_start3A_478] : memref<7x64xf32, #tpu.memory_space<vmem>> -> memref<1x64xf32, #tpu.memory_space<vmem>>
      %dma_start3A_480 = arith.constant 0 : i32
      %dma_start3A_481 = tpu.memref_slice %arg3[%squeeze3A_476, %dma_start3A_480] : memref<1000x64xf32, #tpu.memory_space<hbm>> -> memref<1x64xf32, #tpu.memory_space<hbm>>
      %dma_start3A_482 = arith.constant 0 : i32
      %dma_start3A_483 = arith.constant 0 : i32
      %dma_start3A_484 = tpu.memref_slice %arg15[%dma_start3A_482, %dma_start3A_483] : memref<7x64xf32, #tpu.memory_space<vmem>> -> memref<1x64xf32, #tpu.memory_space<vmem>>
      %dma_start3A_485 = arith.constant 0 : i32
      %dma_start3A_486 = tpu.memref_slice %arg3[%squeeze3A_476, %dma_start3A_485] : memref<1000x64xf32, #tpu.memory_space<hbm>> -> memref<1x64xf32, #tpu.memory_space<hbm>>
      tpu.enqueue_dma source(%dma_start3A_486 : memref<1x64xf32, #tpu.memory_space<hbm>>) target(%dma_start3A_484 : memref<1x64xf32, #tpu.memory_space<vmem>>) target_semaphore(%arg20 : memref<!tpu.dma_semaphore, #tpu.memory_space<semaphore_mem>>)
      %mul3A_487 = arith.constant 128 : i32
      %mul3A_488 = arith.muli %shift_right_arithmetic3A_432, %mul3A_487 : i32
      %multiple_of3A_489 = tpu.assume_multiple %mul3A_488, 128 : i32
      %convert_element_type3A_490 = arith.extui %ne3A_453 : i1 to i32
      %cond3A_491 = arith.constant 0 : i32
      %cond3A_492 = arith.cmpi ne, %convert_element_type3A_490, %cond3A_491 : i32
      scf.if %cond3A_492 {
        %dma_start3A_1792 = arith.constant 1 : i32
        %dma_start3A_1793 = arith.constant 0 : i32
        %dma_start3A_1794 = arith.constant 0 : i32
        %dma_start3A_1795 = tpu.memref_slice %arg13[%dma_start3A_1792, %dma_start3A_1793, %dma_start3A_1794] : memref<7x64x128xf32, #tpu.memory_space<vmem>> -> memref<1x64x128xf32, #tpu.memory_space<vmem>>
        %dma_start3A_1796 = tpu.memref_squeeze %dma_start3A_1795 : memref<1x64x128xf32, #tpu.memory_space<vmem>> -> memref<64x128xf32, #tpu.memory_space<vmem>>
        %dma_start3A_1797 = arith.constant 0 : i32
        %dma_start3A_1798 = tpu.memref_slice %arg2[%dma_start3A_1797, %multiple_of3A_489] : memref<64x1000000xf32, #tpu.memory_space<hbm>> -> memref<64x128xf32, #tpu.memory_space<hbm>>
        %dma_start3A_1799 = arith.constant 0 : i32
        %dma_start3A_1800 = arith.constant 0 : i32
        %dma_start3A_1801 = tpu.memref_slice %arg13[%dma_start3A_1792, %dma_start3A_1799, %dma_start3A_1800] : memref<7x64x128xf32, #tpu.memory_space<vmem>> -> memref<1x64x128xf32, #tpu.memory_space<vmem>>
        %dma_start3A_1802 = tpu.memref_squeeze %dma_start3A_1801 : memref<1x64x128xf32, #tpu.memory_space<vmem>> -> memref<64x128xf32, #tpu.memory_space<vmem>>
        %dma_start3A_1803 = arith.constant 0 : i32
        %dma_start3A_1804 = tpu.memref_slice %arg2[%dma_start3A_1803, %multiple_of3A_489] : memref<64x1000000xf32, #tpu.memory_space<hbm>> -> memref<64x128xf32, #tpu.memory_space<hbm>>
        tpu.enqueue_dma source(%dma_start3A_1804 : memref<64x128xf32, #tpu.memory_space<hbm>>) target(%dma_start3A_1802 : memref<64x128xf32, #tpu.memory_space<vmem>>) target_semaphore(%arg20 : memref<!tpu.dma_semaphore, #tpu.memory_space<semaphore_mem>>)
      } else {
      }
      %slice3A_493 = vector.extract_strided_slice %get3A_420 {offsets = [1], sizes = [1], strides = [1]} : vector<16xi32> to vector<1xi32>
      %squeeze3A_494 = vector.extract %slice3A_493[0] : i32 from vector<1xi32>
      %dma_start3A_495 = arith.constant 1 : i32
      %dma_start3A_496 = arith.constant 0 : i32
      %dma_start3A_497 = tpu.memref_slice %arg15[%dma_start3A_495, %dma_start3A_496] : memref<7x64xf32, #tpu.memory_space<vmem>> -> memref<1x64xf32, #tpu.memory_space<vmem>>
      %dma_start3A_498 = arith.constant 0 : i32
      %dma_start3A_499 = tpu.memref_slice %arg3[%squeeze3A_494, %dma_start3A_498] : memref<1000x64xf32, #tpu.memory_space<hbm>> -> memref<1x64xf32, #tpu.memory_space<hbm>>
      %dma_start3A_500 = arith.constant 1 : i32
      %dma_start3A_501 = arith.constant 0 : i32
      %dma_start3A_502 = tpu.memref_slice %arg15[%dma_start3A_500, %dma_start3A_501] : memref<7x64xf32, #tpu.memory_space<vmem>> -> memref<1x64xf32, #tpu.memory_space<vmem>>
      %dma_start3A_503 = arith.constant 0 : i32
      %dma_start3A_504 = tpu.memref_slice %arg3[%squeeze3A_494, %dma_start3A_503] : memref<1000x64xf32, #tpu.memory_space<hbm>> -> memref<1x64xf32, #tpu.memory_space<hbm>>
      tpu.enqueue_dma source(%dma_start3A_504 : memref<1x64xf32, #tpu.memory_space<hbm>>) target(%dma_start3A_502 : memref<1x64xf32, #tpu.memory_space<vmem>>) target_semaphore(%arg20 : memref<!tpu.dma_semaphore, #tpu.memory_space<semaphore_mem>>)
      %mul3A_505 = arith.constant 128 : i32
      %mul3A_506 = arith.muli %shift_right_arithmetic3A_436, %mul3A_505 : i32
      %multiple_of3A_507 = tpu.assume_multiple %mul3A_506, 128 : i32
      %convert_element_type3A_508 = arith.extui %ne3A_454 : i1 to i32
      %cond3A_509 = arith.constant 0 : i32
      %cond3A_510 = arith.cmpi ne, %convert_element_type3A_508, %cond3A_509 : i32
      scf.if %cond3A_510 {
        %dma_start3A_1792 = arith.constant 2 : i32
        %dma_start3A_1793 = arith.constant 0 : i32
        %dma_start3A_1794 = arith.constant 0 : i32
        %dma_start3A_1795 = tpu.memref_slice %arg13[%dma_start3A_1792, %dma_start3A_1793, %dma_start3A_1794] : memref<7x64x128xf32, #tpu.memory_space<vmem>> -> memref<1x64x128xf32, #tpu.memory_space<vmem>>
        %dma_start3A_1796 = tpu.memref_squeeze %dma_start3A_1795 : memref<1x64x128xf32, #tpu.memory_space<vmem>> -> memref<64x128xf32, #tpu.memory_space<vmem>>
        %dma_start3A_1797 = arith.constant 0 : i32
        %dma_start3A_1798 = tpu.memref_slice %arg2[%dma_start3A_1797, %multiple_of3A_507] : memref<64x1000000xf32, #tpu.memory_space<hbm>> -> memref<64x128xf32, #tpu.memory_space<hbm>>
        %dma_start3A_1799 = arith.constant 0 : i32
        %dma_start3A_1800 = arith.constant 0 : i32
        %dma_start3A_1801 = tpu.memref_slice %arg13[%dma_start3A_1792, %dma_start3A_1799, %dma_start3A_1800] : memref<7x64x128xf32, #tpu.memory_space<vmem>> -> memref<1x64x128xf32, #tpu.memory_space<vmem>>
        %dma_start3A_1802 = tpu.memref_squeeze %dma_start3A_1801 : memref<1x64x128xf32, #tpu.memory_space<vmem>> -> memref<64x128xf32, #tpu.memory_space<vmem>>
        %dma_start3A_1803 = arith.constant 0 : i32
        %dma_start3A_1804 = tpu.memref_slice %arg2[%dma_start3A_1803, %multiple_of3A_507] : memref<64x1000000xf32, #tpu.memory_space<hbm>> -> memref<64x128xf32, #tpu.memory_space<hbm>>
        tpu.enqueue_dma source(%dma_start3A_1804 : memref<64x128xf32, #tpu.memory_space<hbm>>) target(%dma_start3A_1802 : memref<64x128xf32, #tpu.memory_space<vmem>>) target_semaphore(%arg20 : memref<!tpu.dma_semaphore, #tpu.memory_space<semaphore_mem>>)
      } else {
      }
      %slice3A_511 = vector.extract_strided_slice %get3A_420 {offsets = [2], sizes = [1], strides = [1]} : vector<16xi32> to vector<1xi32>
      %squeeze3A_512 = vector.extract %slice3A_511[0] : i32 from vector<1xi32>
      %dma_start3A_513 = arith.constant 2 : i32
      %dma_start3A_514 = arith.constant 0 : i32
      %dma_start3A_515 = tpu.memref_slice %arg15[%dma_start3A_513, %dma_start3A_514] : memref<7x64xf32, #tpu.memory_space<vmem>> -> memref<1x64xf32, #tpu.memory_space<vmem>>
      %dma_start3A_516 = arith.constant 0 : i32
      %dma_start3A_517 = tpu.memref_slice %arg3[%squeeze3A_512, %dma_start3A_516] : memref<1000x64xf32, #tpu.memory_space<hbm>> -> memref<1x64xf32, #tpu.memory_space<hbm>>
      %dma_start3A_518 = arith.constant 2 : i32
      %dma_start3A_519 = arith.constant 0 : i32
      %dma_start3A_520 = tpu.memref_slice %arg15[%dma_start3A_518, %dma_start3A_519] : memref<7x64xf32, #tpu.memory_space<vmem>> -> memref<1x64xf32, #tpu.memory_space<vmem>>
      %dma_start3A_521 = arith.constant 0 : i32
      %dma_start3A_522 = tpu.memref_slice %arg3[%squeeze3A_512, %dma_start3A_521] : memref<1000x64xf32, #tpu.memory_space<hbm>> -> memref<1x64xf32, #tpu.memory_space<hbm>>
      tpu.enqueue_dma source(%dma_start3A_522 : memref<1x64xf32, #tpu.memory_space<hbm>>) target(%dma_start3A_520 : memref<1x64xf32, #tpu.memory_space<vmem>>) target_semaphore(%arg20 : memref<!tpu.dma_semaphore, #tpu.memory_space<semaphore_mem>>)
      %mul3A_523 = arith.constant 128 : i32
      %mul3A_524 = arith.muli %shift_right_arithmetic3A_440, %mul3A_523 : i32
      %multiple_of3A_525 = tpu.assume_multiple %mul3A_524, 128 : i32
      %convert_element_type3A_526 = arith.extui %ne3A_455 : i1 to i32
      %cond3A_527 = arith.constant 0 : i32
      %cond3A_528 = arith.cmpi ne, %convert_element_type3A_526, %cond3A_527 : i32
      scf.if %cond3A_528 {
        %dma_start3A_1792 = arith.constant 3 : i32
        %dma_start3A_1793 = arith.constant 0 : i32
        %dma_start3A_1794 = arith.constant 0 : i32
        %dma_start3A_1795 = tpu.memref_slice %arg13[%dma_start3A_1792, %dma_start3A_1793, %dma_start3A_1794] : memref<7x64x128xf32, #tpu.memory_space<vmem>> -> memref<1x64x128xf32, #tpu.memory_space<vmem>>
        %dma_start3A_1796 = tpu.memref_squeeze %dma_start3A_1795 : memref<1x64x128xf32, #tpu.memory_space<vmem>> -> memref<64x128xf32, #tpu.memory_space<vmem>>
        %dma_start3A_1797 = arith.constant 0 : i32
        %dma_start3A_1798 = tpu.memref_slice %arg2[%dma_start3A_1797, %multiple_of3A_525] : memref<64x1000000xf32, #tpu.memory_space<hbm>> -> memref<64x128xf32, #tpu.memory_space<hbm>>
        %dma_start3A_1799 = arith.constant 0 : i32
        %dma_start3A_1800 = arith.constant 0 : i32
        %dma_start3A_1801 = tpu.memref_slice %arg13[%dma_start3A_1792, %dma_start3A_1799, %dma_start3A_1800] : memref<7x64x128xf32, #tpu.memory_space<vmem>> -> memref<1x64x128xf32, #tpu.memory_space<vmem>>
        %dma_start3A_1802 = tpu.memref_squeeze %dma_start3A_1801 : memref<1x64x128xf32, #tpu.memory_space<vmem>> -> memref<64x128xf32, #tpu.memory_space<vmem>>
        %dma_start3A_1803 = arith.constant 0 : i32
        %dma_start3A_1804 = tpu.memref_slice %arg2[%dma_start3A_1803, %multiple_of3A_525] : memref<64x1000000xf32, #tpu.memory_space<hbm>> -> memref<64x128xf32, #tpu.memory_space<hbm>>
        tpu.enqueue_dma source(%dma_start3A_1804 : memref<64x128xf32, #tpu.memory_space<hbm>>) target(%dma_start3A_1802 : memref<64x128xf32, #tpu.memory_space<vmem>>) target_semaphore(%arg20 : memref<!tpu.dma_semaphore, #tpu.memory_space<semaphore_mem>>)
      } else {
      }
      %slice3A_529 = vector.extract_strided_slice %get3A_420 {offsets = [3], sizes = [1], strides = [1]} : vector<16xi32> to vector<1xi32>
      %squeeze3A_530 = vector.extract %slice3A_529[0] : i32 from vector<1xi32>
      %dma_start3A_531 = arith.constant 3 : i32
      %dma_start3A_532 = arith.constant 0 : i32
      %dma_start3A_533 = tpu.memref_slice %arg15[%dma_start3A_531, %dma_start3A_532] : memref<7x64xf32, #tpu.memory_space<vmem>> -> memref<1x64xf32, #tpu.memory_space<vmem>>
      %dma_start3A_534 = arith.constant 0 : i32
      %dma_start3A_535 = tpu.memref_slice %arg3[%squeeze3A_530, %dma_start3A_534] : memref<1000x64xf32, #tpu.memory_space<hbm>> -> memref<1x64xf32, #tpu.memory_space<hbm>>
      %dma_start3A_536 = arith.constant 3 : i32
      %dma_start3A_537 = arith.constant 0 : i32
      %dma_start3A_538 = tpu.memref_slice %arg15[%dma_start3A_536, %dma_start3A_537] : memref<7x64xf32, #tpu.memory_space<vmem>> -> memref<1x64xf32, #tpu.memory_space<vmem>>
      %dma_start3A_539 = arith.constant 0 : i32
      %dma_start3A_540 = tpu.memref_slice %arg3[%squeeze3A_530, %dma_start3A_539] : memref<1000x64xf32, #tpu.memory_space<hbm>> -> memref<1x64xf32, #tpu.memory_space<hbm>>
      tpu.enqueue_dma source(%dma_start3A_540 : memref<1x64xf32, #tpu.memory_space<hbm>>) target(%dma_start3A_538 : memref<1x64xf32, #tpu.memory_space<vmem>>) target_semaphore(%arg20 : memref<!tpu.dma_semaphore, #tpu.memory_space<semaphore_mem>>)
      %mul3A_541 = arith.constant 128 : i32
      %mul3A_542 = arith.muli %shift_right_arithmetic3A_444, %mul3A_541 : i32
      %multiple_of3A_543 = tpu.assume_multiple %mul3A_542, 128 : i32
      %convert_element_type3A_544 = arith.extui %ne3A_456 : i1 to i32
      %cond3A_545 = arith.constant 0 : i32
      %cond3A_546 = arith.cmpi ne, %convert_element_type3A_544, %cond3A_545 : i32
      scf.if %cond3A_546 {
        %dma_start3A_1792 = arith.constant 4 : i32
        %dma_start3A_1793 = arith.constant 0 : i32
        %dma_start3A_1794 = arith.constant 0 : i32
        %dma_start3A_1795 = tpu.memref_slice %arg13[%dma_start3A_1792, %dma_start3A_1793, %dma_start3A_1794] : memref<7x64x128xf32, #tpu.memory_space<vmem>> -> memref<1x64x128xf32, #tpu.memory_space<vmem>>
        %dma_start3A_1796 = tpu.memref_squeeze %dma_start3A_1795 : memref<1x64x128xf32, #tpu.memory_space<vmem>> -> memref<64x128xf32, #tpu.memory_space<vmem>>
        %dma_start3A_1797 = arith.constant 0 : i32
        %dma_start3A_1798 = tpu.memref_slice %arg2[%dma_start3A_1797, %multiple_of3A_543] : memref<64x1000000xf32, #tpu.memory_space<hbm>> -> memref<64x128xf32, #tpu.memory_space<hbm>>
        %dma_start3A_1799 = arith.constant 0 : i32
        %dma_start3A_1800 = arith.constant 0 : i32
        %dma_start3A_1801 = tpu.memref_slice %arg13[%dma_start3A_1792, %dma_start3A_1799, %dma_start3A_1800] : memref<7x64x128xf32, #tpu.memory_space<vmem>> -> memref<1x64x128xf32, #tpu.memory_space<vmem>>
        %dma_start3A_1802 = tpu.memref_squeeze %dma_start3A_1801 : memref<1x64x128xf32, #tpu.memory_space<vmem>> -> memref<64x128xf32, #tpu.memory_space<vmem>>
        %dma_start3A_1803 = arith.constant 0 : i32
        %dma_start3A_1804 = tpu.memref_slice %arg2[%dma_start3A_1803, %multiple_of3A_543] : memref<64x1000000xf32, #tpu.memory_space<hbm>> -> memref<64x128xf32, #tpu.memory_space<hbm>>
        tpu.enqueue_dma source(%dma_start3A_1804 : memref<64x128xf32, #tpu.memory_space<hbm>>) target(%dma_start3A_1802 : memref<64x128xf32, #tpu.memory_space<vmem>>) target_semaphore(%arg20 : memref<!tpu.dma_semaphore, #tpu.memory_space<semaphore_mem>>)
      } else {
      }
      %slice3A_547 = vector.extract_strided_slice %get3A_420 {offsets = [4], sizes = [1], strides = [1]} : vector<16xi32> to vector<1xi32>
      %squeeze3A_548 = vector.extract %slice3A_547[0] : i32 from vector<1xi32>
      %dma_start3A_549 = arith.constant 4 : i32
      %dma_start3A_550 = arith.constant 0 : i32
      %dma_start3A_551 = tpu.memref_slice %arg15[%dma_start3A_549, %dma_start3A_550] : memref<7x64xf32, #tpu.memory_space<vmem>> -> memref<1x64xf32, #tpu.memory_space<vmem>>
      %dma_start3A_552 = arith.constant 0 : i32
      %dma_start3A_553 = tpu.memref_slice %arg3[%squeeze3A_548, %dma_start3A_552] : memref<1000x64xf32, #tpu.memory_space<hbm>> -> memref<1x64xf32, #tpu.memory_space<hbm>>
      %dma_start3A_554 = arith.constant 4 : i32
      %dma_start3A_555 = arith.constant 0 : i32
      %dma_start3A_556 = tpu.memref_slice %arg15[%dma_start3A_554, %dma_start3A_555] : memref<7x64xf32, #tpu.memory_space<vmem>> -> memref<1x64xf32, #tpu.memory_space<vmem>>
      %dma_start3A_557 = arith.constant 0 : i32
      %dma_start3A_558 = tpu.memref_slice %arg3[%squeeze3A_548, %dma_start3A_557] : memref<1000x64xf32, #tpu.memory_space<hbm>> -> memref<1x64xf32, #tpu.memory_space<hbm>>
      tpu.enqueue_dma source(%dma_start3A_558 : memref<1x64xf32, #tpu.memory_space<hbm>>) target(%dma_start3A_556 : memref<1x64xf32, #tpu.memory_space<vmem>>) target_semaphore(%arg20 : memref<!tpu.dma_semaphore, #tpu.memory_space<semaphore_mem>>)
      %mul3A_559 = arith.constant 128 : i32
      %mul3A_560 = arith.muli %shift_right_arithmetic3A_448, %mul3A_559 : i32
      %multiple_of3A_561 = tpu.assume_multiple %mul3A_560, 128 : i32
      %convert_element_type3A_562 = arith.extui %ne3A_457 : i1 to i32
      %cond3A_563 = arith.constant 0 : i32
      %cond3A_564 = arith.cmpi ne, %convert_element_type3A_562, %cond3A_563 : i32
      scf.if %cond3A_564 {
        %dma_start3A_1792 = arith.constant 5 : i32
        %dma_start3A_1793 = arith.constant 0 : i32
        %dma_start3A_1794 = arith.constant 0 : i32
        %dma_start3A_1795 = tpu.memref_slice %arg13[%dma_start3A_1792, %dma_start3A_1793, %dma_start3A_1794] : memref<7x64x128xf32, #tpu.memory_space<vmem>> -> memref<1x64x128xf32, #tpu.memory_space<vmem>>
        %dma_start3A_1796 = tpu.memref_squeeze %dma_start3A_1795 : memref<1x64x128xf32, #tpu.memory_space<vmem>> -> memref<64x128xf32, #tpu.memory_space<vmem>>
        %dma_start3A_1797 = arith.constant 0 : i32
        %dma_start3A_1798 = tpu.memref_slice %arg2[%dma_start3A_1797, %multiple_of3A_561] : memref<64x1000000xf32, #tpu.memory_space<hbm>> -> memref<64x128xf32, #tpu.memory_space<hbm>>
        %dma_start3A_1799 = arith.constant 0 : i32
        %dma_start3A_1800 = arith.constant 0 : i32
        %dma_start3A_1801 = tpu.memref_slice %arg13[%dma_start3A_1792, %dma_start3A_1799, %dma_start3A_1800] : memref<7x64x128xf32, #tpu.memory_space<vmem>> -> memref<1x64x128xf32, #tpu.memory_space<vmem>>
        %dma_start3A_1802 = tpu.memref_squeeze %dma_start3A_1801 : memref<1x64x128xf32, #tpu.memory_space<vmem>> -> memref<64x128xf32, #tpu.memory_space<vmem>>
        %dma_start3A_1803 = arith.constant 0 : i32
        %dma_start3A_1804 = tpu.memref_slice %arg2[%dma_start3A_1803, %multiple_of3A_561] : memref<64x1000000xf32, #tpu.memory_space<hbm>> -> memref<64x128xf32, #tpu.memory_space<hbm>>
        tpu.enqueue_dma source(%dma_start3A_1804 : memref<64x128xf32, #tpu.memory_space<hbm>>) target(%dma_start3A_1802 : memref<64x128xf32, #tpu.memory_space<vmem>>) target_semaphore(%arg20 : memref<!tpu.dma_semaphore, #tpu.memory_space<semaphore_mem>>)
      } else {
      }
      %slice3A_565 = vector.extract_strided_slice %get3A_420 {offsets = [5], sizes = [1], strides = [1]} : vector<16xi32> to vector<1xi32>
      %squeeze3A_566 = vector.extract %slice3A_565[0] : i32 from vector<1xi32>
      %dma_start3A_567 = arith.constant 5 : i32
      %dma_start3A_568 = arith.constant 0 : i32
      %dma_start3A_569 = tpu.memref_slice %arg15[%dma_start3A_567, %dma_start3A_568] : memref<7x64xf32, #tpu.memory_space<vmem>> -> memref<1x64xf32, #tpu.memory_space<vmem>>
      %dma_start3A_570 = arith.constant 0 : i32
      %dma_start3A_571 = tpu.memref_slice %arg3[%squeeze3A_566, %dma_start3A_570] : memref<1000x64xf32, #tpu.memory_space<hbm>> -> memref<1x64xf32, #tpu.memory_space<hbm>>
      %dma_start3A_572 = arith.constant 5 : i32
      %dma_start3A_573 = arith.constant 0 : i32
      %dma_start3A_574 = tpu.memref_slice %arg15[%dma_start3A_572, %dma_start3A_573] : memref<7x64xf32, #tpu.memory_space<vmem>> -> memref<1x64xf32, #tpu.memory_space<vmem>>
      %dma_start3A_575 = arith.constant 0 : i32
      %dma_start3A_576 = tpu.memref_slice %arg3[%squeeze3A_566, %dma_start3A_575] : memref<1000x64xf32, #tpu.memory_space<hbm>> -> memref<1x64xf32, #tpu.memory_space<hbm>>
      tpu.enqueue_dma source(%dma_start3A_576 : memref<1x64xf32, #tpu.memory_space<hbm>>) target(%dma_start3A_574 : memref<1x64xf32, #tpu.memory_space<vmem>>) target_semaphore(%arg20 : memref<!tpu.dma_semaphore, #tpu.memory_space<semaphore_mem>>)
      %mul3A_577 = arith.constant 128 : i32
      %mul3A_578 = arith.muli %shift_right_arithmetic3A_452, %mul3A_577 : i32
      %multiple_of3A_579 = tpu.assume_multiple %mul3A_578, 128 : i32
      %convert_element_type3A_580 = arith.extui %ne3A_458 : i1 to i32
      %cond3A_581 = arith.constant 0 : i32
      %cond3A_582 = arith.cmpi ne, %convert_element_type3A_580, %cond3A_581 : i32
      scf.if %cond3A_582 {
        %dma_start3A_1792 = arith.constant 6 : i32
        %dma_start3A_1793 = arith.constant 0 : i32
        %dma_start3A_1794 = arith.constant 0 : i32
        %dma_start3A_1795 = tpu.memref_slice %arg13[%dma_start3A_1792, %dma_start3A_1793, %dma_start3A_1794] : memref<7x64x128xf32, #tpu.memory_space<vmem>> -> memref<1x64x128xf32, #tpu.memory_space<vmem>>
        %dma_start3A_1796 = tpu.memref_squeeze %dma_start3A_1795 : memref<1x64x128xf32, #tpu.memory_space<vmem>> -> memref<64x128xf32, #tpu.memory_space<vmem>>
        %dma_start3A_1797 = arith.constant 0 : i32
        %dma_start3A_1798 = tpu.memref_slice %arg2[%dma_start3A_1797, %multiple_of3A_579] : memref<64x1000000xf32, #tpu.memory_space<hbm>> -> memref<64x128xf32, #tpu.memory_space<hbm>>
        %dma_start3A_1799 = arith.constant 0 : i32
        %dma_start3A_1800 = arith.constant 0 : i32
        %dma_start3A_1801 = tpu.memref_slice %arg13[%dma_start3A_1792, %dma_start3A_1799, %dma_start3A_1800] : memref<7x64x128xf32, #tpu.memory_space<vmem>> -> memref<1x64x128xf32, #tpu.memory_space<vmem>>
        %dma_start3A_1802 = tpu.memref_squeeze %dma_start3A_1801 : memref<1x64x128xf32, #tpu.memory_space<vmem>> -> memref<64x128xf32, #tpu.memory_space<vmem>>
        %dma_start3A_1803 = arith.constant 0 : i32
        %dma_start3A_1804 = tpu.memref_slice %arg2[%dma_start3A_1803, %multiple_of3A_579] : memref<64x1000000xf32, #tpu.memory_space<hbm>> -> memref<64x128xf32, #tpu.memory_space<hbm>>
        tpu.enqueue_dma source(%dma_start3A_1804 : memref<64x128xf32, #tpu.memory_space<hbm>>) target(%dma_start3A_1802 : memref<64x128xf32, #tpu.memory_space<vmem>>) target_semaphore(%arg20 : memref<!tpu.dma_semaphore, #tpu.memory_space<semaphore_mem>>)
      } else {
      }
      %slice3A_583 = vector.extract_strided_slice %get3A_420 {offsets = [6], sizes = [1], strides = [1]} : vector<16xi32> to vector<1xi32>
      %squeeze3A_584 = vector.extract %slice3A_583[0] : i32 from vector<1xi32>
      %dma_start3A_585 = arith.constant 6 : i32
      %dma_start3A_586 = arith.constant 0 : i32
      %dma_start3A_587 = tpu.memref_slice %arg15[%dma_start3A_585, %dma_start3A_586] : memref<7x64xf32, #tpu.memory_space<vmem>> -> memref<1x64xf32, #tpu.memory_space<vmem>>
      %dma_start3A_588 = arith.constant 0 : i32
      %dma_start3A_589 = tpu.memref_slice %arg3[%squeeze3A_584, %dma_start3A_588] : memref<1000x64xf32, #tpu.memory_space<hbm>> -> memref<1x64xf32, #tpu.memory_space<hbm>>
      %dma_start3A_590 = arith.constant 6 : i32
      %dma_start3A_591 = arith.constant 0 : i32
      %dma_start3A_592 = tpu.memref_slice %arg15[%dma_start3A_590, %dma_start3A_591] : memref<7x64xf32, #tpu.memory_space<vmem>> -> memref<1x64xf32, #tpu.memory_space<vmem>>
      %dma_start3A_593 = arith.constant 0 : i32
      %dma_start3A_594 = tpu.memref_slice %arg3[%squeeze3A_584, %dma_start3A_593] : memref<1000x64xf32, #tpu.memory_space<hbm>> -> memref<1x64xf32, #tpu.memory_space<hbm>>
      tpu.enqueue_dma source(%dma_start3A_594 : memref<1x64xf32, #tpu.memory_space<hbm>>) target(%dma_start3A_592 : memref<1x64xf32, #tpu.memory_space<vmem>>) target_semaphore(%arg20 : memref<!tpu.dma_semaphore, #tpu.memory_space<semaphore_mem>>)
      %mul3A_595 = arith.constant 7 : i32
      %mul3A_596 = arith.muli %mul3A_414, %mul3A_595 : i32
      %get3A_597 = arith.index_cast %mul3A_596 : i32 to index
      %get3A_598 = tpu.vector_load %arg9[%get3A_597] {strides = array<i32>} : memref<534xi32, #tpu.memory_space<vmem>>, vector<16xi32>,
      %slice3A_599 = vector.extract_strided_slice %get3A_598 {offsets = [0], sizes = [1], strides = [1]} : vector<16xi32> to vector<1xi32>
      %squeeze3A_600 = vector.extract %slice3A_599[0] : i32 from vector<1xi32>
      %shift_right_arithmetic3A_601 = arith.constant 7 : i32
      %shift_right_arithmetic3A_602 = arith.shrsi %squeeze3A_600, %shift_right_arithmetic3A_601 : i32
      %slice3A_603 = vector.extract_strided_slice %get3A_598 {offsets = [1], sizes = [1], strides = [1]} : vector<16xi32> to vector<1xi32>
      %squeeze3A_604 = vector.extract %slice3A_603[0] : i32 from vector<1xi32>
      %shift_right_arithmetic3A_605 = arith.constant 7 : i32
      %shift_right_arithmetic3A_606 = arith.shrsi %squeeze3A_604, %shift_right_arithmetic3A_605 : i32
      %slice3A_607 = vector.extract_strided_slice %get3A_598 {offsets = [2], sizes = [1], strides = [1]} : vector<16xi32> to vector<1xi32>
      %squeeze3A_608 = vector.extract %slice3A_607[0] : i32 from vector<1xi32>
      %shift_right_arithmetic3A_609 = arith.constant 7 : i32
      %shift_right_arithmetic3A_610 = arith.shrsi %squeeze3A_608, %shift_right_arithmetic3A_609 : i32
      %slice3A_611 = vector.extract_strided_slice %get3A_598 {offsets = [3], sizes = [1], strides = [1]} : vector<16xi32> to vector<1xi32>
      %squeeze3A_612 = vector.extract %slice3A_611[0] : i32 from vector<1xi32>
      %shift_right_arithmetic3A_613 = arith.constant 7 : i32
      %shift_right_arithmetic3A_614 = arith.shrsi %squeeze3A_612, %shift_right_arithmetic3A_613 : i32
      %slice3A_615 = vector.extract_strided_slice %get3A_598 {offsets = [4], sizes = [1], strides = [1]} : vector<16xi32> to vector<1xi32>
      %squeeze3A_616 = vector.extract %slice3A_615[0] : i32 from vector<1xi32>
      %shift_right_arithmetic3A_617 = arith.constant 7 : i32
      %shift_right_arithmetic3A_618 = arith.shrsi %squeeze3A_616, %shift_right_arithmetic3A_617 : i32
      %slice3A_619 = vector.extract_strided_slice %get3A_598 {offsets = [5], sizes = [1], strides = [1]} : vector<16xi32> to vector<1xi32>
      %squeeze3A_620 = vector.extract %slice3A_619[0] : i32 from vector<1xi32>
      %shift_right_arithmetic3A_621 = arith.constant 7 : i32
      %shift_right_arithmetic3A_622 = arith.shrsi %squeeze3A_620, %shift_right_arithmetic3A_621 : i32
      %slice3A_623 = vector.extract_strided_slice %get3A_598 {offsets = [6], sizes = [1], strides = [1]} : vector<16xi32> to vector<1xi32>
      %squeeze3A_624 = vector.extract %slice3A_623[0] : i32 from vector<1xi32>
      %shift_right_arithmetic3A_625 = arith.constant 7 : i32
      %shift_right_arithmetic3A_626 = arith.shrsi %squeeze3A_624, %shift_right_arithmetic3A_625 : i32
      %ne3A_627 = arith.cmpi ne, %shift_right_arithmetic3A_606, %shift_right_arithmetic3A_602 : i32
      %ne3A_628 = arith.cmpi ne, %shift_right_arithmetic3A_610, %shift_right_arithmetic3A_606 : i32
      %ne3A_629 = arith.cmpi ne, %shift_right_arithmetic3A_614, %shift_right_arithmetic3A_610 : i32
      %ne3A_630 = arith.cmpi ne, %shift_right_arithmetic3A_618, %shift_right_arithmetic3A_614 : i32
      %ne3A_631 = arith.cmpi ne, %shift_right_arithmetic3A_622, %shift_right_arithmetic3A_618 : i32
      %ne3A_632 = arith.cmpi ne, %shift_right_arithmetic3A_626, %shift_right_arithmetic3A_622 : i32
      %dma_wait3A_633 = arith.constant 0 : i32
      %dma_wait3A_634 = arith.constant 0 : i32
      %dma_wait3A_635 = arith.constant 0 : i32
      %dma_wait3A_636 = tpu.memref_slice %arg12[%dma_wait3A_633, %dma_wait3A_634, %dma_wait3A_635] : memref<7x64x128xf32, #tpu.memory_space<vmem>> -> memref<1x64x128xf32, #tpu.memory_space<vmem>>
      %dma_wait3A_637 = tpu.memref_squeeze %dma_wait3A_636 : memref<1x64x128xf32, #tpu.memory_space<vmem>> -> memref<64x128xf32, #tpu.memory_space<vmem>>
      %dma_wait3A_638 = arith.constant 0 : i32
      %dma_wait3A_639 = arith.constant 0 : i32
      %dma_wait3A_640 = tpu.memref_slice %arg2[%dma_wait3A_638, %dma_wait3A_639] : memref<64x1000000xf32, #tpu.memory_space<hbm>> -> memref<64x128xf32, #tpu.memory_space<hbm>>
      %dma_wait3A_641 = arith.constant 0 : i32
      %dma_wait3A_642 = arith.constant 0 : i32
      %dma_wait3A_643 = tpu.memref_slice %arg12[%dma_wait3A_633, %dma_wait3A_641, %dma_wait3A_642] : memref<7x64x128xf32, #tpu.memory_space<vmem>> -> memref<1x64x128xf32, #tpu.memory_space<vmem>>
      %dma_wait3A_644 = tpu.memref_squeeze %dma_wait3A_643 : memref<1x64x128xf32, #tpu.memory_space<vmem>> -> memref<64x128xf32, #tpu.memory_space<vmem>>
      %dma_wait3A_645 = arith.constant 0 : i32
      %dma_wait3A_646 = arith.constant 0 : i32
      %dma_wait3A_647 = tpu.memref_slice %arg2[%dma_wait3A_645, %dma_wait3A_646] : memref<64x1000000xf32, #tpu.memory_space<hbm>> -> memref<64x128xf32, #tpu.memory_space<hbm>>
      tpu.wait_dma2 semaphore(%arg19 : memref<!tpu.dma_semaphore, #tpu.memory_space<semaphore_mem>>) src(%dma_wait3A_647 : memref<64x128xf32, #tpu.memory_space<hbm>>) dst(%dma_wait3A_644 : memref<64x128xf32, #tpu.memory_space<vmem>>)
      %convert_element_type3A_648 = arith.extui %ne3A_627 : i1 to i32
      %cond3A_649 = arith.constant 0 : i32
      %cond3A_650 = arith.cmpi ne, %convert_element_type3A_648, %cond3A_649 : i32
      scf.if %cond3A_650 {
        %dma_wait3A_1792 = arith.constant 1 : i32
        %dma_wait3A_1793 = arith.constant 0 : i32
        %dma_wait3A_1794 = arith.constant 0 : i32
        %dma_wait3A_1795 = tpu.memref_slice %arg12[%dma_wait3A_1792, %dma_wait3A_1793, %dma_wait3A_1794] : memref<7x64x128xf32, #tpu.memory_space<vmem>> -> memref<1x64x128xf32, #tpu.memory_space<vmem>>
        %dma_wait3A_1796 = tpu.memref_squeeze %dma_wait3A_1795 : memref<1x64x128xf32, #tpu.memory_space<vmem>> -> memref<64x128xf32, #tpu.memory_space<vmem>>
        %dma_wait3A_1797 = arith.constant 0 : i32
        %dma_wait3A_1798 = arith.constant 0 : i32
        %dma_wait3A_1799 = tpu.memref_slice %arg2[%dma_wait3A_1797, %dma_wait3A_1798] : memref<64x1000000xf32, #tpu.memory_space<hbm>> -> memref<64x128xf32, #tpu.memory_space<hbm>>
        %dma_wait3A_1800 = arith.constant 0 : i32
        %dma_wait3A_1801 = arith.constant 0 : i32
        %dma_wait3A_1802 = tpu.memref_slice %arg12[%dma_wait3A_1792, %dma_wait3A_1800, %dma_wait3A_1801] : memref<7x64x128xf32, #tpu.memory_space<vmem>> -> memref<1x64x128xf32, #tpu.memory_space<vmem>>
        %dma_wait3A_1803 = tpu.memref_squeeze %dma_wait3A_1802 : memref<1x64x128xf32, #tpu.memory_space<vmem>> -> memref<64x128xf32, #tpu.memory_space<vmem>>
        %dma_wait3A_1804 = arith.constant 0 : i32
        %dma_wait3A_1805 = arith.constant 0 : i32
        %dma_wait3A_1806 = tpu.memref_slice %arg2[%dma_wait3A_1804, %dma_wait3A_1805] : memref<64x1000000xf32, #tpu.memory_space<hbm>> -> memref<64x128xf32, #tpu.memory_space<hbm>>
        tpu.wait_dma2 semaphore(%arg19 : memref<!tpu.dma_semaphore, #tpu.memory_space<semaphore_mem>>) src(%dma_wait3A_1806 : memref<64x128xf32, #tpu.memory_space<hbm>>) dst(%dma_wait3A_1803 : memref<64x128xf32, #tpu.memory_space<vmem>>)
      } else {
      }
      %convert_element_type3A_651 = arith.extui %ne3A_628 : i1 to i32
      %cond3A_652 = arith.constant 0 : i32
      %cond3A_653 = arith.cmpi ne, %convert_element_type3A_651, %cond3A_652 : i32
      scf.if %cond3A_653 {
        %dma_wait3A_1792 = arith.constant 2 : i32
        %dma_wait3A_1793 = arith.constant 0 : i32
        %dma_wait3A_1794 = arith.constant 0 : i32
        %dma_wait3A_1795 = tpu.memref_slice %arg12[%dma_wait3A_1792, %dma_wait3A_1793, %dma_wait3A_1794] : memref<7x64x128xf32, #tpu.memory_space<vmem>> -> memref<1x64x128xf32, #tpu.memory_space<vmem>>
        %dma_wait3A_1796 = tpu.memref_squeeze %dma_wait3A_1795 : memref<1x64x128xf32, #tpu.memory_space<vmem>> -> memref<64x128xf32, #tpu.memory_space<vmem>>
        %dma_wait3A_1797 = arith.constant 0 : i32
        %dma_wait3A_1798 = arith.constant 0 : i32
        %dma_wait3A_1799 = tpu.memref_slice %arg2[%dma_wait3A_1797, %dma_wait3A_1798] : memref<64x1000000xf32, #tpu.memory_space<hbm>> -> memref<64x128xf32, #tpu.memory_space<hbm>>
        %dma_wait3A_1800 = arith.constant 0 : i32
        %dma_wait3A_1801 = arith.constant 0 : i32
        %dma_wait3A_1802 = tpu.memref_slice %arg12[%dma_wait3A_1792, %dma_wait3A_1800, %dma_wait3A_1801] : memref<7x64x128xf32, #tpu.memory_space<vmem>> -> memref<1x64x128xf32, #tpu.memory_space<vmem>>
        %dma_wait3A_1803 = tpu.memref_squeeze %dma_wait3A_1802 : memref<1x64x128xf32, #tpu.memory_space<vmem>> -> memref<64x128xf32, #tpu.memory_space<vmem>>
        %dma_wait3A_1804 = arith.constant 0 : i32
        %dma_wait3A_1805 = arith.constant 0 : i32
        %dma_wait3A_1806 = tpu.memref_slice %arg2[%dma_wait3A_1804, %dma_wait3A_1805] : memref<64x1000000xf32, #tpu.memory_space<hbm>> -> memref<64x128xf32, #tpu.memory_space<hbm>>
        tpu.wait_dma2 semaphore(%arg19 : memref<!tpu.dma_semaphore, #tpu.memory_space<semaphore_mem>>) src(%dma_wait3A_1806 : memref<64x128xf32, #tpu.memory_space<hbm>>) dst(%dma_wait3A_1803 : memref<64x128xf32, #tpu.memory_space<vmem>>)
      } else {
      }
      %convert_element_type3A_654 = arith.extui %ne3A_629 : i1 to i32
      %cond3A_655 = arith.constant 0 : i32
      %cond3A_656 = arith.cmpi ne, %convert_element_type3A_654, %cond3A_655 : i32
      scf.if %cond3A_656 {
        %dma_wait3A_1792 = arith.constant 3 : i32
        %dma_wait3A_1793 = arith.constant 0 : i32
        %dma_wait3A_1794 = arith.constant 0 : i32
        %dma_wait3A_1795 = tpu.memref_slice %arg12[%dma_wait3A_1792, %dma_wait3A_1793, %dma_wait3A_1794] : memref<7x64x128xf32, #tpu.memory_space<vmem>> -> memref<1x64x128xf32, #tpu.memory_space<vmem>>
        %dma_wait3A_1796 = tpu.memref_squeeze %dma_wait3A_1795 : memref<1x64x128xf32, #tpu.memory_space<vmem>> -> memref<64x128xf32, #tpu.memory_space<vmem>>
        %dma_wait3A_1797 = arith.constant 0 : i32
        %dma_wait3A_1798 = arith.constant 0 : i32
        %dma_wait3A_1799 = tpu.memref_slice %arg2[%dma_wait3A_1797, %dma_wait3A_1798] : memref<64x1000000xf32, #tpu.memory_space<hbm>> -> memref<64x128xf32, #tpu.memory_space<hbm>>
        %dma_wait3A_1800 = arith.constant 0 : i32
        %dma_wait3A_1801 = arith.constant 0 : i32
        %dma_wait3A_1802 = tpu.memref_slice %arg12[%dma_wait3A_1792, %dma_wait3A_1800, %dma_wait3A_1801] : memref<7x64x128xf32, #tpu.memory_space<vmem>> -> memref<1x64x128xf32, #tpu.memory_space<vmem>>
        %dma_wait3A_1803 = tpu.memref_squeeze %dma_wait3A_1802 : memref<1x64x128xf32, #tpu.memory_space<vmem>> -> memref<64x128xf32, #tpu.memory_space<vmem>>
        %dma_wait3A_1804 = arith.constant 0 : i32
        %dma_wait3A_1805 = arith.constant 0 : i32
        %dma_wait3A_1806 = tpu.memref_slice %arg2[%dma_wait3A_1804, %dma_wait3A_1805] : memref<64x1000000xf32, #tpu.memory_space<hbm>> -> memref<64x128xf32, #tpu.memory_space<hbm>>
        tpu.wait_dma2 semaphore(%arg19 : memref<!tpu.dma_semaphore, #tpu.memory_space<semaphore_mem>>) src(%dma_wait3A_1806 : memref<64x128xf32, #tpu.memory_space<hbm>>) dst(%dma_wait3A_1803 : memref<64x128xf32, #tpu.memory_space<vmem>>)
      } else {
      }
      %convert_element_type3A_657 = arith.extui %ne3A_630 : i1 to i32
      %cond3A_658 = arith.constant 0 : i32
      %cond3A_659 = arith.cmpi ne, %convert_element_type3A_657, %cond3A_658 : i32
      scf.if %cond3A_659 {
        %dma_wait3A_1792 = arith.constant 4 : i32
        %dma_wait3A_1793 = arith.constant 0 : i32
        %dma_wait3A_1794 = arith.constant 0 : i32
        %dma_wait3A_1795 = tpu.memref_slice %arg12[%dma_wait3A_1792, %dma_wait3A_1793, %dma_wait3A_1794] : memref<7x64x128xf32, #tpu.memory_space<vmem>> -> memref<1x64x128xf32, #tpu.memory_space<vmem>>
        %dma_wait3A_1796 = tpu.memref_squeeze %dma_wait3A_1795 : memref<1x64x128xf32, #tpu.memory_space<vmem>> -> memref<64x128xf32, #tpu.memory_space<vmem>>
        %dma_wait3A_1797 = arith.constant 0 : i32
        %dma_wait3A_1798 = arith.constant 0 : i32
        %dma_wait3A_1799 = tpu.memref_slice %arg2[%dma_wait3A_1797, %dma_wait3A_1798] : memref<64x1000000xf32, #tpu.memory_space<hbm>> -> memref<64x128xf32, #tpu.memory_space<hbm>>
        %dma_wait3A_1800 = arith.constant 0 : i32
        %dma_wait3A_1801 = arith.constant 0 : i32
        %dma_wait3A_1802 = tpu.memref_slice %arg12[%dma_wait3A_1792, %dma_wait3A_1800, %dma_wait3A_1801] : memref<7x64x128xf32, #tpu.memory_space<vmem>> -> memref<1x64x128xf32, #tpu.memory_space<vmem>>
        %dma_wait3A_1803 = tpu.memref_squeeze %dma_wait3A_1802 : memref<1x64x128xf32, #tpu.memory_space<vmem>> -> memref<64x128xf32, #tpu.memory_space<vmem>>
        %dma_wait3A_1804 = arith.constant 0 : i32
        %dma_wait3A_1805 = arith.constant 0 : i32
        %dma_wait3A_1806 = tpu.memref_slice %arg2[%dma_wait3A_1804, %dma_wait3A_1805] : memref<64x1000000xf32, #tpu.memory_space<hbm>> -> memref<64x128xf32, #tpu.memory_space<hbm>>
        tpu.wait_dma2 semaphore(%arg19 : memref<!tpu.dma_semaphore, #tpu.memory_space<semaphore_mem>>) src(%dma_wait3A_1806 : memref<64x128xf32, #tpu.memory_space<hbm>>) dst(%dma_wait3A_1803 : memref<64x128xf32, #tpu.memory_space<vmem>>)
      } else {
      }
      %convert_element_type3A_660 = arith.extui %ne3A_631 : i1 to i32
      %cond3A_661 = arith.constant 0 : i32
      %cond3A_662 = arith.cmpi ne, %convert_element_type3A_660, %cond3A_661 : i32
      scf.if %cond3A_662 {
        %dma_wait3A_1792 = arith.constant 5 : i32
        %dma_wait3A_1793 = arith.constant 0 : i32
        %dma_wait3A_1794 = arith.constant 0 : i32
        %dma_wait3A_1795 = tpu.memref_slice %arg12[%dma_wait3A_1792, %dma_wait3A_1793, %dma_wait3A_1794] : memref<7x64x128xf32, #tpu.memory_space<vmem>> -> memref<1x64x128xf32, #tpu.memory_space<vmem>>
        %dma_wait3A_1796 = tpu.memref_squeeze %dma_wait3A_1795 : memref<1x64x128xf32, #tpu.memory_space<vmem>> -> memref<64x128xf32, #tpu.memory_space<vmem>>
        %dma_wait3A_1797 = arith.constant 0 : i32
        %dma_wait3A_1798 = arith.constant 0 : i32
        %dma_wait3A_1799 = tpu.memref_slice %arg2[%dma_wait3A_1797, %dma_wait3A_1798] : memref<64x1000000xf32, #tpu.memory_space<hbm>> -> memref<64x128xf32, #tpu.memory_space<hbm>>
        %dma_wait3A_1800 = arith.constant 0 : i32
        %dma_wait3A_1801 = arith.constant 0 : i32
        %dma_wait3A_1802 = tpu.memref_slice %arg12[%dma_wait3A_1792, %dma_wait3A_1800, %dma_wait3A_1801] : memref<7x64x128xf32, #tpu.memory_space<vmem>> -> memref<1x64x128xf32, #tpu.memory_space<vmem>>
        %dma_wait3A_1803 = tpu.memref_squeeze %dma_wait3A_1802 : memref<1x64x128xf32, #tpu.memory_space<vmem>> -> memref<64x128xf32, #tpu.memory_space<vmem>>
        %dma_wait3A_1804 = arith.constant 0 : i32
        %dma_wait3A_1805 = arith.constant 0 : i32
        %dma_wait3A_1806 = tpu.memref_slice %arg2[%dma_wait3A_1804, %dma_wait3A_1805] : memref<64x1000000xf32, #tpu.memory_space<hbm>> -> memref<64x128xf32, #tpu.memory_space<hbm>>
        tpu.wait_dma2 semaphore(%arg19 : memref<!tpu.dma_semaphore, #tpu.memory_space<semaphore_mem>>) src(%dma_wait3A_1806 : memref<64x128xf32, #tpu.memory_space<hbm>>) dst(%dma_wait3A_1803 : memref<64x128xf32, #tpu.memory_space<vmem>>)
      } else {
      }
      %convert_element_type3A_663 = arith.extui %ne3A_632 : i1 to i32
      %cond3A_664 = arith.constant 0 : i32
      %cond3A_665 = arith.cmpi ne, %convert_element_type3A_663, %cond3A_664 : i32
      scf.if %cond3A_665 {
        %dma_wait3A_1792 = arith.constant 6 : i32
        %dma_wait3A_1793 = arith.constant 0 : i32
        %dma_wait3A_1794 = arith.constant 0 : i32
        %dma_wait3A_1795 = tpu.memref_slice %arg12[%dma_wait3A_1792, %dma_wait3A_1793, %dma_wait3A_1794] : memref<7x64x128xf32, #tpu.memory_space<vmem>> -> memref<1x64x128xf32, #tpu.memory_space<vmem>>
        %dma_wait3A_1796 = tpu.memref_squeeze %dma_wait3A_1795 : memref<1x64x128xf32, #tpu.memory_space<vmem>> -> memref<64x128xf32, #tpu.memory_space<vmem>>
        %dma_wait3A_1797 = arith.constant 0 : i32
        %dma_wait3A_1798 = arith.constant 0 : i32
        %dma_wait3A_1799 = tpu.memref_slice %arg2[%dma_wait3A_1797, %dma_wait3A_1798] : memref<64x1000000xf32, #tpu.memory_space<hbm>> -> memref<64x128xf32, #tpu.memory_space<hbm>>
        %dma_wait3A_1800 = arith.constant 0 : i32
        %dma_wait3A_1801 = arith.constant 0 : i32
        %dma_wait3A_1802 = tpu.memref_slice %arg12[%dma_wait3A_1792, %dma_wait3A_1800, %dma_wait3A_1801] : memref<7x64x128xf32, #tpu.memory_space<vmem>> -> memref<1x64x128xf32, #tpu.memory_space<vmem>>
        %dma_wait3A_1803 = tpu.memref_squeeze %dma_wait3A_1802 : memref<1x64x128xf32, #tpu.memory_space<vmem>> -> memref<64x128xf32, #tpu.memory_space<vmem>>
        %dma_wait3A_1804 = arith.constant 0 : i32
        %dma_wait3A_1805 = arith.constant 0 : i32
        %dma_wait3A_1806 = tpu.memref_slice %arg2[%dma_wait3A_1804, %dma_wait3A_1805] : memref<64x1000000xf32, #tpu.memory_space<hbm>> -> memref<64x128xf32, #tpu.memory_space<hbm>>
        tpu.wait_dma2 semaphore(%arg19 : memref<!tpu.dma_semaphore, #tpu.memory_space<semaphore_mem>>) src(%dma_wait3A_1806 : memref<64x128xf32, #tpu.memory_space<hbm>>) dst(%dma_wait3A_1803 : memref<64x128xf32, #tpu.memory_space<vmem>>)
      } else {
      }
      %dma_wait3A_666 = arith.constant 0 : i32
      %dma_wait3A_667 = arith.constant 0 : i32
      %dma_wait3A_668 = tpu.memref_slice %arg3[%dma_wait3A_666, %dma_wait3A_667] : memref<1000x64xf32, #tpu.memory_space<hbm>> -> memref<7x64xf32, #tpu.memory_space<hbm>>
      %dma_wait3A_669 = arith.constant 0 : i32
      %dma_wait3A_670 = arith.constant 0 : i32
      %dma_wait3A_671 = tpu.memref_slice %arg3[%dma_wait3A_669, %dma_wait3A_670] : memref<1000x64xf32, #tpu.memory_space<hbm>> -> memref<7x64xf32, #tpu.memory_space<hbm>>
      tpu.wait_dma2 semaphore(%arg19 : memref<!tpu.dma_semaphore, #tpu.memory_space<semaphore_mem>>) src(%dma_wait3A_671 : memref<7x64xf32, #tpu.memory_space<hbm>>) dst(%arg14 : memref<7x64xf32, #tpu.memory_space<vmem>>)
      %mul3A_672 = arith.constant 7 : i32
      %mul3A_673 = arith.muli %mul3A_414, %mul3A_672 : i32
      %mul3A_674 = arith.constant 7 : i32
      %mul3A_675 = arith.muli %mul3A_414, %mul3A_674 : i32
      %get3A_676 = arith.index_cast %mul3A_675 : i32 to index
      %get3A_677 = tpu.vector_load %arg9[%get3A_676] {strides = array<i32>} : memref<534xi32, #tpu.memory_space<vmem>>, vector<16xi32>,
      %slice3A_678 = vector.extract_strided_slice %get3A_677 {offsets = [0], sizes = [1], strides = [1]} : vector<16xi32> to vector<1xi32>
      %squeeze3A_679 = vector.extract %slice3A_678[0] : i32 from vector<1xi32>
      %shift_right_arithmetic3A_680 = arith.constant 7 : i32
      %shift_right_arithmetic3A_681 = arith.shrsi %squeeze3A_679, %shift_right_arithmetic3A_680 : i32
      %slice3A_682 = vector.extract_strided_slice %get3A_677 {offsets = [1], sizes = [1], strides = [1]} : vector<16xi32> to vector<1xi32>
      %squeeze3A_683 = vector.extract %slice3A_682[0] : i32 from vector<1xi32>
      %shift_right_arithmetic3A_684 = arith.constant 7 : i32
      %shift_right_arithmetic3A_685 = arith.shrsi %squeeze3A_683, %shift_right_arithmetic3A_684 : i32
      %slice3A_686 = vector.extract_strided_slice %get3A_677 {offsets = [2], sizes = [1], strides = [1]} : vector<16xi32> to vector<1xi32>
      %squeeze3A_687 = vector.extract %slice3A_686[0] : i32 from vector<1xi32>
      %shift_right_arithmetic3A_688 = arith.constant 7 : i32
      %shift_right_arithmetic3A_689 = arith.shrsi %squeeze3A_687, %shift_right_arithmetic3A_688 : i32
      %slice3A_690 = vector.extract_strided_slice %get3A_677 {offsets = [3], sizes = [1], strides = [1]} : vector<16xi32> to vector<1xi32>
      %squeeze3A_691 = vector.extract %slice3A_690[0] : i32 from vector<1xi32>
      %shift_right_arithmetic3A_692 = arith.constant 7 : i32
      %shift_right_arithmetic3A_693 = arith.shrsi %squeeze3A_691, %shift_right_arithmetic3A_692 : i32
      %slice3A_694 = vector.extract_strided_slice %get3A_677 {offsets = [4], sizes = [1], strides = [1]} : vector<16xi32> to vector<1xi32>
      %squeeze3A_695 = vector.extract %slice3A_694[0] : i32 from vector<1xi32>
      %shift_right_arithmetic3A_696 = arith.constant 7 : i32
      %shift_right_arithmetic3A_697 = arith.shrsi %squeeze3A_695, %shift_right_arithmetic3A_696 : i32
      %slice3A_698 = vector.extract_strided_slice %get3A_677 {offsets = [5], sizes = [1], strides = [1]} : vector<16xi32> to vector<1xi32>
      %squeeze3A_699 = vector.extract %slice3A_698[0] : i32 from vector<1xi32>
      %shift_right_arithmetic3A_700 = arith.constant 7 : i32
      %shift_right_arithmetic3A_701 = arith.shrsi %squeeze3A_699, %shift_right_arithmetic3A_700 : i32
      %slice3A_702 = vector.extract_strided_slice %get3A_677 {offsets = [6], sizes = [1], strides = [1]} : vector<16xi32> to vector<1xi32>
      %squeeze3A_703 = vector.extract %slice3A_702[0] : i32 from vector<1xi32>
      %shift_right_arithmetic3A_704 = arith.constant 7 : i32
      %shift_right_arithmetic3A_705 = arith.shrsi %squeeze3A_703, %shift_right_arithmetic3A_704 : i32
      %ne3A_706 = arith.cmpi ne, %shift_right_arithmetic3A_685, %shift_right_arithmetic3A_681 : i32
      %ne3A_707 = arith.cmpi ne, %shift_right_arithmetic3A_689, %shift_right_arithmetic3A_685 : i32
      %ne3A_708 = arith.cmpi ne, %shift_right_arithmetic3A_693, %shift_right_arithmetic3A_689 : i32
      %ne3A_709 = arith.cmpi ne, %shift_right_arithmetic3A_697, %shift_right_arithmetic3A_693 : i32
      %ne3A_710 = arith.cmpi ne, %shift_right_arithmetic3A_701, %shift_right_arithmetic3A_697 : i32
      %ne3A_711 = arith.cmpi ne, %shift_right_arithmetic3A_705, %shift_right_arithmetic3A_701 : i32
      %jit3A = arith.constant 1 : i32
      %jit3A_712 = arith.constant 0 : i32
      %select_n3A = arith.select %ne3A_706, %jit3A, %jit3A_712 : i32
      %jit3A_713 = arith.constant 2 : i32
      %select_n3A_714 = arith.select %ne3A_707, %jit3A_713, %select_n3A : i32
      %jit3A_715 = arith.constant 3 : i32
      %select_n3A_716 = arith.select %ne3A_708, %jit3A_715, %select_n3A_714 : i32
      %jit3A_717 = arith.constant 4 : i32
      %select_n3A_718 = arith.select %ne3A_709, %jit3A_717, %select_n3A_716 : i32
      %jit3A_719 = arith.constant 5 : i32
      %select_n3A_720 = arith.select %ne3A_710, %jit3A_719, %select_n3A_718 : i32
      %jit3A_721 = arith.constant 6 : i32
      %select_n3A_722 = arith.select %ne3A_711, %jit3A_721, %select_n3A_720 : i32
      %eq3A_723 = arith.constant 5 : i32
      %eq3A_724 = vector.broadcast %eq3A_723 : i32 to vector<16xi32>
      %eq3A_725 = arith.cmpi eq, %min3A_154, %eq3A_724 : vector<16xi32>
      %broadcast_in_dim3A_726 = vector.broadcast %select_n3A_720 : i32 to vector<16xi32>
      %broadcast_in_dim3A_727 = vector.broadcast %select_n3A_722 : i32 to vector<16xi32>
      %select_n3A_728 = arith.select %eq3A_725, %broadcast_in_dim3A_726, %broadcast_in_dim3A_727 : vector<16xi1>, vector<16xi32>
      %eq3A_729 = arith.constant 4 : i32
      %eq3A_730 = vector.broadcast %eq3A_729 : i32 to vector<16xi32>
      %eq3A_731 = arith.cmpi eq, %min3A_154, %eq3A_730 : vector<16xi32>
      %broadcast_in_dim3A_732 = vector.broadcast %select_n3A_718 : i32 to vector<16xi32>
      %select_n3A_733 = arith.select %eq3A_731, %broadcast_in_dim3A_732, %select_n3A_728 : vector<16xi1>, vector<16xi32>
      %eq3A_734 = arith.constant 3 : i32
      %eq3A_735 = vector.broadcast %eq3A_734 : i32 to vector<16xi32>
      %eq3A_736 = arith.cmpi eq, %min3A_154, %eq3A_735 : vector<16xi32>
      %broadcast_in_dim3A_737 = vector.broadcast %select_n3A_716 : i32 to vector<16xi32>
      %select_n3A_738 = arith.select %eq3A_736, %broadcast_in_dim3A_737, %select_n3A_733 : vector<16xi1>, vector<16xi32>
      %eq3A_739 = arith.constant 2 : i32
      %eq3A_740 = vector.broadcast %eq3A_739 : i32 to vector<16xi32>
      %eq3A_741 = arith.cmpi eq, %min3A_154, %eq3A_740 : vector<16xi32>
      %broadcast_in_dim3A_742 = vector.broadcast %select_n3A_714 : i32 to vector<16xi32>
      %select_n3A_743 = arith.select %eq3A_741, %broadcast_in_dim3A_742, %select_n3A_738 : vector<16xi1>, vector<16xi32>
      %eq3A_744 = arith.constant 1 : i32
      %eq3A_745 = vector.broadcast %eq3A_744 : i32 to vector<16xi32>
      %eq3A_746 = arith.cmpi eq, %min3A_154, %eq3A_745 : vector<16xi32>
      %broadcast_in_dim3A_747 = vector.broadcast %select_n3A : i32 to vector<16xi32>
      %select_n3A_748 = arith.select %eq3A_746, %broadcast_in_dim3A_747, %select_n3A_743 : vector<16xi1>, vector<16xi32>
      %eq3A_749 = arith.constant 0 : i32
      %eq3A_750 = vector.broadcast %eq3A_749 : i32 to vector<16xi32>
      %eq3A_751 = arith.cmpi eq, %min3A_154, %eq3A_750 : vector<16xi32>
      %jit3A_752 = arith.constant 0 : i32
      %broadcast_in_dim3A_753 = vector.broadcast %jit3A_752 : i32 to vector<16xi32>
      %select_n3A_754 = arith.select %eq3A_751, %broadcast_in_dim3A_753, %select_n3A_748 : vector<16xi1>, vector<16xi32>
      %add3A_755 = vector.broadcast %mul3A_673 : i32 to vector<16xi32>
      %add3A_756 = arith.addi %add3A_755, %min3A_154 : vector<16xi32>
      %gather3A = tpu.vector_load_idx %arg9[%add3A_756] : memref<534xi32, #tpu.memory_space<vmem>>[vector<16xi32>], vector<16xi32>,
      %and3A_757 = arith.constant 127 : i32
      %and3A_758 = vector.broadcast %and3A_757 : i32 to vector<16xi32>
      %and3A_759 = arith.andi %gather3A, %and3A_758 : vector<16xi32>
      %broadcast_in_dim3A_760 = arith.constant 0.000000e+00 : f32
      %broadcast_in_dim3A_761 = vector.broadcast %broadcast_in_dim3A_760 : f32 to vector<16xf32>
      %add3A_762 = arith.constant 0 : i32
      %add3A_763 = vector.broadcast %add3A_762 : i32 to vector<16xi32>
      %add3A_764 = arith.addi %and3A_156, %add3A_763 : vector<16xi32>
      %gather3A_765 = tpu.vector_load_idx %arg12[%select_n3A_754, %add3A_764, %and3A_759] : memref<7x64x128xf32, #tpu.memory_space<vmem>>[vector<16xi32>, vector<16xi32>, vector<16xi32>], vector<16xf32>,
      %gather3A_766 = tpu.vector_load_idx %arg14[%min3A_154, %add3A_764] : memref<7x64xf32, #tpu.memory_space<vmem>>[vector<16xi32>, vector<16xi32>], vector<16xf32>,
      %mul3A_767 = arith.mulf %gather3A_765, %gather3A_766 : vector<16xf32>
      %add3A_768 = arith.addf %broadcast_in_dim3A_761, %mul3A_767 : vector<16xf32>
      %mul3A_769 = arith.mulf %gather3A_765, %gather3A_765 : vector<16xf32>
      %add3A_770 = arith.addf %broadcast_in_dim3A_761, %mul3A_769 : vector<16xf32>
      %mul3A_771 = arith.mulf %gather3A_766, %gather3A_766 : vector<16xf32>
      %add3A_772 = arith.addf %broadcast_in_dim3A_761, %mul3A_771 : vector<16xf32>
      %add3A_773 = arith.constant 2 : i32
      %add3A_774 = vector.broadcast %add3A_773 : i32 to vector<16xi32>
      %add3A_775 = arith.addi %and3A_156, %add3A_774 : vector<16xi32>
      %gather3A_776 = tpu.vector_load_idx %arg12[%select_n3A_754, %add3A_775, %and3A_759] : memref<7x64x128xf32, #tpu.memory_space<vmem>>[vector<16xi32>, vector<16xi32>, vector<16xi32>], vector<16xf32>,
      %gather3A_777 = tpu.vector_load_idx %arg14[%min3A_154, %add3A_775] : memref<7x64xf32, #tpu.memory_space<vmem>>[vector<16xi32>, vector<16xi32>], vector<16xf32>,
      %mul3A_778 = arith.mulf %gather3A_776, %gather3A_777 : vector<16xf32>
      %add3A_779 = arith.addf %add3A_768, %mul3A_778 : vector<16xf32>
      %mul3A_780 = arith.mulf %gather3A_776, %gather3A_776 : vector<16xf32>
      %add3A_781 = arith.addf %add3A_770, %mul3A_780 : vector<16xf32>
      %mul3A_782 = arith.mulf %gather3A_777, %gather3A_777 : vector<16xf32>
      %add3A_783 = arith.addf %add3A_772, %mul3A_782 : vector<16xf32>
      %add3A_784 = arith.constant 4 : i32
      %add3A_785 = vector.broadcast %add3A_784 : i32 to vector<16xi32>
      %add3A_786 = arith.addi %and3A_156, %add3A_785 : vector<16xi32>
      %gather3A_787 = tpu.vector_load_idx %arg12[%select_n3A_754, %add3A_786, %and3A_759] : memref<7x64x128xf32, #tpu.memory_space<vmem>>[vector<16xi32>, vector<16xi32>, vector<16xi32>], vector<16xf32>,
      %gather3A_788 = tpu.vector_load_idx %arg14[%min3A_154, %add3A_786] : memref<7x64xf32, #tpu.memory_space<vmem>>[vector<16xi32>, vector<16xi32>], vector<16xf32>,
      %mul3A_789 = arith.mulf %gather3A_787, %gather3A_788 : vector<16xf32>
      %add3A_790 = arith.addf %add3A_779, %mul3A_789 : vector<16xf32>
      %mul3A_791 = arith.mulf %gather3A_787, %gather3A_787 : vector<16xf32>
      %add3A_792 = arith.addf %add3A_781, %mul3A_791 : vector<16xf32>
      %mul3A_793 = arith.mulf %gather3A_788, %gather3A_788 : vector<16xf32>
      %add3A_794 = arith.addf %add3A_783, %mul3A_793 : vector<16xf32>
      %add3A_795 = arith.constant 6 : i32
      %add3A_796 = vector.broadcast %add3A_795 : i32 to vector<16xi32>
      %add3A_797 = arith.addi %and3A_156, %add3A_796 : vector<16xi32>
      %gather3A_798 = tpu.vector_load_idx %arg12[%select_n3A_754, %add3A_797, %and3A_759] : memref<7x64x128xf32, #tpu.memory_space<vmem>>[vector<16xi32>, vector<16xi32>, vector<16xi32>], vector<16xf32>,
      %gather3A_799 = tpu.vector_load_idx %arg14[%min3A_154, %add3A_797] : memref<7x64xf32, #tpu.memory_space<vmem>>[vector<16xi32>, vector<16xi32>], vector<16xf32>,
      %mul3A_800 = arith.mulf %gather3A_798, %gather3A_799 : vector<16xf32>
      %add3A_801 = arith.addf %add3A_790, %mul3A_800 : vector<16xf32>
      %mul3A_802 = arith.mulf %gather3A_798, %gather3A_798 : vector<16xf32>
      %add3A_803 = arith.addf %add3A_792, %mul3A_802 : vector<16xf32>
      %mul3A_804 = arith.mulf %gather3A_799, %gather3A_799 : vector<16xf32>
      %add3A_805 = arith.addf %add3A_794, %mul3A_804 : vector<16xf32>
      %add3A_806 = arith.constant 8 : i32
      %add3A_807 = vector.broadcast %add3A_806 : i32 to vector<16xi32>
      %add3A_808 = arith.addi %and3A_156, %add3A_807 : vector<16xi32>
      %gather3A_809 = tpu.vector_load_idx %arg12[%select_n3A_754, %add3A_808, %and3A_759] : memref<7x64x128xf32, #tpu.memory_space<vmem>>[vector<16xi32>, vector<16xi32>, vector<16xi32>], vector<16xf32>,
      %gather3A_810 = tpu.vector_load_idx %arg14[%min3A_154, %add3A_808] : memref<7x64xf32, #tpu.memory_space<vmem>>[vector<16xi32>, vector<16xi32>], vector<16xf32>,
      %mul3A_811 = arith.mulf %gather3A_809, %gather3A_810 : vector<16xf32>
      %add3A_812 = arith.addf %add3A_801, %mul3A_811 : vector<16xf32>
      %mul3A_813 = arith.mulf %gather3A_809, %gather3A_809 : vector<16xf32>
      %add3A_814 = arith.addf %add3A_803, %mul3A_813 : vector<16xf32>
      %mul3A_815 = arith.mulf %gather3A_810, %gather3A_810 : vector<16xf32>
      %add3A_816 = arith.addf %add3A_805, %mul3A_815 : vector<16xf32>
      %add3A_817 = arith.constant 10 : i32
      %add3A_818 = vector.broadcast %add3A_817 : i32 to vector<16xi32>
      %add3A_819 = arith.addi %and3A_156, %add3A_818 : vector<16xi32>
      %gather3A_820 = tpu.vector_load_idx %arg12[%select_n3A_754, %add3A_819, %and3A_759] : memref<7x64x128xf32, #tpu.memory_space<vmem>>[vector<16xi32>, vector<16xi32>, vector<16xi32>], vector<16xf32>,
      %gather3A_821 = tpu.vector_load_idx %arg14[%min3A_154, %add3A_819] : memref<7x64xf32, #tpu.memory_space<vmem>>[vector<16xi32>, vector<16xi32>], vector<16xf32>,
      %mul3A_822 = arith.mulf %gather3A_820, %gather3A_821 : vector<16xf32>
      %add3A_823 = arith.addf %add3A_812, %mul3A_822 : vector<16xf32>
      %mul3A_824 = arith.mulf %gather3A_820, %gather3A_820 : vector<16xf32>
      %add3A_825 = arith.addf %add3A_814, %mul3A_824 : vector<16xf32>
      %mul3A_826 = arith.mulf %gather3A_821, %gather3A_821 : vector<16xf32>
      %add3A_827 = arith.addf %add3A_816, %mul3A_826 : vector<16xf32>
      %add3A_828 = arith.constant 12 : i32
      %add3A_829 = vector.broadcast %add3A_828 : i32 to vector<16xi32>
      %add3A_830 = arith.addi %and3A_156, %add3A_829 : vector<16xi32>
      %gather3A_831 = tpu.vector_load_idx %arg12[%select_n3A_754, %add3A_830, %and3A_759] : memref<7x64x128xf32, #tpu.memory_space<vmem>>[vector<16xi32>, vector<16xi32>, vector<16xi32>], vector<16xf32>,
      %gather3A_832 = tpu.vector_load_idx %arg14[%min3A_154, %add3A_830] : memref<7x64xf32, #tpu.memory_space<vmem>>[vector<16xi32>, vector<16xi32>], vector<16xf32>,
      %mul3A_833 = arith.mulf %gather3A_831, %gather3A_832 : vector<16xf32>
      %add3A_834 = arith.addf %add3A_823, %mul3A_833 : vector<16xf32>
      %mul3A_835 = arith.mulf %gather3A_831, %gather3A_831 : vector<16xf32>
      %add3A_836 = arith.addf %add3A_825, %mul3A_835 : vector<16xf32>
      %mul3A_837 = arith.mulf %gather3A_832, %gather3A_832 : vector<16xf32>
      %add3A_838 = arith.addf %add3A_827, %mul3A_837 : vector<16xf32>
      %add3A_839 = arith.constant 14 : i32
      %add3A_840 = vector.broadcast %add3A_839 : i32 to vector<16xi32>
      %add3A_841 = arith.addi %and3A_156, %add3A_840 : vector<16xi32>
      %gather3A_842 = tpu.vector_load_idx %arg12[%select_n3A_754, %add3A_841, %and3A_759] : memref<7x64x128xf32, #tpu.memory_space<vmem>>[vector<16xi32>, vector<16xi32>, vector<16xi32>], vector<16xf32>,
      %gather3A_843 = tpu.vector_load_idx %arg14[%min3A_154, %add3A_841] : memref<7x64xf32, #tpu.memory_space<vmem>>[vector<16xi32>, vector<16xi32>], vector<16xf32>,
      %mul3A_844 = arith.mulf %gather3A_842, %gather3A_843 : vector<16xf32>
      %add3A_845 = arith.addf %add3A_834, %mul3A_844 : vector<16xf32>
      %mul3A_846 = arith.mulf %gather3A_842, %gather3A_842 : vector<16xf32>
      %add3A_847 = arith.addf %add3A_836, %mul3A_846 : vector<16xf32>
      %mul3A_848 = arith.mulf %gather3A_843, %gather3A_843 : vector<16xf32>
      %add3A_849 = arith.addf %add3A_838, %mul3A_848 : vector<16xf32>
      %add3A_850 = arith.constant 16 : i32
      %add3A_851 = vector.broadcast %add3A_850 : i32 to vector<16xi32>
      %add3A_852 = arith.addi %and3A_156, %add3A_851 : vector<16xi32>
      %gather3A_853 = tpu.vector_load_idx %arg12[%select_n3A_754, %add3A_852, %and3A_759] : memref<7x64x128xf32, #tpu.memory_space<vmem>>[vector<16xi32>, vector<16xi32>, vector<16xi32>], vector<16xf32>,
      %gather3A_854 = tpu.vector_load_idx %arg14[%min3A_154, %add3A_852] : memref<7x64xf32, #tpu.memory_space<vmem>>[vector<16xi32>, vector<16xi32>], vector<16xf32>,
      %mul3A_855 = arith.mulf %gather3A_853, %gather3A_854 : vector<16xf32>
      %add3A_856 = arith.addf %add3A_845, %mul3A_855 : vector<16xf32>
      %mul3A_857 = arith.mulf %gather3A_853, %gather3A_853 : vector<16xf32>
      %add3A_858 = arith.addf %add3A_847, %mul3A_857 : vector<16xf32>
      %mul3A_859 = arith.mulf %gather3A_854, %gather3A_854 : vector<16xf32>
      %add3A_860 = arith.addf %add3A_849, %mul3A_859 : vector<16xf32>
      %add3A_861 = arith.constant 18 : i32
      %add3A_862 = vector.broadcast %add3A_861 : i32 to vector<16xi32>
      %add3A_863 = arith.addi %and3A_156, %add3A_862 : vector<16xi32>
      %gather3A_864 = tpu.vector_load_idx %arg12[%select_n3A_754, %add3A_863, %and3A_759] : memref<7x64x128xf32, #tpu.memory_space<vmem>>[vector<16xi32>, vector<16xi32>, vector<16xi32>], vector<16xf32>,
      %gather3A_865 = tpu.vector_load_idx %arg14[%min3A_154, %add3A_863] : memref<7x64xf32, #tpu.memory_space<vmem>>[vector<16xi32>, vector<16xi32>], vector<16xf32>,
      %mul3A_866 = arith.mulf %gather3A_864, %gather3A_865 : vector<16xf32>
      %add3A_867 = arith.addf %add3A_856, %mul3A_866 : vector<16xf32>
      %mul3A_868 = arith.mulf %gather3A_864, %gather3A_864 : vector<16xf32>
      %add3A_869 = arith.addf %add3A_858, %mul3A_868 : vector<16xf32>
      %mul3A_870 = arith.mulf %gather3A_865, %gather3A_865 : vector<16xf32>
      %add3A_871 = arith.addf %add3A_860, %mul3A_870 : vector<16xf32>
      %add3A_872 = arith.constant 20 : i32
      %add3A_873 = vector.broadcast %add3A_872 : i32 to vector<16xi32>
      %add3A_874 = arith.addi %and3A_156, %add3A_873 : vector<16xi32>
      %gather3A_875 = tpu.vector_load_idx %arg12[%select_n3A_754, %add3A_874, %and3A_759] : memref<7x64x128xf32, #tpu.memory_space<vmem>>[vector<16xi32>, vector<16xi32>, vector<16xi32>], vector<16xf32>,
      %gather3A_876 = tpu.vector_load_idx %arg14[%min3A_154, %add3A_874] : memref<7x64xf32, #tpu.memory_space<vmem>>[vector<16xi32>, vector<16xi32>], vector<16xf32>,
      %mul3A_877 = arith.mulf %gather3A_875, %gather3A_876 : vector<16xf32>
      %add3A_878 = arith.addf %add3A_867, %mul3A_877 : vector<16xf32>
      %mul3A_879 = arith.mulf %gather3A_875, %gather3A_875 : vector<16xf32>
      %add3A_880 = arith.addf %add3A_869, %mul3A_879 : vector<16xf32>
      %mul3A_881 = arith.mulf %gather3A_876, %gather3A_876 : vector<16xf32>
      %add3A_882 = arith.addf %add3A_871, %mul3A_881 : vector<16xf32>
      %add3A_883 = arith.constant 22 : i32
      %add3A_884 = vector.broadcast %add3A_883 : i32 to vector<16xi32>
      %add3A_885 = arith.addi %and3A_156, %add3A_884 : vector<16xi32>
      %gather3A_886 = tpu.vector_load_idx %arg12[%select_n3A_754, %add3A_885, %and3A_759] : memref<7x64x128xf32, #tpu.memory_space<vmem>>[vector<16xi32>, vector<16xi32>, vector<16xi32>], vector<16xf32>,
      %gather3A_887 = tpu.vector_load_idx %arg14[%min3A_154, %add3A_885] : memref<7x64xf32, #tpu.memory_space<vmem>>[vector<16xi32>, vector<16xi32>], vector<16xf32>,
      %mul3A_888 = arith.mulf %gather3A_886, %gather3A_887 : vector<16xf32>
      %add3A_889 = arith.addf %add3A_878, %mul3A_888 : vector<16xf32>
      %mul3A_890 = arith.mulf %gather3A_886, %gather3A_886 : vector<16xf32>
      %add3A_891 = arith.addf %add3A_880, %mul3A_890 : vector<16xf32>
      %mul3A_892 = arith.mulf %gather3A_887, %gather3A_887 : vector<16xf32>
      %add3A_893 = arith.addf %add3A_882, %mul3A_892 : vector<16xf32>
      %add3A_894 = arith.constant 24 : i32
      %add3A_895 = vector.broadcast %add3A_894 : i32 to vector<16xi32>
      %add3A_896 = arith.addi %and3A_156, %add3A_895 : vector<16xi32>
      %gather3A_897 = tpu.vector_load_idx %arg12[%select_n3A_754, %add3A_896, %and3A_759] : memref<7x64x128xf32, #tpu.memory_space<vmem>>[vector<16xi32>, vector<16xi32>, vector<16xi32>], vector<16xf32>,
      %gather3A_898 = tpu.vector_load_idx %arg14[%min3A_154, %add3A_896] : memref<7x64xf32, #tpu.memory_space<vmem>>[vector<16xi32>, vector<16xi32>], vector<16xf32>,
      %mul3A_899 = arith.mulf %gather3A_897, %gather3A_898 : vector<16xf32>
      %add3A_900 = arith.addf %add3A_889, %mul3A_899 : vector<16xf32>
      %mul3A_901 = arith.mulf %gather3A_897, %gather3A_897 : vector<16xf32>
      %add3A_902 = arith.addf %add3A_891, %mul3A_901 : vector<16xf32>
      %mul3A_903 = arith.mulf %gather3A_898, %gather3A_898 : vector<16xf32>
      %add3A_904 = arith.addf %add3A_893, %mul3A_903 : vector<16xf32>
      %add3A_905 = arith.constant 26 : i32
      %add3A_906 = vector.broadcast %add3A_905 : i32 to vector<16xi32>
      %add3A_907 = arith.addi %and3A_156, %add3A_906 : vector<16xi32>
      %gather3A_908 = tpu.vector_load_idx %arg12[%select_n3A_754, %add3A_907, %and3A_759] : memref<7x64x128xf32, #tpu.memory_space<vmem>>[vector<16xi32>, vector<16xi32>, vector<16xi32>], vector<16xf32>,
      %gather3A_909 = tpu.vector_load_idx %arg14[%min3A_154, %add3A_907] : memref<7x64xf32, #tpu.memory_space<vmem>>[vector<16xi32>, vector<16xi32>], vector<16xf32>,
      %mul3A_910 = arith.mulf %gather3A_908, %gather3A_909 : vector<16xf32>
      %add3A_911 = arith.addf %add3A_900, %mul3A_910 : vector<16xf32>
      %mul3A_912 = arith.mulf %gather3A_908, %gather3A_908 : vector<16xf32>
      %add3A_913 = arith.addf %add3A_902, %mul3A_912 : vector<16xf32>
      %mul3A_914 = arith.mulf %gather3A_909, %gather3A_909 : vector<16xf32>
      %add3A_915 = arith.addf %add3A_904, %mul3A_914 : vector<16xf32>
      %add3A_916 = arith.constant 28 : i32
      %add3A_917 = vector.broadcast %add3A_916 : i32 to vector<16xi32>
      %add3A_918 = arith.addi %and3A_156, %add3A_917 : vector<16xi32>
      %gather3A_919 = tpu.vector_load_idx %arg12[%select_n3A_754, %add3A_918, %and3A_759] : memref<7x64x128xf32, #tpu.memory_space<vmem>>[vector<16xi32>, vector<16xi32>, vector<16xi32>], vector<16xf32>,
      %gather3A_920 = tpu.vector_load_idx %arg14[%min3A_154, %add3A_918] : memref<7x64xf32, #tpu.memory_space<vmem>>[vector<16xi32>, vector<16xi32>], vector<16xf32>,
      %mul3A_921 = arith.mulf %gather3A_919, %gather3A_920 : vector<16xf32>
      %add3A_922 = arith.addf %add3A_911, %mul3A_921 : vector<16xf32>
      %mul3A_923 = arith.mulf %gather3A_919, %gather3A_919 : vector<16xf32>
      %add3A_924 = arith.addf %add3A_913, %mul3A_923 : vector<16xf32>
      %mul3A_925 = arith.mulf %gather3A_920, %gather3A_920 : vector<16xf32>
      %add3A_926 = arith.addf %add3A_915, %mul3A_925 : vector<16xf32>
      %add3A_927 = arith.constant 30 : i32
      %add3A_928 = vector.broadcast %add3A_927 : i32 to vector<16xi32>
      %add3A_929 = arith.addi %and3A_156, %add3A_928 : vector<16xi32>
      %gather3A_930 = tpu.vector_load_idx %arg12[%select_n3A_754, %add3A_929, %and3A_759] : memref<7x64x128xf32, #tpu.memory_space<vmem>>[vector<16xi32>, vector<16xi32>, vector<16xi32>], vector<16xf32>,
      %gather3A_931 = tpu.vector_load_idx %arg14[%min3A_154, %add3A_929] : memref<7x64xf32, #tpu.memory_space<vmem>>[vector<16xi32>, vector<16xi32>], vector<16xf32>,
      %mul3A_932 = arith.mulf %gather3A_930, %gather3A_931 : vector<16xf32>
      %add3A_933 = arith.addf %add3A_922, %mul3A_932 : vector<16xf32>
      %mul3A_934 = arith.mulf %gather3A_930, %gather3A_930 : vector<16xf32>
      %add3A_935 = arith.addf %add3A_924, %mul3A_934 : vector<16xf32>
      %mul3A_936 = arith.mulf %gather3A_931, %gather3A_931 : vector<16xf32>
      %add3A_937 = arith.addf %add3A_926, %mul3A_936 : vector<16xf32>
      %add3A_938 = arith.constant 32 : i32
      %add3A_939 = vector.broadcast %add3A_938 : i32 to vector<16xi32>
      %add3A_940 = arith.addi %and3A_156, %add3A_939 : vector<16xi32>
      %gather3A_941 = tpu.vector_load_idx %arg12[%select_n3A_754, %add3A_940, %and3A_759] : memref<7x64x128xf32, #tpu.memory_space<vmem>>[vector<16xi32>, vector<16xi32>, vector<16xi32>], vector<16xf32>,
      %gather3A_942 = tpu.vector_load_idx %arg14[%min3A_154, %add3A_940] : memref<7x64xf32, #tpu.memory_space<vmem>>[vector<16xi32>, vector<16xi32>], vector<16xf32>,
      %mul3A_943 = arith.mulf %gather3A_941, %gather3A_942 : vector<16xf32>
      %add3A_944 = arith.addf %add3A_933, %mul3A_943 : vector<16xf32>
      %mul3A_945 = arith.mulf %gather3A_941, %gather3A_941 : vector<16xf32>
      %add3A_946 = arith.addf %add3A_935, %mul3A_945 : vector<16xf32>
      %mul3A_947 = arith.mulf %gather3A_942, %gather3A_942 : vector<16xf32>
      %add3A_948 = arith.addf %add3A_937, %mul3A_947 : vector<16xf32>
      %add3A_949 = arith.constant 34 : i32
      %add3A_950 = vector.broadcast %add3A_949 : i32 to vector<16xi32>
      %add3A_951 = arith.addi %and3A_156, %add3A_950 : vector<16xi32>
      %gather3A_952 = tpu.vector_load_idx %arg12[%select_n3A_754, %add3A_951, %and3A_759] : memref<7x64x128xf32, #tpu.memory_space<vmem>>[vector<16xi32>, vector<16xi32>, vector<16xi32>], vector<16xf32>,
      %gather3A_953 = tpu.vector_load_idx %arg14[%min3A_154, %add3A_951] : memref<7x64xf32, #tpu.memory_space<vmem>>[vector<16xi32>, vector<16xi32>], vector<16xf32>,
      %mul3A_954 = arith.mulf %gather3A_952, %gather3A_953 : vector<16xf32>
      %add3A_955 = arith.addf %add3A_944, %mul3A_954 : vector<16xf32>
      %mul3A_956 = arith.mulf %gather3A_952, %gather3A_952 : vector<16xf32>
      %add3A_957 = arith.addf %add3A_946, %mul3A_956 : vector<16xf32>
      %mul3A_958 = arith.mulf %gather3A_953, %gather3A_953 : vector<16xf32>
      %add3A_959 = arith.addf %add3A_948, %mul3A_958 : vector<16xf32>
      %add3A_960 = arith.constant 36 : i32
      %add3A_961 = vector.broadcast %add3A_960 : i32 to vector<16xi32>
      %add3A_962 = arith.addi %and3A_156, %add3A_961 : vector<16xi32>
      %gather3A_963 = tpu.vector_load_idx %arg12[%select_n3A_754, %add3A_962, %and3A_759] : memref<7x64x128xf32, #tpu.memory_space<vmem>>[vector<16xi32>, vector<16xi32>, vector<16xi32>], vector<16xf32>,
      %gather3A_964 = tpu.vector_load_idx %arg14[%min3A_154, %add3A_962] : memref<7x64xf32, #tpu.memory_space<vmem>>[vector<16xi32>, vector<16xi32>], vector<16xf32>,
      %mul3A_965 = arith.mulf %gather3A_963, %gather3A_964 : vector<16xf32>
      %add3A_966 = arith.addf %add3A_955, %mul3A_965 : vector<16xf32>
      %mul3A_967 = arith.mulf %gather3A_963, %gather3A_963 : vector<16xf32>
      %add3A_968 = arith.addf %add3A_957, %mul3A_967 : vector<16xf32>
      %mul3A_969 = arith.mulf %gather3A_964, %gather3A_964 : vector<16xf32>
      %add3A_970 = arith.addf %add3A_959, %mul3A_969 : vector<16xf32>
      %add3A_971 = arith.constant 38 : i32
      %add3A_972 = vector.broadcast %add3A_971 : i32 to vector<16xi32>
      %add3A_973 = arith.addi %and3A_156, %add3A_972 : vector<16xi32>
      %gather3A_974 = tpu.vector_load_idx %arg12[%select_n3A_754, %add3A_973, %and3A_759] : memref<7x64x128xf32, #tpu.memory_space<vmem>>[vector<16xi32>, vector<16xi32>, vector<16xi32>], vector<16xf32>,
      %gather3A_975 = tpu.vector_load_idx %arg14[%min3A_154, %add3A_973] : memref<7x64xf32, #tpu.memory_space<vmem>>[vector<16xi32>, vector<16xi32>], vector<16xf32>,
      %mul3A_976 = arith.mulf %gather3A_974, %gather3A_975 : vector<16xf32>
      %add3A_977 = arith.addf %add3A_966, %mul3A_976 : vector<16xf32>
      %mul3A_978 = arith.mulf %gather3A_974, %gather3A_974 : vector<16xf32>
      %add3A_979 = arith.addf %add3A_968, %mul3A_978 : vector<16xf32>
      %mul3A_980 = arith.mulf %gather3A_975, %gather3A_975 : vector<16xf32>
      %add3A_981 = arith.addf %add3A_970, %mul3A_980 : vector<16xf32>
      %add3A_982 = arith.constant 40 : i32
      %add3A_983 = vector.broadcast %add3A_982 : i32 to vector<16xi32>
      %add3A_984 = arith.addi %and3A_156, %add3A_983 : vector<16xi32>
      %gather3A_985 = tpu.vector_load_idx %arg12[%select_n3A_754, %add3A_984, %and3A_759] : memref<7x64x128xf32, #tpu.memory_space<vmem>>[vector<16xi32>, vector<16xi32>, vector<16xi32>], vector<16xf32>,
      %gather3A_986 = tpu.vector_load_idx %arg14[%min3A_154, %add3A_984] : memref<7x64xf32, #tpu.memory_space<vmem>>[vector<16xi32>, vector<16xi32>], vector<16xf32>,
      %mul3A_987 = arith.mulf %gather3A_985, %gather3A_986 : vector<16xf32>
      %add3A_988 = arith.addf %add3A_977, %mul3A_987 : vector<16xf32>
      %mul3A_989 = arith.mulf %gather3A_985, %gather3A_985 : vector<16xf32>
      %add3A_990 = arith.addf %add3A_979, %mul3A_989 : vector<16xf32>
      %mul3A_991 = arith.mulf %gather3A_986, %gather3A_986 : vector<16xf32>
      %add3A_992 = arith.addf %add3A_981, %mul3A_991 : vector<16xf32>
      %add3A_993 = arith.constant 42 : i32
      %add3A_994 = vector.broadcast %add3A_993 : i32 to vector<16xi32>
      %add3A_995 = arith.addi %and3A_156, %add3A_994 : vector<16xi32>
      %gather3A_996 = tpu.vector_load_idx %arg12[%select_n3A_754, %add3A_995, %and3A_759] : memref<7x64x128xf32, #tpu.memory_space<vmem>>[vector<16xi32>, vector<16xi32>, vector<16xi32>], vector<16xf32>,
      %gather3A_997 = tpu.vector_load_idx %arg14[%min3A_154, %add3A_995] : memref<7x64xf32, #tpu.memory_space<vmem>>[vector<16xi32>, vector<16xi32>], vector<16xf32>,
      %mul3A_998 = arith.mulf %gather3A_996, %gather3A_997 : vector<16xf32>
      %add3A_999 = arith.addf %add3A_988, %mul3A_998 : vector<16xf32>
      %mul3A_1000 = arith.mulf %gather3A_996, %gather3A_996 : vector<16xf32>
      %add3A_1001 = arith.addf %add3A_990, %mul3A_1000 : vector<16xf32>
      %mul3A_1002 = arith.mulf %gather3A_997, %gather3A_997 : vector<16xf32>
      %add3A_1003 = arith.addf %add3A_992, %mul3A_1002 : vector<16xf32>
      %add3A_1004 = arith.constant 44 : i32
      %add3A_1005 = vector.broadcast %add3A_1004 : i32 to vector<16xi32>
      %add3A_1006 = arith.addi %and3A_156, %add3A_1005 : vector<16xi32>
      %gather3A_1007 = tpu.vector_load_idx %arg12[%select_n3A_754, %add3A_1006, %and3A_759] : memref<7x64x128xf32, #tpu.memory_space<vmem>>[vector<16xi32>, vector<16xi32>, vector<16xi32>], vector<16xf32>,
      %gather3A_1008 = tpu.vector_load_idx %arg14[%min3A_154, %add3A_1006] : memref<7x64xf32, #tpu.memory_space<vmem>>[vector<16xi32>, vector<16xi32>], vector<16xf32>,
      %mul3A_1009 = arith.mulf %gather3A_1007, %gather3A_1008 : vector<16xf32>
      %add3A_1010 = arith.addf %add3A_999, %mul3A_1009 : vector<16xf32>
      %mul3A_1011 = arith.mulf %gather3A_1007, %gather3A_1007 : vector<16xf32>
      %add3A_1012 = arith.addf %add3A_1001, %mul3A_1011 : vector<16xf32>
      %mul3A_1013 = arith.mulf %gather3A_1008, %gather3A_1008 : vector<16xf32>
      %add3A_1014 = arith.addf %add3A_1003, %mul3A_1013 : vector<16xf32>
      %add3A_1015 = arith.constant 46 : i32
      %add3A_1016 = vector.broadcast %add3A_1015 : i32 to vector<16xi32>
      %add3A_1017 = arith.addi %and3A_156, %add3A_1016 : vector<16xi32>
      %gather3A_1018 = tpu.vector_load_idx %arg12[%select_n3A_754, %add3A_1017, %and3A_759] : memref<7x64x128xf32, #tpu.memory_space<vmem>>[vector<16xi32>, vector<16xi32>, vector<16xi32>], vector<16xf32>,
      %gather3A_1019 = tpu.vector_load_idx %arg14[%min3A_154, %add3A_1017] : memref<7x64xf32, #tpu.memory_space<vmem>>[vector<16xi32>, vector<16xi32>], vector<16xf32>,
      %mul3A_1020 = arith.mulf %gather3A_1018, %gather3A_1019 : vector<16xf32>
      %add3A_1021 = arith.addf %add3A_1010, %mul3A_1020 : vector<16xf32>
      %mul3A_1022 = arith.mulf %gather3A_1018, %gather3A_1018 : vector<16xf32>
      %add3A_1023 = arith.addf %add3A_1012, %mul3A_1022 : vector<16xf32>
      %mul3A_1024 = arith.mulf %gather3A_1019, %gather3A_1019 : vector<16xf32>
      %add3A_1025 = arith.addf %add3A_1014, %mul3A_1024 : vector<16xf32>
      %add3A_1026 = arith.constant 48 : i32
      %add3A_1027 = vector.broadcast %add3A_1026 : i32 to vector<16xi32>
      %add3A_1028 = arith.addi %and3A_156, %add3A_1027 : vector<16xi32>
      %gather3A_1029 = tpu.vector_load_idx %arg12[%select_n3A_754, %add3A_1028, %and3A_759] : memref<7x64x128xf32, #tpu.memory_space<vmem>>[vector<16xi32>, vector<16xi32>, vector<16xi32>], vector<16xf32>,
      %gather3A_1030 = tpu.vector_load_idx %arg14[%min3A_154, %add3A_1028] : memref<7x64xf32, #tpu.memory_space<vmem>>[vector<16xi32>, vector<16xi32>], vector<16xf32>,
      %mul3A_1031 = arith.mulf %gather3A_1029, %gather3A_1030 : vector<16xf32>
      %add3A_1032 = arith.addf %add3A_1021, %mul3A_1031 : vector<16xf32>
      %mul3A_1033 = arith.mulf %gather3A_1029, %gather3A_1029 : vector<16xf32>
      %add3A_1034 = arith.addf %add3A_1023, %mul3A_1033 : vector<16xf32>
      %mul3A_1035 = arith.mulf %gather3A_1030, %gather3A_1030 : vector<16xf32>
      %add3A_1036 = arith.addf %add3A_1025, %mul3A_1035 : vector<16xf32>
      %add3A_1037 = arith.constant 50 : i32
      %add3A_1038 = vector.broadcast %add3A_1037 : i32 to vector<16xi32>
      %add3A_1039 = arith.addi %and3A_156, %add3A_1038 : vector<16xi32>
      %gather3A_1040 = tpu.vector_load_idx %arg12[%select_n3A_754, %add3A_1039, %and3A_759] : memref<7x64x128xf32, #tpu.memory_space<vmem>>[vector<16xi32>, vector<16xi32>, vector<16xi32>], vector<16xf32>,
      %gather3A_1041 = tpu.vector_load_idx %arg14[%min3A_154, %add3A_1039] : memref<7x64xf32, #tpu.memory_space<vmem>>[vector<16xi32>, vector<16xi32>], vector<16xf32>,
      %mul3A_1042 = arith.mulf %gather3A_1040, %gather3A_1041 : vector<16xf32>
      %add3A_1043 = arith.addf %add3A_1032, %mul3A_1042 : vector<16xf32>
      %mul3A_1044 = arith.mulf %gather3A_1040, %gather3A_1040 : vector<16xf32>
      %add3A_1045 = arith.addf %add3A_1034, %mul3A_1044 : vector<16xf32>
      %mul3A_1046 = arith.mulf %gather3A_1041, %gather3A_1041 : vector<16xf32>
      %add3A_1047 = arith.addf %add3A_1036, %mul3A_1046 : vector<16xf32>
      %add3A_1048 = arith.constant 52 : i32
      %add3A_1049 = vector.broadcast %add3A_1048 : i32 to vector<16xi32>
      %add3A_1050 = arith.addi %and3A_156, %add3A_1049 : vector<16xi32>
      %gather3A_1051 = tpu.vector_load_idx %arg12[%select_n3A_754, %add3A_1050, %and3A_759] : memref<7x64x128xf32, #tpu.memory_space<vmem>>[vector<16xi32>, vector<16xi32>, vector<16xi32>], vector<16xf32>,
      %gather3A_1052 = tpu.vector_load_idx %arg14[%min3A_154, %add3A_1050] : memref<7x64xf32, #tpu.memory_space<vmem>>[vector<16xi32>, vector<16xi32>], vector<16xf32>,
      %mul3A_1053 = arith.mulf %gather3A_1051, %gather3A_1052 : vector<16xf32>
      %add3A_1054 = arith.addf %add3A_1043, %mul3A_1053 : vector<16xf32>
      %mul3A_1055 = arith.mulf %gather3A_1051, %gather3A_1051 : vector<16xf32>
      %add3A_1056 = arith.addf %add3A_1045, %mul3A_1055 : vector<16xf32>
      %mul3A_1057 = arith.mulf %gather3A_1052, %gather3A_1052 : vector<16xf32>
      %add3A_1058 = arith.addf %add3A_1047, %mul3A_1057 : vector<16xf32>
      %add3A_1059 = arith.constant 54 : i32
      %add3A_1060 = vector.broadcast %add3A_1059 : i32 to vector<16xi32>
      %add3A_1061 = arith.addi %and3A_156, %add3A_1060 : vector<16xi32>
      %gather3A_1062 = tpu.vector_load_idx %arg12[%select_n3A_754, %add3A_1061, %and3A_759] : memref<7x64x128xf32, #tpu.memory_space<vmem>>[vector<16xi32>, vector<16xi32>, vector<16xi32>], vector<16xf32>,
      %gather3A_1063 = tpu.vector_load_idx %arg14[%min3A_154, %add3A_1061] : memref<7x64xf32, #tpu.memory_space<vmem>>[vector<16xi32>, vector<16xi32>], vector<16xf32>,
      %mul3A_1064 = arith.mulf %gather3A_1062, %gather3A_1063 : vector<16xf32>
      %add3A_1065 = arith.addf %add3A_1054, %mul3A_1064 : vector<16xf32>
      %mul3A_1066 = arith.mulf %gather3A_1062, %gather3A_1062 : vector<16xf32>
      %add3A_1067 = arith.addf %add3A_1056, %mul3A_1066 : vector<16xf32>
      %mul3A_1068 = arith.mulf %gather3A_1063, %gather3A_1063 : vector<16xf32>
      %add3A_1069 = arith.addf %add3A_1058, %mul3A_1068 : vector<16xf32>
      %add3A_1070 = arith.constant 56 : i32
      %add3A_1071 = vector.broadcast %add3A_1070 : i32 to vector<16xi32>
      %add3A_1072 = arith.addi %and3A_156, %add3A_1071 : vector<16xi32>
      %gather3A_1073 = tpu.vector_load_idx %arg12[%select_n3A_754, %add3A_1072, %and3A_759] : memref<7x64x128xf32, #tpu.memory_space<vmem>>[vector<16xi32>, vector<16xi32>, vector<16xi32>], vector<16xf32>,
      %gather3A_1074 = tpu.vector_load_idx %arg14[%min3A_154, %add3A_1072] : memref<7x64xf32, #tpu.memory_space<vmem>>[vector<16xi32>, vector<16xi32>], vector<16xf32>,
      %mul3A_1075 = arith.mulf %gather3A_1073, %gather3A_1074 : vector<16xf32>
      %add3A_1076 = arith.addf %add3A_1065, %mul3A_1075 : vector<16xf32>
      %mul3A_1077 = arith.mulf %gather3A_1073, %gather3A_1073 : vector<16xf32>
      %add3A_1078 = arith.addf %add3A_1067, %mul3A_1077 : vector<16xf32>
      %mul3A_1079 = arith.mulf %gather3A_1074, %gather3A_1074 : vector<16xf32>
      %add3A_1080 = arith.addf %add3A_1069, %mul3A_1079 : vector<16xf32>
      %add3A_1081 = arith.constant 58 : i32
      %add3A_1082 = vector.broadcast %add3A_1081 : i32 to vector<16xi32>
      %add3A_1083 = arith.addi %and3A_156, %add3A_1082 : vector<16xi32>
      %gather3A_1084 = tpu.vector_load_idx %arg12[%select_n3A_754, %add3A_1083, %and3A_759] : memref<7x64x128xf32, #tpu.memory_space<vmem>>[vector<16xi32>, vector<16xi32>, vector<16xi32>], vector<16xf32>,
      %gather3A_1085 = tpu.vector_load_idx %arg14[%min3A_154, %add3A_1083] : memref<7x64xf32, #tpu.memory_space<vmem>>[vector<16xi32>, vector<16xi32>], vector<16xf32>,
      %mul3A_1086 = arith.mulf %gather3A_1084, %gather3A_1085 : vector<16xf32>
      %add3A_1087 = arith.addf %add3A_1076, %mul3A_1086 : vector<16xf32>
      %mul3A_1088 = arith.mulf %gather3A_1084, %gather3A_1084 : vector<16xf32>
      %add3A_1089 = arith.addf %add3A_1078, %mul3A_1088 : vector<16xf32>
      %mul3A_1090 = arith.mulf %gather3A_1085, %gather3A_1085 : vector<16xf32>
      %add3A_1091 = arith.addf %add3A_1080, %mul3A_1090 : vector<16xf32>
      %add3A_1092 = arith.constant 60 : i32
      %add3A_1093 = vector.broadcast %add3A_1092 : i32 to vector<16xi32>
      %add3A_1094 = arith.addi %and3A_156, %add3A_1093 : vector<16xi32>
      %gather3A_1095 = tpu.vector_load_idx %arg12[%select_n3A_754, %add3A_1094, %and3A_759] : memref<7x64x128xf32, #tpu.memory_space<vmem>>[vector<16xi32>, vector<16xi32>, vector<16xi32>], vector<16xf32>,
      %gather3A_1096 = tpu.vector_load_idx %arg14[%min3A_154, %add3A_1094] : memref<7x64xf32, #tpu.memory_space<vmem>>[vector<16xi32>, vector<16xi32>], vector<16xf32>,
      %mul3A_1097 = arith.mulf %gather3A_1095, %gather3A_1096 : vector<16xf32>
      %add3A_1098 = arith.addf %add3A_1087, %mul3A_1097 : vector<16xf32>
      %mul3A_1099 = arith.mulf %gather3A_1095, %gather3A_1095 : vector<16xf32>
      %add3A_1100 = arith.addf %add3A_1089, %mul3A_1099 : vector<16xf32>
      %mul3A_1101 = arith.mulf %gather3A_1096, %gather3A_1096 : vector<16xf32>
      %add3A_1102 = arith.addf %add3A_1091, %mul3A_1101 : vector<16xf32>
      %add3A_1103 = arith.constant 62 : i32
      %add3A_1104 = vector.broadcast %add3A_1103 : i32 to vector<16xi32>
      %add3A_1105 = arith.addi %and3A_156, %add3A_1104 : vector<16xi32>
      %gather3A_1106 = tpu.vector_load_idx %arg12[%select_n3A_754, %add3A_1105, %and3A_759] : memref<7x64x128xf32, #tpu.memory_space<vmem>>[vector<16xi32>, vector<16xi32>, vector<16xi32>], vector<16xf32>,
      %gather3A_1107 = tpu.vector_load_idx %arg14[%min3A_154, %add3A_1105] : memref<7x64xf32, #tpu.memory_space<vmem>>[vector<16xi32>, vector<16xi32>], vector<16xf32>,
      %mul3A_1108 = arith.mulf %gather3A_1106, %gather3A_1107 : vector<16xf32>
      %add3A_1109 = arith.addf %add3A_1098, %mul3A_1108 : vector<16xf32>
      %mul3A_1110 = arith.mulf %gather3A_1106, %gather3A_1106 : vector<16xf32>
      %add3A_1111 = arith.addf %add3A_1100, %mul3A_1110 : vector<16xf32>
      %mul3A_1112 = arith.mulf %gather3A_1107, %gather3A_1107 : vector<16xf32>
      %add3A_1113 = arith.addf %add3A_1102, %mul3A_1112 : vector<16xf32>
      %swap3A_1114 = arith.constant 0 : i32
      %swap3A_1115 = arith.index_cast %swap3A_1114 : i32 to index
      %swap3A_1116 = arith.constant 0 : index
      %swap3A_1117 = tpu.vector_load %arg17[%swap3A_1115, %swap3A_1116] {strides = array<i32>} : memref<3x16xf32, #tpu.memory_space<vmem>>, vector<16xf32>,
      tpu.vector_store %arg17[%swap3A_1115, %swap3A_1116], %add3A_1109 {strides = array<i32>} : memref<3x16xf32, #tpu.memory_space<vmem>>, vector<16xf32>,
      %swap3A_1118 = arith.constant 1 : i32
      %swap3A_1119 = arith.index_cast %swap3A_1118 : i32 to index
      %swap3A_1120 = arith.constant 0 : index
      %swap3A_1121 = tpu.vector_load %arg17[%swap3A_1119, %swap3A_1120] {strides = array<i32>} : memref<3x16xf32, #tpu.memory_space<vmem>>, vector<16xf32>,
      tpu.vector_store %arg17[%swap3A_1119, %swap3A_1120], %add3A_1111 {strides = array<i32>} : memref<3x16xf32, #tpu.memory_space<vmem>>, vector<16xf32>,
      %swap3A_1122 = arith.constant 2 : i32
      %swap3A_1123 = arith.index_cast %swap3A_1122 : i32 to index
      %swap3A_1124 = arith.constant 0 : index
      %swap3A_1125 = tpu.vector_load %arg17[%swap3A_1123, %swap3A_1124] {strides = array<i32>} : memref<3x16xf32, #tpu.memory_space<vmem>>, vector<16xf32>,
      tpu.vector_store %arg17[%swap3A_1123, %swap3A_1124], %add3A_1113 {strides = array<i32>} : memref<3x16xf32, #tpu.memory_space<vmem>>, vector<16xf32>,
      %gather3A_1126 = tpu.vector_load_idx %arg17[%broadcast_in_dim3A_168, %xor3A_158] : memref<3x16xf32, #tpu.memory_space<vmem>>[vector<16xi32>, vector<16xi32>], vector<16xf32>,
      %add3A_1127 = arith.addf %add3A_1109, %gather3A_1126 : vector<16xf32>
      %gather3A_1128 = tpu.vector_load_idx %arg17[%broadcast_in_dim3A_170, %xor3A_158] : memref<3x16xf32, #tpu.memory_space<vmem>>[vector<16xi32>, vector<16xi32>], vector<16xf32>,
      %add3A_1129 = arith.addf %add3A_1111, %gather3A_1128 : vector<16xf32>
      %gather3A_1130 = tpu.vector_load_idx %arg17[%broadcast_in_dim3A_172, %xor3A_158] : memref<3x16xf32, #tpu.memory_space<vmem>>[vector<16xi32>, vector<16xi32>], vector<16xf32>,
      %add3A_1131 = arith.addf %add3A_1113, %gather3A_1130 : vector<16xf32>
      %max3A = arith.constant 1.000000e-16 : f32
      %max3A_1132 = vector.broadcast %max3A : f32 to vector<16xf32>
      %max3A_1133 = arith.maximumf %add3A_1129, %max3A_1132 : vector<16xf32>
      %max3A_1134 = arith.constant 1.000000e-16 : f32
      %max3A_1135 = vector.broadcast %max3A_1134 : f32 to vector<16xf32>
      %max3A_1136 = arith.maximumf %add3A_1131, %max3A_1135 : vector<16xf32>
      %mul3A_1137 = arith.mulf %max3A_1133, %max3A_1136 : vector<16xf32>
      %bitcast3A = vector.bitcast %mul3A_1137 : vector<16xf32> to vector<16xi32>
      %shift_right_arithmetic3A_1138 = arith.constant 1 : i32
      %shift_right_arithmetic3A_1139 = vector.broadcast %shift_right_arithmetic3A_1138 : i32 to vector<16xi32>
      %shift_right_arithmetic3A_1140 = arith.shrsi %bitcast3A, %shift_right_arithmetic3A_1139 : vector<16xi32>
      %sub3A = arith.constant 1597463007 : i32
      %sub3A_1141 = vector.broadcast %sub3A : i32 to vector<16xi32>
      %sub3A_1142 = arith.subi %sub3A_1141, %shift_right_arithmetic3A_1140 : vector<16xi32>
      %bitcast3A_1143 = vector.bitcast %sub3A_1142 : vector<16xi32> to vector<16xf32>
      %mul3A_1144 = arith.constant 5.000000e-01 : f32
      %mul3A_1145 = vector.broadcast %mul3A_1144 : f32 to vector<16xf32>
      %mul3A_1146 = arith.mulf %mul3A_1145, %mul3A_1137 : vector<16xf32>
      %mul3A_1147 = arith.mulf %mul3A_1146, %bitcast3A_1143 : vector<16xf32>
      %mul3A_1148 = arith.mulf %mul3A_1147, %bitcast3A_1143 : vector<16xf32>
      %sub3A_1149 = arith.constant 1.500000e+00 : f32
      %sub3A_1150 = vector.broadcast %sub3A_1149 : f32 to vector<16xf32>
      %sub3A_1151 = arith.subf %sub3A_1150, %mul3A_1148 : vector<16xf32>
      %mul3A_1152 = arith.mulf %bitcast3A_1143, %sub3A_1151 : vector<16xf32>
      %mul3A_1153 = arith.constant 5.000000e-01 : f32
      %mul3A_1154 = vector.broadcast %mul3A_1153 : f32 to vector<16xf32>
      %mul3A_1155 = arith.mulf %mul3A_1154, %mul3A_1137 : vector<16xf32>
      %mul3A_1156 = arith.mulf %mul3A_1155, %mul3A_1152 : vector<16xf32>
      %mul3A_1157 = arith.mulf %mul3A_1156, %mul3A_1152 : vector<16xf32>
      %sub3A_1158 = arith.constant 1.500000e+00 : f32
      %sub3A_1159 = vector.broadcast %sub3A_1158 : f32 to vector<16xf32>
      %sub3A_1160 = arith.subf %sub3A_1159, %mul3A_1157 : vector<16xf32>
      %mul3A_1161 = arith.mulf %mul3A_1152, %sub3A_1160 : vector<16xf32>
      %mul3A_1162 = arith.constant 5.000000e-01 : f32
      %mul3A_1163 = vector.broadcast %mul3A_1162 : f32 to vector<16xf32>
      %mul3A_1164 = arith.mulf %mul3A_1163, %mul3A_1137 : vector<16xf32>
      %mul3A_1165 = arith.mulf %mul3A_1164, %mul3A_1161 : vector<16xf32>
      %mul3A_1166 = arith.mulf %mul3A_1165, %mul3A_1161 : vector<16xf32>
      %sub3A_1167 = arith.constant 1.500000e+00 : f32
      %sub3A_1168 = vector.broadcast %sub3A_1167 : f32 to vector<16xf32>
      %sub3A_1169 = arith.subf %sub3A_1168, %mul3A_1166 : vector<16xf32>
      %mul3A_1170 = arith.mulf %mul3A_1161, %sub3A_1169 : vector<16xf32>
      %mul3A_1171 = arith.mulf %add3A_1127, %mul3A_1170 : vector<16xf32>
      %mul3A_1172 = arith.mulf %mul3A_1171, %get3A_146 : vector<16xf32>
      %add3A_1173 = arith.addf %mul3A_1172, %get3A_150 : vector<16xf32>
      %neg3A = arith.constant 0.000000e+00 : f32
      %neg3A_1174 = vector.broadcast %neg3A : f32 to vector<16xf32>
      %neg3A_1175 = arith.subf %neg3A_1174, %add3A_1173 : vector<16xf32>
      %exp3A = math.exp %neg3A_1175 : vector<16xf32>
      %add3A_1176 = arith.constant 1.000000e+00 : f32
      %add3A_1177 = vector.broadcast %add3A_1176 : f32 to vector<16xf32>
      %add3A_1178 = arith.addf %add3A_1177, %exp3A : vector<16xf32>
      %div3A = arith.constant 1.000000e+00 : f32
      %div3A_1179 = vector.broadcast %div3A : f32 to vector<16xf32>
      %div3A_1180 = arith.divf %div3A_1179, %add3A_1178 : vector<16xf32>
      %swap3A_1181 = arith.index_cast %mul3A_673 : i32 to index
      %swap3A_1182 = tpu.vector_load %arg16[%swap3A_1181] masked %and3A_166 {strides = array<i32>} : memref<534xf32, #tpu.memory_space<vmem>>, vector<16xf32>, vector<16xi1>
      tpu.vector_store %arg16[%swap3A_1181], %div3A_1180 masked %and3A_166 {strides = array<i32>} : memref<534xf32, #tpu.memory_space<vmem>>, vector<16xf32>, vector<16xi1>
      %add3A_1183 = arith.constant 2 : i32
      %add3A_1184 = arith.addi %mul3A_414, %add3A_1183 : i32
      %lt3A_1185 = arith.constant 74 : i32
      %lt3A_1186 = arith.cmpi slt, %add3A_1184, %lt3A_1185 : i32
      %convert_element_type3A_1187 = arith.extui %lt3A_1186 : i1 to i32
      %cond3A_1188 = arith.constant 0 : i32
      %cond3A_1189 = arith.cmpi ne, %convert_element_type3A_1187, %cond3A_1188 : i32
      scf.if %cond3A_1189 {
        %add3A_1792 = arith.constant 2 : i32
        %add3A_1793 = arith.addi %mul3A_414, %add3A_1792 : i32
        %mul3A_1794 = arith.constant 7 : i32
        %mul3A_1795 = arith.muli %add3A_1793, %mul3A_1794 : i32
        %get3A_1796 = arith.index_cast %mul3A_1795 : i32 to index
        %get3A_1797 = tpu.vector_load %arg10[%get3A_1796] {strides = array<i32>} : memref<534xi32, #tpu.memory_space<vmem>>, vector<16xi32>,
        %mul3A_1798 = arith.constant 7 : i32
        %mul3A_1799 = arith.muli %add3A_1793, %mul3A_1798 : i32
        %get3A_1800 = arith.index_cast %mul3A_1799 : i32 to index
        %get3A_1801 = tpu.vector_load %arg9[%get3A_1800] {strides = array<i32>} : memref<534xi32, #tpu.memory_space<vmem>>, vector<16xi32>,
        %slice3A_1802 = vector.extract_strided_slice %get3A_1801 {offsets = [0], sizes = [1], strides = [1]} : vector<16xi32> to vector<1xi32>
        %squeeze3A_1803 = vector.extract %slice3A_1802[0] : i32 from vector<1xi32>
        %shift_right_arithmetic3A_1804 = arith.constant 7 : i32
        %shift_right_arithmetic3A_1805 = arith.shrsi %squeeze3A_1803, %shift_right_arithmetic3A_1804 : i32
        %slice3A_1806 = vector.extract_strided_slice %get3A_1801 {offsets = [1], sizes = [1], strides = [1]} : vector<16xi32> to vector<1xi32>
        %squeeze3A_1807 = vector.extract %slice3A_1806[0] : i32 from vector<1xi32>
        %shift_right_arithmetic3A_1808 = arith.constant 7 : i32
        %shift_right_arithmetic3A_1809 = arith.shrsi %squeeze3A_1807, %shift_right_arithmetic3A_1808 : i32
        %slice3A_1810 = vector.extract_strided_slice %get3A_1801 {offsets = [2], sizes = [1], strides = [1]} : vector<16xi32> to vector<1xi32>
        %squeeze3A_1811 = vector.extract %slice3A_1810[0] : i32 from vector<1xi32>
        %shift_right_arithmetic3A_1812 = arith.constant 7 : i32
        %shift_right_arithmetic3A_1813 = arith.shrsi %squeeze3A_1811, %shift_right_arithmetic3A_1812 : i32
        %slice3A_1814 = vector.extract_strided_slice %get3A_1801 {offsets = [3], sizes = [1], strides = [1]} : vector<16xi32> to vector<1xi32>
        %squeeze3A_1815 = vector.extract %slice3A_1814[0] : i32 from vector<1xi32>
        %shift_right_arithmetic3A_1816 = arith.constant 7 : i32
        %shift_right_arithmetic3A_1817 = arith.shrsi %squeeze3A_1815, %shift_right_arithmetic3A_1816 : i32
        %slice3A_1818 = vector.extract_strided_slice %get3A_1801 {offsets = [4], sizes = [1], strides = [1]} : vector<16xi32> to vector<1xi32>
        %squeeze3A_1819 = vector.extract %slice3A_1818[0] : i32 from vector<1xi32>
        %shift_right_arithmetic3A_1820 = arith.constant 7 : i32
        %shift_right_arithmetic3A_1821 = arith.shrsi %squeeze3A_1819, %shift_right_arithmetic3A_1820 : i32
        %slice3A_1822 = vector.extract_strided_slice %get3A_1801 {offsets = [5], sizes = [1], strides = [1]} : vector<16xi32> to vector<1xi32>
        %squeeze3A_1823 = vector.extract %slice3A_1822[0] : i32 from vector<1xi32>
        %shift_right_arithmetic3A_1824 = arith.constant 7 : i32
        %shift_right_arithmetic3A_1825 = arith.shrsi %squeeze3A_1823, %shift_right_arithmetic3A_1824 : i32
        %slice3A_1826 = vector.extract_strided_slice %get3A_1801 {offsets = [6], sizes = [1], strides = [1]} : vector<16xi32> to vector<1xi32>
        %squeeze3A_1827 = vector.extract %slice3A_1826[0] : i32 from vector<1xi32>
        %shift_right_arithmetic3A_1828 = arith.constant 7 : i32
        %shift_right_arithmetic3A_1829 = arith.shrsi %squeeze3A_1827, %shift_right_arithmetic3A_1828 : i32
        %ne3A_1830 = arith.cmpi ne, %shift_right_arithmetic3A_1809, %shift_right_arithmetic3A_1805 : i32
        %ne3A_1831 = arith.cmpi ne, %shift_right_arithmetic3A_1813, %shift_right_arithmetic3A_1809 : i32
        %ne3A_1832 = arith.cmpi ne, %shift_right_arithmetic3A_1817, %shift_right_arithmetic3A_1813 : i32
        %ne3A_1833 = arith.cmpi ne, %shift_right_arithmetic3A_1821, %shift_right_arithmetic3A_1817 : i32
        %ne3A_1834 = arith.cmpi ne, %shift_right_arithmetic3A_1825, %shift_right_arithmetic3A_1821 : i32
        %ne3A_1835 = arith.cmpi ne, %shift_right_arithmetic3A_1829, %shift_right_arithmetic3A_1825 : i32
        %mul3A_1836 = arith.constant 128 : i32
        %mul3A_1837 = arith.muli %shift_right_arithmetic3A_1805, %mul3A_1836 : i32
        %multiple_of3A_1838 = tpu.assume_multiple %mul3A_1837, 128 : i32
        %dma_start3A_1839 = arith.constant 0 : i32
        %dma_start3A_1840 = arith.constant 0 : i32
        %dma_start3A_1841 = arith.constant 0 : i32
        %dma_start3A_1842 = tpu.memref_slice %arg12[%dma_start3A_1839, %dma_start3A_1840, %dma_start3A_1841] : memref<7x64x128xf32, #tpu.memory_space<vmem>> -> memref<1x64x128xf32, #tpu.memory_space<vmem>>
        %dma_start3A_1843 = tpu.memref_squeeze %dma_start3A_1842 : memref<1x64x128xf32, #tpu.memory_space<vmem>> -> memref<64x128xf32, #tpu.memory_space<vmem>>
        %dma_start3A_1844 = arith.constant 0 : i32
        %dma_start3A_1845 = tpu.memref_slice %arg2[%dma_start3A_1844, %multiple_of3A_1838] : memref<64x1000000xf32, #tpu.memory_space<hbm>> -> memref<64x128xf32, #tpu.memory_space<hbm>>
        %dma_start3A_1846 = arith.constant 0 : i32
        %dma_start3A_1847 = arith.constant 0 : i32
        %dma_start3A_1848 = tpu.memref_slice %arg12[%dma_start3A_1839, %dma_start3A_1846, %dma_start3A_1847] : memref<7x64x128xf32, #tpu.memory_space<vmem>> -> memref<1x64x128xf32, #tpu.memory_space<vmem>>
        %dma_start3A_1849 = tpu.memref_squeeze %dma_start3A_1848 : memref<1x64x128xf32, #tpu.memory_space<vmem>> -> memref<64x128xf32, #tpu.memory_space<vmem>>
        %dma_start3A_1850 = arith.constant 0 : i32
        %dma_start3A_1851 = tpu.memref_slice %arg2[%dma_start3A_1850, %multiple_of3A_1838] : memref<64x1000000xf32, #tpu.memory_space<hbm>> -> memref<64x128xf32, #tpu.memory_space<hbm>>
        tpu.enqueue_dma source(%dma_start3A_1851 : memref<64x128xf32, #tpu.memory_space<hbm>>) target(%dma_start3A_1849 : memref<64x128xf32, #tpu.memory_space<vmem>>) target_semaphore(%arg19 : memref<!tpu.dma_semaphore, #tpu.memory_space<semaphore_mem>>)
        %slice3A_1852 = vector.extract_strided_slice %get3A_1797 {offsets = [0], sizes = [1], strides = [1]} : vector<16xi32> to vector<1xi32>
        %squeeze3A_1853 = vector.extract %slice3A_1852[0] : i32 from vector<1xi32>
        %dma_start3A_1854 = arith.constant 0 : i32
        %dma_start3A_1855 = arith.constant 0 : i32
        %dma_start3A_1856 = tpu.memref_slice %arg14[%dma_start3A_1854, %dma_start3A_1855] : memref<7x64xf32, #tpu.memory_space<vmem>> -> memref<1x64xf32, #tpu.memory_space<vmem>>
        %dma_start3A_1857 = arith.constant 0 : i32
        %dma_start3A_1858 = tpu.memref_slice %arg3[%squeeze3A_1853, %dma_start3A_1857] : memref<1000x64xf32, #tpu.memory_space<hbm>> -> memref<1x64xf32, #tpu.memory_space<hbm>>
        %dma_start3A_1859 = arith.constant 0 : i32
        %dma_start3A_1860 = arith.constant 0 : i32
        %dma_start3A_1861 = tpu.memref_slice %arg14[%dma_start3A_1859, %dma_start3A_1860] : memref<7x64xf32, #tpu.memory_space<vmem>> -> memref<1x64xf32, #tpu.memory_space<vmem>>
        %dma_start3A_1862 = arith.constant 0 : i32
        %dma_start3A_1863 = tpu.memref_slice %arg3[%squeeze3A_1853, %dma_start3A_1862] : memref<1000x64xf32, #tpu.memory_space<hbm>> -> memref<1x64xf32, #tpu.memory_space<hbm>>
        tpu.enqueue_dma source(%dma_start3A_1863 : memref<1x64xf32, #tpu.memory_space<hbm>>) target(%dma_start3A_1861 : memref<1x64xf32, #tpu.memory_space<vmem>>) target_semaphore(%arg19 : memref<!tpu.dma_semaphore, #tpu.memory_space<semaphore_mem>>)
        %mul3A_1864 = arith.constant 128 : i32
        %mul3A_1865 = arith.muli %shift_right_arithmetic3A_1809, %mul3A_1864 : i32
        %multiple_of3A_1866 = tpu.assume_multiple %mul3A_1865, 128 : i32
        %convert_element_type3A_1867 = arith.extui %ne3A_1830 : i1 to i32
        %cond3A_1868 = arith.constant 0 : i32
        %cond3A_1869 = arith.cmpi ne, %convert_element_type3A_1867, %cond3A_1868 : i32
        scf.if %cond3A_1869 {
          %dma_start3A_1972 = arith.constant 1 : i32
          %dma_start3A_1973 = arith.constant 0 : i32
          %dma_start3A_1974 = arith.constant 0 : i32
          %dma_start3A_1975 = tpu.memref_slice %arg12[%dma_start3A_1972, %dma_start3A_1973, %dma_start3A_1974] : memref<7x64x128xf32, #tpu.memory_space<vmem>> -> memref<1x64x128xf32, #tpu.memory_space<vmem>>
          %dma_start3A_1976 = tpu.memref_squeeze %dma_start3A_1975 : memref<1x64x128xf32, #tpu.memory_space<vmem>> -> memref<64x128xf32, #tpu.memory_space<vmem>>
          %dma_start3A_1977 = arith.constant 0 : i32
          %dma_start3A_1978 = tpu.memref_slice %arg2[%dma_start3A_1977, %multiple_of3A_1866] : memref<64x1000000xf32, #tpu.memory_space<hbm>> -> memref<64x128xf32, #tpu.memory_space<hbm>>
          %dma_start3A_1979 = arith.constant 0 : i32
          %dma_start3A_1980 = arith.constant 0 : i32
          %dma_start3A_1981 = tpu.memref_slice %arg12[%dma_start3A_1972, %dma_start3A_1979, %dma_start3A_1980] : memref<7x64x128xf32, #tpu.memory_space<vmem>> -> memref<1x64x128xf32, #tpu.memory_space<vmem>>
          %dma_start3A_1982 = tpu.memref_squeeze %dma_start3A_1981 : memref<1x64x128xf32, #tpu.memory_space<vmem>> -> memref<64x128xf32, #tpu.memory_space<vmem>>
          %dma_start3A_1983 = arith.constant 0 : i32
          %dma_start3A_1984 = tpu.memref_slice %arg2[%dma_start3A_1983, %multiple_of3A_1866] : memref<64x1000000xf32, #tpu.memory_space<hbm>> -> memref<64x128xf32, #tpu.memory_space<hbm>>
          tpu.enqueue_dma source(%dma_start3A_1984 : memref<64x128xf32, #tpu.memory_space<hbm>>) target(%dma_start3A_1982 : memref<64x128xf32, #tpu.memory_space<vmem>>) target_semaphore(%arg19 : memref<!tpu.dma_semaphore, #tpu.memory_space<semaphore_mem>>)
        } else {
        }
        %slice3A_1870 = vector.extract_strided_slice %get3A_1797 {offsets = [1], sizes = [1], strides = [1]} : vector<16xi32> to vector<1xi32>
        %squeeze3A_1871 = vector.extract %slice3A_1870[0] : i32 from vector<1xi32>
        %dma_start3A_1872 = arith.constant 1 : i32
        %dma_start3A_1873 = arith.constant 0 : i32
        %dma_start3A_1874 = tpu.memref_slice %arg14[%dma_start3A_1872, %dma_start3A_1873] : memref<7x64xf32, #tpu.memory_space<vmem>> -> memref<1x64xf32, #tpu.memory_space<vmem>>
        %dma_start3A_1875 = arith.constant 0 : i32
        %dma_start3A_1876 = tpu.memref_slice %arg3[%squeeze3A_1871, %dma_start3A_1875] : memref<1000x64xf32, #tpu.memory_space<hbm>> -> memref<1x64xf32, #tpu.memory_space<hbm>>
        %dma_start3A_1877 = arith.constant 1 : i32
        %dma_start3A_1878 = arith.constant 0 : i32
        %dma_start3A_1879 = tpu.memref_slice %arg14[%dma_start3A_1877, %dma_start3A_1878] : memref<7x64xf32, #tpu.memory_space<vmem>> -> memref<1x64xf32, #tpu.memory_space<vmem>>
        %dma_start3A_1880 = arith.constant 0 : i32
        %dma_start3A_1881 = tpu.memref_slice %arg3[%squeeze3A_1871, %dma_start3A_1880] : memref<1000x64xf32, #tpu.memory_space<hbm>> -> memref<1x64xf32, #tpu.memory_space<hbm>>
        tpu.enqueue_dma source(%dma_start3A_1881 : memref<1x64xf32, #tpu.memory_space<hbm>>) target(%dma_start3A_1879 : memref<1x64xf32, #tpu.memory_space<vmem>>) target_semaphore(%arg19 : memref<!tpu.dma_semaphore, #tpu.memory_space<semaphore_mem>>)
        %mul3A_1882 = arith.constant 128 : i32
        %mul3A_1883 = arith.muli %shift_right_arithmetic3A_1813, %mul3A_1882 : i32
        %multiple_of3A_1884 = tpu.assume_multiple %mul3A_1883, 128 : i32
        %convert_element_type3A_1885 = arith.extui %ne3A_1831 : i1 to i32
        %cond3A_1886 = arith.constant 0 : i32
        %cond3A_1887 = arith.cmpi ne, %convert_element_type3A_1885, %cond3A_1886 : i32
        scf.if %cond3A_1887 {
          %dma_start3A_1972 = arith.constant 2 : i32
          %dma_start3A_1973 = arith.constant 0 : i32
          %dma_start3A_1974 = arith.constant 0 : i32
          %dma_start3A_1975 = tpu.memref_slice %arg12[%dma_start3A_1972, %dma_start3A_1973, %dma_start3A_1974] : memref<7x64x128xf32, #tpu.memory_space<vmem>> -> memref<1x64x128xf32, #tpu.memory_space<vmem>>
          %dma_start3A_1976 = tpu.memref_squeeze %dma_start3A_1975 : memref<1x64x128xf32, #tpu.memory_space<vmem>> -> memref<64x128xf32, #tpu.memory_space<vmem>>
          %dma_start3A_1977 = arith.constant 0 : i32
          %dma_start3A_1978 = tpu.memref_slice %arg2[%dma_start3A_1977, %multiple_of3A_1884] : memref<64x1000000xf32, #tpu.memory_space<hbm>> -> memref<64x128xf32, #tpu.memory_space<hbm>>
          %dma_start3A_1979 = arith.constant 0 : i32
          %dma_start3A_1980 = arith.constant 0 : i32
          %dma_start3A_1981 = tpu.memref_slice %arg12[%dma_start3A_1972, %dma_start3A_1979, %dma_start3A_1980] : memref<7x64x128xf32, #tpu.memory_space<vmem>> -> memref<1x64x128xf32, #tpu.memory_space<vmem>>
          %dma_start3A_1982 = tpu.memref_squeeze %dma_start3A_1981 : memref<1x64x128xf32, #tpu.memory_space<vmem>> -> memref<64x128xf32, #tpu.memory_space<vmem>>
          %dma_start3A_1983 = arith.constant 0 : i32
          %dma_start3A_1984 = tpu.memref_slice %arg2[%dma_start3A_1983, %multiple_of3A_1884] : memref<64x1000000xf32, #tpu.memory_space<hbm>> -> memref<64x128xf32, #tpu.memory_space<hbm>>
          tpu.enqueue_dma source(%dma_start3A_1984 : memref<64x128xf32, #tpu.memory_space<hbm>>) target(%dma_start3A_1982 : memref<64x128xf32, #tpu.memory_space<vmem>>) target_semaphore(%arg19 : memref<!tpu.dma_semaphore, #tpu.memory_space<semaphore_mem>>)
        } else {
        }
        %slice3A_1888 = vector.extract_strided_slice %get3A_1797 {offsets = [2], sizes = [1], strides = [1]} : vector<16xi32> to vector<1xi32>
        %squeeze3A_1889 = vector.extract %slice3A_1888[0] : i32 from vector<1xi32>
        %dma_start3A_1890 = arith.constant 2 : i32
        %dma_start3A_1891 = arith.constant 0 : i32
        %dma_start3A_1892 = tpu.memref_slice %arg14[%dma_start3A_1890, %dma_start3A_1891] : memref<7x64xf32, #tpu.memory_space<vmem>> -> memref<1x64xf32, #tpu.memory_space<vmem>>
        %dma_start3A_1893 = arith.constant 0 : i32
        %dma_start3A_1894 = tpu.memref_slice %arg3[%squeeze3A_1889, %dma_start3A_1893] : memref<1000x64xf32, #tpu.memory_space<hbm>> -> memref<1x64xf32, #tpu.memory_space<hbm>>
        %dma_start3A_1895 = arith.constant 2 : i32
        %dma_start3A_1896 = arith.constant 0 : i32
        %dma_start3A_1897 = tpu.memref_slice %arg14[%dma_start3A_1895, %dma_start3A_1896] : memref<7x64xf32, #tpu.memory_space<vmem>> -> memref<1x64xf32, #tpu.memory_space<vmem>>
        %dma_start3A_1898 = arith.constant 0 : i32
        %dma_start3A_1899 = tpu.memref_slice %arg3[%squeeze3A_1889, %dma_start3A_1898] : memref<1000x64xf32, #tpu.memory_space<hbm>> -> memref<1x64xf32, #tpu.memory_space<hbm>>
        tpu.enqueue_dma source(%dma_start3A_1899 : memref<1x64xf32, #tpu.memory_space<hbm>>) target(%dma_start3A_1897 : memref<1x64xf32, #tpu.memory_space<vmem>>) target_semaphore(%arg19 : memref<!tpu.dma_semaphore, #tpu.memory_space<semaphore_mem>>)
        %mul3A_1900 = arith.constant 128 : i32
        %mul3A_1901 = arith.muli %shift_right_arithmetic3A_1817, %mul3A_1900 : i32
        %multiple_of3A_1902 = tpu.assume_multiple %mul3A_1901, 128 : i32
        %convert_element_type3A_1903 = arith.extui %ne3A_1832 : i1 to i32
        %cond3A_1904 = arith.constant 0 : i32
        %cond3A_1905 = arith.cmpi ne, %convert_element_type3A_1903, %cond3A_1904 : i32
        scf.if %cond3A_1905 {
          %dma_start3A_1972 = arith.constant 3 : i32
          %dma_start3A_1973 = arith.constant 0 : i32
          %dma_start3A_1974 = arith.constant 0 : i32
          %dma_start3A_1975 = tpu.memref_slice %arg12[%dma_start3A_1972, %dma_start3A_1973, %dma_start3A_1974] : memref<7x64x128xf32, #tpu.memory_space<vmem>> -> memref<1x64x128xf32, #tpu.memory_space<vmem>>
          %dma_start3A_1976 = tpu.memref_squeeze %dma_start3A_1975 : memref<1x64x128xf32, #tpu.memory_space<vmem>> -> memref<64x128xf32, #tpu.memory_space<vmem>>
          %dma_start3A_1977 = arith.constant 0 : i32
          %dma_start3A_1978 = tpu.memref_slice %arg2[%dma_start3A_1977, %multiple_of3A_1902] : memref<64x1000000xf32, #tpu.memory_space<hbm>> -> memref<64x128xf32, #tpu.memory_space<hbm>>
          %dma_start3A_1979 = arith.constant 0 : i32
          %dma_start3A_1980 = arith.constant 0 : i32
          %dma_start3A_1981 = tpu.memref_slice %arg12[%dma_start3A_1972, %dma_start3A_1979, %dma_start3A_1980] : memref<7x64x128xf32, #tpu.memory_space<vmem>> -> memref<1x64x128xf32, #tpu.memory_space<vmem>>
          %dma_start3A_1982 = tpu.memref_squeeze %dma_start3A_1981 : memref<1x64x128xf32, #tpu.memory_space<vmem>> -> memref<64x128xf32, #tpu.memory_space<vmem>>
          %dma_start3A_1983 = arith.constant 0 : i32
          %dma_start3A_1984 = tpu.memref_slice %arg2[%dma_start3A_1983, %multiple_of3A_1902] : memref<64x1000000xf32, #tpu.memory_space<hbm>> -> memref<64x128xf32, #tpu.memory_space<hbm>>
          tpu.enqueue_dma source(%dma_start3A_1984 : memref<64x128xf32, #tpu.memory_space<hbm>>) target(%dma_start3A_1982 : memref<64x128xf32, #tpu.memory_space<vmem>>) target_semaphore(%arg19 : memref<!tpu.dma_semaphore, #tpu.memory_space<semaphore_mem>>)
        } else {
        }
        %slice3A_1906 = vector.extract_strided_slice %get3A_1797 {offsets = [3], sizes = [1], strides = [1]} : vector<16xi32> to vector<1xi32>
        %squeeze3A_1907 = vector.extract %slice3A_1906[0] : i32 from vector<1xi32>
        %dma_start3A_1908 = arith.constant 3 : i32
        %dma_start3A_1909 = arith.constant 0 : i32
        %dma_start3A_1910 = tpu.memref_slice %arg14[%dma_start3A_1908, %dma_start3A_1909] : memref<7x64xf32, #tpu.memory_space<vmem>> -> memref<1x64xf32, #tpu.memory_space<vmem>>
        %dma_start3A_1911 = arith.constant 0 : i32
        %dma_start3A_1912 = tpu.memref_slice %arg3[%squeeze3A_1907, %dma_start3A_1911] : memref<1000x64xf32, #tpu.memory_space<hbm>> -> memref<1x64xf32, #tpu.memory_space<hbm>>
        %dma_start3A_1913 = arith.constant 3 : i32
        %dma_start3A_1914 = arith.constant 0 : i32
        %dma_start3A_1915 = tpu.memref_slice %arg14[%dma_start3A_1913, %dma_start3A_1914] : memref<7x64xf32, #tpu.memory_space<vmem>> -> memref<1x64xf32, #tpu.memory_space<vmem>>
        %dma_start3A_1916 = arith.constant 0 : i32
        %dma_start3A_1917 = tpu.memref_slice %arg3[%squeeze3A_1907, %dma_start3A_1916] : memref<1000x64xf32, #tpu.memory_space<hbm>> -> memref<1x64xf32, #tpu.memory_space<hbm>>
        tpu.enqueue_dma source(%dma_start3A_1917 : memref<1x64xf32, #tpu.memory_space<hbm>>) target(%dma_start3A_1915 : memref<1x64xf32, #tpu.memory_space<vmem>>) target_semaphore(%arg19 : memref<!tpu.dma_semaphore, #tpu.memory_space<semaphore_mem>>)
        %mul3A_1918 = arith.constant 128 : i32
        %mul3A_1919 = arith.muli %shift_right_arithmetic3A_1821, %mul3A_1918 : i32
        %multiple_of3A_1920 = tpu.assume_multiple %mul3A_1919, 128 : i32
        %convert_element_type3A_1921 = arith.extui %ne3A_1833 : i1 to i32
        %cond3A_1922 = arith.constant 0 : i32
        %cond3A_1923 = arith.cmpi ne, %convert_element_type3A_1921, %cond3A_1922 : i32
        scf.if %cond3A_1923 {
          %dma_start3A_1972 = arith.constant 4 : i32
          %dma_start3A_1973 = arith.constant 0 : i32
          %dma_start3A_1974 = arith.constant 0 : i32
          %dma_start3A_1975 = tpu.memref_slice %arg12[%dma_start3A_1972, %dma_start3A_1973, %dma_start3A_1974] : memref<7x64x128xf32, #tpu.memory_space<vmem>> -> memref<1x64x128xf32, #tpu.memory_space<vmem>>
          %dma_start3A_1976 = tpu.memref_squeeze %dma_start3A_1975 : memref<1x64x128xf32, #tpu.memory_space<vmem>> -> memref<64x128xf32, #tpu.memory_space<vmem>>
          %dma_start3A_1977 = arith.constant 0 : i32
          %dma_start3A_1978 = tpu.memref_slice %arg2[%dma_start3A_1977, %multiple_of3A_1920] : memref<64x1000000xf32, #tpu.memory_space<hbm>> -> memref<64x128xf32, #tpu.memory_space<hbm>>
          %dma_start3A_1979 = arith.constant 0 : i32
          %dma_start3A_1980 = arith.constant 0 : i32
          %dma_start3A_1981 = tpu.memref_slice %arg12[%dma_start3A_1972, %dma_start3A_1979, %dma_start3A_1980] : memref<7x64x128xf32, #tpu.memory_space<vmem>> -> memref<1x64x128xf32, #tpu.memory_space<vmem>>
          %dma_start3A_1982 = tpu.memref_squeeze %dma_start3A_1981 : memref<1x64x128xf32, #tpu.memory_space<vmem>> -> memref<64x128xf32, #tpu.memory_space<vmem>>
          %dma_start3A_1983 = arith.constant 0 : i32
          %dma_start3A_1984 = tpu.memref_slice %arg2[%dma_start3A_1983, %multiple_of3A_1920] : memref<64x1000000xf32, #tpu.memory_space<hbm>> -> memref<64x128xf32, #tpu.memory_space<hbm>>
          tpu.enqueue_dma source(%dma_start3A_1984 : memref<64x128xf32, #tpu.memory_space<hbm>>) target(%dma_start3A_1982 : memref<64x128xf32, #tpu.memory_space<vmem>>) target_semaphore(%arg19 : memref<!tpu.dma_semaphore, #tpu.memory_space<semaphore_mem>>)
        } else {
        }
        %slice3A_1924 = vector.extract_strided_slice %get3A_1797 {offsets = [4], sizes = [1], strides = [1]} : vector<16xi32> to vector<1xi32>
        %squeeze3A_1925 = vector.extract %slice3A_1924[0] : i32 from vector<1xi32>
        %dma_start3A_1926 = arith.constant 4 : i32
        %dma_start3A_1927 = arith.constant 0 : i32
        %dma_start3A_1928 = tpu.memref_slice %arg14[%dma_start3A_1926, %dma_start3A_1927] : memref<7x64xf32, #tpu.memory_space<vmem>> -> memref<1x64xf32, #tpu.memory_space<vmem>>
        %dma_start3A_1929 = arith.constant 0 : i32
        %dma_start3A_1930 = tpu.memref_slice %arg3[%squeeze3A_1925, %dma_start3A_1929] : memref<1000x64xf32, #tpu.memory_space<hbm>> -> memref<1x64xf32, #tpu.memory_space<hbm>>
        %dma_start3A_1931 = arith.constant 4 : i32
        %dma_start3A_1932 = arith.constant 0 : i32
        %dma_start3A_1933 = tpu.memref_slice %arg14[%dma_start3A_1931, %dma_start3A_1932] : memref<7x64xf32, #tpu.memory_space<vmem>> -> memref<1x64xf32, #tpu.memory_space<vmem>>
        %dma_start3A_1934 = arith.constant 0 : i32
        %dma_start3A_1935 = tpu.memref_slice %arg3[%squeeze3A_1925, %dma_start3A_1934] : memref<1000x64xf32, #tpu.memory_space<hbm>> -> memref<1x64xf32, #tpu.memory_space<hbm>>
        tpu.enqueue_dma source(%dma_start3A_1935 : memref<1x64xf32, #tpu.memory_space<hbm>>) target(%dma_start3A_1933 : memref<1x64xf32, #tpu.memory_space<vmem>>) target_semaphore(%arg19 : memref<!tpu.dma_semaphore, #tpu.memory_space<semaphore_mem>>)
        %mul3A_1936 = arith.constant 128 : i32
        %mul3A_1937 = arith.muli %shift_right_arithmetic3A_1825, %mul3A_1936 : i32
        %multiple_of3A_1938 = tpu.assume_multiple %mul3A_1937, 128 : i32
        %convert_element_type3A_1939 = arith.extui %ne3A_1834 : i1 to i32
        %cond3A_1940 = arith.constant 0 : i32
        %cond3A_1941 = arith.cmpi ne, %convert_element_type3A_1939, %cond3A_1940 : i32
        scf.if %cond3A_1941 {
          %dma_start3A_1972 = arith.constant 5 : i32
          %dma_start3A_1973 = arith.constant 0 : i32
          %dma_start3A_1974 = arith.constant 0 : i32
          %dma_start3A_1975 = tpu.memref_slice %arg12[%dma_start3A_1972, %dma_start3A_1973, %dma_start3A_1974] : memref<7x64x128xf32, #tpu.memory_space<vmem>> -> memref<1x64x128xf32, #tpu.memory_space<vmem>>
          %dma_start3A_1976 = tpu.memref_squeeze %dma_start3A_1975 : memref<1x64x128xf32, #tpu.memory_space<vmem>> -> memref<64x128xf32, #tpu.memory_space<vmem>>
          %dma_start3A_1977 = arith.constant 0 : i32
          %dma_start3A_1978 = tpu.memref_slice %arg2[%dma_start3A_1977, %multiple_of3A_1938] : memref<64x1000000xf32, #tpu.memory_space<hbm>> -> memref<64x128xf32, #tpu.memory_space<hbm>>
          %dma_start3A_1979 = arith.constant 0 : i32
          %dma_start3A_1980 = arith.constant 0 : i32
          %dma_start3A_1981 = tpu.memref_slice %arg12[%dma_start3A_1972, %dma_start3A_1979, %dma_start3A_1980] : memref<7x64x128xf32, #tpu.memory_space<vmem>> -> memref<1x64x128xf32, #tpu.memory_space<vmem>>
          %dma_start3A_1982 = tpu.memref_squeeze %dma_start3A_1981 : memref<1x64x128xf32, #tpu.memory_space<vmem>> -> memref<64x128xf32, #tpu.memory_space<vmem>>
          %dma_start3A_1983 = arith.constant 0 : i32
          %dma_start3A_1984 = tpu.memref_slice %arg2[%dma_start3A_1983, %multiple_of3A_1938] : memref<64x1000000xf32, #tpu.memory_space<hbm>> -> memref<64x128xf32, #tpu.memory_space<hbm>>
          tpu.enqueue_dma source(%dma_start3A_1984 : memref<64x128xf32, #tpu.memory_space<hbm>>) target(%dma_start3A_1982 : memref<64x128xf32, #tpu.memory_space<vmem>>) target_semaphore(%arg19 : memref<!tpu.dma_semaphore, #tpu.memory_space<semaphore_mem>>)
        } else {
        }
        %slice3A_1942 = vector.extract_strided_slice %get3A_1797 {offsets = [5], sizes = [1], strides = [1]} : vector<16xi32> to vector<1xi32>
        %squeeze3A_1943 = vector.extract %slice3A_1942[0] : i32 from vector<1xi32>
        %dma_start3A_1944 = arith.constant 5 : i32
        %dma_start3A_1945 = arith.constant 0 : i32
        %dma_start3A_1946 = tpu.memref_slice %arg14[%dma_start3A_1944, %dma_start3A_1945] : memref<7x64xf32, #tpu.memory_space<vmem>> -> memref<1x64xf32, #tpu.memory_space<vmem>>
        %dma_start3A_1947 = arith.constant 0 : i32
        %dma_start3A_1948 = tpu.memref_slice %arg3[%squeeze3A_1943, %dma_start3A_1947] : memref<1000x64xf32, #tpu.memory_space<hbm>> -> memref<1x64xf32, #tpu.memory_space<hbm>>
        %dma_start3A_1949 = arith.constant 5 : i32
        %dma_start3A_1950 = arith.constant 0 : i32
        %dma_start3A_1951 = tpu.memref_slice %arg14[%dma_start3A_1949, %dma_start3A_1950] : memref<7x64xf32, #tpu.memory_space<vmem>> -> memref<1x64xf32, #tpu.memory_space<vmem>>
        %dma_start3A_1952 = arith.constant 0 : i32
        %dma_start3A_1953 = tpu.memref_slice %arg3[%squeeze3A_1943, %dma_start3A_1952] : memref<1000x64xf32, #tpu.memory_space<hbm>> -> memref<1x64xf32, #tpu.memory_space<hbm>>
        tpu.enqueue_dma source(%dma_start3A_1953 : memref<1x64xf32, #tpu.memory_space<hbm>>) target(%dma_start3A_1951 : memref<1x64xf32, #tpu.memory_space<vmem>>) target_semaphore(%arg19 : memref<!tpu.dma_semaphore, #tpu.memory_space<semaphore_mem>>)
        %mul3A_1954 = arith.constant 128 : i32
        %mul3A_1955 = arith.muli %shift_right_arithmetic3A_1829, %mul3A_1954 : i32
        %multiple_of3A_1956 = tpu.assume_multiple %mul3A_1955, 128 : i32
        %convert_element_type3A_1957 = arith.extui %ne3A_1835 : i1 to i32
        %cond3A_1958 = arith.constant 0 : i32
        %cond3A_1959 = arith.cmpi ne, %convert_element_type3A_1957, %cond3A_1958 : i32
        scf.if %cond3A_1959 {
          %dma_start3A_1972 = arith.constant 6 : i32
          %dma_start3A_1973 = arith.constant 0 : i32
          %dma_start3A_1974 = arith.constant 0 : i32
          %dma_start3A_1975 = tpu.memref_slice %arg12[%dma_start3A_1972, %dma_start3A_1973, %dma_start3A_1974] : memref<7x64x128xf32, #tpu.memory_space<vmem>> -> memref<1x64x128xf32, #tpu.memory_space<vmem>>
          %dma_start3A_1976 = tpu.memref_squeeze %dma_start3A_1975 : memref<1x64x128xf32, #tpu.memory_space<vmem>> -> memref<64x128xf32, #tpu.memory_space<vmem>>
          %dma_start3A_1977 = arith.constant 0 : i32
          %dma_start3A_1978 = tpu.memref_slice %arg2[%dma_start3A_1977, %multiple_of3A_1956] : memref<64x1000000xf32, #tpu.memory_space<hbm>> -> memref<64x128xf32, #tpu.memory_space<hbm>>
          %dma_start3A_1979 = arith.constant 0 : i32
          %dma_start3A_1980 = arith.constant 0 : i32
          %dma_start3A_1981 = tpu.memref_slice %arg12[%dma_start3A_1972, %dma_start3A_1979, %dma_start3A_1980] : memref<7x64x128xf32, #tpu.memory_space<vmem>> -> memref<1x64x128xf32, #tpu.memory_space<vmem>>
          %dma_start3A_1982 = tpu.memref_squeeze %dma_start3A_1981 : memref<1x64x128xf32, #tpu.memory_space<vmem>> -> memref<64x128xf32, #tpu.memory_space<vmem>>
          %dma_start3A_1983 = arith.constant 0 : i32
          %dma_start3A_1984 = tpu.memref_slice %arg2[%dma_start3A_1983, %multiple_of3A_1956] : memref<64x1000000xf32, #tpu.memory_space<hbm>> -> memref<64x128xf32, #tpu.memory_space<hbm>>
          tpu.enqueue_dma source(%dma_start3A_1984 : memref<64x128xf32, #tpu.memory_space<hbm>>) target(%dma_start3A_1982 : memref<64x128xf32, #tpu.memory_space<vmem>>) target_semaphore(%arg19 : memref<!tpu.dma_semaphore, #tpu.memory_space<semaphore_mem>>)
        } else {
        }
        %slice3A_1960 = vector.extract_strided_slice %get3A_1797 {offsets = [6], sizes = [1], strides = [1]} : vector<16xi32> to vector<1xi32>
        %squeeze3A_1961 = vector.extract %slice3A_1960[0] : i32 from vector<1xi32>
        %dma_start3A_1962 = arith.constant 6 : i32
        %dma_start3A_1963 = arith.constant 0 : i32
        %dma_start3A_1964 = tpu.memref_slice %arg14[%dma_start3A_1962, %dma_start3A_1963] : memref<7x64xf32, #tpu.memory_space<vmem>> -> memref<1x64xf32, #tpu.memory_space<vmem>>
        %dma_start3A_1965 = arith.constant 0 : i32
        %dma_start3A_1966 = tpu.memref_slice %arg3[%squeeze3A_1961, %dma_start3A_1965] : memref<1000x64xf32, #tpu.memory_space<hbm>> -> memref<1x64xf32, #tpu.memory_space<hbm>>
        %dma_start3A_1967 = arith.constant 6 : i32
        %dma_start3A_1968 = arith.constant 0 : i32
        %dma_start3A_1969 = tpu.memref_slice %arg14[%dma_start3A_1967, %dma_start3A_1968] : memref<7x64xf32, #tpu.memory_space<vmem>> -> memref<1x64xf32, #tpu.memory_space<vmem>>
        %dma_start3A_1970 = arith.constant 0 : i32
        %dma_start3A_1971 = tpu.memref_slice %arg3[%squeeze3A_1961, %dma_start3A_1970] : memref<1000x64xf32, #tpu.memory_space<hbm>> -> memref<1x64xf32, #tpu.memory_space<hbm>>
        tpu.enqueue_dma source(%dma_start3A_1971 : memref<1x64xf32, #tpu.memory_space<hbm>>) target(%dma_start3A_1969 : memref<1x64xf32, #tpu.memory_space<vmem>>) target_semaphore(%arg19 : memref<!tpu.dma_semaphore, #tpu.memory_space<semaphore_mem>>)
      } else {
      }
      %add3A_1190 = arith.constant 1 : i32
      %add3A_1191 = arith.addi %mul3A_414, %add3A_1190 : i32
      %mul3A_1192 = arith.constant 7 : i32
      %mul3A_1193 = arith.muli %add3A_1191, %mul3A_1192 : i32
      %get3A_1194 = arith.index_cast %mul3A_1193 : i32 to index
      %get3A_1195 = tpu.vector_load %arg9[%get3A_1194] {strides = array<i32>} : memref<534xi32, #tpu.memory_space<vmem>>, vector<16xi32>,
      %slice3A_1196 = vector.extract_strided_slice %get3A_1195 {offsets = [0], sizes = [1], strides = [1]} : vector<16xi32> to vector<1xi32>
      %squeeze3A_1197 = vector.extract %slice3A_1196[0] : i32 from vector<1xi32>
      %shift_right_arithmetic3A_1198 = arith.constant 7 : i32
      %shift_right_arithmetic3A_1199 = arith.shrsi %squeeze3A_1197, %shift_right_arithmetic3A_1198 : i32
      %slice3A_1200 = vector.extract_strided_slice %get3A_1195 {offsets = [1], sizes = [1], strides = [1]} : vector<16xi32> to vector<1xi32>
      %squeeze3A_1201 = vector.extract %slice3A_1200[0] : i32 from vector<1xi32>
      %shift_right_arithmetic3A_1202 = arith.constant 7 : i32
      %shift_right_arithmetic3A_1203 = arith.shrsi %squeeze3A_1201, %shift_right_arithmetic3A_1202 : i32
      %slice3A_1204 = vector.extract_strided_slice %get3A_1195 {offsets = [2], sizes = [1], strides = [1]} : vector<16xi32> to vector<1xi32>
      %squeeze3A_1205 = vector.extract %slice3A_1204[0] : i32 from vector<1xi32>
      %shift_right_arithmetic3A_1206 = arith.constant 7 : i32
      %shift_right_arithmetic3A_1207 = arith.shrsi %squeeze3A_1205, %shift_right_arithmetic3A_1206 : i32
      %slice3A_1208 = vector.extract_strided_slice %get3A_1195 {offsets = [3], sizes = [1], strides = [1]} : vector<16xi32> to vector<1xi32>
      %squeeze3A_1209 = vector.extract %slice3A_1208[0] : i32 from vector<1xi32>
      %shift_right_arithmetic3A_1210 = arith.constant 7 : i32
      %shift_right_arithmetic3A_1211 = arith.shrsi %squeeze3A_1209, %shift_right_arithmetic3A_1210 : i32
      %slice3A_1212 = vector.extract_strided_slice %get3A_1195 {offsets = [4], sizes = [1], strides = [1]} : vector<16xi32> to vector<1xi32>
      %squeeze3A_1213 = vector.extract %slice3A_1212[0] : i32 from vector<1xi32>
      %shift_right_arithmetic3A_1214 = arith.constant 7 : i32
      %shift_right_arithmetic3A_1215 = arith.shrsi %squeeze3A_1213, %shift_right_arithmetic3A_1214 : i32
      %slice3A_1216 = vector.extract_strided_slice %get3A_1195 {offsets = [5], sizes = [1], strides = [1]} : vector<16xi32> to vector<1xi32>
      %squeeze3A_1217 = vector.extract %slice3A_1216[0] : i32 from vector<1xi32>
      %shift_right_arithmetic3A_1218 = arith.constant 7 : i32
      %shift_right_arithmetic3A_1219 = arith.shrsi %squeeze3A_1217, %shift_right_arithmetic3A_1218 : i32
      %slice3A_1220 = vector.extract_strided_slice %get3A_1195 {offsets = [6], sizes = [1], strides = [1]} : vector<16xi32> to vector<1xi32>
      %squeeze3A_1221 = vector.extract %slice3A_1220[0] : i32 from vector<1xi32>
      %shift_right_arithmetic3A_1222 = arith.constant 7 : i32
      %shift_right_arithmetic3A_1223 = arith.shrsi %squeeze3A_1221, %shift_right_arithmetic3A_1222 : i32
      %ne3A_1224 = arith.cmpi ne, %shift_right_arithmetic3A_1203, %shift_right_arithmetic3A_1199 : i32
      %ne3A_1225 = arith.cmpi ne, %shift_right_arithmetic3A_1207, %shift_right_arithmetic3A_1203 : i32
      %ne3A_1226 = arith.cmpi ne, %shift_right_arithmetic3A_1211, %shift_right_arithmetic3A_1207 : i32
      %ne3A_1227 = arith.cmpi ne, %shift_right_arithmetic3A_1215, %shift_right_arithmetic3A_1211 : i32
      %ne3A_1228 = arith.cmpi ne, %shift_right_arithmetic3A_1219, %shift_right_arithmetic3A_1215 : i32
      %ne3A_1229 = arith.cmpi ne, %shift_right_arithmetic3A_1223, %shift_right_arithmetic3A_1219 : i32
      %dma_wait3A_1230 = arith.constant 0 : i32
      %dma_wait3A_1231 = arith.constant 0 : i32
      %dma_wait3A_1232 = arith.constant 0 : i32
      %dma_wait3A_1233 = tpu.memref_slice %arg13[%dma_wait3A_1230, %dma_wait3A_1231, %dma_wait3A_1232] : memref<7x64x128xf32, #tpu.memory_space<vmem>> -> memref<1x64x128xf32, #tpu.memory_space<vmem>>
      %dma_wait3A_1234 = tpu.memref_squeeze %dma_wait3A_1233 : memref<1x64x128xf32, #tpu.memory_space<vmem>> -> memref<64x128xf32, #tpu.memory_space<vmem>>
      %dma_wait3A_1235 = arith.constant 0 : i32
      %dma_wait3A_1236 = arith.constant 0 : i32
      %dma_wait3A_1237 = tpu.memref_slice %arg2[%dma_wait3A_1235, %dma_wait3A_1236] : memref<64x1000000xf32, #tpu.memory_space<hbm>> -> memref<64x128xf32, #tpu.memory_space<hbm>>
      %dma_wait3A_1238 = arith.constant 0 : i32
      %dma_wait3A_1239 = arith.constant 0 : i32
      %dma_wait3A_1240 = tpu.memref_slice %arg13[%dma_wait3A_1230, %dma_wait3A_1238, %dma_wait3A_1239] : memref<7x64x128xf32, #tpu.memory_space<vmem>> -> memref<1x64x128xf32, #tpu.memory_space<vmem>>
      %dma_wait3A_1241 = tpu.memref_squeeze %dma_wait3A_1240 : memref<1x64x128xf32, #tpu.memory_space<vmem>> -> memref<64x128xf32, #tpu.memory_space<vmem>>
      %dma_wait3A_1242 = arith.constant 0 : i32
      %dma_wait3A_1243 = arith.constant 0 : i32
      %dma_wait3A_1244 = tpu.memref_slice %arg2[%dma_wait3A_1242, %dma_wait3A_1243] : memref<64x1000000xf32, #tpu.memory_space<hbm>> -> memref<64x128xf32, #tpu.memory_space<hbm>>
      tpu.wait_dma2 semaphore(%arg20 : memref<!tpu.dma_semaphore, #tpu.memory_space<semaphore_mem>>) src(%dma_wait3A_1244 : memref<64x128xf32, #tpu.memory_space<hbm>>) dst(%dma_wait3A_1241 : memref<64x128xf32, #tpu.memory_space<vmem>>)
      %convert_element_type3A_1245 = arith.extui %ne3A_1224 : i1 to i32
      %cond3A_1246 = arith.constant 0 : i32
      %cond3A_1247 = arith.cmpi ne, %convert_element_type3A_1245, %cond3A_1246 : i32
      scf.if %cond3A_1247 {
        %dma_wait3A_1792 = arith.constant 1 : i32
        %dma_wait3A_1793 = arith.constant 0 : i32
        %dma_wait3A_1794 = arith.constant 0 : i32
        %dma_wait3A_1795 = tpu.memref_slice %arg13[%dma_wait3A_1792, %dma_wait3A_1793, %dma_wait3A_1794] : memref<7x64x128xf32, #tpu.memory_space<vmem>> -> memref<1x64x128xf32, #tpu.memory_space<vmem>>
        %dma_wait3A_1796 = tpu.memref_squeeze %dma_wait3A_1795 : memref<1x64x128xf32, #tpu.memory_space<vmem>> -> memref<64x128xf32, #tpu.memory_space<vmem>>
        %dma_wait3A_1797 = arith.constant 0 : i32
        %dma_wait3A_1798 = arith.constant 0 : i32
        %dma_wait3A_1799 = tpu.memref_slice %arg2[%dma_wait3A_1797, %dma_wait3A_1798] : memref<64x1000000xf32, #tpu.memory_space<hbm>> -> memref<64x128xf32, #tpu.memory_space<hbm>>
        %dma_wait3A_1800 = arith.constant 0 : i32
        %dma_wait3A_1801 = arith.constant 0 : i32
        %dma_wait3A_1802 = tpu.memref_slice %arg13[%dma_wait3A_1792, %dma_wait3A_1800, %dma_wait3A_1801] : memref<7x64x128xf32, #tpu.memory_space<vmem>> -> memref<1x64x128xf32, #tpu.memory_space<vmem>>
        %dma_wait3A_1803 = tpu.memref_squeeze %dma_wait3A_1802 : memref<1x64x128xf32, #tpu.memory_space<vmem>> -> memref<64x128xf32, #tpu.memory_space<vmem>>
        %dma_wait3A_1804 = arith.constant 0 : i32
        %dma_wait3A_1805 = arith.constant 0 : i32
        %dma_wait3A_1806 = tpu.memref_slice %arg2[%dma_wait3A_1804, %dma_wait3A_1805] : memref<64x1000000xf32, #tpu.memory_space<hbm>> -> memref<64x128xf32, #tpu.memory_space<hbm>>
        tpu.wait_dma2 semaphore(%arg20 : memref<!tpu.dma_semaphore, #tpu.memory_space<semaphore_mem>>) src(%dma_wait3A_1806 : memref<64x128xf32, #tpu.memory_space<hbm>>) dst(%dma_wait3A_1803 : memref<64x128xf32, #tpu.memory_space<vmem>>)
      } else {
      }
      %convert_element_type3A_1248 = arith.extui %ne3A_1225 : i1 to i32
      %cond3A_1249 = arith.constant 0 : i32
      %cond3A_1250 = arith.cmpi ne, %convert_element_type3A_1248, %cond3A_1249 : i32
      scf.if %cond3A_1250 {
        %dma_wait3A_1792 = arith.constant 2 : i32
        %dma_wait3A_1793 = arith.constant 0 : i32
        %dma_wait3A_1794 = arith.constant 0 : i32
        %dma_wait3A_1795 = tpu.memref_slice %arg13[%dma_wait3A_1792, %dma_wait3A_1793, %dma_wait3A_1794] : memref<7x64x128xf32, #tpu.memory_space<vmem>> -> memref<1x64x128xf32, #tpu.memory_space<vmem>>
        %dma_wait3A_1796 = tpu.memref_squeeze %dma_wait3A_1795 : memref<1x64x128xf32, #tpu.memory_space<vmem>> -> memref<64x128xf32, #tpu.memory_space<vmem>>
        %dma_wait3A_1797 = arith.constant 0 : i32
        %dma_wait3A_1798 = arith.constant 0 : i32
        %dma_wait3A_1799 = tpu.memref_slice %arg2[%dma_wait3A_1797, %dma_wait3A_1798] : memref<64x1000000xf32, #tpu.memory_space<hbm>> -> memref<64x128xf32, #tpu.memory_space<hbm>>
        %dma_wait3A_1800 = arith.constant 0 : i32
        %dma_wait3A_1801 = arith.constant 0 : i32
        %dma_wait3A_1802 = tpu.memref_slice %arg13[%dma_wait3A_1792, %dma_wait3A_1800, %dma_wait3A_1801] : memref<7x64x128xf32, #tpu.memory_space<vmem>> -> memref<1x64x128xf32, #tpu.memory_space<vmem>>
        %dma_wait3A_1803 = tpu.memref_squeeze %dma_wait3A_1802 : memref<1x64x128xf32, #tpu.memory_space<vmem>> -> memref<64x128xf32, #tpu.memory_space<vmem>>
        %dma_wait3A_1804 = arith.constant 0 : i32
        %dma_wait3A_1805 = arith.constant 0 : i32
        %dma_wait3A_1806 = tpu.memref_slice %arg2[%dma_wait3A_1804, %dma_wait3A_1805] : memref<64x1000000xf32, #tpu.memory_space<hbm>> -> memref<64x128xf32, #tpu.memory_space<hbm>>
        tpu.wait_dma2 semaphore(%arg20 : memref<!tpu.dma_semaphore, #tpu.memory_space<semaphore_mem>>) src(%dma_wait3A_1806 : memref<64x128xf32, #tpu.memory_space<hbm>>) dst(%dma_wait3A_1803 : memref<64x128xf32, #tpu.memory_space<vmem>>)
      } else {
      }
      %convert_element_type3A_1251 = arith.extui %ne3A_1226 : i1 to i32
      %cond3A_1252 = arith.constant 0 : i32
      %cond3A_1253 = arith.cmpi ne, %convert_element_type3A_1251, %cond3A_1252 : i32
      scf.if %cond3A_1253 {
        %dma_wait3A_1792 = arith.constant 3 : i32
        %dma_wait3A_1793 = arith.constant 0 : i32
        %dma_wait3A_1794 = arith.constant 0 : i32
        %dma_wait3A_1795 = tpu.memref_slice %arg13[%dma_wait3A_1792, %dma_wait3A_1793, %dma_wait3A_1794] : memref<7x64x128xf32, #tpu.memory_space<vmem>> -> memref<1x64x128xf32, #tpu.memory_space<vmem>>
        %dma_wait3A_1796 = tpu.memref_squeeze %dma_wait3A_1795 : memref<1x64x128xf32, #tpu.memory_space<vmem>> -> memref<64x128xf32, #tpu.memory_space<vmem>>
        %dma_wait3A_1797 = arith.constant 0 : i32
        %dma_wait3A_1798 = arith.constant 0 : i32
        %dma_wait3A_1799 = tpu.memref_slice %arg2[%dma_wait3A_1797, %dma_wait3A_1798] : memref<64x1000000xf32, #tpu.memory_space<hbm>> -> memref<64x128xf32, #tpu.memory_space<hbm>>
        %dma_wait3A_1800 = arith.constant 0 : i32
        %dma_wait3A_1801 = arith.constant 0 : i32
        %dma_wait3A_1802 = tpu.memref_slice %arg13[%dma_wait3A_1792, %dma_wait3A_1800, %dma_wait3A_1801] : memref<7x64x128xf32, #tpu.memory_space<vmem>> -> memref<1x64x128xf32, #tpu.memory_space<vmem>>
        %dma_wait3A_1803 = tpu.memref_squeeze %dma_wait3A_1802 : memref<1x64x128xf32, #tpu.memory_space<vmem>> -> memref<64x128xf32, #tpu.memory_space<vmem>>
        %dma_wait3A_1804 = arith.constant 0 : i32
        %dma_wait3A_1805 = arith.constant 0 : i32
        %dma_wait3A_1806 = tpu.memref_slice %arg2[%dma_wait3A_1804, %dma_wait3A_1805] : memref<64x1000000xf32, #tpu.memory_space<hbm>> -> memref<64x128xf32, #tpu.memory_space<hbm>>
        tpu.wait_dma2 semaphore(%arg20 : memref<!tpu.dma_semaphore, #tpu.memory_space<semaphore_mem>>) src(%dma_wait3A_1806 : memref<64x128xf32, #tpu.memory_space<hbm>>) dst(%dma_wait3A_1803 : memref<64x128xf32, #tpu.memory_space<vmem>>)
      } else {
      }
      %convert_element_type3A_1254 = arith.extui %ne3A_1227 : i1 to i32
      %cond3A_1255 = arith.constant 0 : i32
      %cond3A_1256 = arith.cmpi ne, %convert_element_type3A_1254, %cond3A_1255 : i32
      scf.if %cond3A_1256 {
        %dma_wait3A_1792 = arith.constant 4 : i32
        %dma_wait3A_1793 = arith.constant 0 : i32
        %dma_wait3A_1794 = arith.constant 0 : i32
        %dma_wait3A_1795 = tpu.memref_slice %arg13[%dma_wait3A_1792, %dma_wait3A_1793, %dma_wait3A_1794] : memref<7x64x128xf32, #tpu.memory_space<vmem>> -> memref<1x64x128xf32, #tpu.memory_space<vmem>>
        %dma_wait3A_1796 = tpu.memref_squeeze %dma_wait3A_1795 : memref<1x64x128xf32, #tpu.memory_space<vmem>> -> memref<64x128xf32, #tpu.memory_space<vmem>>
        %dma_wait3A_1797 = arith.constant 0 : i32
        %dma_wait3A_1798 = arith.constant 0 : i32
        %dma_wait3A_1799 = tpu.memref_slice %arg2[%dma_wait3A_1797, %dma_wait3A_1798] : memref<64x1000000xf32, #tpu.memory_space<hbm>> -> memref<64x128xf32, #tpu.memory_space<hbm>>
        %dma_wait3A_1800 = arith.constant 0 : i32
        %dma_wait3A_1801 = arith.constant 0 : i32
        %dma_wait3A_1802 = tpu.memref_slice %arg13[%dma_wait3A_1792, %dma_wait3A_1800, %dma_wait3A_1801] : memref<7x64x128xf32, #tpu.memory_space<vmem>> -> memref<1x64x128xf32, #tpu.memory_space<vmem>>
        %dma_wait3A_1803 = tpu.memref_squeeze %dma_wait3A_1802 : memref<1x64x128xf32, #tpu.memory_space<vmem>> -> memref<64x128xf32, #tpu.memory_space<vmem>>
        %dma_wait3A_1804 = arith.constant 0 : i32
        %dma_wait3A_1805 = arith.constant 0 : i32
        %dma_wait3A_1806 = tpu.memref_slice %arg2[%dma_wait3A_1804, %dma_wait3A_1805] : memref<64x1000000xf32, #tpu.memory_space<hbm>> -> memref<64x128xf32, #tpu.memory_space<hbm>>
        tpu.wait_dma2 semaphore(%arg20 : memref<!tpu.dma_semaphore, #tpu.memory_space<semaphore_mem>>) src(%dma_wait3A_1806 : memref<64x128xf32, #tpu.memory_space<hbm>>) dst(%dma_wait3A_1803 : memref<64x128xf32, #tpu.memory_space<vmem>>)
      } else {
      }
      %convert_element_type3A_1257 = arith.extui %ne3A_1228 : i1 to i32
      %cond3A_1258 = arith.constant 0 : i32
      %cond3A_1259 = arith.cmpi ne, %convert_element_type3A_1257, %cond3A_1258 : i32
      scf.if %cond3A_1259 {
        %dma_wait3A_1792 = arith.constant 5 : i32
        %dma_wait3A_1793 = arith.constant 0 : i32
        %dma_wait3A_1794 = arith.constant 0 : i32
        %dma_wait3A_1795 = tpu.memref_slice %arg13[%dma_wait3A_1792, %dma_wait3A_1793, %dma_wait3A_1794] : memref<7x64x128xf32, #tpu.memory_space<vmem>> -> memref<1x64x128xf32, #tpu.memory_space<vmem>>
        %dma_wait3A_1796 = tpu.memref_squeeze %dma_wait3A_1795 : memref<1x64x128xf32, #tpu.memory_space<vmem>> -> memref<64x128xf32, #tpu.memory_space<vmem>>
        %dma_wait3A_1797 = arith.constant 0 : i32
        %dma_wait3A_1798 = arith.constant 0 : i32
        %dma_wait3A_1799 = tpu.memref_slice %arg2[%dma_wait3A_1797, %dma_wait3A_1798] : memref<64x1000000xf32, #tpu.memory_space<hbm>> -> memref<64x128xf32, #tpu.memory_space<hbm>>
        %dma_wait3A_1800 = arith.constant 0 : i32
        %dma_wait3A_1801 = arith.constant 0 : i32
        %dma_wait3A_1802 = tpu.memref_slice %arg13[%dma_wait3A_1792, %dma_wait3A_1800, %dma_wait3A_1801] : memref<7x64x128xf32, #tpu.memory_space<vmem>> -> memref<1x64x128xf32, #tpu.memory_space<vmem>>
        %dma_wait3A_1803 = tpu.memref_squeeze %dma_wait3A_1802 : memref<1x64x128xf32, #tpu.memory_space<vmem>> -> memref<64x128xf32, #tpu.memory_space<vmem>>
        %dma_wait3A_1804 = arith.constant 0 : i32
        %dma_wait3A_1805 = arith.constant 0 : i32
        %dma_wait3A_1806 = tpu.memref_slice %arg2[%dma_wait3A_1804, %dma_wait3A_1805] : memref<64x1000000xf32, #tpu.memory_space<hbm>> -> memref<64x128xf32, #tpu.memory_space<hbm>>
        tpu.wait_dma2 semaphore(%arg20 : memref<!tpu.dma_semaphore, #tpu.memory_space<semaphore_mem>>) src(%dma_wait3A_1806 : memref<64x128xf32, #tpu.memory_space<hbm>>) dst(%dma_wait3A_1803 : memref<64x128xf32, #tpu.memory_space<vmem>>)
      } else {
      }
      %convert_element_type3A_1260 = arith.extui %ne3A_1229 : i1 to i32
      %cond3A_1261 = arith.constant 0 : i32
      %cond3A_1262 = arith.cmpi ne, %convert_element_type3A_1260, %cond3A_1261 : i32
      scf.if %cond3A_1262 {
        %dma_wait3A_1792 = arith.constant 6 : i32
        %dma_wait3A_1793 = arith.constant 0 : i32
        %dma_wait3A_1794 = arith.constant 0 : i32
        %dma_wait3A_1795 = tpu.memref_slice %arg13[%dma_wait3A_1792, %dma_wait3A_1793, %dma_wait3A_1794] : memref<7x64x128xf32, #tpu.memory_space<vmem>> -> memref<1x64x128xf32, #tpu.memory_space<vmem>>
        %dma_wait3A_1796 = tpu.memref_squeeze %dma_wait3A_1795 : memref<1x64x128xf32, #tpu.memory_space<vmem>> -> memref<64x128xf32, #tpu.memory_space<vmem>>
        %dma_wait3A_1797 = arith.constant 0 : i32
        %dma_wait3A_1798 = arith.constant 0 : i32
        %dma_wait3A_1799 = tpu.memref_slice %arg2[%dma_wait3A_1797, %dma_wait3A_1798] : memref<64x1000000xf32, #tpu.memory_space<hbm>> -> memref<64x128xf32, #tpu.memory_space<hbm>>
        %dma_wait3A_1800 = arith.constant 0 : i32
        %dma_wait3A_1801 = arith.constant 0 : i32
        %dma_wait3A_1802 = tpu.memref_slice %arg13[%dma_wait3A_1792, %dma_wait3A_1800, %dma_wait3A_1801] : memref<7x64x128xf32, #tpu.memory_space<vmem>> -> memref<1x64x128xf32, #tpu.memory_space<vmem>>
        %dma_wait3A_1803 = tpu.memref_squeeze %dma_wait3A_1802 : memref<1x64x128xf32, #tpu.memory_space<vmem>> -> memref<64x128xf32, #tpu.memory_space<vmem>>
        %dma_wait3A_1804 = arith.constant 0 : i32
        %dma_wait3A_1805 = arith.constant 0 : i32
        %dma_wait3A_1806 = tpu.memref_slice %arg2[%dma_wait3A_1804, %dma_wait3A_1805] : memref<64x1000000xf32, #tpu.memory_space<hbm>> -> memref<64x128xf32, #tpu.memory_space<hbm>>
        tpu.wait_dma2 semaphore(%arg20 : memref<!tpu.dma_semaphore, #tpu.memory_space<semaphore_mem>>) src(%dma_wait3A_1806 : memref<64x128xf32, #tpu.memory_space<hbm>>) dst(%dma_wait3A_1803 : memref<64x128xf32, #tpu.memory_space<vmem>>)
      } else {
      }
      %dma_wait3A_1263 = arith.constant 0 : i32
      %dma_wait3A_1264 = arith.constant 0 : i32
      %dma_wait3A_1265 = tpu.memref_slice %arg3[%dma_wait3A_1263, %dma_wait3A_1264] : memref<1000x64xf32, #tpu.memory_space<hbm>> -> memref<7x64xf32, #tpu.memory_space<hbm>>
      %dma_wait3A_1266 = arith.constant 0 : i32
      %dma_wait3A_1267 = arith.constant 0 : i32
      %dma_wait3A_1268 = tpu.memref_slice %arg3[%dma_wait3A_1266, %dma_wait3A_1267] : memref<1000x64xf32, #tpu.memory_space<hbm>> -> memref<7x64xf32, #tpu.memory_space<hbm>>
      tpu.wait_dma2 semaphore(%arg20 : memref<!tpu.dma_semaphore, #tpu.memory_space<semaphore_mem>>) src(%dma_wait3A_1268 : memref<7x64xf32, #tpu.memory_space<hbm>>) dst(%arg15 : memref<7x64xf32, #tpu.memory_space<vmem>>)
      %add3A_1269 = arith.constant 1 : i32
      %add3A_1270 = arith.addi %mul3A_414, %add3A_1269 : i32
      %mul3A_1271 = arith.constant 7 : i32
      %mul3A_1272 = arith.muli %add3A_1270, %mul3A_1271 : i32
      %mul3A_1273 = arith.constant 7 : i32
      %mul3A_1274 = arith.muli %add3A_1270, %mul3A_1273 : i32
      %get3A_1275 = arith.index_cast %mul3A_1274 : i32 to index
      %get3A_1276 = tpu.vector_load %arg9[%get3A_1275] {strides = array<i32>} : memref<534xi32, #tpu.memory_space<vmem>>, vector<16xi32>,
      %slice3A_1277 = vector.extract_strided_slice %get3A_1276 {offsets = [0], sizes = [1], strides = [1]} : vector<16xi32> to vector<1xi32>
      %squeeze3A_1278 = vector.extract %slice3A_1277[0] : i32 from vector<1xi32>
      %shift_right_arithmetic3A_1279 = arith.constant 7 : i32
      %shift_right_arithmetic3A_1280 = arith.shrsi %squeeze3A_1278, %shift_right_arithmetic3A_1279 : i32
      %slice3A_1281 = vector.extract_strided_slice %get3A_1276 {offsets = [1], sizes = [1], strides = [1]} : vector<16xi32> to vector<1xi32>
      %squeeze3A_1282 = vector.extract %slice3A_1281[0] : i32 from vector<1xi32>
      %shift_right_arithmetic3A_1283 = arith.constant 7 : i32
      %shift_right_arithmetic3A_1284 = arith.shrsi %squeeze3A_1282, %shift_right_arithmetic3A_1283 : i32
      %slice3A_1285 = vector.extract_strided_slice %get3A_1276 {offsets = [2], sizes = [1], strides = [1]} : vector<16xi32> to vector<1xi32>
      %squeeze3A_1286 = vector.extract %slice3A_1285[0] : i32 from vector<1xi32>
      %shift_right_arithmetic3A_1287 = arith.constant 7 : i32
      %shift_right_arithmetic3A_1288 = arith.shrsi %squeeze3A_1286, %shift_right_arithmetic3A_1287 : i32
      %slice3A_1289 = vector.extract_strided_slice %get3A_1276 {offsets = [3], sizes = [1], strides = [1]} : vector<16xi32> to vector<1xi32>
      %squeeze3A_1290 = vector.extract %slice3A_1289[0] : i32 from vector<1xi32>
      %shift_right_arithmetic3A_1291 = arith.constant 7 : i32
      %shift_right_arithmetic3A_1292 = arith.shrsi %squeeze3A_1290, %shift_right_arithmetic3A_1291 : i32
      %slice3A_1293 = vector.extract_strided_slice %get3A_1276 {offsets = [4], sizes = [1], strides = [1]} : vector<16xi32> to vector<1xi32>
      %squeeze3A_1294 = vector.extract %slice3A_1293[0] : i32 from vector<1xi32>
      %shift_right_arithmetic3A_1295 = arith.constant 7 : i32
      %shift_right_arithmetic3A_1296 = arith.shrsi %squeeze3A_1294, %shift_right_arithmetic3A_1295 : i32
      %slice3A_1297 = vector.extract_strided_slice %get3A_1276 {offsets = [5], sizes = [1], strides = [1]} : vector<16xi32> to vector<1xi32>
      %squeeze3A_1298 = vector.extract %slice3A_1297[0] : i32 from vector<1xi32>
      %shift_right_arithmetic3A_1299 = arith.constant 7 : i32
      %shift_right_arithmetic3A_1300 = arith.shrsi %squeeze3A_1298, %shift_right_arithmetic3A_1299 : i32
      %slice3A_1301 = vector.extract_strided_slice %get3A_1276 {offsets = [6], sizes = [1], strides = [1]} : vector<16xi32> to vector<1xi32>
      %squeeze3A_1302 = vector.extract %slice3A_1301[0] : i32 from vector<1xi32>
      %shift_right_arithmetic3A_1303 = arith.constant 7 : i32
      %shift_right_arithmetic3A_1304 = arith.shrsi %squeeze3A_1302, %shift_right_arithmetic3A_1303 : i32
      %ne3A_1305 = arith.cmpi ne, %shift_right_arithmetic3A_1284, %shift_right_arithmetic3A_1280 : i32
      %ne3A_1306 = arith.cmpi ne, %shift_right_arithmetic3A_1288, %shift_right_arithmetic3A_1284 : i32
      %ne3A_1307 = arith.cmpi ne, %shift_right_arithmetic3A_1292, %shift_right_arithmetic3A_1288 : i32
      %ne3A_1308 = arith.cmpi ne, %shift_right_arithmetic3A_1296, %shift_right_arithmetic3A_1292 : i32
      %ne3A_1309 = arith.cmpi ne, %shift_right_arithmetic3A_1300, %shift_right_arithmetic3A_1296 : i32
      %ne3A_1310 = arith.cmpi ne, %shift_right_arithmetic3A_1304, %shift_right_arithmetic3A_1300 : i32
      %jit3A_1311 = arith.constant 1 : i32
      %jit3A_1312 = arith.constant 0 : i32
      %select_n3A_1313 = arith.select %ne3A_1305, %jit3A_1311, %jit3A_1312 : i32
      %jit3A_1314 = arith.constant 2 : i32
      %select_n3A_1315 = arith.select %ne3A_1306, %jit3A_1314, %select_n3A_1313 : i32
      %jit3A_1316 = arith.constant 3 : i32
      %select_n3A_1317 = arith.select %ne3A_1307, %jit3A_1316, %select_n3A_1315 : i32
      %jit3A_1318 = arith.constant 4 : i32
      %select_n3A_1319 = arith.select %ne3A_1308, %jit3A_1318, %select_n3A_1317 : i32
      %jit3A_1320 = arith.constant 5 : i32
      %select_n3A_1321 = arith.select %ne3A_1309, %jit3A_1320, %select_n3A_1319 : i32
      %jit3A_1322 = arith.constant 6 : i32
      %select_n3A_1323 = arith.select %ne3A_1310, %jit3A_1322, %select_n3A_1321 : i32
      %eq3A_1324 = arith.constant 5 : i32
      %eq3A_1325 = vector.broadcast %eq3A_1324 : i32 to vector<16xi32>
      %eq3A_1326 = arith.cmpi eq, %min3A_154, %eq3A_1325 : vector<16xi32>
      %broadcast_in_dim3A_1327 = vector.broadcast %select_n3A_1321 : i32 to vector<16xi32>
      %broadcast_in_dim3A_1328 = vector.broadcast %select_n3A_1323 : i32 to vector<16xi32>
      %select_n3A_1329 = arith.select %eq3A_1326, %broadcast_in_dim3A_1327, %broadcast_in_dim3A_1328 : vector<16xi1>, vector<16xi32>
      %eq3A_1330 = arith.constant 4 : i32
      %eq3A_1331 = vector.broadcast %eq3A_1330 : i32 to vector<16xi32>
      %eq3A_1332 = arith.cmpi eq, %min3A_154, %eq3A_1331 : vector<16xi32>
      %broadcast_in_dim3A_1333 = vector.broadcast %select_n3A_1319 : i32 to vector<16xi32>
      %select_n3A_1334 = arith.select %eq3A_1332, %broadcast_in_dim3A_1333, %select_n3A_1329 : vector<16xi1>, vector<16xi32>
      %eq3A_1335 = arith.constant 3 : i32
      %eq3A_1336 = vector.broadcast %eq3A_1335 : i32 to vector<16xi32>
      %eq3A_1337 = arith.cmpi eq, %min3A_154, %eq3A_1336 : vector<16xi32>
      %broadcast_in_dim3A_1338 = vector.broadcast %select_n3A_1317 : i32 to vector<16xi32>
      %select_n3A_1339 = arith.select %eq3A_1337, %broadcast_in_dim3A_1338, %select_n3A_1334 : vector<16xi1>, vector<16xi32>
      %eq3A_1340 = arith.constant 2 : i32
      %eq3A_1341 = vector.broadcast %eq3A_1340 : i32 to vector<16xi32>
      %eq3A_1342 = arith.cmpi eq, %min3A_154, %eq3A_1341 : vector<16xi32>
      %broadcast_in_dim3A_1343 = vector.broadcast %select_n3A_1315 : i32 to vector<16xi32>
      %select_n3A_1344 = arith.select %eq3A_1342, %broadcast_in_dim3A_1343, %select_n3A_1339 : vector<16xi1>, vector<16xi32>
      %eq3A_1345 = arith.constant 1 : i32
      %eq3A_1346 = vector.broadcast %eq3A_1345 : i32 to vector<16xi32>
      %eq3A_1347 = arith.cmpi eq, %min3A_154, %eq3A_1346 : vector<16xi32>
      %broadcast_in_dim3A_1348 = vector.broadcast %select_n3A_1313 : i32 to vector<16xi32>
      %select_n3A_1349 = arith.select %eq3A_1347, %broadcast_in_dim3A_1348, %select_n3A_1344 : vector<16xi1>, vector<16xi32>
      %eq3A_1350 = arith.constant 0 : i32
      %eq3A_1351 = vector.broadcast %eq3A_1350 : i32 to vector<16xi32>
      %eq3A_1352 = arith.cmpi eq, %min3A_154, %eq3A_1351 : vector<16xi32>
      %jit3A_1353 = arith.constant 0 : i32
      %broadcast_in_dim3A_1354 = vector.broadcast %jit3A_1353 : i32 to vector<16xi32>
      %select_n3A_1355 = arith.select %eq3A_1352, %broadcast_in_dim3A_1354, %select_n3A_1349 : vector<16xi1>, vector<16xi32>
      %add3A_1356 = vector.broadcast %mul3A_1272 : i32 to vector<16xi32>
      %add3A_1357 = arith.addi %add3A_1356, %min3A_154 : vector<16xi32>
      %gather3A_1358 = tpu.vector_load_idx %arg9[%add3A_1357] : memref<534xi32, #tpu.memory_space<vmem>>[vector<16xi32>], vector<16xi32>,
      %and3A_1359 = arith.constant 127 : i32
      %and3A_1360 = vector.broadcast %and3A_1359 : i32 to vector<16xi32>
      %and3A_1361 = arith.andi %gather3A_1358, %and3A_1360 : vector<16xi32>
      %broadcast_in_dim3A_1362 = arith.constant 0.000000e+00 : f32
      %broadcast_in_dim3A_1363 = vector.broadcast %broadcast_in_dim3A_1362 : f32 to vector<16xf32>
      %add3A_1364 = arith.constant 0 : i32
      %add3A_1365 = vector.broadcast %add3A_1364 : i32 to vector<16xi32>
      %add3A_1366 = arith.addi %and3A_156, %add3A_1365 : vector<16xi32>
      %gather3A_1367 = tpu.vector_load_idx %arg13[%select_n3A_1355, %add3A_1366, %and3A_1361] : memref<7x64x128xf32, #tpu.memory_space<vmem>>[vector<16xi32>, vector<16xi32>, vector<16xi32>], vector<16xf32>,
      %gather3A_1368 = tpu.vector_load_idx %arg15[%min3A_154, %add3A_1366] : memref<7x64xf32, #tpu.memory_space<vmem>>[vector<16xi32>, vector<16xi32>], vector<16xf32>,
      %mul3A_1369 = arith.mulf %gather3A_1367, %gather3A_1368 : vector<16xf32>
      %add3A_1370 = arith.addf %broadcast_in_dim3A_1363, %mul3A_1369 : vector<16xf32>
      %mul3A_1371 = arith.mulf %gather3A_1367, %gather3A_1367 : vector<16xf32>
      %add3A_1372 = arith.addf %broadcast_in_dim3A_1363, %mul3A_1371 : vector<16xf32>
      %mul3A_1373 = arith.mulf %gather3A_1368, %gather3A_1368 : vector<16xf32>
      %add3A_1374 = arith.addf %broadcast_in_dim3A_1363, %mul3A_1373 : vector<16xf32>
      %add3A_1375 = arith.constant 2 : i32
      %add3A_1376 = vector.broadcast %add3A_1375 : i32 to vector<16xi32>
      %add3A_1377 = arith.addi %and3A_156, %add3A_1376 : vector<16xi32>
      %gather3A_1378 = tpu.vector_load_idx %arg13[%select_n3A_1355, %add3A_1377, %and3A_1361] : memref<7x64x128xf32, #tpu.memory_space<vmem>>[vector<16xi32>, vector<16xi32>, vector<16xi32>], vector<16xf32>,
      %gather3A_1379 = tpu.vector_load_idx %arg15[%min3A_154, %add3A_1377] : memref<7x64xf32, #tpu.memory_space<vmem>>[vector<16xi32>, vector<16xi32>], vector<16xf32>,
      %mul3A_1380 = arith.mulf %gather3A_1378, %gather3A_1379 : vector<16xf32>
      %add3A_1381 = arith.addf %add3A_1370, %mul3A_1380 : vector<16xf32>
      %mul3A_1382 = arith.mulf %gather3A_1378, %gather3A_1378 : vector<16xf32>
      %add3A_1383 = arith.addf %add3A_1372, %mul3A_1382 : vector<16xf32>
      %mul3A_1384 = arith.mulf %gather3A_1379, %gather3A_1379 : vector<16xf32>
      %add3A_1385 = arith.addf %add3A_1374, %mul3A_1384 : vector<16xf32>
      %add3A_1386 = arith.constant 4 : i32
      %add3A_1387 = vector.broadcast %add3A_1386 : i32 to vector<16xi32>
      %add3A_1388 = arith.addi %and3A_156, %add3A_1387 : vector<16xi32>
      %gather3A_1389 = tpu.vector_load_idx %arg13[%select_n3A_1355, %add3A_1388, %and3A_1361] : memref<7x64x128xf32, #tpu.memory_space<vmem>>[vector<16xi32>, vector<16xi32>, vector<16xi32>], vector<16xf32>,
      %gather3A_1390 = tpu.vector_load_idx %arg15[%min3A_154, %add3A_1388] : memref<7x64xf32, #tpu.memory_space<vmem>>[vector<16xi32>, vector<16xi32>], vector<16xf32>,
      %mul3A_1391 = arith.mulf %gather3A_1389, %gather3A_1390 : vector<16xf32>
      %add3A_1392 = arith.addf %add3A_1381, %mul3A_1391 : vector<16xf32>
      %mul3A_1393 = arith.mulf %gather3A_1389, %gather3A_1389 : vector<16xf32>
      %add3A_1394 = arith.addf %add3A_1383, %mul3A_1393 : vector<16xf32>
      %mul3A_1395 = arith.mulf %gather3A_1390, %gather3A_1390 : vector<16xf32>
      %add3A_1396 = arith.addf %add3A_1385, %mul3A_1395 : vector<16xf32>
      %add3A_1397 = arith.constant 6 : i32
      %add3A_1398 = vector.broadcast %add3A_1397 : i32 to vector<16xi32>
      %add3A_1399 = arith.addi %and3A_156, %add3A_1398 : vector<16xi32>
      %gather3A_1400 = tpu.vector_load_idx %arg13[%select_n3A_1355, %add3A_1399, %and3A_1361] : memref<7x64x128xf32, #tpu.memory_space<vmem>>[vector<16xi32>, vector<16xi32>, vector<16xi32>], vector<16xf32>,
      %gather3A_1401 = tpu.vector_load_idx %arg15[%min3A_154, %add3A_1399] : memref<7x64xf32, #tpu.memory_space<vmem>>[vector<16xi32>, vector<16xi32>], vector<16xf32>,
      %mul3A_1402 = arith.mulf %gather3A_1400, %gather3A_1401 : vector<16xf32>
      %add3A_1403 = arith.addf %add3A_1392, %mul3A_1402 : vector<16xf32>
      %mul3A_1404 = arith.mulf %gather3A_1400, %gather3A_1400 : vector<16xf32>
      %add3A_1405 = arith.addf %add3A_1394, %mul3A_1404 : vector<16xf32>
      %mul3A_1406 = arith.mulf %gather3A_1401, %gather3A_1401 : vector<16xf32>
      %add3A_1407 = arith.addf %add3A_1396, %mul3A_1406 : vector<16xf32>
      %add3A_1408 = arith.constant 8 : i32
      %add3A_1409 = vector.broadcast %add3A_1408 : i32 to vector<16xi32>
      %add3A_1410 = arith.addi %and3A_156, %add3A_1409 : vector<16xi32>
      %gather3A_1411 = tpu.vector_load_idx %arg13[%select_n3A_1355, %add3A_1410, %and3A_1361] : memref<7x64x128xf32, #tpu.memory_space<vmem>>[vector<16xi32>, vector<16xi32>, vector<16xi32>], vector<16xf32>,
      %gather3A_1412 = tpu.vector_load_idx %arg15[%min3A_154, %add3A_1410] : memref<7x64xf32, #tpu.memory_space<vmem>>[vector<16xi32>, vector<16xi32>], vector<16xf32>,
      %mul3A_1413 = arith.mulf %gather3A_1411, %gather3A_1412 : vector<16xf32>
      %add3A_1414 = arith.addf %add3A_1403, %mul3A_1413 : vector<16xf32>
      %mul3A_1415 = arith.mulf %gather3A_1411, %gather3A_1411 : vector<16xf32>
      %add3A_1416 = arith.addf %add3A_1405, %mul3A_1415 : vector<16xf32>
      %mul3A_1417 = arith.mulf %gather3A_1412, %gather3A_1412 : vector<16xf32>
      %add3A_1418 = arith.addf %add3A_1407, %mul3A_1417 : vector<16xf32>
      %add3A_1419 = arith.constant 10 : i32
      %add3A_1420 = vector.broadcast %add3A_1419 : i32 to vector<16xi32>
      %add3A_1421 = arith.addi %and3A_156, %add3A_1420 : vector<16xi32>
      %gather3A_1422 = tpu.vector_load_idx %arg13[%select_n3A_1355, %add3A_1421, %and3A_1361] : memref<7x64x128xf32, #tpu.memory_space<vmem>>[vector<16xi32>, vector<16xi32>, vector<16xi32>], vector<16xf32>,
      %gather3A_1423 = tpu.vector_load_idx %arg15[%min3A_154, %add3A_1421] : memref<7x64xf32, #tpu.memory_space<vmem>>[vector<16xi32>, vector<16xi32>], vector<16xf32>,
      %mul3A_1424 = arith.mulf %gather3A_1422, %gather3A_1423 : vector<16xf32>
      %add3A_1425 = arith.addf %add3A_1414, %mul3A_1424 : vector<16xf32>
      %mul3A_1426 = arith.mulf %gather3A_1422, %gather3A_1422 : vector<16xf32>
      %add3A_1427 = arith.addf %add3A_1416, %mul3A_1426 : vector<16xf32>
      %mul3A_1428 = arith.mulf %gather3A_1423, %gather3A_1423 : vector<16xf32>
      %add3A_1429 = arith.addf %add3A_1418, %mul3A_1428 : vector<16xf32>
      %add3A_1430 = arith.constant 12 : i32
      %add3A_1431 = vector.broadcast %add3A_1430 : i32 to vector<16xi32>
      %add3A_1432 = arith.addi %and3A_156, %add3A_1431 : vector<16xi32>
      %gather3A_1433 = tpu.vector_load_idx %arg13[%select_n3A_1355, %add3A_1432, %and3A_1361] : memref<7x64x128xf32, #tpu.memory_space<vmem>>[vector<16xi32>, vector<16xi32>, vector<16xi32>], vector<16xf32>,
      %gather3A_1434 = tpu.vector_load_idx %arg15[%min3A_154, %add3A_1432] : memref<7x64xf32, #tpu.memory_space<vmem>>[vector<16xi32>, vector<16xi32>], vector<16xf32>,
      %mul3A_1435 = arith.mulf %gather3A_1433, %gather3A_1434 : vector<16xf32>
      %add3A_1436 = arith.addf %add3A_1425, %mul3A_1435 : vector<16xf32>
      %mul3A_1437 = arith.mulf %gather3A_1433, %gather3A_1433 : vector<16xf32>
      %add3A_1438 = arith.addf %add3A_1427, %mul3A_1437 : vector<16xf32>
      %mul3A_1439 = arith.mulf %gather3A_1434, %gather3A_1434 : vector<16xf32>
      %add3A_1440 = arith.addf %add3A_1429, %mul3A_1439 : vector<16xf32>
      %add3A_1441 = arith.constant 14 : i32
      %add3A_1442 = vector.broadcast %add3A_1441 : i32 to vector<16xi32>
      %add3A_1443 = arith.addi %and3A_156, %add3A_1442 : vector<16xi32>
      %gather3A_1444 = tpu.vector_load_idx %arg13[%select_n3A_1355, %add3A_1443, %and3A_1361] : memref<7x64x128xf32, #tpu.memory_space<vmem>>[vector<16xi32>, vector<16xi32>, vector<16xi32>], vector<16xf32>,
      %gather3A_1445 = tpu.vector_load_idx %arg15[%min3A_154, %add3A_1443] : memref<7x64xf32, #tpu.memory_space<vmem>>[vector<16xi32>, vector<16xi32>], vector<16xf32>,
      %mul3A_1446 = arith.mulf %gather3A_1444, %gather3A_1445 : vector<16xf32>
      %add3A_1447 = arith.addf %add3A_1436, %mul3A_1446 : vector<16xf32>
      %mul3A_1448 = arith.mulf %gather3A_1444, %gather3A_1444 : vector<16xf32>
      %add3A_1449 = arith.addf %add3A_1438, %mul3A_1448 : vector<16xf32>
      %mul3A_1450 = arith.mulf %gather3A_1445, %gather3A_1445 : vector<16xf32>
      %add3A_1451 = arith.addf %add3A_1440, %mul3A_1450 : vector<16xf32>
      %add3A_1452 = arith.constant 16 : i32
      %add3A_1453 = vector.broadcast %add3A_1452 : i32 to vector<16xi32>
      %add3A_1454 = arith.addi %and3A_156, %add3A_1453 : vector<16xi32>
      %gather3A_1455 = tpu.vector_load_idx %arg13[%select_n3A_1355, %add3A_1454, %and3A_1361] : memref<7x64x128xf32, #tpu.memory_space<vmem>>[vector<16xi32>, vector<16xi32>, vector<16xi32>], vector<16xf32>,
      %gather3A_1456 = tpu.vector_load_idx %arg15[%min3A_154, %add3A_1454] : memref<7x64xf32, #tpu.memory_space<vmem>>[vector<16xi32>, vector<16xi32>], vector<16xf32>,
      %mul3A_1457 = arith.mulf %gather3A_1455, %gather3A_1456 : vector<16xf32>
      %add3A_1458 = arith.addf %add3A_1447, %mul3A_1457 : vector<16xf32>
      %mul3A_1459 = arith.mulf %gather3A_1455, %gather3A_1455 : vector<16xf32>
      %add3A_1460 = arith.addf %add3A_1449, %mul3A_1459 : vector<16xf32>
      %mul3A_1461 = arith.mulf %gather3A_1456, %gather3A_1456 : vector<16xf32>
      %add3A_1462 = arith.addf %add3A_1451, %mul3A_1461 : vector<16xf32>
      %add3A_1463 = arith.constant 18 : i32
      %add3A_1464 = vector.broadcast %add3A_1463 : i32 to vector<16xi32>
      %add3A_1465 = arith.addi %and3A_156, %add3A_1464 : vector<16xi32>
      %gather3A_1466 = tpu.vector_load_idx %arg13[%select_n3A_1355, %add3A_1465, %and3A_1361] : memref<7x64x128xf32, #tpu.memory_space<vmem>>[vector<16xi32>, vector<16xi32>, vector<16xi32>], vector<16xf32>,
      %gather3A_1467 = tpu.vector_load_idx %arg15[%min3A_154, %add3A_1465] : memref<7x64xf32, #tpu.memory_space<vmem>>[vector<16xi32>, vector<16xi32>], vector<16xf32>,
      %mul3A_1468 = arith.mulf %gather3A_1466, %gather3A_1467 : vector<16xf32>
      %add3A_1469 = arith.addf %add3A_1458, %mul3A_1468 : vector<16xf32>
      %mul3A_1470 = arith.mulf %gather3A_1466, %gather3A_1466 : vector<16xf32>
      %add3A_1471 = arith.addf %add3A_1460, %mul3A_1470 : vector<16xf32>
      %mul3A_1472 = arith.mulf %gather3A_1467, %gather3A_1467 : vector<16xf32>
      %add3A_1473 = arith.addf %add3A_1462, %mul3A_1472 : vector<16xf32>
      %add3A_1474 = arith.constant 20 : i32
      %add3A_1475 = vector.broadcast %add3A_1474 : i32 to vector<16xi32>
      %add3A_1476 = arith.addi %and3A_156, %add3A_1475 : vector<16xi32>
      %gather3A_1477 = tpu.vector_load_idx %arg13[%select_n3A_1355, %add3A_1476, %and3A_1361] : memref<7x64x128xf32, #tpu.memory_space<vmem>>[vector<16xi32>, vector<16xi32>, vector<16xi32>], vector<16xf32>,
      %gather3A_1478 = tpu.vector_load_idx %arg15[%min3A_154, %add3A_1476] : memref<7x64xf32, #tpu.memory_space<vmem>>[vector<16xi32>, vector<16xi32>], vector<16xf32>,
      %mul3A_1479 = arith.mulf %gather3A_1477, %gather3A_1478 : vector<16xf32>
      %add3A_1480 = arith.addf %add3A_1469, %mul3A_1479 : vector<16xf32>
      %mul3A_1481 = arith.mulf %gather3A_1477, %gather3A_1477 : vector<16xf32>
      %add3A_1482 = arith.addf %add3A_1471, %mul3A_1481 : vector<16xf32>
      %mul3A_1483 = arith.mulf %gather3A_1478, %gather3A_1478 : vector<16xf32>
      %add3A_1484 = arith.addf %add3A_1473, %mul3A_1483 : vector<16xf32>
      %add3A_1485 = arith.constant 22 : i32
      %add3A_1486 = vector.broadcast %add3A_1485 : i32 to vector<16xi32>
      %add3A_1487 = arith.addi %and3A_156, %add3A_1486 : vector<16xi32>
      %gather3A_1488 = tpu.vector_load_idx %arg13[%select_n3A_1355, %add3A_1487, %and3A_1361] : memref<7x64x128xf32, #tpu.memory_space<vmem>>[vector<16xi32>, vector<16xi32>, vector<16xi32>], vector<16xf32>,
      %gather3A_1489 = tpu.vector_load_idx %arg15[%min3A_154, %add3A_1487] : memref<7x64xf32, #tpu.memory_space<vmem>>[vector<16xi32>, vector<16xi32>], vector<16xf32>,
      %mul3A_1490 = arith.mulf %gather3A_1488, %gather3A_1489 : vector<16xf32>
      %add3A_1491 = arith.addf %add3A_1480, %mul3A_1490 : vector<16xf32>
      %mul3A_1492 = arith.mulf %gather3A_1488, %gather3A_1488 : vector<16xf32>
      %add3A_1493 = arith.addf %add3A_1482, %mul3A_1492 : vector<16xf32>
      %mul3A_1494 = arith.mulf %gather3A_1489, %gather3A_1489 : vector<16xf32>
      %add3A_1495 = arith.addf %add3A_1484, %mul3A_1494 : vector<16xf32>
      %add3A_1496 = arith.constant 24 : i32
      %add3A_1497 = vector.broadcast %add3A_1496 : i32 to vector<16xi32>
      %add3A_1498 = arith.addi %and3A_156, %add3A_1497 : vector<16xi32>
      %gather3A_1499 = tpu.vector_load_idx %arg13[%select_n3A_1355, %add3A_1498, %and3A_1361] : memref<7x64x128xf32, #tpu.memory_space<vmem>>[vector<16xi32>, vector<16xi32>, vector<16xi32>], vector<16xf32>,
      %gather3A_1500 = tpu.vector_load_idx %arg15[%min3A_154, %add3A_1498] : memref<7x64xf32, #tpu.memory_space<vmem>>[vector<16xi32>, vector<16xi32>], vector<16xf32>,
      %mul3A_1501 = arith.mulf %gather3A_1499, %gather3A_1500 : vector<16xf32>
      %add3A_1502 = arith.addf %add3A_1491, %mul3A_1501 : vector<16xf32>
      %mul3A_1503 = arith.mulf %gather3A_1499, %gather3A_1499 : vector<16xf32>
      %add3A_1504 = arith.addf %add3A_1493, %mul3A_1503 : vector<16xf32>
      %mul3A_1505 = arith.mulf %gather3A_1500, %gather3A_1500 : vector<16xf32>
      %add3A_1506 = arith.addf %add3A_1495, %mul3A_1505 : vector<16xf32>
      %add3A_1507 = arith.constant 26 : i32
      %add3A_1508 = vector.broadcast %add3A_1507 : i32 to vector<16xi32>
      %add3A_1509 = arith.addi %and3A_156, %add3A_1508 : vector<16xi32>
      %gather3A_1510 = tpu.vector_load_idx %arg13[%select_n3A_1355, %add3A_1509, %and3A_1361] : memref<7x64x128xf32, #tpu.memory_space<vmem>>[vector<16xi32>, vector<16xi32>, vector<16xi32>], vector<16xf32>,
      %gather3A_1511 = tpu.vector_load_idx %arg15[%min3A_154, %add3A_1509] : memref<7x64xf32, #tpu.memory_space<vmem>>[vector<16xi32>, vector<16xi32>], vector<16xf32>,
      %mul3A_1512 = arith.mulf %gather3A_1510, %gather3A_1511 : vector<16xf32>
      %add3A_1513 = arith.addf %add3A_1502, %mul3A_1512 : vector<16xf32>
      %mul3A_1514 = arith.mulf %gather3A_1510, %gather3A_1510 : vector<16xf32>
      %add3A_1515 = arith.addf %add3A_1504, %mul3A_1514 : vector<16xf32>
      %mul3A_1516 = arith.mulf %gather3A_1511, %gather3A_1511 : vector<16xf32>
      %add3A_1517 = arith.addf %add3A_1506, %mul3A_1516 : vector<16xf32>
      %add3A_1518 = arith.constant 28 : i32
      %add3A_1519 = vector.broadcast %add3A_1518 : i32 to vector<16xi32>
      %add3A_1520 = arith.addi %and3A_156, %add3A_1519 : vector<16xi32>
      %gather3A_1521 = tpu.vector_load_idx %arg13[%select_n3A_1355, %add3A_1520, %and3A_1361] : memref<7x64x128xf32, #tpu.memory_space<vmem>>[vector<16xi32>, vector<16xi32>, vector<16xi32>], vector<16xf32>,
      %gather3A_1522 = tpu.vector_load_idx %arg15[%min3A_154, %add3A_1520] : memref<7x64xf32, #tpu.memory_space<vmem>>[vector<16xi32>, vector<16xi32>], vector<16xf32>,
      %mul3A_1523 = arith.mulf %gather3A_1521, %gather3A_1522 : vector<16xf32>
      %add3A_1524 = arith.addf %add3A_1513, %mul3A_1523 : vector<16xf32>
      %mul3A_1525 = arith.mulf %gather3A_1521, %gather3A_1521 : vector<16xf32>
      %add3A_1526 = arith.addf %add3A_1515, %mul3A_1525 : vector<16xf32>
      %mul3A_1527 = arith.mulf %gather3A_1522, %gather3A_1522 : vector<16xf32>
      %add3A_1528 = arith.addf %add3A_1517, %mul3A_1527 : vector<16xf32>
      %add3A_1529 = arith.constant 30 : i32
      %add3A_1530 = vector.broadcast %add3A_1529 : i32 to vector<16xi32>
      %add3A_1531 = arith.addi %and3A_156, %add3A_1530 : vector<16xi32>
      %gather3A_1532 = tpu.vector_load_idx %arg13[%select_n3A_1355, %add3A_1531, %and3A_1361] : memref<7x64x128xf32, #tpu.memory_space<vmem>>[vector<16xi32>, vector<16xi32>, vector<16xi32>], vector<16xf32>,
      %gather3A_1533 = tpu.vector_load_idx %arg15[%min3A_154, %add3A_1531] : memref<7x64xf32, #tpu.memory_space<vmem>>[vector<16xi32>, vector<16xi32>], vector<16xf32>,
      %mul3A_1534 = arith.mulf %gather3A_1532, %gather3A_1533 : vector<16xf32>
      %add3A_1535 = arith.addf %add3A_1524, %mul3A_1534 : vector<16xf32>
      %mul3A_1536 = arith.mulf %gather3A_1532, %gather3A_1532 : vector<16xf32>
      %add3A_1537 = arith.addf %add3A_1526, %mul3A_1536 : vector<16xf32>
      %mul3A_1538 = arith.mulf %gather3A_1533, %gather3A_1533 : vector<16xf32>
      %add3A_1539 = arith.addf %add3A_1528, %mul3A_1538 : vector<16xf32>
      %add3A_1540 = arith.constant 32 : i32
      %add3A_1541 = vector.broadcast %add3A_1540 : i32 to vector<16xi32>
      %add3A_1542 = arith.addi %and3A_156, %add3A_1541 : vector<16xi32>
      %gather3A_1543 = tpu.vector_load_idx %arg13[%select_n3A_1355, %add3A_1542, %and3A_1361] : memref<7x64x128xf32, #tpu.memory_space<vmem>>[vector<16xi32>, vector<16xi32>, vector<16xi32>], vector<16xf32>,
      %gather3A_1544 = tpu.vector_load_idx %arg15[%min3A_154, %add3A_1542] : memref<7x64xf32, #tpu.memory_space<vmem>>[vector<16xi32>, vector<16xi32>], vector<16xf32>,
      %mul3A_1545 = arith.mulf %gather3A_1543, %gather3A_1544 : vector<16xf32>
      %add3A_1546 = arith.addf %add3A_1535, %mul3A_1545 : vector<16xf32>
      %mul3A_1547 = arith.mulf %gather3A_1543, %gather3A_1543 : vector<16xf32>
      %add3A_1548 = arith.addf %add3A_1537, %mul3A_1547 : vector<16xf32>
      %mul3A_1549 = arith.mulf %gather3A_1544, %gather3A_1544 : vector<16xf32>
      %add3A_1550 = arith.addf %add3A_1539, %mul3A_1549 : vector<16xf32>
      %add3A_1551 = arith.constant 34 : i32
      %add3A_1552 = vector.broadcast %add3A_1551 : i32 to vector<16xi32>
      %add3A_1553 = arith.addi %and3A_156, %add3A_1552 : vector<16xi32>
      %gather3A_1554 = tpu.vector_load_idx %arg13[%select_n3A_1355, %add3A_1553, %and3A_1361] : memref<7x64x128xf32, #tpu.memory_space<vmem>>[vector<16xi32>, vector<16xi32>, vector<16xi32>], vector<16xf32>,
      %gather3A_1555 = tpu.vector_load_idx %arg15[%min3A_154, %add3A_1553] : memref<7x64xf32, #tpu.memory_space<vmem>>[vector<16xi32>, vector<16xi32>], vector<16xf32>,
      %mul3A_1556 = arith.mulf %gather3A_1554, %gather3A_1555 : vector<16xf32>
      %add3A_1557 = arith.addf %add3A_1546, %mul3A_1556 : vector<16xf32>
      %mul3A_1558 = arith.mulf %gather3A_1554, %gather3A_1554 : vector<16xf32>
      %add3A_1559 = arith.addf %add3A_1548, %mul3A_1558 : vector<16xf32>
      %mul3A_1560 = arith.mulf %gather3A_1555, %gather3A_1555 : vector<16xf32>
      %add3A_1561 = arith.addf %add3A_1550, %mul3A_1560 : vector<16xf32>
      %add3A_1562 = arith.constant 36 : i32
      %add3A_1563 = vector.broadcast %add3A_1562 : i32 to vector<16xi32>
      %add3A_1564 = arith.addi %and3A_156, %add3A_1563 : vector<16xi32>
      %gather3A_1565 = tpu.vector_load_idx %arg13[%select_n3A_1355, %add3A_1564, %and3A_1361] : memref<7x64x128xf32, #tpu.memory_space<vmem>>[vector<16xi32>, vector<16xi32>, vector<16xi32>], vector<16xf32>,
      %gather3A_1566 = tpu.vector_load_idx %arg15[%min3A_154, %add3A_1564] : memref<7x64xf32, #tpu.memory_space<vmem>>[vector<16xi32>, vector<16xi32>], vector<16xf32>,
      %mul3A_1567 = arith.mulf %gather3A_1565, %gather3A_1566 : vector<16xf32>
      %add3A_1568 = arith.addf %add3A_1557, %mul3A_1567 : vector<16xf32>
      %mul3A_1569 = arith.mulf %gather3A_1565, %gather3A_1565 : vector<16xf32>
      %add3A_1570 = arith.addf %add3A_1559, %mul3A_1569 : vector<16xf32>
      %mul3A_1571 = arith.mulf %gather3A_1566, %gather3A_1566 : vector<16xf32>
      %add3A_1572 = arith.addf %add3A_1561, %mul3A_1571 : vector<16xf32>
      %add3A_1573 = arith.constant 38 : i32
      %add3A_1574 = vector.broadcast %add3A_1573 : i32 to vector<16xi32>
      %add3A_1575 = arith.addi %and3A_156, %add3A_1574 : vector<16xi32>
      %gather3A_1576 = tpu.vector_load_idx %arg13[%select_n3A_1355, %add3A_1575, %and3A_1361] : memref<7x64x128xf32, #tpu.memory_space<vmem>>[vector<16xi32>, vector<16xi32>, vector<16xi32>], vector<16xf32>,
      %gather3A_1577 = tpu.vector_load_idx %arg15[%min3A_154, %add3A_1575] : memref<7x64xf32, #tpu.memory_space<vmem>>[vector<16xi32>, vector<16xi32>], vector<16xf32>,
      %mul3A_1578 = arith.mulf %gather3A_1576, %gather3A_1577 : vector<16xf32>
      %add3A_1579 = arith.addf %add3A_1568, %mul3A_1578 : vector<16xf32>
      %mul3A_1580 = arith.mulf %gather3A_1576, %gather3A_1576 : vector<16xf32>
      %add3A_1581 = arith.addf %add3A_1570, %mul3A_1580 : vector<16xf32>
      %mul3A_1582 = arith.mulf %gather3A_1577, %gather3A_1577 : vector<16xf32>
      %add3A_1583 = arith.addf %add3A_1572, %mul3A_1582 : vector<16xf32>
      %add3A_1584 = arith.constant 40 : i32
      %add3A_1585 = vector.broadcast %add3A_1584 : i32 to vector<16xi32>
      %add3A_1586 = arith.addi %and3A_156, %add3A_1585 : vector<16xi32>
      %gather3A_1587 = tpu.vector_load_idx %arg13[%select_n3A_1355, %add3A_1586, %and3A_1361] : memref<7x64x128xf32, #tpu.memory_space<vmem>>[vector<16xi32>, vector<16xi32>, vector<16xi32>], vector<16xf32>,
      %gather3A_1588 = tpu.vector_load_idx %arg15[%min3A_154, %add3A_1586] : memref<7x64xf32, #tpu.memory_space<vmem>>[vector<16xi32>, vector<16xi32>], vector<16xf32>,
      %mul3A_1589 = arith.mulf %gather3A_1587, %gather3A_1588 : vector<16xf32>
      %add3A_1590 = arith.addf %add3A_1579, %mul3A_1589 : vector<16xf32>
      %mul3A_1591 = arith.mulf %gather3A_1587, %gather3A_1587 : vector<16xf32>
      %add3A_1592 = arith.addf %add3A_1581, %mul3A_1591 : vector<16xf32>
      %mul3A_1593 = arith.mulf %gather3A_1588, %gather3A_1588 : vector<16xf32>
      %add3A_1594 = arith.addf %add3A_1583, %mul3A_1593 : vector<16xf32>
      %add3A_1595 = arith.constant 42 : i32
      %add3A_1596 = vector.broadcast %add3A_1595 : i32 to vector<16xi32>
      %add3A_1597 = arith.addi %and3A_156, %add3A_1596 : vector<16xi32>
      %gather3A_1598 = tpu.vector_load_idx %arg13[%select_n3A_1355, %add3A_1597, %and3A_1361] : memref<7x64x128xf32, #tpu.memory_space<vmem>>[vector<16xi32>, vector<16xi32>, vector<16xi32>], vector<16xf32>,
      %gather3A_1599 = tpu.vector_load_idx %arg15[%min3A_154, %add3A_1597] : memref<7x64xf32, #tpu.memory_space<vmem>>[vector<16xi32>, vector<16xi32>], vector<16xf32>,
      %mul3A_1600 = arith.mulf %gather3A_1598, %gather3A_1599 : vector<16xf32>
      %add3A_1601 = arith.addf %add3A_1590, %mul3A_1600 : vector<16xf32>
      %mul3A_1602 = arith.mulf %gather3A_1598, %gather3A_1598 : vector<16xf32>
      %add3A_1603 = arith.addf %add3A_1592, %mul3A_1602 : vector<16xf32>
      %mul3A_1604 = arith.mulf %gather3A_1599, %gather3A_1599 : vector<16xf32>
      %add3A_1605 = arith.addf %add3A_1594, %mul3A_1604 : vector<16xf32>
      %add3A_1606 = arith.constant 44 : i32
      %add3A_1607 = vector.broadcast %add3A_1606 : i32 to vector<16xi32>
      %add3A_1608 = arith.addi %and3A_156, %add3A_1607 : vector<16xi32>
      %gather3A_1609 = tpu.vector_load_idx %arg13[%select_n3A_1355, %add3A_1608, %and3A_1361] : memref<7x64x128xf32, #tpu.memory_space<vmem>>[vector<16xi32>, vector<16xi32>, vector<16xi32>], vector<16xf32>,
      %gather3A_1610 = tpu.vector_load_idx %arg15[%min3A_154, %add3A_1608] : memref<7x64xf32, #tpu.memory_space<vmem>>[vector<16xi32>, vector<16xi32>], vector<16xf32>,
      %mul3A_1611 = arith.mulf %gather3A_1609, %gather3A_1610 : vector<16xf32>
      %add3A_1612 = arith.addf %add3A_1601, %mul3A_1611 : vector<16xf32>
      %mul3A_1613 = arith.mulf %gather3A_1609, %gather3A_1609 : vector<16xf32>
      %add3A_1614 = arith.addf %add3A_1603, %mul3A_1613 : vector<16xf32>
      %mul3A_1615 = arith.mulf %gather3A_1610, %gather3A_1610 : vector<16xf32>
      %add3A_1616 = arith.addf %add3A_1605, %mul3A_1615 : vector<16xf32>
      %add3A_1617 = arith.constant 46 : i32
      %add3A_1618 = vector.broadcast %add3A_1617 : i32 to vector<16xi32>
      %add3A_1619 = arith.addi %and3A_156, %add3A_1618 : vector<16xi32>
      %gather3A_1620 = tpu.vector_load_idx %arg13[%select_n3A_1355, %add3A_1619, %and3A_1361] : memref<7x64x128xf32, #tpu.memory_space<vmem>>[vector<16xi32>, vector<16xi32>, vector<16xi32>], vector<16xf32>,
      %gather3A_1621 = tpu.vector_load_idx %arg15[%min3A_154, %add3A_1619] : memref<7x64xf32, #tpu.memory_space<vmem>>[vector<16xi32>, vector<16xi32>], vector<16xf32>,
      %mul3A_1622 = arith.mulf %gather3A_1620, %gather3A_1621 : vector<16xf32>
      %add3A_1623 = arith.addf %add3A_1612, %mul3A_1622 : vector<16xf32>
      %mul3A_1624 = arith.mulf %gather3A_1620, %gather3A_1620 : vector<16xf32>
      %add3A_1625 = arith.addf %add3A_1614, %mul3A_1624 : vector<16xf32>
      %mul3A_1626 = arith.mulf %gather3A_1621, %gather3A_1621 : vector<16xf32>
      %add3A_1627 = arith.addf %add3A_1616, %mul3A_1626 : vector<16xf32>
      %add3A_1628 = arith.constant 48 : i32
      %add3A_1629 = vector.broadcast %add3A_1628 : i32 to vector<16xi32>
      %add3A_1630 = arith.addi %and3A_156, %add3A_1629 : vector<16xi32>
      %gather3A_1631 = tpu.vector_load_idx %arg13[%select_n3A_1355, %add3A_1630, %and3A_1361] : memref<7x64x128xf32, #tpu.memory_space<vmem>>[vector<16xi32>, vector<16xi32>, vector<16xi32>], vector<16xf32>,
      %gather3A_1632 = tpu.vector_load_idx %arg15[%min3A_154, %add3A_1630] : memref<7x64xf32, #tpu.memory_space<vmem>>[vector<16xi32>, vector<16xi32>], vector<16xf32>,
      %mul3A_1633 = arith.mulf %gather3A_1631, %gather3A_1632 : vector<16xf32>
      %add3A_1634 = arith.addf %add3A_1623, %mul3A_1633 : vector<16xf32>
      %mul3A_1635 = arith.mulf %gather3A_1631, %gather3A_1631 : vector<16xf32>
      %add3A_1636 = arith.addf %add3A_1625, %mul3A_1635 : vector<16xf32>
      %mul3A_1637 = arith.mulf %gather3A_1632, %gather3A_1632 : vector<16xf32>
      %add3A_1638 = arith.addf %add3A_1627, %mul3A_1637 : vector<16xf32>
      %add3A_1639 = arith.constant 50 : i32
      %add3A_1640 = vector.broadcast %add3A_1639 : i32 to vector<16xi32>
      %add3A_1641 = arith.addi %and3A_156, %add3A_1640 : vector<16xi32>
      %gather3A_1642 = tpu.vector_load_idx %arg13[%select_n3A_1355, %add3A_1641, %and3A_1361] : memref<7x64x128xf32, #tpu.memory_space<vmem>>[vector<16xi32>, vector<16xi32>, vector<16xi32>], vector<16xf32>,
      %gather3A_1643 = tpu.vector_load_idx %arg15[%min3A_154, %add3A_1641] : memref<7x64xf32, #tpu.memory_space<vmem>>[vector<16xi32>, vector<16xi32>], vector<16xf32>,
      %mul3A_1644 = arith.mulf %gather3A_1642, %gather3A_1643 : vector<16xf32>
      %add3A_1645 = arith.addf %add3A_1634, %mul3A_1644 : vector<16xf32>
      %mul3A_1646 = arith.mulf %gather3A_1642, %gather3A_1642 : vector<16xf32>
      %add3A_1647 = arith.addf %add3A_1636, %mul3A_1646 : vector<16xf32>
      %mul3A_1648 = arith.mulf %gather3A_1643, %gather3A_1643 : vector<16xf32>
      %add3A_1649 = arith.addf %add3A_1638, %mul3A_1648 : vector<16xf32>
      %add3A_1650 = arith.constant 52 : i32
      %add3A_1651 = vector.broadcast %add3A_1650 : i32 to vector<16xi32>
      %add3A_1652 = arith.addi %and3A_156, %add3A_1651 : vector<16xi32>
      %gather3A_1653 = tpu.vector_load_idx %arg13[%select_n3A_1355, %add3A_1652, %and3A_1361] : memref<7x64x128xf32, #tpu.memory_space<vmem>>[vector<16xi32>, vector<16xi32>, vector<16xi32>], vector<16xf32>,
      %gather3A_1654 = tpu.vector_load_idx %arg15[%min3A_154, %add3A_1652] : memref<7x64xf32, #tpu.memory_space<vmem>>[vector<16xi32>, vector<16xi32>], vector<16xf32>,
      %mul3A_1655 = arith.mulf %gather3A_1653, %gather3A_1654 : vector<16xf32>
      %add3A_1656 = arith.addf %add3A_1645, %mul3A_1655 : vector<16xf32>
      %mul3A_1657 = arith.mulf %gather3A_1653, %gather3A_1653 : vector<16xf32>
      %add3A_1658 = arith.addf %add3A_1647, %mul3A_1657 : vector<16xf32>
      %mul3A_1659 = arith.mulf %gather3A_1654, %gather3A_1654 : vector<16xf32>
      %add3A_1660 = arith.addf %add3A_1649, %mul3A_1659 : vector<16xf32>
      %add3A_1661 = arith.constant 54 : i32
      %add3A_1662 = vector.broadcast %add3A_1661 : i32 to vector<16xi32>
      %add3A_1663 = arith.addi %and3A_156, %add3A_1662 : vector<16xi32>
      %gather3A_1664 = tpu.vector_load_idx %arg13[%select_n3A_1355, %add3A_1663, %and3A_1361] : memref<7x64x128xf32, #tpu.memory_space<vmem>>[vector<16xi32>, vector<16xi32>, vector<16xi32>], vector<16xf32>,
      %gather3A_1665 = tpu.vector_load_idx %arg15[%min3A_154, %add3A_1663] : memref<7x64xf32, #tpu.memory_space<vmem>>[vector<16xi32>, vector<16xi32>], vector<16xf32>,
      %mul3A_1666 = arith.mulf %gather3A_1664, %gather3A_1665 : vector<16xf32>
      %add3A_1667 = arith.addf %add3A_1656, %mul3A_1666 : vector<16xf32>
      %mul3A_1668 = arith.mulf %gather3A_1664, %gather3A_1664 : vector<16xf32>
      %add3A_1669 = arith.addf %add3A_1658, %mul3A_1668 : vector<16xf32>
      %mul3A_1670 = arith.mulf %gather3A_1665, %gather3A_1665 : vector<16xf32>
      %add3A_1671 = arith.addf %add3A_1660, %mul3A_1670 : vector<16xf32>
      %add3A_1672 = arith.constant 56 : i32
      %add3A_1673 = vector.broadcast %add3A_1672 : i32 to vector<16xi32>
      %add3A_1674 = arith.addi %and3A_156, %add3A_1673 : vector<16xi32>
      %gather3A_1675 = tpu.vector_load_idx %arg13[%select_n3A_1355, %add3A_1674, %and3A_1361] : memref<7x64x128xf32, #tpu.memory_space<vmem>>[vector<16xi32>, vector<16xi32>, vector<16xi32>], vector<16xf32>,
      %gather3A_1676 = tpu.vector_load_idx %arg15[%min3A_154, %add3A_1674] : memref<7x64xf32, #tpu.memory_space<vmem>>[vector<16xi32>, vector<16xi32>], vector<16xf32>,
      %mul3A_1677 = arith.mulf %gather3A_1675, %gather3A_1676 : vector<16xf32>
      %add3A_1678 = arith.addf %add3A_1667, %mul3A_1677 : vector<16xf32>
      %mul3A_1679 = arith.mulf %gather3A_1675, %gather3A_1675 : vector<16xf32>
      %add3A_1680 = arith.addf %add3A_1669, %mul3A_1679 : vector<16xf32>
      %mul3A_1681 = arith.mulf %gather3A_1676, %gather3A_1676 : vector<16xf32>
      %add3A_1682 = arith.addf %add3A_1671, %mul3A_1681 : vector<16xf32>
      %add3A_1683 = arith.constant 58 : i32
      %add3A_1684 = vector.broadcast %add3A_1683 : i32 to vector<16xi32>
      %add3A_1685 = arith.addi %and3A_156, %add3A_1684 : vector<16xi32>
      %gather3A_1686 = tpu.vector_load_idx %arg13[%select_n3A_1355, %add3A_1685, %and3A_1361] : memref<7x64x128xf32, #tpu.memory_space<vmem>>[vector<16xi32>, vector<16xi32>, vector<16xi32>], vector<16xf32>,
      %gather3A_1687 = tpu.vector_load_idx %arg15[%min3A_154, %add3A_1685] : memref<7x64xf32, #tpu.memory_space<vmem>>[vector<16xi32>, vector<16xi32>], vector<16xf32>,
      %mul3A_1688 = arith.mulf %gather3A_1686, %gather3A_1687 : vector<16xf32>
      %add3A_1689 = arith.addf %add3A_1678, %mul3A_1688 : vector<16xf32>
      %mul3A_1690 = arith.mulf %gather3A_1686, %gather3A_1686 : vector<16xf32>
      %add3A_1691 = arith.addf %add3A_1680, %mul3A_1690 : vector<16xf32>
      %mul3A_1692 = arith.mulf %gather3A_1687, %gather3A_1687 : vector<16xf32>
      %add3A_1693 = arith.addf %add3A_1682, %mul3A_1692 : vector<16xf32>
      %add3A_1694 = arith.constant 60 : i32
      %add3A_1695 = vector.broadcast %add3A_1694 : i32 to vector<16xi32>
      %add3A_1696 = arith.addi %and3A_156, %add3A_1695 : vector<16xi32>
      %gather3A_1697 = tpu.vector_load_idx %arg13[%select_n3A_1355, %add3A_1696, %and3A_1361] : memref<7x64x128xf32, #tpu.memory_space<vmem>>[vector<16xi32>, vector<16xi32>, vector<16xi32>], vector<16xf32>,
      %gather3A_1698 = tpu.vector_load_idx %arg15[%min3A_154, %add3A_1696] : memref<7x64xf32, #tpu.memory_space<vmem>>[vector<16xi32>, vector<16xi32>], vector<16xf32>,
      %mul3A_1699 = arith.mulf %gather3A_1697, %gather3A_1698 : vector<16xf32>
      %add3A_1700 = arith.addf %add3A_1689, %mul3A_1699 : vector<16xf32>
      %mul3A_1701 = arith.mulf %gather3A_1697, %gather3A_1697 : vector<16xf32>
      %add3A_1702 = arith.addf %add3A_1691, %mul3A_1701 : vector<16xf32>
      %mul3A_1703 = arith.mulf %gather3A_1698, %gather3A_1698 : vector<16xf32>
      %add3A_1704 = arith.addf %add3A_1693, %mul3A_1703 : vector<16xf32>
      %add3A_1705 = arith.constant 62 : i32
      %add3A_1706 = vector.broadcast %add3A_1705 : i32 to vector<16xi32>
      %add3A_1707 = arith.addi %and3A_156, %add3A_1706 : vector<16xi32>
      %gather3A_1708 = tpu.vector_load_idx %arg13[%select_n3A_1355, %add3A_1707, %and3A_1361] : memref<7x64x128xf32, #tpu.memory_space<vmem>>[vector<16xi32>, vector<16xi32>, vector<16xi32>], vector<16xf32>,
      %gather3A_1709 = tpu.vector_load_idx %arg15[%min3A_154, %add3A_1707] : memref<7x64xf32, #tpu.memory_space<vmem>>[vector<16xi32>, vector<16xi32>], vector<16xf32>,
      %mul3A_1710 = arith.mulf %gather3A_1708, %gather3A_1709 : vector<16xf32>
      %add3A_1711 = arith.addf %add3A_1700, %mul3A_1710 : vector<16xf32>
      %mul3A_1712 = arith.mulf %gather3A_1708, %gather3A_1708 : vector<16xf32>
      %add3A_1713 = arith.addf %add3A_1702, %mul3A_1712 : vector<16xf32>
      %mul3A_1714 = arith.mulf %gather3A_1709, %gather3A_1709 : vector<16xf32>
      %add3A_1715 = arith.addf %add3A_1704, %mul3A_1714 : vector<16xf32>
      %swap3A_1716 = arith.constant 0 : i32
      %swap3A_1717 = arith.index_cast %swap3A_1716 : i32 to index
      %swap3A_1718 = arith.constant 0 : index
      %swap3A_1719 = tpu.vector_load %arg17[%swap3A_1717, %swap3A_1718] {strides = array<i32>} : memref<3x16xf32, #tpu.memory_space<vmem>>, vector<16xf32>,
      tpu.vector_store %arg17[%swap3A_1717, %swap3A_1718], %add3A_1711 {strides = array<i32>} : memref<3x16xf32, #tpu.memory_space<vmem>>, vector<16xf32>,
      %swap3A_1720 = arith.constant 1 : i32
      %swap3A_1721 = arith.index_cast %swap3A_1720 : i32 to index
      %swap3A_1722 = arith.constant 0 : index
      %swap3A_1723 = tpu.vector_load %arg17[%swap3A_1721, %swap3A_1722] {strides = array<i32>} : memref<3x16xf32, #tpu.memory_space<vmem>>, vector<16xf32>,
      tpu.vector_store %arg17[%swap3A_1721, %swap3A_1722], %add3A_1713 {strides = array<i32>} : memref<3x16xf32, #tpu.memory_space<vmem>>, vector<16xf32>,
      %swap3A_1724 = arith.constant 2 : i32
      %swap3A_1725 = arith.index_cast %swap3A_1724 : i32 to index
      %swap3A_1726 = arith.constant 0 : index
      %swap3A_1727 = tpu.vector_load %arg17[%swap3A_1725, %swap3A_1726] {strides = array<i32>} : memref<3x16xf32, #tpu.memory_space<vmem>>, vector<16xf32>,
      tpu.vector_store %arg17[%swap3A_1725, %swap3A_1726], %add3A_1715 {strides = array<i32>} : memref<3x16xf32, #tpu.memory_space<vmem>>, vector<16xf32>,
      %gather3A_1728 = tpu.vector_load_idx %arg17[%broadcast_in_dim3A_168, %xor3A_158] : memref<3x16xf32, #tpu.memory_space<vmem>>[vector<16xi32>, vector<16xi32>], vector<16xf32>,
      %add3A_1729 = arith.addf %add3A_1711, %gather3A_1728 : vector<16xf32>
      %gather3A_1730 = tpu.vector_load_idx %arg17[%broadcast_in_dim3A_170, %xor3A_158] : memref<3x16xf32, #tpu.memory_space<vmem>>[vector<16xi32>, vector<16xi32>], vector<16xf32>,
      %add3A_1731 = arith.addf %add3A_1713, %gather3A_1730 : vector<16xf32>
      %gather3A_1732 = tpu.vector_load_idx %arg17[%broadcast_in_dim3A_172, %xor3A_158] : memref<3x16xf32, #tpu.memory_space<vmem>>[vector<16xi32>, vector<16xi32>], vector<16xf32>,
      %add3A_1733 = arith.addf %add3A_1715, %gather3A_1732 : vector<16xf32>
      %max3A_1734 = arith.constant 1.000000e-16 : f32
      %max3A_1735 = vector.broadcast %max3A_1734 : f32 to vector<16xf32>
      %max3A_1736 = arith.maximumf %add3A_1731, %max3A_1735 : vector<16xf32>
      %max3A_1737 = arith.constant 1.000000e-16 : f32
      %max3A_1738 = vector.broadcast %max3A_1737 : f32 to vector<16xf32>
      %max3A_1739 = arith.maximumf %add3A_1733, %max3A_1738 : vector<16xf32>
      %mul3A_1740 = arith.mulf %max3A_1736, %max3A_1739 : vector<16xf32>
      %bitcast3A_1741 = vector.bitcast %mul3A_1740 : vector<16xf32> to vector<16xi32>
      %shift_right_arithmetic3A_1742 = arith.constant 1 : i32
      %shift_right_arithmetic3A_1743 = vector.broadcast %shift_right_arithmetic3A_1742 : i32 to vector<16xi32>
      %shift_right_arithmetic3A_1744 = arith.shrsi %bitcast3A_1741, %shift_right_arithmetic3A_1743 : vector<16xi32>
      %sub3A_1745 = arith.constant 1597463007 : i32
      %sub3A_1746 = vector.broadcast %sub3A_1745 : i32 to vector<16xi32>
      %sub3A_1747 = arith.subi %sub3A_1746, %shift_right_arithmetic3A_1744 : vector<16xi32>
      %bitcast3A_1748 = vector.bitcast %sub3A_1747 : vector<16xi32> to vector<16xf32>
      %mul3A_1749 = arith.constant 5.000000e-01 : f32
      %mul3A_1750 = vector.broadcast %mul3A_1749 : f32 to vector<16xf32>
      %mul3A_1751 = arith.mulf %mul3A_1750, %mul3A_1740 : vector<16xf32>
      %mul3A_1752 = arith.mulf %mul3A_1751, %bitcast3A_1748 : vector<16xf32>
      %mul3A_1753 = arith.mulf %mul3A_1752, %bitcast3A_1748 : vector<16xf32>
      %sub3A_1754 = arith.constant 1.500000e+00 : f32
      %sub3A_1755 = vector.broadcast %sub3A_1754 : f32 to vector<16xf32>
      %sub3A_1756 = arith.subf %sub3A_1755, %mul3A_1753 : vector<16xf32>
      %mul3A_1757 = arith.mulf %bitcast3A_1748, %sub3A_1756 : vector<16xf32>
      %mul3A_1758 = arith.constant 5.000000e-01 : f32
      %mul3A_1759 = vector.broadcast %mul3A_1758 : f32 to vector<16xf32>
      %mul3A_1760 = arith.mulf %mul3A_1759, %mul3A_1740 : vector<16xf32>
      %mul3A_1761 = arith.mulf %mul3A_1760, %mul3A_1757 : vector<16xf32>
      %mul3A_1762 = arith.mulf %mul3A_1761, %mul3A_1757 : vector<16xf32>
      %sub3A_1763 = arith.constant 1.500000e+00 : f32
      %sub3A_1764 = vector.broadcast %sub3A_1763 : f32 to vector<16xf32>
      %sub3A_1765 = arith.subf %sub3A_1764, %mul3A_1762 : vector<16xf32>
      %mul3A_1766 = arith.mulf %mul3A_1757, %sub3A_1765 : vector<16xf32>
      %mul3A_1767 = arith.constant 5.000000e-01 : f32
      %mul3A_1768 = vector.broadcast %mul3A_1767 : f32 to vector<16xf32>
      %mul3A_1769 = arith.mulf %mul3A_1768, %mul3A_1740 : vector<16xf32>
      %mul3A_1770 = arith.mulf %mul3A_1769, %mul3A_1766 : vector<16xf32>
      %mul3A_1771 = arith.mulf %mul3A_1770, %mul3A_1766 : vector<16xf32>
      %sub3A_1772 = arith.constant 1.500000e+00 : f32
      %sub3A_1773 = vector.broadcast %sub3A_1772 : f32 to vector<16xf32>
      %sub3A_1774 = arith.subf %sub3A_1773, %mul3A_1771 : vector<16xf32>
      %mul3A_1775 = arith.mulf %mul3A_1766, %sub3A_1774 : vector<16xf32>
      %mul3A_1776 = arith.mulf %add3A_1729, %mul3A_1775 : vector<16xf32>
      %mul3A_1777 = arith.mulf %mul3A_1776, %get3A_146 : vector<16xf32>
      %add3A_1778 = arith.addf %mul3A_1777, %get3A_150 : vector<16xf32>
      %neg3A_1779 = arith.constant 0.000000e+00 : f32
      %neg3A_1780 = vector.broadcast %neg3A_1779 : f32 to vector<16xf32>
      %neg3A_1781 = arith.subf %neg3A_1780, %add3A_1778 : vector<16xf32>
      %exp3A_1782 = math.exp %neg3A_1781 : vector<16xf32>
      %add3A_1783 = arith.constant 1.000000e+00 : f32
      %add3A_1784 = vector.broadcast %add3A_1783 : f32 to vector<16xf32>
      %add3A_1785 = arith.addf %add3A_1784, %exp3A_1782 : vector<16xf32>
      %div3A_1786 = arith.constant 1.000000e+00 : f32
      %div3A_1787 = vector.broadcast %div3A_1786 : f32 to vector<16xf32>
      %div3A_1788 = arith.divf %div3A_1787, %add3A_1785 : vector<16xf32>
      %swap3A_1789 = arith.index_cast %mul3A_1272 : i32 to index
      %swap3A_1790 = tpu.vector_load %arg16[%swap3A_1789] masked %and3A_166 {strides = array<i32>} : memref<534xf32, #tpu.memory_space<vmem>>, vector<16xf32>, vector<16xi1>
      tpu.vector_store %arg16[%swap3A_1789], %div3A_1788 masked %and3A_166 {strides = array<i32>} : memref<534xf32, #tpu.memory_space<vmem>>, vector<16xf32>, vector<16xi1>
      %scan3A_1791 = arith.constant 0 : i32
      scf.yield %scan3A_1791 : i32
    }
    %scan3A_346 = arith.constant 37 : i32
    %dma_start3A_347 = arith.constant 0 : i32
    %dma_start3A_348 = arith.constant 0 : i32
    %dma_start3A_349 = tpu.memref_slice %arg16[%dma_start3A_348] : memref<534xf32, #tpu.memory_space<vmem>> -> memref<128xf32, #tpu.memory_space<vmem>>
    %dma_start3A_350 = arith.constant 0 : i32
    %dma_start3A_351 = tpu.memref_slice %arg11[%dma_start3A_347, %dma_start3A_350] : memref<4x128xi32, #tpu.memory_space<vmem>> -> memref<1x128xi32, #tpu.memory_space<vmem>>
    %dma_start3A_352 = tpu.memref_squeeze %dma_start3A_351 : memref<1x128xi32, #tpu.memory_space<vmem>> -> memref<128xi32, #tpu.memory_space<vmem>>
    %dma_start3A_353 = arith.constant 0 : i32
    %dma_start3A_354 = tpu.memref_slice %arg8[%dma_start3A_353] : memref<16384xf32, #tpu.memory_space<hbm>> -> memref<16384xf32, #tpu.memory_space<hbm>>
    tpu.enqueue_indirect_dma source(%dma_start3A_349 : memref<128xf32, #tpu.memory_space<vmem>>) target(%dma_start3A_354 : memref<16384xf32, #tpu.memory_space<hbm>>) offsets(%dma_start3A_352 : memref<128xi32, #tpu.memory_space<vmem>>) semaphore(%arg19 : memref<!tpu.dma_semaphore, #tpu.memory_space<semaphore_mem>>)
    %dma_start3A_355 = arith.constant 1 : i32
    %dma_start3A_356 = arith.constant 128 : i32
    %dma_start3A_357 = tpu.memref_slice %arg16[%dma_start3A_356] : memref<534xf32, #tpu.memory_space<vmem>> -> memref<128xf32, #tpu.memory_space<vmem>>
    %dma_start3A_358 = arith.constant 0 : i32
    %dma_start3A_359 = tpu.memref_slice %arg11[%dma_start3A_355, %dma_start3A_358] : memref<4x128xi32, #tpu.memory_space<vmem>> -> memref<1x128xi32, #tpu.memory_space<vmem>>
    %dma_start3A_360 = tpu.memref_squeeze %dma_start3A_359 : memref<1x128xi32, #tpu.memory_space<vmem>> -> memref<128xi32, #tpu.memory_space<vmem>>
    %dma_start3A_361 = arith.constant 0 : i32
    %dma_start3A_362 = tpu.memref_slice %arg8[%dma_start3A_361] : memref<16384xf32, #tpu.memory_space<hbm>> -> memref<16384xf32, #tpu.memory_space<hbm>>
    tpu.enqueue_indirect_dma source(%dma_start3A_357 : memref<128xf32, #tpu.memory_space<vmem>>) target(%dma_start3A_362 : memref<16384xf32, #tpu.memory_space<hbm>>) offsets(%dma_start3A_360 : memref<128xi32, #tpu.memory_space<vmem>>) semaphore(%arg19 : memref<!tpu.dma_semaphore, #tpu.memory_space<semaphore_mem>>)
    %dma_start3A_363 = arith.constant 2 : i32
    %dma_start3A_364 = arith.constant 256 : i32
    %dma_start3A_365 = tpu.memref_slice %arg16[%dma_start3A_364] : memref<534xf32, #tpu.memory_space<vmem>> -> memref<128xf32, #tpu.memory_space<vmem>>
    %dma_start3A_366 = arith.constant 0 : i32
    %dma_start3A_367 = tpu.memref_slice %arg11[%dma_start3A_363, %dma_start3A_366] : memref<4x128xi32, #tpu.memory_space<vmem>> -> memref<1x128xi32, #tpu.memory_space<vmem>>
    %dma_start3A_368 = tpu.memref_squeeze %dma_start3A_367 : memref<1x128xi32, #tpu.memory_space<vmem>> -> memref<128xi32, #tpu.memory_space<vmem>>
    %dma_start3A_369 = arith.constant 0 : i32
    %dma_start3A_370 = tpu.memref_slice %arg8[%dma_start3A_369] : memref<16384xf32, #tpu.memory_space<hbm>> -> memref<16384xf32, #tpu.memory_space<hbm>>
    tpu.enqueue_indirect_dma source(%dma_start3A_365 : memref<128xf32, #tpu.memory_space<vmem>>) target(%dma_start3A_370 : memref<16384xf32, #tpu.memory_space<hbm>>) offsets(%dma_start3A_368 : memref<128xi32, #tpu.memory_space<vmem>>) semaphore(%arg19 : memref<!tpu.dma_semaphore, #tpu.memory_space<semaphore_mem>>)
    %dma_start3A_371 = arith.constant 3 : i32
    %dma_start3A_372 = arith.constant 384 : i32
    %dma_start3A_373 = tpu.memref_slice %arg16[%dma_start3A_372] : memref<534xf32, #tpu.memory_space<vmem>> -> memref<128xf32, #tpu.memory_space<vmem>>
    %dma_start3A_374 = arith.constant 0 : i32
    %dma_start3A_375 = tpu.memref_slice %arg11[%dma_start3A_371, %dma_start3A_374] : memref<4x128xi32, #tpu.memory_space<vmem>> -> memref<1x128xi32, #tpu.memory_space<vmem>>
    %dma_start3A_376 = tpu.memref_squeeze %dma_start3A_375 : memref<1x128xi32, #tpu.memory_space<vmem>> -> memref<128xi32, #tpu.memory_space<vmem>>
    %dma_start3A_377 = arith.constant 0 : i32
    %dma_start3A_378 = tpu.memref_slice %arg8[%dma_start3A_377] : memref<16384xf32, #tpu.memory_space<hbm>> -> memref<16384xf32, #tpu.memory_space<hbm>>
    tpu.enqueue_indirect_dma source(%dma_start3A_373 : memref<128xf32, #tpu.memory_space<vmem>>) target(%dma_start3A_378 : memref<16384xf32, #tpu.memory_space<hbm>>) offsets(%dma_start3A_376 : memref<128xi32, #tpu.memory_space<vmem>>) semaphore(%arg19 : memref<!tpu.dma_semaphore, #tpu.memory_space<semaphore_mem>>)
    %dma_wait3A_379 = arith.constant 0 : i32
    %dma_wait3A_380 = tpu.memref_slice %arg16[%dma_wait3A_379] : memref<534xf32, #tpu.memory_space<vmem>> -> memref<128xf32, #tpu.memory_space<vmem>>
    %dma_wait3A_381 = arith.constant 0 : i32
    %dma_wait3A_382 = tpu.memref_slice %arg8[%dma_wait3A_381] : memref<16384xf32, #tpu.memory_space<hbm>> -> memref<128xf32, #tpu.memory_space<hbm>>
    %dma_wait3A_383 = arith.constant 0 : i32
    %dma_wait3A_384 = tpu.memref_slice %arg8[%dma_wait3A_383] : memref<16384xf32, #tpu.memory_space<hbm>> -> memref<128xf32, #tpu.memory_space<hbm>>
    %dma_wait3A_385 = arith.constant 0 : i32
    %dma_wait3A_386 = tpu.memref_slice %arg16[%dma_wait3A_385] : memref<534xf32, #tpu.memory_space<vmem>> -> memref<128xf32, #tpu.memory_space<vmem>>
    tpu.wait_dma2 semaphore(%arg19 : memref<!tpu.dma_semaphore, #tpu.memory_space<semaphore_mem>>) src(%dma_wait3A_386 : memref<128xf32, #tpu.memory_space<vmem>>) dst(%dma_wait3A_384 : memref<128xf32, #tpu.memory_space<hbm>>)
    %dma_wait3A_387 = arith.constant 128 : i32
    %dma_wait3A_388 = tpu.memref_slice %arg16[%dma_wait3A_387] : memref<534xf32, #tpu.memory_space<vmem>> -> memref<128xf32, #tpu.memory_space<vmem>>
    %dma_wait3A_389 = arith.constant 0 : i32
    %dma_wait3A_390 = tpu.memref_slice %arg8[%dma_wait3A_389] : memref<16384xf32, #tpu.memory_space<hbm>> -> memref<128xf32, #tpu.memory_space<hbm>>
    %dma_wait3A_391 = arith.constant 0 : i32
    %dma_wait3A_392 = tpu.memref_slice %arg8[%dma_wait3A_391] : memref<16384xf32, #tpu.memory_space<hbm>> -> memref<128xf32, #tpu.memory_space<hbm>>
    %dma_wait3A_393 = arith.constant 128 : i32
    %dma_wait3A_394 = tpu.memref_slice %arg16[%dma_wait3A_393] : memref<534xf32, #tpu.memory_space<vmem>> -> memref<128xf32, #tpu.memory_space<vmem>>
    tpu.wait_dma2 semaphore(%arg19 : memref<!tpu.dma_semaphore, #tpu.memory_space<semaphore_mem>>) src(%dma_wait3A_394 : memref<128xf32, #tpu.memory_space<vmem>>) dst(%dma_wait3A_392 : memref<128xf32, #tpu.memory_space<hbm>>)
    %dma_wait3A_395 = arith.constant 256 : i32
    %dma_wait3A_396 = tpu.memref_slice %arg16[%dma_wait3A_395] : memref<534xf32, #tpu.memory_space<vmem>> -> memref<128xf32, #tpu.memory_space<vmem>>
    %dma_wait3A_397 = arith.constant 0 : i32
    %dma_wait3A_398 = tpu.memref_slice %arg8[%dma_wait3A_397] : memref<16384xf32, #tpu.memory_space<hbm>> -> memref<128xf32, #tpu.memory_space<hbm>>
    %dma_wait3A_399 = arith.constant 0 : i32
    %dma_wait3A_400 = tpu.memref_slice %arg8[%dma_wait3A_399] : memref<16384xf32, #tpu.memory_space<hbm>> -> memref<128xf32, #tpu.memory_space<hbm>>
    %dma_wait3A_401 = arith.constant 256 : i32
    %dma_wait3A_402 = tpu.memref_slice %arg16[%dma_wait3A_401] : memref<534xf32, #tpu.memory_space<vmem>> -> memref<128xf32, #tpu.memory_space<vmem>>
    tpu.wait_dma2 semaphore(%arg19 : memref<!tpu.dma_semaphore, #tpu.memory_space<semaphore_mem>>) src(%dma_wait3A_402 : memref<128xf32, #tpu.memory_space<vmem>>) dst(%dma_wait3A_400 : memref<128xf32, #tpu.memory_space<hbm>>)
    %dma_wait3A_403 = arith.constant 384 : i32
    %dma_wait3A_404 = tpu.memref_slice %arg16[%dma_wait3A_403] : memref<534xf32, #tpu.memory_space<vmem>> -> memref<128xf32, #tpu.memory_space<vmem>>
    %dma_wait3A_405 = arith.constant 0 : i32
    %dma_wait3A_406 = tpu.memref_slice %arg8[%dma_wait3A_405] : memref<16384xf32, #tpu.memory_space<hbm>> -> memref<128xf32, #tpu.memory_space<hbm>>
    %dma_wait3A_407 = arith.constant 0 : i32
    %dma_wait3A_408 = tpu.memref_slice %arg8[%dma_wait3A_407] : memref<16384xf32, #tpu.memory_space<hbm>> -> memref<128xf32, #tpu.memory_space<hbm>>
    %dma_wait3A_409 = arith.constant 384 : i32
    %dma_wait3A_410 = tpu.memref_slice %arg16[%dma_wait3A_409] : memref<534xf32, #tpu.memory_space<vmem>> -> memref<128xf32, #tpu.memory_space<vmem>>
    tpu.wait_dma2 semaphore(%arg19 : memref<!tpu.dma_semaphore, #tpu.memory_space<semaphore_mem>>) src(%dma_wait3A_410 : memref<128xf32, #tpu.memory_space<vmem>>) dst(%dma_wait3A_408 : memref<128xf32, #tpu.memory_space<hbm>>)
    return
  }
}

</mosaic_0001>

<sc_bundles>
// kernel: _run.3.cloned.1.call-start
scs
__scs_entry_jumppad:
0x0: {  	(pc) =	sbr.rel $0x88, $3  }
0x1: {  	(tag) =	ssettag $0x0;
	lr =	simm.s32 $0x1  }
0x2: {  	[smem:$0x3F9B] =	sst lr;
	_ =	strace $0xD0000000  }
0x3: {  	_ = 	snop  }
0x4: {  	_ = 	snop  }
0x5: {  	_ = 	snop  }
0x6: {  	_ = 	snop  }
0x7: {  	_ = 	snop  }
__scs_overlays_trampoline_lowered:
0x8: {  	[smem:$0x3FAA] =	sst s0  }
0x9: {  	[smem:$0x3FAB] =	sst s1  }
0xa: {  	[smem:$0x3FAC] =	sst s2  }
0xb: {  	[smem:$0x3FAD] =	sst s3  }
0xc: {  	[smem:$0x3FAE] =	sst s4  }
0xd: {  	[smem:$0x3FAF] =	sst s5  }
0xe: {  	[smem:$0x3FB0] =	sst s6  }
0xf: {  	[smem:$0x3FB1] =	sst s7  }
0x10: {  	[smem:$0x3FB2] =	sst s8  }
0x11: {  	[smem:$0x3FB3] =	sst s9;
	s0 =	simm.s32 @!p0 $0x0  }
0x12: {  	s1 =	sld [smem:$0x3F99];
	s0 =	simm.s32 @p0 $0x1  }
0x13: {  	[smem:$0x3FB4] =	sst s0;
	s0 =	simm.s32 @!p1 $0x0  }
0x14: {  	s2 =	sld [smem:$0x3F98];
	s0 =	simm.s32 @p1 $0x1  }
0x15: {  	[smem:$0x3FB5] =	sst s0;
	s0 =	simm.s32 @!p2 $0x0  }
0x16: {  	s3 =	sld [smem:$0x3FDB];
	s0 =	simm.s32 @p2 $0x1  }
0x17: {  	s4 =	simm.s32 $0x1BF5;
	[smem:$0x3FB7] =	sst s0  }
0x18: {  	s0 =	sld [smem:$0x3F9A];
	_ =	swait.ge [sflag:s4], $0x0  }
0x19: {  	s7 =	sld [smem:$0x3F9B]  }
0x1a: {  	s8 =	sadd.s32 $0xFFFFE003, lr  }
0x1b: {  	s9 =	sadd.s32 $0xFFFFFEF7, lr;
	s5 =	simm.s32 $0xFFFFFFFF;
	p2 =	slt.u32 s8, $0xFFFFF086  }
0x1c: {  	p1 =	slt.u32 s9, $0xF7A;
	s5 =	simm.s32 @!p2 $0x0  }
0x1d: {  	s5 =	simm.s32 @p1 $0x1;
	p0 =	seq.s32 s7, s2  }
0x1e: {  	s7 =	smul.u32 @!p0 $0xF7A, s2;
	p2 =	seq.s32 @!p0 s5, $0x0  }
0x1f: {  	s9 =	smul.u32 $0xF7A, s1;
	s8 =	simm.s32 @!p0 $0x1BF5;
	p2 =	por !p2, p0  }
0x20: {  	[sflag:s8] =	ssyncset.s32 @!p0 $0xFFFFF086;
	s6 =	sadd.s32 @!p0 s3, s7;
	s7 =	simm.s32 @!p0 $0x108  }
0x21: {  	s3 =	sadd.s32 s3, s9;
	s6 =	sadd.s32 @!p0 $0x88, s6;
	s7 =	simm.s32 @p2 $0x1082  }
0x22: {  	[simem:s7], [sflag:s8] =	dma.local @!p0 [hbm:s6], $0xF7A  }
0x23: {  	s9 =	sor.u32 $0xD0000000, s2;
	s6 =	simm.s32 $0x108;
	_ =	swait.ge @!p0 [sflag:s8], $0x0  }
0x24: {  	s3 =	sadd.s32 $0x88, s3;
	s6 =	simm.s32 @!p1 $0x1082;
	[sflag:s4] =	ssyncset.s32 $0xFFFFF086  }
0x25: {  	[simem:s6], [sflag:s4] =	dma.local [hbm:s3], $0xF7A  }
0x26: {  	[smem:$0x3F9B] =	sst s1;
	(tag) =	ssettag s2;
	_ =	strace s9  }
0x27: {  	s1 =	sld [smem:$0x3FAB]  }
0x28: {  	s2 =	sld [smem:$0x3FAC]  }
0x29: {  	s4 =	sld [smem:$0x3FAE]  }
0x2a: {  	p0 =	seq.s32 s5, $0x0;
	s5 =	sld [smem:$0x3FAF]  }
0x2b: {  	s6 =	sld [smem:$0x3FB0]  }
0x2c: {  	s7 =	sld [smem:$0x3FB1]  }
0x2d: {  	s3 =	simm.s32 $0x108;
	s8 =	sld [smem:$0x3FB2]  }
0x2e: {  	s3 =	simm.s32 @!p0 $0x1082;
	s9 =	sld [smem:$0x3FB3]  }
0x2f: {  	lr =	sadd.s32 s0, s3;
	s0 =	sld [smem:$0x3FAA]  }
0x30: {  	s3 =	sld [smem:$0x3FAD]  }
0x31: {  	[smem:$0x3FB6] =	sst s10  }
0x32: {  	s10 =	sld [smem:$0x3FB4];
	_ =	sdelay $0x3  }
0x33: {  	p0 =	seq.s32 s10, $0x1;
	s10 =	sld [smem:$0x3FB6];
	_ =	sdelay $0x3  }
0x34: {  	[smem:$0x3FB6] =	sst s10  }
0x35: {  	s10 =	sld [smem:$0x3FB5];
	_ =	sdelay $0x3  }
0x36: {  	p1 =	seq.s32 s10, $0x1;
	s10 =	sld [smem:$0x3FB6];
	_ =	sdelay $0x3  }
0x37: {  	[smem:$0x3FB6] =	sst s10  }
0x38: {  	s10 =	sld [smem:$0x3FB7]  }
0x39: {  	_ = 	snop;
	(pc) =	sbr.ind lr, $3  }
0x3a: {  	_ = 	snop  }
0x3b: {  	_ = 	snop  }
0x3c: {  	p2 =	seq.s32 s10, $0x1;
	s10 =	sld [smem:$0x3FB6]  }
0x3d: {  	_ =	shalt  }
0x3e: {  	_ =	shalt  }
0x3f: {  	_ =	shalt  }
0x40: {  	_ =	shalt  }
0x41: {  	_ =	shalt  }
0x42: {  	_ =	shalt  }
0x43: {  	_ =	shalt  }
0x44: {  	_ =	shalt  }
0x45: {  	_ =	shalt  }
0x46: {  	_ =	shalt  }
0x47: {  	_ =	shalt  }
0x48: {  	_ =	shalt  }
0x49: {  	_ =	shalt  }
0x4a: {  	_ =	shalt  }
0x4b: {  	_ =	shalt  }
0x4c: {  	_ =	shalt  }
0x4d: {  	_ =	shalt  }
0x4e: {  	_ =	shalt  }
0x4f: {  	_ =	shalt  }
0x50: {  	_ =	shalt  }
0x51: {  	_ =	shalt  }
0x52: {  	_ =	shalt  }
0x53: {  	_ =	shalt  }
0x54: {  	_ =	shalt  }
0x55: {  	_ =	shalt  }
0x56: {  	_ =	shalt  }
0x57: {  	_ =	shalt  }
0x58: {  	_ =	shalt  }
0x59: {  	_ =	shalt  }
0x5a: {  	_ =	shalt  }
0x5b: {  	_ =	shalt  }
0x5c: {  	_ =	shalt  }
0x5d: {  	_ =	shalt  }
0x5e: {  	_ =	shalt  }
0x5f: {  	_ =	shalt  }
0x60: {  	_ =	shalt  }
0x61: {  	_ =	shalt  }
0x62: {  	_ =	shalt  }
0x63: {  	_ =	shalt  }
0x64: {  	_ =	shalt  }
0x65: {  	_ =	shalt  }
0x66: {  	_ =	shalt  }
0x67: {  	_ =	shalt  }
0x68: {  	_ =	shalt  }
0x69: {  	_ =	shalt  }
0x6a: {  	_ =	shalt  }
0x6b: {  	_ =	shalt  }
0x6c: {  	_ =	shalt  }
0x6d: {  	_ =	shalt  }
0x6e: {  	_ =	shalt  }
0x6f: {  	_ =	shalt  }
0x70: {  	_ =	shalt  }
0x71: {  	_ =	shalt  }
0x72: {  	_ =	shalt  }
0x73: {  	_ =	shalt  }
0x74: {  	_ =	shalt  }
0x75: {  	_ =	shalt  }
0x76: {  	_ =	shalt  }
0x77: {  	_ =	shalt  }
0x78: {  	_ =	shalt  }
0x79: {  	_ =	shalt  }
0x7a: {  	_ =	shalt  }
0x7b: {  	_ =	shalt  }
0x7c: {  	_ =	shalt  }
0x7d: {  	_ =	shalt  }
0x7e: {  	_ =	shalt  }
0x7f: {  	_ =	shalt  }
0x80: {  	_ =	shalt  }
0x81: {  	_ =	shalt  }
0x82: {  	_ =	shalt  }
0x83: {  	_ =	shalt  }
0x84: {  	_ =	shalt  }
0x85: {  	_ =	shalt  }
0x86: {  	_ =	shalt  }
0x87: {  	_ =	shalt  }
.Lfunc_end0:
.L_simem_size_0:
called_computation_lowered:
.L_overlay_start_0:
0x88: {  	s2 =	sld [smem:$0x3FD9]  }
0x89: {  	s3 =	sld [smem:$0x3FFE];
	_ =	sdelay $0x1  }
0x8a: {  	s1 =	srdreg.scid  }
0x8b: {  	s0 =	sand.u32 $0x1, s1  }
0x8c: {  	s17 =	sshll.u32 s0, $0xA;
	s2 =	sadd.s32 s3, s2  }
0x8d: {  	s2 =	sadd.s32 s2, s17  }
0x8e: {  	[smem:$0x3FC2] =	sst s2  }
0x8f: {  	_ = 	snop  }
0x90: {  	s2 =	sld [smem:$0x3FC9]  }
0x91: {  	s18 =	sld [smem:$0x3FC7]  }
0x92: {  	s4 =	sld [smem:$0x3FC6]  }
0x93: {  	s5 =	sld [smem:$0x3FC5]  }
0x94: {  	s6 =	sld [smem:$0x3FC4]  }
0x95: {  	s7 =	sld [smem:$0x3FD0];
	(tm) =	ssettm $0x1  }
0x96: {  	s8 =	sld [smem:$0x3FFB];
	_ =	sdelay $0x3  }
0x97: {  	_ =	strace s8  }
0x98: {  	s8 =	sld [smem:$0x3FFC];
	_ =	sdelay $0x3  }
0x99: {  	_ =	strace s8  }
0x9a: {  	s8 =	sld [smem:$0x3FFD];
	_ =	sdelay $0x3  }
0x9b: {  	_ =	strace s8  }
0x9c: {  	_ =	strace $0x8FFFFFFF  }
0x9d: {  	s19 =	sld [smem:$0x3FDB];
	_ =	sdelay $0x1  }
0x9e: {  	s9 =	simm.s32 $_scs_section_size  }
0x9f: {  	s10 =	simm.s32 $_size__tile_overlayer_lowered;
	s11 =	simm.s32 $_tile_overlayer_lowered  }
0xa0: {  	s22 =	simm.s32 $0x1BFF;
	s21 =	sshll.u32 s11, $0x1;
	s8 =	sadd.s32 s9, s19  }
0xa1: {  	s12 =	simm.s32 $0x0;
	s20 =	sshll.u32 s10, $0x1;
	s10 =	sadd.s32 s21, s8  }
0xa2: {  	[timem:s12], [sflag:s22] =	dma.local [hbm:s10], s20  }
0xa3: {  	_ =	swait.ge [sflag:s22], s20  }
0xa4: {  	s9 =	ssub.s32 $0x0, s20;
	[sflag:s22] =	ssyncset.done $0x0  }
0xa5: {  	[sflag:s22] =	ssyncadd.s32 s9;
	_ =	sdelay $0x1  }
0xa6: {  	s23 =	simm.s32 $0x1B8B  }
0xa7: {  	_ =	swait.ge [sflag:s23], $0x1  }
0xa8: {  	[sflag:s23] =	ssyncset.done $0x0  }
0xa9: {  	s25 =	simm.s32 $0x1B8E;
	s24 =	sld [smem:$0x3FFE];
	[sflag:s23] =	ssyncadd.s32 $0xFFFFFFFF  }
0xaa: {  	s26 =	simm.s32 $execute0_lowered;
	[smem:$0x3FD2] =	sst s25  }
0xab: {  	s10 =	sshll.u32 s26, $0x1;
	_ =	strace $0x80000046;
	[dreg:$0x1] =	wrdreg $0xFFFFFFFF  }
0xac: {  	s28 =	simm.s32 $_size_execute0_lowered;
	s8 =	sadd.s32 s8, s10;
	[dreg:$0x0] =	wrdreg $0x0  }
0xad: {  	s10 =	sshll.u32 s28, $0x1;
	[dreg:$0x2] =	wrdreg s8  }
0xae: {  	[dreg:$0x3] =	wrdreg s10  }
0xaf: {  	[dreg:$0x4] =	wrdreg $0xC0  }
0xb0: {  	_ =	task [dreg:s12], $0x5FFFF  }
0xb1: {  	[dreg:$0x1] =	wrdreg $0xFFFFFFFF  }
0xb2: {  	[dreg:$0x0] =	wrdreg $0x60  }
0xb3: {  	[dreg:$0x2] =	wrdreg s2  }
0xb4: {  	[dreg:$0x3] =	wrdreg s24  }
0xb5: {  	[dreg:$0x4] =	wrdreg s18  }
0xb6: {  	[dreg:$0x5] =	wrdreg s4  }
0xb7: {  	[dreg:$0x6] =	wrdreg s5  }
0xb8: {  	[dreg:$0x7] =	wrdreg s6  }
0xb9: {  	[dreg:$0x8] =	wrdreg s7  }
0xba: {  	[dreg:$0x9] =	wrdreg $0x9  }
0xbb: {  	_ =	task.clear_ibuf [dreg:s12], $0xAFFFF;
	_ =	strace $0x90000046  }
0xbc: {  	s29 =	simm.s32 $0x9;
	_ =	strace $0x80000048  }
0xbd: {  	_ =	swait.ge [sflag:s29], $0x1  }
0xbe: {  	[sflag:s29] =	ssyncadd.s32 $0xFFFFFFFF  }
0xbf: {  	_ =	strace $0x90000048  }
0xc0: {  	_ =	sfence  }
0xc1: {  	s30 =	sld [smem:$0x0];
	_ =	sdelay $0x2  }
0xc2: {  	s31 =	sshll.u32 s1, $0xD;
	s1 =	sshrl.u32 s1, $0x2  }
0xc3: {  	s3 =	sand.u32 $0x4000, s31;
	s1 =	sadd.s32 s1, s30  }
0xc4: {  	s0 =	sor.u32 s3, s0;
	s1 =	sshll.u32 s1, $0x11  }
0xc5: {  	s0 =	sor.u32 s1, s0  }
0xc6: {  	s0 =	sadd.s32 $0x8F2B, s0  }
0xc7: {  	[sflag:s0] =	ssyncadd.remote.s32 $0x1  }
0xc8: {  	_ =	sfence.sel $0xFFFF  }
0xc9: {  	[dreg:$0x0] =	wrdreg $0xFFFFFFFF;
	(pc) =	sbr.abs _section_cstart, $3  }
0xca: {  	[dreg:$0x1] =	wrdreg $0xFFFFFFFF  }
0xcb: {  	_ =	task.clear_ibuf [dreg:s12], $0x2FFFF;
	_ =	strace $0x9FFFFFFF  }
0xcc: {  	(tm) =	ssettm $0x7FFFFFFF  }
0xcd: {  	_ =	shalt  }
tec
execute0_lowered:
.L_overlay_start_1:
0x0: {  	(tag) =	ssettag $0x1  }
0x1: {  	v0 =	vimm.s32 $0x33221100;
	v1 =	vimm.s32 $0x81800100;
	vm0 =	vcmask $0x1F00  }
0x2: {  	v2 =	vimm.s32 $0x5050404;
	vm3 =	vcmask $0xF00;
	vm1 =	vcmask $0x1310  }
0x3: {  	vm6 =	vcmask $0x1714;
	vm2 =	vcmask $0x1B18;
	v3 =	vimm.s32 $0x87860706  }
0x4: {  	v4 =	vimm.s32 $0x89880908;
	v8 =	vimm.s32 $0x8D8C0D0C;
	v11 =	vimm.s32 $0x97961716  }
0x5: {  	v13 =	vimm.s32 $0x9B9A1B1A;
	v15 =	vimm.s32 $0x9F9E1F1E;
	v20 =	vimm.s32 $0xA9A82928  }
0x6: {  	v22 =	vimm.s32 $0xADAC2D2C;
	v24 =	vimm.s32 $0xB1B03130;
	v53 =	vimm.s32 $0xB5B43534  }
0x7: {  	v29 =	vimm.s32 $0xBBBA3B3A;
	v30 =	vimm.s32 $0xBDBC3D3C;
	v0 =	vunpack.c.l.s4.s8 v0  }
0x8: {  	v31 =	vimm.s32 $0xBFBE3F3E;
	v34 =	vimm.s32 $0x82838081;
	vm4 =	vcmask $0x1F10  }
0x9: {  	v35 =	vimm.s32 $0x86878485;
	v1 =	vunpack.c.0.s8.s32 v1;
	v0 =	vunpack.c.0.s8.s32 v0  }
0xa: {  	v36 =	vimm.s32 $0x10E;
	vm5 =	vcmask $0x704;
	v2 =	vunpack.c.0.s8.s32 v2  }
0xb: {  	v1 =	vand.u32 $0xFF, v1;
	v0 =	vnsel vm0, $0x6, v0;
	vm0 =	vcmask $0x2F20  }
0xc: {  	vm7 =	vcmask $0x2724;
	v1 =	vnsel vm3, $0x301, v1;
	v0 =	vsel vm0, v2, v0  }
0xd: {  	v5 =	vunpack.c.0.s8.s32 v3;
	v29 =	vunpack.c.0.s8.s32 v29;
	[tilespmem:$0x1FC10] =	vst v0;
	v0 =	vsel vm1, $0x100, v1  }
0xe: {  	v30 =	vunpack.c.0.s8.s32 v30;
	v1 =	vimm.s32 $0x83820302;
	v0 =	vsel vm6, $0x101, v0  }
0xf: {  	v2 =	vsel vm2, $0x180, v0;
	v0 =	vunpack.c.0.s8.s32 v1;
	v1 =	vimm.s32 $0x85840504  }
0x10: {  	v31 =	vunpack.c.0.s8.s32 v31;
	v34 =	vunpack.c.0.s8.s32 v34;
	v1 =	vunpack.c.0.s8.s32 v1  }
0x11: {  	v35 =	vunpack.c.0.s8.s32 v35;
	vm0 =	vcmask $0x1F1C;
	v0 =	vand.u32 $0xFF, v0  }
0x12: {  	v3 =	vnsel vm3, $0x303, v0;
	v0 =	vand.u32 $0xFF, v1;
	v1 =	vunpack.c.0.s8.s32 v4  }
0x13: {  	v2 =	vsel vm0, $0x181, v2;
	v4 =	vnsel vm3, $0x305, v0;
	v0 =	vand.u32 $0xFF, v5  }
0x14: {  	v5 =	vimm.s32 $0x8B8A0B0A;
	v3 =	vsel vm1, $0x102, v3;
	v1 =	vand.u32 $0xFF, v1  }
0x15: {  	v7 =	vunpack.c.0.s8.s32 v5;
	v5 =	vnsel vm3, $0x307, v0;
	v0 =	vunpack.c.0.s8.s32 v8  }
0x16: {  	v8 =	vimm.s32 $0x91901110;
	v4 =	vsel vm1, $0x104, v4;
	v3 =	vsel vm6, $0x103, v3  }
0x17: {  	v6 =	vnsel vm3, $0x309, v1;
	v8 =	vunpack.c.0.s8.s32 v8;
	v4 =	vsel vm6, $0x105, v4  }
0x18: {  	v5 =	vsel vm1, $0x106, v5;
	v3 =	vsel vm2, $0x182, v3;
	v1 =	vand.u32 $0xFF, v7  }
0x19: {  	v7 =	vimm.s32 $0x8F8E0F0E;
	v0 =	vand.u32 $0xFF, v0;
	v6 =	vsel vm1, $0x108, v6  }
0x1a: {  	v5 =	vsel vm6, $0x107, v5;
	v4 =	vsel vm2, $0x184, v4;
	v3 =	vsel vm0, $0x183, v3  }
0x1b: {  	v9 =	vunpack.c.0.s8.s32 v7;
	v10 =	vnsel vm3, $0x30B, v1;
	v7 =	vnsel vm3, $0x30D, v0  }
0x1c: {  	v0 =	vimm.s32 $0x93921312;
	v8 =	vand.u32 $0xFF, v8;
	v6 =	vsel vm6, $0x109, v6  }
0x1d: {  	v4 =	vsel vm0, $0x185, v4;
	v5 =	vsel vm2, $0x186, v5;
	v0 =	vunpack.c.0.s8.s32 v0  }
0x1e: {  	v8 =	vnsel vm3, $0x311, v8;
	v10 =	vsel vm1, $0x10A, v10;
	v7 =	vsel vm1, $0x10C, v7  }
0x1f: {  	v6 =	vsel vm2, $0x188, v6;
	v5 =	vsel vm0, $0x187, v5;
	v1 =	vand.u32 $0xFF, v9  }
0x20: {  	v10 =	vsel vm6, $0x10B, v10;
	v8 =	vsel vm1, $0x110, v8;
	v7 =	vsel vm6, $0x10D, v7  }
0x21: {  	v6 =	vsel vm0, $0x189, v6;
	v9 =	vnsel vm3, $0x30F, v1;
	v1 =	vimm.s32 $0x95941514  }
0x22: {  	v0 =	vand.u32 $0xFF, v0;
	v8 =	vsel vm6, $0x111, v8;
	v10 =	vsel vm2, $0x18A, v10  }
0x23: {  	v7 =	vsel vm2, $0x18C, v7;
	v1 =	vunpack.c.0.s8.s32 v1;
	v12 =	vnsel vm3, $0x313, v0  }
0x24: {  	v0 =	vunpack.c.0.s8.s32 v11;
	v11 =	vimm.s32 $0x99981918;
	v9 =	vsel vm1, $0x10E, v9  }
0x25: {  	v10 =	vsel vm0, $0x18B, v10;
	v8 =	vsel vm2, $0x190, v8;
	v7 =	vsel vm0, $0x18D, v7  }
0x26: {  	v11 =	vunpack.c.0.s8.s32 v11;
	v9 =	vsel vm6, $0x10F, v9;
	v12 =	vsel vm1, $0x112, v12  }
0x27: {  	v8 =	vsel vm0, $0x191, v8;
	v1 =	vand.u32 $0xFF, v1;
	v0 =	vand.u32 $0xFF, v0  }
0x28: {  	v12 =	vsel vm6, $0x113, v12;
	v9 =	vsel vm2, $0x18E, v9;
	v14 =	vnsel vm3, $0x315, v1  }
0x29: {  	v1 =	vunpack.c.0.s8.s32 v13;
	v13 =	vnsel vm3, $0x317, v0;
	v0 =	vand.u32 $0xFF, v11  }
0x2a: {  	v11 =	vimm.s32 $0x9D9C1D1C;
	v9 =	vsel vm0, $0x18F, v9;
	v12 =	vsel vm2, $0x192, v12  }
0x2b: {  	v11 =	vunpack.c.0.s8.s32 v11;
	v16 =	vnsel vm3, $0x319, v0;
	v0 =	vunpack.c.0.s8.s32 v15  }
0x2c: {  	v15 =	vimm.s32 $0xA3A22322;
	v14 =	vsel vm1, $0x114, v14;
	v13 =	vsel vm1, $0x116, v13  }
0x2d: {  	v12 =	vsel vm0, $0x193, v12;
	v1 =	vand.u32 $0xFF, v1;
	v15 =	vunpack.c.0.s8.s32 v15  }
0x2e: {  	v14 =	vsel vm6, $0x115, v14;
	v13 =	vsel vm6, $0x117, v13;
	v16 =	vsel vm1, $0x118, v16  }
0x2f: {  	v17 =	vnsel vm3, $0x31B, v1;
	v1 =	vand.u32 $0xFF, v11;
	v11 =	vimm.s32 $0xA1A02120  }
0x30: {  	v0 =	vand.u32 $0xFF, v0;
	v16 =	vsel vm6, $0x119, v16;
	v14 =	vsel vm2, $0x194, v14  }
0x31: {  	v13 =	vsel vm2, $0x196, v13;
	v11 =	vunpack.c.0.s8.s32 v11;
	v18 =	vnsel vm3, $0x31D, v1  }
0x32: {  	v19 =	vnsel vm3, $0x31F, v0;
	v0 =	vimm.s32 $0xA5A42524;
	v17 =	vsel vm1, $0x11A, v17  }
0x33: {  	v14 =	vsel vm0, $0x195, v14;
	v13 =	vsel vm0, $0x197, v13;
	v16 =	vsel vm2, $0x198, v16  }
0x34: {  	v0 =	vunpack.c.0.s8.s32 v0;
	v18 =	vsel vm1, $0x11C, v18;
	v17 =	vsel vm6, $0x11B, v17  }
0x35: {  	v19 =	vsel vm1, $0x11E, v19;
	v16 =	vsel vm0, $0x199, v16;
	v1 =	vand.u32 $0xFF, v11  }
0x36: {  	v11 =	vand.u32 $0xFF, v15;
	v18 =	vsel vm6, $0x11D, v18;
	v19 =	vsel vm6, $0x11F, v19  }
0x37: {  	v17 =	vsel vm2, $0x19A, v17;
	v15 =	vnsel vm3, $0x321, v1;
	v11 =	vnsel vm3, $0x323, v11  }
0x38: {  	v1 =	vimm.s32 $0xA7A62726;
	v0 =	vand.u32 $0xFF, v0;
	v18 =	vsel vm2, $0x19C, v18  }
0x39: {  	v17 =	vsel vm0, $0x19B, v17;
	v19 =	vsel vm2, $0x19E, v19;
	v1 =	vunpack.c.0.s8.s32 v1  }
0x3a: {  	v21 =	vnsel vm3, $0x325, v0;
	v0 =	vunpack.c.0.s8.s32 v20;
	v20 =	vimm.s32 $0xABAA2B2A  }
0x3b: {  	v15 =	vsel vm1, $0x120, v15;
	v11 =	vsel vm1, $0x122, v11;
	v18 =	vsel vm0, $0x19D, v18  }
0x3c: {  	v19 =	vsel vm0, $0x19F, v19;
	v20 =	vunpack.c.0.s8.s32 v20;
	v15 =	vsel vm6, $0x121, v15  }
0x3d: {  	v11 =	vsel vm6, $0x123, v11;
	v21 =	vsel vm1, $0x124, v21;
	v1 =	vand.u32 $0xFF, v1  }
0x3e: {  	v0 =	vand.u32 $0xFF, v0;
	v21 =	vsel vm6, $0x125, v21;
	v15 =	vsel vm2, $0x1A0, v15  }
0x3f: {  	v11 =	vsel vm2, $0x1A2, v11;
	v23 =	vnsel vm3, $0x327, v1;
	v1 =	vunpack.c.0.s8.s32 v22  }
0x40: {  	v22 =	vnsel vm3, $0x329, v0;
	v0 =	vand.u32 $0xFF, v20;
	v20 =	vimm.s32 $0xAFAE2F2E  }
0x41: {  	v15 =	vsel vm0, $0x1A1, v15;
	v11 =	vsel vm0, $0x1A3, v11;
	v21 =	vsel vm2, $0x1A4, v21  }
0x42: {  	v20 =	vunpack.c.0.s8.s32 v20;
	v25 =	vnsel vm3, $0x32B, v0;
	v0 =	vunpack.c.0.s8.s32 v24  }
0x43: {  	v24 =	vunpack.c.0.s8.s32 v53;
	v23 =	vsel vm1, $0x126, v23;
	v22 =	vsel vm1, $0x128, v22  }
0x44: {  	v21 =	vsel vm0, $0x1A5, v21;
	v1 =	vand.u32 $0xFF, v1;
	v23 =	vsel vm6, $0x127, v23  }
0x45: {  	v22 =	vsel vm6, $0x129, v22;
	v25 =	vsel vm1, $0x12A, v25;
	v26 =	vnsel vm3, $0x32D, v1  }
0x46: {  	v1 =	vand.u32 $0xFF, v20;
	v20 =	vimm.s32 $0xB3B23332;
	v0 =	vand.u32 $0xFF, v0  }
0x47: {  	v25 =	vsel vm6, $0x12B, v25;
	v23 =	vsel vm2, $0x1A6, v23;
	v22 =	vsel vm2, $0x1A8, v22  }
0x48: {  	v20 =	vunpack.c.0.s8.s32 v20;
	v27 =	vnsel vm3, $0x32F, v1;
	v28 =	vnsel vm3, $0x331, v0  }
0x49: {  	v0 =	vimm.s32 $0xB7B63736;
	v26 =	vsel vm1, $0x12C, v26;
	v23 =	vsel vm0, $0x1A7, v23  }
0x4a: {  	v22 =	vsel vm0, $0x1A9, v22;
	v25 =	vsel vm2, $0x1AA, v25;
	v0 =	vunpack.c.0.s8.s32 v0  }
0x4b: {  	v27 =	vsel vm1, $0x12E, v27;
	v26 =	vsel vm6, $0x12D, v26;
	v28 =	vsel vm1, $0x130, v28  }
0x4c: {  	v25 =	vsel vm0, $0x1AB, v25;
	v1 =	vand.u32 $0xFF, v20;
	v20 =	vand.u32 $0xFF, v24  }
0x4d: {  	v27 =	vsel vm6, $0x12F, v27;
	v28 =	vsel vm6, $0x131, v28;
	v26 =	vsel vm2, $0x1AC, v26  }
0x4e: {  	v54 =	vnsel vm3, $0x333, v1;
	v20 =	vnsel vm3, $0x335, v20;
	v1 =	vimm.s32 $0xB9B83938  }
0x4f: {  	v0 =	vand.u32 $0xFF, v0;
	v27 =	vsel vm2, $0x1AE, v27;
	v26 =	vsel vm0, $0x1AD, v26  }
0x50: {  	v28 =	vsel vm2, $0x1B0, v28;
	v1 =	vunpack.c.0.s8.s32 v1;
	v32 =	vnsel vm3, $0x337, v0  }
0x51: {  	v0 =	vand.u32 $0xFF, v29;
	v24 =	vsel vm1, $0x132, v54;
	v20 =	vsel vm1, $0x134, v20  }
0x52: {  	v27 =	vsel vm0, $0x1AF, v27;
	v28 =	vsel vm0, $0x1B1, v28;
	v29 =	vnsel vm3, $0x33B, v0  }
0x53: {  	v0 =	vand.u32 $0xFF, v30;
	v24 =	vsel vm6, $0x133, v24;
	v20 =	vsel vm6, $0x135, v20  }
0x54: {  	v32 =	vsel vm1, $0x136, v32;
	v1 =	vand.u32 $0xFF, v1;
	v30 =	vnsel vm3, $0x33D, v0  }
0x55: {  	v0 =	vimm.s32 $0x8A8B8889;
	v29 =	vsel vm1, $0x13A, v29;
	v32 =	vsel vm6, $0x137, v32  }
0x56: {  	v24 =	vsel vm2, $0x1B2, v24;
	v20 =	vsel vm2, $0x1B4, v20;
	v33 =	vnsel vm3, $0x339, v1  }
0x57: {  	v1 =	vand.u32 $0xFF, v31;
	v0 =	vunpack.c.0.s8.s32 v0;
	v29 =	vsel vm6, $0x13B, v29  }
0x58: {  	v30 =	vsel vm1, $0x13C, v30;
	v24 =	vsel vm0, $0x1B3, v24;
	v20 =	vsel vm0, $0x1B5, v20  }
0x59: {  	v32 =	vsel vm2, $0x1B6, v32;
	v31 =	vnsel vm3, $0x33F, v1;
	v1 =	vimm.s32 $0x8E8F8C8D  }
0x5a: {  	vm3 =	vcmask $0x300;
	v33 =	vsel vm1, $0x138, v33;
	v30 =	vsel vm6, $0x13D, v30  }
0x5b: {  	v29 =	vsel vm2, $0x1BA, v29;
	v32 =	vsel vm0, $0x1B7, v32;
	v1 =	vunpack.c.0.s8.s32 v1  }
0x5c: {  	v36 =	vsel vm3, $0x101, v36;
	v33 =	vsel vm6, $0x139, v33;
	v31 =	vsel vm1, $0x13E, v31  }
0x5d: {  	v29 =	vsel vm0, $0x1BB, v29;
	v30 =	vsel vm2, $0x1BC, v30;
	v36 =	vsel vm5, $0x100, v36  }
0x5e: {  	vm5 =	vcmask $0xB08;
	v31 =	vsel vm6, $0x13F, v31;
	v33 =	vsel vm2, $0x1B8, v33  }
0x5f: {  	v30 =	vsel vm0, $0x1BD, v30;
	v0 =	vsel vm4, v1, v0;
	v1 =	vsel vm4, v35, v34  }
0x60: {  	v55 =	vsel vm5, $0x103, v36;
	vm4 =	vcmask $0xF0C;
	v33 =	vsel vm0, $0x1B9, v33  }
0x61: {  	v31 =	vsel vm2, $0x1BE, v31;
	vm3 =	vmor vm3, vm5;
	vm5 =	vcmask $0x3330  }
0x62: {  	v34 =	vsel vm4, $0x102, v55;
	vm4 =	vcmask $0x2320;
	v31 =	vsel vm0, $0x1BF, v31  }
0x63: {  	vm3 =	vmor vm3, vm1;
	v2 =	vsel vm4, $0x200, v2;
	v34 =	vsel vm1, $0x105, v34  }
0x64: {  	v3 =	vsel vm4, $0x202, v3;
	v4 =	vsel vm4, $0x204, v4;
	v5 =	vsel vm4, $0x206, v5  }
0x65: {  	v6 =	vsel vm4, $0x208, v6;
	v10 =	vsel vm4, $0x20A, v10;
	v7 =	vsel vm4, $0x20C, v7  }
0x66: {  	v9 =	vsel vm4, $0x20E, v9;
	v8 =	vsel vm4, $0x210, v8;
	v12 =	vsel vm4, $0x212, v12  }
0x67: {  	v14 =	vsel vm4, $0x214, v14;
	v13 =	vsel vm4, $0x216, v13;
	v16 =	vsel vm4, $0x218, v16  }
0x68: {  	v17 =	vsel vm4, $0x21A, v17;
	v18 =	vsel vm4, $0x21C, v18;
	v19 =	vsel vm4, $0x21E, v19  }
0x69: {  	v15 =	vsel vm4, $0x220, v15;
	v11 =	vsel vm4, $0x222, v11;
	v21 =	vsel vm4, $0x224, v21  }
0x6a: {  	v23 =	vsel vm4, $0x226, v23;
	v22 =	vsel vm4, $0x228, v22;
	v25 =	vsel vm4, $0x22A, v25  }
0x6b: {  	v26 =	vsel vm4, $0x22C, v26;
	v27 =	vsel vm4, $0x22E, v27;
	v28 =	vsel vm4, $0x230, v28  }
0x6c: {  	v24 =	vsel vm4, $0x232, v24;
	v20 =	vsel vm4, $0x234, v20;
	v32 =	vsel vm4, $0x236, v32  }
0x6d: {  	v33 =	vsel vm4, $0x238, v33;
	v29 =	vsel vm4, $0x23A, v29;
	v30 =	vsel vm4, $0x23C, v30  }
0x6e: {  	v31 =	vsel vm4, $0x23E, v31;
	vm3 =	vmor vm3, vm2;
	v34 =	vsel vm6, $0x104, v34  }
0x6f: {  	v2 =	vsel vm7, $0x201, v2;
	vm6 =	vcmask $0x2B28;
	v3 =	vsel vm7, $0x203, v3  }
0x70: {  	v4 =	vsel vm7, $0x205, v4;
	v5 =	vsel vm7, $0x207, v5;
	v6 =	vsel vm7, $0x209, v6  }
0x71: {  	v10 =	vsel vm7, $0x20B, v10;
	v7 =	vsel vm7, $0x20D, v7;
	v9 =	vsel vm7, $0x20F, v9  }
0x72: {  	v8 =	vsel vm7, $0x211, v8;
	v12 =	vsel vm7, $0x213, v12;
	v14 =	vsel vm7, $0x215, v14  }
0x73: {  	v13 =	vsel vm7, $0x217, v13;
	v16 =	vsel vm7, $0x219, v16;
	v17 =	vsel vm7, $0x21B, v17  }
0x74: {  	v18 =	vsel vm7, $0x21D, v18;
	v19 =	vsel vm7, $0x21F, v19;
	v15 =	vsel vm7, $0x221, v15  }
0x75: {  	v11 =	vsel vm7, $0x223, v11;
	v21 =	vsel vm7, $0x225, v21;
	v23 =	vsel vm7, $0x227, v23  }
0x76: {  	v22 =	vsel vm7, $0x229, v22;
	v25 =	vsel vm7, $0x22B, v25;
	v26 =	vsel vm7, $0x22D, v26  }
0x77: {  	v27 =	vsel vm7, $0x22F, v27;
	v28 =	vsel vm7, $0x231, v28;
	v24 =	vsel vm7, $0x233, v24  }
0x78: {  	v20 =	vsel vm7, $0x235, v20;
	v32 =	vsel vm7, $0x237, v32;
	v33 =	vsel vm7, $0x239, v33  }
0x79: {  	v29 =	vsel vm7, $0x23B, v29;
	v30 =	vsel vm7, $0x23D, v30;
	v31 =	vsel vm7, $0x23F, v31  }
0x7a: {  	v34 =	vsel vm2, $0x107, v34;
	v2 =	vsel vm6, $0x280, v2;
	v3 =	vsel vm6, $0x282, v3  }
0x7b: {  	v4 =	vsel vm6, $0x284, v4;
	v5 =	vsel vm6, $0x286, v5;
	v6 =	vsel vm6, $0x288, v6  }
0x7c: {  	v10 =	vsel vm6, $0x28A, v10;
	v7 =	vsel vm6, $0x28C, v7;
	v9 =	vsel vm6, $0x28E, v9  }
0x7d: {  	v8 =	vsel vm6, $0x290, v8;
	v12 =	vsel vm6, $0x292, v12;
	v14 =	vsel vm6, $0x294, v14  }
0x7e: {  	v13 =	vsel vm6, $0x296, v13;
	v15 =	vsel vm6, $0x2A0, v15;
	v34 =	vsel vm0, $0x106, v34  }
0x7f: {  	v11 =	vsel vm6, $0x2A2, v11;
	vm0 =	vcmask $0x2F2C;
	v34 =	vsel vm4, $0x109, v34  }
0x80: {  	v3 =	vsel vm0, $0x283, v3;
	v56 =	vsel vm0, $0x297, v13;
	v13 =	vsel vm6, $0x298, v16  }
0x81: {  	v16 =	vsel vm6, $0x29A, v17;
	v17 =	vsel vm6, $0x29C, v18;
	v57 =	vsel vm0, $0x2A1, v15  }
0x82: {  	v37 =	vsel vm0, $0x2A3, v11;
	v11 =	vsel vm6, $0x2A4, v21;
	v15 =	vsel vm6, $0x2A8, v22  }
0x83: {  	vm4 =	vmor vm3, vm4;
	v34 =	vsel vm7, $0x108, v34;
	v18 =	vsel vm0, $0x299, v13  }
0x84: {  	v13 =	vsel vm6, $0x29E, v19;
	v21 =	vsel vm0, $0x2A5, v11;
	v11 =	vsel vm6, $0x2AA, v25  }
0x85: {  	v3 =	vsel vm5, $0x302, v3;
	v19 =	vsel vm0, $0x29F, v13;
	v13 =	vsel vm6, $0x2A6, v23  }
0x86: {  	v23 =	vsel vm0, $0x2A9, v15;
	v15 =	vsel vm6, $0x2AE, v27;
	v42 =	vsel vm0, $0x2AB, v11  }
0x87: {  	v11 =	vsel vm6, $0x2B0, v28;
	v22 =	vsel vm0, $0x2A7, v13;
	v13 =	vsel vm6, $0x2AC, v26  }
0x88: {  	v59 =	vsel vm0, $0x2AF, v15;
	v15 =	vsel vm6, $0x2B4, v20;
	v20 =	vsel vm0, $0x2B1, v11  }
0x89: {  	v11 =	vsel vm6, $0x2B6, v32;
	v58 =	vsel vm0, $0x2AD, v13;
	v13 =	vsel vm6, $0x2B2, v24  }
0x8a: {  	v39 =	vsel vm0, $0x2B5, v15;
	v15 =	vsel vm6, $0x2BA, v29;
	v60 =	vsel vm0, $0x2B7, v11  }
0x8b: {  	v11 =	vsel vm6, $0x2BC, v30;
	v38 =	vsel vm0, $0x2B3, v13;
	v13 =	vsel vm6, $0x2B8, v33  }
0x8c: {  	v62 =	vsel vm0, $0x2BB, v15;
	v15 =	vsel vm6, $0x10B, v34;
	v61 =	vsel vm0, $0x2B9, v13  }
0x8d: {  	v13 =	vsel vm6, $0x2BE, v31;
	vm6 =	vmor vm4, vm6;
	vm4 =	vcmask $0x3B38  }
0x8e: {  	v4 =	vsel vm0, $0x285, v4;
	v3 =	vsel vm4, $0x302, v3  }
0x8f: {  	v5 =	vsel vm0, $0x287, v5;
	[tilespmem:$0x1FC30] =	vst v3;
	v3 =	vsel vm5, $0x304, v4  }
0x90: {  	v6 =	vsel vm0, $0x289, v6;
	v4 =	vsel vm5, $0x306, v5;
	v3 =	vsel vm4, $0x304, v3  }
0x91: {  	v5 =	vsel vm5, $0x308, v6;
	[tilespmem:$0x1FC40] =	vst v3;
	v3 =	vsel vm4, $0x306, v4  }
0x92: {  	v10 =	vsel vm0, $0x28B, v10;
	[tilespmem:$0x1FC50] =	vst v3;
	v3 =	vsel vm4, $0x308, v5  }
0x93: {  	v7 =	vsel vm0, $0x28D, v7;
	[tilespmem:$0x1FC60] =	vst v3;
	v3 =	vsel vm5, $0x30A, v10  }
0x94: {  	v9 =	vsel vm0, $0x28F, v9;
	v4 =	vsel vm5, $0x30C, v7;
	v3 =	vsel vm4, $0x30A, v3  }
0x95: {  	v5 =	vsel vm5, $0x30E, v9;
	[tilespmem:$0x1FC70] =	vst v3;
	v3 =	vsel vm4, $0x30C, v4  }
0x96: {  	v8 =	vsel vm0, $0x291, v8;
	[tilespmem:$0x1FC80] =	vst v3;
	v3 =	vsel vm4, $0x30E, v5  }
0x97: {  	v12 =	vsel vm0, $0x293, v12;
	[tilespmem:$0x1FC90] =	vst v3;
	v3 =	vsel vm5, $0x310, v8  }
0x98: {  	v14 =	vsel vm0, $0x295, v14;
	v4 =	vsel vm5, $0x312, v12;
	v3 =	vsel vm4, $0x310, v3  }
0x99: {  	v5 =	vsel vm5, $0x314, v14;
	[tilespmem:$0x1FCA0] =	vst v3;
	v3 =	vsel vm4, $0x312, v4  }
0x9a: {  	[tilespmem:$0x1FCB0] =	vst v3;
	v3 =	vsel vm4, $0x314, v5  }
0x9b: {  	[tilespmem:$0x1FCC0] =	vst v3;
	v3 =	vsel vm5, $0x316, v56  }
0x9c: {  	v16 =	vsel vm0, $0x29B, v16;
	v4 =	vsel vm5, $0x318, v18;
	v3 =	vsel vm4, $0x316, v3  }
0x9d: {  	v5 =	vsel vm5, $0x31A, v16;
	[tilespmem:$0x1FCD0] =	vst v3;
	v3 =	vsel vm4, $0x318, v4  }
0x9e: {  	v17 =	vsel vm0, $0x29D, v17;
	[tilespmem:$0x1FCE0] =	vst v3;
	v3 =	vsel vm4, $0x31A, v5  }
0x9f: {  	[tilespmem:$0x1FCF0] =	vst v3;
	v3 =	vsel vm5, $0x31C, v17  }
0xa0: {  	v5 =	vsel vm5, $0x320, v57;
	v3 =	vsel vm4, $0x31C, v3  }
0xa1: {  	v4 =	vsel vm5, $0x31E, v19;
	[tilespmem:$0x1FD00] =	vst v3;
	v3 =	vsel vm4, $0x320, v5  }
0xa2: {  	v36 =	vsel vm4, $0x31E, v4;
	v5 =	vsel vm5, $0x326, v22;
	[tilespmem:$0x1FD10] =	vst v3;
	v3 =	vsel vm5, $0x322, v37  }
0xa3: {  	v4 =	vsel vm5, $0x324, v21;
	v21 =	vsel vm4, $0x322, v3;
	v3 =	vsel vm4, $0x326, v5  }
0xa4: {  	vm1 =	vcmask $0x3734;
	[tilespmem:$0x1FD20] =	vst v3;
	v3 =	vsel vm5, $0x328, v23  }
0xa5: {  	v43 =	vsel vm4, $0x324, v4;
	v4 =	vsel vm5, $0x32A, v42;
	v3 =	vsel vm4, $0x328, v3  }
0xa6: {  	v2 =	vsel vm0, $0x281, v2;
	v5 =	vsel vm5, $0x32C, v58;
	[tilespmem:$0x1FD30] =	vst v3;
	v3 =	vsel vm4, $0x32A, v4  }
0xa7: {  	v63 =	vsel vm0, $0x2BD, v11;
	v11 =	vsel vm0, $0x10A, v15;
	[tilespmem:$0x1FD40] =	vst v3;
	v3 =	vsel vm4, $0x32C, v5  }
0xa8: {  	v40 =	vsel vm0, $0x2BF, v13;
	v11 =	vsel vm5, $0x10D, v11;
	[tilespmem:$0x1FD50] =	vst v3;
	v3 =	vsel vm5, $0x32E, v59  }
0xa9: {  	v41 =	vsel vm1, $0x10C, v11;
	v4 =	vsel vm5, $0x330, v20;
	v3 =	vsel vm4, $0x32E, v3  }
0xaa: {  	v11 =	vlaneseq.u32;
	v5 =	vsel vm5, $0x332, v38;
	[tilespmem:$0x1FD60] =	vst v3;
	v3 =	vsel vm4, $0x330, v4  }
0xab: {  	v13 =	vsel vm5, $0x300, v2;
	v11 =	vand.u32 $0x1, v11;
	[tilespmem:$0x1FD70] =	vst v3;
	v3 =	vsel vm4, $0x332, v5  }
0xac: {  	v2 =	vmul.u32 $0x80, v11;
	v11 =	vsel vm4, $0x300, v13;
	[tilespmem:$0x1FD80] =	vst v3;
	v3 =	vsel vm5, $0x334, v39  }
0xad: {  	s0 =	rddreg [dreg:$0x0];
	[tilespmem:$0x1FC20] =	vst v11;
	v5 =	vsel vm5, $0x338, v61;
	v3 =	vsel vm4, $0x334, v3  }
0xae: {  	s1 =	rddreg [dreg:$0x1];
	s6 =	simm.s32 $0x0;
	v0 =	vcombine.low v1, v0;
	[tilespmem:$0x1FD90] =	vst v3;
	v3 =	vsel vm4, $0x338, v5  }
0xaf: {  	[smem:$0x7FF] =	sst s6;
	v1 =	vor.u32 $0x1900, v2;
	[tilespmem:$0x1FDA0] =	vst v3  }
0xb0: {  	s2 =	rddreg [dreg:$0x4];
	v61 =	vand.u32 $0xFF, v0;
	v0 =	vor.u32 $0x1B00, v2;
	_ =	strace $0x80000047;
	[tilespmem:$0x1FEB0] =	vst v1  }
0xb1: {  	[tilespmem:$0x1FED0] =	vst v0  }
0xb2: {  	v18 =	vor.u32 $0x600, v2;
	[tilespmem:$0x1FEE0] =	vst v2  }
0xb3: {  	v4 =	vsel vm5, $0x336, v60;
	[tilespmem:$0x1FF00] =	vst v18  }
0xb4: {  	v19 =	vsel vm4, $0x336, v4;
	[tilespmem:$0x1FF10] =	vst v43  }
0xb5: {  	v55 =	vor.u32 $0xD00, v2;
	[tilespmem:$0x1FF20] =	vst v19  }
0xb6: {  	v53 =	vor.u32 $0xB00, v2;
	[tilespmem:$0x1FF30] =	vst v55  }
0xb7: {  	v35 =	vor.u32 $0x900, v2;
	[tilespmem:$0x1FF40] =	vst v53  }
0xb8: {  	v7 =	vor.u32 $0x200, v2;
	[tilespmem:$0x1FF50] =	vst v35  }
0xb9: {  	[tilespmem:$0x1FF70] =	vst v7  }
0xba: {  	v10 =	vor.u32 $0x300, v2;
	[tilespmem:$0x1FF80] =	vst v61  }
0xbb: {  	v20 =	vor.u32 $0x700, v2;
	[tilespmem:$0x1FF90] =	vst v10  }
0xbc: {  	v15 =	vor.u32 $0x500, v2;
	[tilespmem:$0x1FFA0] =	vst v20  }
0xbd: {  	v31 =	vor.u32 $0x800, v2;
	[tilespmem:$0x1FFB0] =	vst v15  }
0xbe: {  	v60 =	vor.u32 $0x100, v2;
	[tilespmem:$0x1FFC0] =	vst v31  }
0xbf: {  	v13 =	vor.u32 $0x400, v2;
	[tilespmem:$0x1FFD0] =	vst v60  }
0xc0: {  	v3 =	vsel vm5, $0x33A, v62;
	[tilespmem:$0x1FFE0] =	vst v13  }
0xc1: {  	v3 =	vsel vm4, $0x33A, v3;
	[tilespmem:$0x1FFF0] =	vst v36  }
0xc2: {  	v1 =	vor.u32 $0x1A00, v2;
	[tilespmem:$0x1FDB0] =	vst v3  }
0xc3: {  	v4 =	vsel vm5, $0x33C, v63;
	v0 =	vor.u32 $0x1C00, v2;
	[tilespmem:$0x1FEC0] =	vst v1  }
0xc4: {  	v5 =	vsel vm5, $0x33E, v40;
	v3 =	vsel vm4, $0x33C, v4;
	[tilespmem:$0x1FEF0] =	vst v0  }
0xc5: {  	[tilespmem:$0x1FDC0] =	vst v3;
	v3 =	vsel vm4, $0x33E, v5  }
0xc6: {  	v5 =	vor.u32 $0xE00, v2;
	[tilespmem:$0x1FDD0] =	vst v3  }
0xc7: {  	s3 =	srdreg.scid;
	s5 =	stileid.u32;
	s14 =	simm.s32 $0x580;
	v3 =	vsel vm4, $0x10F, v41;
	[tilespmem:$0x1FE00] =	vst v5  }
0xc8: {  	s15 =	simm.s32 $0x600;
	s16 =	simm.s32 $0x680;
	s17 =	simm.s32 $0x80;
	v5 =	vor.u32 $0xF00, v2;
	[tilespmem:$0x1FDE0] =	vst v3  }
0xc9: {  	s28 =	simm.s32 $0x1;
	s29 =	simm.s32 $0x2;
	s30 =	simm.s32 $0x7A1400;
	v3 =	vor.u32 $0xC00, v2;
	[tilespmem:$0x1FE10] =	vst v5  }
0xca: {  	s31 =	simm.s32 $0x700;
	s24 =	simm.s32 $0xE700;
	s10 =	simm.s32 $0x1CB80;
	v5 =	vor.u32 $0x1000, v2;
	[tilespmem:$0x1FDF0] =	vst v3  }
0xcb: {  	s11 =	simm.s32 $0x1CC00;
	s12 =	simm.s32 $0x1CC80;
	s3 =	sand.u32 $0x1, s3;
	[tilespmem:$0x1FE20] =	vst v5;
	v5 =	vor.u32 $0x1100, v2  }
0xcc: {  	s5 =	sshll.u32 s5, $0x7;
	s4 =	ssub.s32 $0x2, s3;
	s3 =	sshll.u32 s3, $0x6;
	v4 =	vimm.s32 $0x67452301;
	v3 =	vimm.s32 $0xEFCDAB89;
	[tilespmem:$0x1FE30] =	vst v5;
	v5 =	vor.u32 $0x1200, v2  }
0xcd: {  	s13 =	simm.s32 $0x1CD00;
	s9 =	simm.s32 $0x1CD80;
	s3 =	sor.u32 s3, s5;
	v4 =	vunpack.c.l.s4.s8 v4;
	v3 =	vunpack.c.l.s4.s8 v3;
	[tilespmem:$0x1FE40] =	vst v5;
	v5 =	vor.u32 $0x1300, v2  }
0xce: {  	s8 =	sadd.s32 $0x400, s1;
	s7 =	sshrl.u32 s4, $0x1;
	s2 =	sadd.s32 s2, s3;
	[tilespmem:$0x1FE50] =	vst v5;
	v5 =	vor.u32 $0x1400, v2  }
0xcf: {  	s5 =	simm.s32 $0x0;
	s25 =	ssub.s32 s4, s7;
	s3 =	sadd.s32 $0x10, s2;
	v4 =	vunpack.c.0.s8.s32 v4;
	v3 =	vunpack.c.0.s8.s32 v3;
	[tilespmem:$0x1FE60] =	vst v5;
	v5 =	vor.u32 $0x1500, v2  }
.Ltmp0:
0xd0: {  	s26 =	sadd.s32 $0x20, s2;
	[dreg:$0x9] =	wrdreg s3;
	[tilespmem:$0x1FE70] =	vst v5;
	v5 =	vor.u32 $0x1600, v2;
	(pc) =	sbr.rel .LBB2_1-.Ltmp0, $4  }
0xd1: {  	s7 =	simm.s32 $0x500;
	s4 =	simm.s32 $0x1C700;
	vm2 =	vcmask $0x3F20;
	[dreg:$0xa] =	wrdreg s26;
	v3 =	vcombine.low v4, v3;
	v4 =	vor.u32 $0x1700, v2;
	[tilespmem:$0x1FE80] =	vst v5  }
0xd2: {  	s1 =	smax.u32 s25, $0x1;
	s25 =	simm.s32 $0x1CB00;
	vm3 =	vcmask $0x3F18;
	vm0 =	vcmask $0x3F30;
	[dreg:$0x8] =	wrdreg s2;
	[tilespmem:$0x1FE90] =	vst v4;
	v4 =	vor.u32 $0x1800, v2  }
0xd3: {  	vm1 =	vcmask $0x3F28;
	v22 =	vor.u32 $0xA00, v2;
	s2 =	sadd.s32 $0x30, s2;
	[dreg:$0xc] =	wrdreg s1;
	s26 =	simm.s32 $0x400;
	[tilespmem:$0x1FEA0] =	vst v4;
	v1 =	vand.u32 $0xF, v3  }
0xd4: {  	vm5 =	vmor vm6, vm5;
	vm6 =	vmmov $0x3;
	s1 =	simm.s32 $0x1CE00;
	[dreg:$0xb] =	wrdreg s2;
	s2 =	simm.s32 $0x1D180;
	vm4 =	vcmask $0x3F10;
	[tilespmem:$0x1FF60] =	vst v1  }
.LBB2_5:
0xd5: {  	s3 =	rddreg [dreg:$0x6]  }
0xd6: {  	s7 =	simm.s32 $0x500;
	s17 =	simm.s32 $0x80;
	s5 =	simm.s32 $0x1CF00  }
0xd7: {  	[hbm4b:s3+s17] =	stream.indirect.scatter [tilespmem:s5], [sflag:$0x1], $0x1, s7, s17, $0xb8;
	[tilespmem:$0x1D480] =	vst v63  }
0xd8: {  	s14 =	simm.s32 $0x580;
	s19 =	simm.s32 $0x1CF80  }
0xd9: {  	[hbm4b:s3+s17] =	stream.indirect.scatter [tilespmem:s19], [sflag:$0x1], $0x1, s14, s17, $0xb8;
	[tilespmem:$0x1D480] =	vst v63  }
0xda: {  	s15 =	simm.s32 $0x600;
	s20 =	simm.s32 $0x1D000  }
0xdb: {  	[hbm4b:s3+s17] =	stream.indirect.scatter [tilespmem:s20], [sflag:$0x1], $0x1, s15, s17, $0xb8;
	[tilespmem:$0x1D480] =	vst v63  }
0xdc: {  	s16 =	simm.s32 $0x680;
	s21 =	simm.s32 $0x1D080  }
0xdd: {  	[hbm4b:s3+s17] =	stream.indirect.scatter [tilespmem:s21], [sflag:$0x1], $0x1, s16, s17, $0xb8;
	[tilespmem:$0x1D480] =	vst v63  }
0xde: {  	_ =	swait.ge [sflag:s28], $0x80  }
0xdf: {  	[sflag:s28] =	ssyncset.done $0x0  }
0xe0: {  	[sflag:s28] =	ssyncadd.s32 $0xFFFFFF80  }
0xe1: {  	_ =	swait.ge [sflag:s28], $0x80  }
0xe2: {  	[sflag:s28] =	ssyncset.done $0x0  }
0xe3: {  	[sflag:s28] =	ssyncadd.s32 $0xFFFFFF80  }
0xe4: {  	_ =	swait.ge [sflag:s28], $0x80  }
0xe5: {  	[sflag:s28] =	ssyncset.done $0x0  }
0xe6: {  	[sflag:s28] =	ssyncadd.s32 $0xFFFFFF80  }
0xe7: {  	_ =	swait.ge [sflag:s28], $0x80  }
0xe8: {  	s22 =	rddreg [dreg:$0xd]  }
0xe9: {  	s23 =	rddreg [dreg:$0xc];
	s5 =	sadd.s32 $0x1, s22  }
0xea: {  	p0 =	sne.s32 s5, s23  }
.Ltmp1:
0xeb: {  	_ = 	snop;
	(pc) =	sbr.rel @!p0 .LBB2_6-.Ltmp1, $3  }
0xec: {  	_ =	sdelay $0x1  }
0xed: {  	[sflag:s28] =	ssyncset.done $0x0  }
0xee: {  	[sflag:s28] =	ssyncadd.s32 $0xFFFFFF80  }
.LBB2_1:
0xef: {  	[dreg:$0xd] =	wrdreg s5  }
0xf0: {  	s3 =	rddreg [dreg:$0x5];
	s19 =	simm.s32 $0x1D380;
	s20 =	simm.s32 $0x3  }
0xf1: {  	[tilespmem:s19], [sflag:$0x3] =	stream.linear.gather [hbm4b:s3+s6], $0x100, $0x38;
	[tilespmem:$0x1D480] =	vst v63  }
0xf2: {  	_ =	swait.ge [sflag:s20], $0x100  }
0xf3: {  	[sflag:s20] =	ssyncset.done $0x0  }
0xf4: {  	s21 =	rddreg [dreg:$0x8];
	[sflag:s20] =	ssyncadd.s32 $0xFFFFFF00  }
0xf5: {  	[tilespmem:s7], [sflag:$0x3] =	stream.linear.gather [hbm4b:s21+s6], $0x80, $0x38;
	[tilespmem:$0x1D480] =	vst v63  }
0xf6: {  	_ =	swait.ge [sflag:s20], $0x80  }
0xf7: {  	[sflag:s20] =	ssyncset.done $0x0  }
0xf8: {  	s22 =	rddreg [dreg:$0x9];
	[sflag:s20] =	ssyncadd.s32 $0xFFFFFF80  }
0xf9: {  	[tilespmem:s14], [sflag:$0x3] =	stream.linear.gather [hbm4b:s22+s6], $0x80, $0x38;
	[tilespmem:$0x1D480] =	vst v63  }
0xfa: {  	_ =	swait.ge [sflag:s20], $0x80  }
0xfb: {  	[sflag:s20] =	ssyncset.done $0x0  }
0xfc: {  	s23 =	rddreg [dreg:$0xa];
	[sflag:s20] =	ssyncadd.s32 $0xFFFFFF80  }
0xfd: {  	[tilespmem:s15], [sflag:$0x3] =	stream.linear.gather [hbm4b:s23+s6], $0x80, $0x38;
	[tilespmem:$0x1D480] =	vst v63  }
0xfe: {  	_ =	swait.ge [sflag:s20], $0x80  }
0xff: {  	[sflag:s20] =	ssyncset.done $0x0  }
0x100: {  	s18 =	rddreg [dreg:$0xb];
	[sflag:s20] =	ssyncadd.s32 $0xFFFFFF80  }
0x101: {  	[tilespmem:s16], [sflag:$0x3] =	stream.linear.gather [hbm4b:s18+s6], $0x80, $0x38;
	[tilespmem:$0x1D480] =	vst v63  }
0x102: {  	_ =	swait.ge [sflag:s20], $0x80  }
0x103: {  	[sflag:s20] =	ssyncset.done $0x0  }
0x104: {  	[sflag:s20] =	ssyncadd.s32 $0xFFFFFF80  }
0x105: {  	s19 =	rddreg [dreg:$0x2]  }
0x106: {  	[tilespmem:s6], [sflag:$0x1] =	stream.indirect.gather [hbm4b:s19+s17], $0x1, s7, s17, $0xb8;
	[tilespmem:$0x1D480] =	vst v63  }
0x107: {  	s18 =	simm.s32 $0x280;
	s5 =	rddreg [dreg:$0x3]  }
0x108: {  	[tilespmem:s18], [sflag:$0x2] =	stream.indirect.gather [hbm4b:s5+s17], $0x1, s7, s17, $0xb8;
	[tilespmem:$0x1D480] =	vst v63  }
0x109: {  	_ = 	snop  }
0x10a: {  	[tilespmem:s17], [sflag:$0x1] =	stream.indirect.gather [hbm4b:s19+s17], $0x1, s14, s17, $0xb8;
	[tilespmem:$0x1D480] =	vst v63  }
0x10b: {  	s20 =	simm.s32 $0x300  }
0x10c: {  	[tilespmem:s20], [sflag:$0x2] =	stream.indirect.gather [hbm4b:s5+s17], $0x1, s14, s17, $0xb8;
	[tilespmem:$0x1D480] =	vst v63  }
0x10d: {  	s21 =	simm.s32 $0x100  }
0x10e: {  	[tilespmem:s21], [sflag:$0x1] =	stream.indirect.gather [hbm4b:s19+s17], $0x1, s15, s17, $0xb8;
	[tilespmem:$0x1D480] =	vst v63  }
0x10f: {  	s22 =	simm.s32 $0x380  }
0x110: {  	[tilespmem:s22], [sflag:$0x2] =	stream.indirect.gather [hbm4b:s5+s17], $0x1, s15, s17, $0xb8;
	[tilespmem:$0x1D480] =	vst v63  }
0x111: {  	s23 =	simm.s32 $0x180  }
0x112: {  	[tilespmem:s23], [sflag:$0x1] =	stream.indirect.gather [hbm4b:s19+s17], $0x1, s16, s17, $0xb8;
	[tilespmem:$0x1D480] =	vst v63  }
0x113: {  	_ = 	snop  }
0x114: {  	[tilespmem:s26], [sflag:$0x2] =	stream.indirect.gather [hbm4b:s5+s17], $0x1, s16, s17, $0xb8;
	[tilespmem:$0x1D480] =	vst v63  }
0x115: {  	_ =	swait.ge [sflag:s28], $0x80  }
0x116: {  	[sflag:s28] =	ssyncset.done $0x0  }
0x117: {  	[sflag:s28] =	ssyncadd.s32 $0xFFFFFF80  }
0x118: {  	_ =	swait.ge [sflag:s29], $0x80  }
0x119: {  	[sflag:s29] =	ssyncset.done $0x0  }
0x11a: {  	[sflag:s29] =	ssyncadd.s32 $0xFFFFFF80  }
0x11b: {  	_ =	swait.ge [sflag:s28], $0x80  }
0x11c: {  	[sflag:s28] =	ssyncset.done $0x0  }
0x11d: {  	[sflag:s28] =	ssyncadd.s32 $0xFFFFFF80  }
0x11e: {  	_ =	swait.ge [sflag:s29], $0x80  }
0x11f: {  	[sflag:s29] =	ssyncset.done $0x0  }
0x120: {  	[sflag:s29] =	ssyncadd.s32 $0xFFFFFF80  }
0x121: {  	_ =	swait.ge [sflag:s28], $0x80  }
0x122: {  	[sflag:s28] =	ssyncset.done $0x0  }
0x123: {  	[sflag:s28] =	ssyncadd.s32 $0xFFFFFF80  }
0x124: {  	_ =	swait.ge [sflag:s29], $0x80  }
0x125: {  	[sflag:s29] =	ssyncset.done $0x0  }
0x126: {  	[sflag:s29] =	ssyncadd.s32 $0xFFFFFF80  }
0x127: {  	_ =	swait.ge [sflag:s28], $0x80  }
0x128: {  	[sflag:s28] =	ssyncset.done $0x0  }
0x129: {  	[sflag:s28] =	ssyncadd.s32 $0xFFFFFF80  }
0x12a: {  	_ =	swait.ge [sflag:s29], $0x80  }
0x12b: {  	[sflag:s29] =	ssyncset.done $0x0  }
0x12c: {  	[sflag:s29] =	ssyncadd.s32 $0xFFFFFF80  }
0x12d: {  	v3 =	vld [tilespmem:$0x0];
	_ =	sdelay $0x4  }
0x12e: {  	(v2sf) =	vpush v3, $0x0  }
0x12f: {  	(v2sf) =	vpush v3, $0x1  }
0x130: {  	(v2sf) =	vpush v3, $0x2  }
0x131: {  	v5 =	vld [tilespmem:$0x280];
	(v2sf) =	vpush v3, $0x3;
	_ =	sdelay $0x1  }
0x132: {  	(v2sf) =	vpush v3, $0x4  }
0x133: {  	(v2sf) =	vpush v3, $0x5  }
0x134: {  	(v2sf) =	vpush v3, $0x6  }
0x135: {  	(v2sf) =	vpush v5, $0x0;
	_ =	sdelay $0x6  }
0x136: {  	s14 =	spop (v2sf)  }
0x137: {  	v4 =	vimm.s32 $0x0;
	(v2sf) =	vpush v5, $0x1;
	s19 =	spop (v2sf)  }
0x138: {  	[tilespmem:$0x200] =	vst v4;
	s21 =	sand.u32 $0xFFFFF80, s14;
	s20 =	spop (v2sf)  }
0x139: {  	v0 =	vld [tilespmem:$0x1D380];
	[tilespmem:$0x480] =	vst v4;
	s7 =	sadd.s32 s0, s21;
	s5 =	spop (v2sf)  }
0x13a: {  	v2 =	vld [tilespmem:$0x1D400];
	[tilespmem:s31], [sflag:$0x1] =	stream.strided.gather [hbm4b:s7+s26], $0x2000, s30, s26, $0x38  }
0x13b: {  	s15 =	spop (v2sf)  }
0x13c: {  	s17 =	spop (v2sf)  }
0x13d: {  	(v2sf) =	vpush v5, $0x2;
	s16 =	spop (v2sf)  }
0x13e: {  	s22 =	spop (v2sf)  }
0x13f: {  	s7 =	sshll.u32 s22, $0x4  }
0x140: {  	s18 =	sshra.s32 s14, $0x7;
	s23 =	sshra.s32 s19, $0x7;
	s7 =	sand.u32 $0x1FFFFFF0, s7  }
0x141: {  	p0 =	seq.s32 s23, s18;
	s7 =	sadd.s32 s8, s7  }
0x142: {  	[tilespmem:s4], [sflag:$0x1] =	stream.linear.gather [hbm4b:s7+s6], $0x80, $0x38;
	[tilespmem:$0x1D480] =	vst v63  }
0x143: {  	s18 =	simm.s32 @!p0 $0x400;
	s7 =	sand.u32 @!p0 $0xFFFFF80, s19  }
0x144: {  	s14 =	simm.s32 @!p0 $0x2700;
	s19 =	simm.s32 @!p0 $0x7A1400;
	s7 =	sadd.s32 @!p0 s0, s7  }
0x145: {  	[tilespmem:s14], [sflag:$0x1] =	stream.strided.gather @!p0 [hbm4b:s7+s18], $0x2000, s19, s18, $0x38;
	[tilespmem:$0x1D480] =	vst v63  }
0x146: {  	s18 =	spop (v2sf);
	(v2sf) =	vpush v5, $0x3  }
0x147: {  	s14 =	sshra.s32 s20, $0x7  }
0x148: {  	s21 =	simm.s32 $0x1C780;
	p0 =	seq.s32 s14, s23;
	s7 =	sshll.u32 s18, $0x4  }
0x149: {  	s3 =	sand.u32 @!p0 $0xFFFFF80, s20;
	s7 =	sand.u32 $0x1FFFFFF0, s7  }
0x14a: {  	s3 =	sadd.s32 @!p0 s0, s3;
	s18 =	simm.s32 @!p0 $0x7A1400;
	s19 =	sadd.s32 s8, s7  }
0x14b: {  	[tilespmem:s21], [sflag:$0x1] =	stream.linear.gather [hbm4b:s19+s6], $0x80, $0x38;
	[tilespmem:$0x1D480] =	vst v63  }
0x14c: {  	s22 =	spop (v2sf);
	(v2sf) =	vpush v5, $0x4;
	s7 =	simm.s32 @!p0 $0x400;
	s19 =	simm.s32 @!p0 $0x4700  }
0x14d: {  	[tilespmem:s19], [sflag:$0x1] =	stream.strided.gather @!p0 [hbm4b:s3+s7], $0x2000, s18, s7, $0x38;
	[tilespmem:$0x1D480] =	vst v63  }
0x14e: {  	s3 =	sshll.u32 s22, $0x4  }
0x14f: {  	s23 =	sshra.s32 s5, $0x7;
	s3 =	sand.u32 $0x1FFFFFF0, s3  }
0x150: {  	p0 =	seq.s32 s23, s14;
	s18 =	simm.s32 $0x1C800;
	s3 =	sadd.s32 s8, s3  }
0x151: {  	v52 =	vld [tilespmem:$0x1FC10];
	[tilespmem:s18], [sflag:$0x1] =	stream.linear.gather [hbm4b:s3+s6], $0x80, $0x38  }
0x152: {  	v63 =	vld [tilespmem:$0x1FC20];
	s14 =	simm.s32 @!p0 $0x7A1400;
	s3 =	sand.u32 @!p0 $0xFFFFF80, s5  }
0x153: {  	v30 =	vld [tilespmem:$0x1FC70];
	s5 =	simm.s32 @!p0 $0x400;
	s18 =	simm.s32 @!p0 $0x6700;
	s3 =	sadd.s32 @!p0 s0, s3  }
0x154: {  	v32 =	vld [tilespmem:$0x1FCA0];
	[tilespmem:s18], [sflag:$0x1] =	stream.strided.gather @!p0 [hbm4b:s3+s5], $0x2000, s14, s5, $0x38  }
0x155: {  	v33 =	vld [tilespmem:$0x1FCB0];
	s19 =	spop (v2sf);
	(v2sf) =	vpush v5, $0x5  }
0x156: {  	v34 =	vld [tilespmem:$0x1FCC0];
	s20 =	sshra.s32 s15, $0x7;
	s3 =	sshll.u32 s19, $0x4  }
0x157: {  	v38 =	vld [tilespmem:$0x1FCF0];
	p0 =	seq.s32 s20, s23;
	s3 =	sand.u32 $0x1FFFFFF0, s3  }
0x158: {  	v39 =	vld [tilespmem:$0x1FD00];
	s21 =	simm.s32 $0x1C880;
	s7 =	simm.s32 @!p0 $0x400;
	s3 =	sadd.s32 s8, s3  }
0x159: {  	v41 =	vld [tilespmem:$0x1FD10];
	[tilespmem:s21], [sflag:$0x1] =	stream.linear.gather [hbm4b:s3+s6], $0x80, $0x38  }
0x15a: {  	v44 =	vld [tilespmem:$0x1FD20];
	s14 =	simm.s32 @!p0 $0x7A1400;
	s3 =	sand.u32 @!p0 $0xFFFFF80, s15  }
0x15b: {  	v29 =	vld [tilespmem:$0x1FD30];
	s22 =	spop (v2sf);
	s15 =	simm.s32 @!p0 $0x8700;
	s3 =	sadd.s32 @!p0 s0, s3  }
0x15c: {  	v46 =	vld [tilespmem:$0x1FD40];
	[tilespmem:s15], [sflag:$0x1] =	stream.strided.gather @!p0 [hbm4b:s3+s7], $0x2000, s14, s7, $0x38  }
0x15d: {  	v47 =	vld [tilespmem:$0x1FD50];
	(v2sf) =	vpush v5, $0x6;
	s3 =	sshll.u32 s22, $0x4  }
0x15e: {  	v48 =	vld [tilespmem:$0x1FD60];
	s23 =	sshra.s32 s17, $0x7;
	s3 =	sand.u32 $0x1FFFFFF0, s3  }
0x15f: {  	v49 =	vld [tilespmem:$0x1FD70];
	s18 =	simm.s32 $0x1C900;
	p0 =	seq.s32 s23, s20;
	s3 =	sadd.s32 s8, s3  }
0x160: {  	v50 =	vld [tilespmem:$0x1FD80];
	[tilespmem:s18], [sflag:$0x1] =	stream.linear.gather [hbm4b:s3+s6], $0x80, $0x38  }
0x161: {  	v51 =	vld [tilespmem:$0x1FD90];
	s5 =	simm.s32 @!p0 $0x400;
	s3 =	sand.u32 @!p0 $0xFFFFF80, s17  }
0x162: {  	v59 =	vld [tilespmem:$0x1FEE0];
	s14 =	simm.s32 @!p0 $0x7A1400;
	s15 =	simm.s32 @!p0 $0xA700;
	s3 =	sadd.s32 @!p0 s0, s3  }
0x163: {  	v40 =	vld [tilespmem:$0x1FDF0];
	[tilespmem:s15], [sflag:$0x1] =	stream.strided.gather @!p0 [hbm4b:s3+s5], $0x2000, s14, s5, $0x38  }
0x164: {  	v56 =	vld [tilespmem:$0x1FE00];
	s19 =	spop (v2sf)  }
0x165: {  	v57 =	vld [tilespmem:$0x1FE10];
	s3 =	sshll.u32 s19, $0x4  }
0x166: {  	v54 =	vld [tilespmem:$0x1FE20];
	s20 =	sshra.s32 s16, $0x7;
	s3 =	sand.u32 $0x1FFFFFF0, s3  }
0x167: {  	v23 =	vld [tilespmem:$0x1FE40];
	s21 =	simm.s32 $0x1C980;
	p0 =	seq.s32 s20, s23;
	s3 =	sadd.s32 s8, s3  }
0x168: {  	v24 =	vld [tilespmem:$0x1FE50];
	[tilespmem:s21], [sflag:$0x1] =	stream.linear.gather [hbm4b:s3+s6], $0x80, $0x38  }
0x169: {  	v25 =	vld [tilespmem:$0x1FE60];
	s5 =	simm.s32 @!p0 $0x400;
	s3 =	sand.u32 @!p0 $0xFFFFF80, s16  }
0x16a: {  	v26 =	vld [tilespmem:$0x1FE70];
	s7 =	simm.s32 @!p0 $0x7A1400;
	s14 =	simm.s32 @!p0 $0xC700;
	s3 =	sadd.s32 @!p0 s0, s3  }
0x16b: {  	v27 =	vld [tilespmem:$0x1FE80];
	[tilespmem:s14], [sflag:$0x1] =	stream.strided.gather @!p0 [hbm4b:s3+s5], $0x2000, s7, s5, $0x38  }
.Ltmp2:
0x16c: {  	v28 =	vld [tilespmem:$0x1FE90];
	s22 =	spop (v2sf);
	(pc) =	sbr.rel .LBB2_2-.Ltmp2, $4  }
0x16d: {  	v45 =	vld [tilespmem:$0x1FEC0];
	s3 =	sshll.u32 s22, $0x4  }
0x16e: {  	v37 =	vld [tilespmem:$0x1FED0];
	[tilespmem:$0x1FBF0] =	vst v0;
	s17 =	simm.s32 $0x0;
	s3 =	sand.u32 $0x1FFFFFF0, s3  }
0x16f: {  	v58 =	vld [tilespmem:$0x1FEF0];
	[tilespmem:$0x1FC00] =	vst v2;
	s23 =	simm.s32 $0x1CA00;
	s16 =	simm.s32 $0x7;
	s3 =	sadd.s32 s8, s3  }
0x170: {  	v3 =	vld [tilespmem:$0x1FE30];
	[tilespmem:s23], [sflag:$0x1] =	stream.linear.gather [hbm4b:s3+s6], $0x80, $0x38  }
.LBB2_4:
0x171: {  	v8 =	vld [tilespmem:s18+$0x7];
	_ =	sdelay $0x4  }
0x172: {  	v8 =	vshra.s32 v8, $0x7  }
0x173: {  	(v2sf) =	vpush v8, $0x0  }
0x174: {  	(v2sf) =	vpush v8, $0x1  }
0x175: {  	(v2sf) =	vpush v8, $0x2  }
0x176: {  	(v2sf) =	vpush v8, $0x3  }
0x177: {  	(v2sf) =	vpush v8, $0x4  }
0x178: {  	(v2sf) =	vpush v8, $0x5  }
0x179: {  	(v2sf) =	vpush v8, $0x6;
	_ =	sdelay $0x8  }
0x17a: {  	s3 =	spop (v2sf)  }
0x17b: {  	s5 =	spop (v2sf)  }
0x17c: {  	s7 =	spop (v2sf)  }
0x17d: {  	s14 =	spop (v2sf)  }
0x17e: {  	s15 =	spop (v2sf)  }
0x17f: {  	s19 =	spop (v2sf)  }
0x180: {  	s20 =	spop (v2sf)  }
0x181: {  	_ =	swait.ge [sflag:s29], $0x2000  }
0x182: {  	p1 =	seq.s32 s5, s3;
	[sflag:s29] =	ssyncset.done $0x0  }
0x183: {  	s21 =	simm.s32 @!p1 $0x2;
	[sflag:s29] =	ssyncadd.s32 $0xFFFFE000  }
0x184: {  	_ =	swait.ge @!p1 [sflag:s21], $0x2000  }
0x185: {  	p0 =	seq.s32 s7, s5;
	[sflag:s21] =	ssyncset.done @!p1 $0x0  }
0x186: {  	[sflag:s21] =	ssyncadd.s32 @!p1 $0xFFFFE000;
	s21 =	simm.s32 @!p0 $0x2  }
0x187: {  	_ =	swait.ge @!p0 [sflag:s21], $0x2000  }
0x188: {  	p1 =	seq.s32 s14, s7;
	[sflag:s21] =	ssyncset.done @!p0 $0x0  }
0x189: {  	s7 =	simm.s32 @!p1 $0x2;
	[sflag:s21] =	ssyncadd.s32 @!p0 $0xFFFFE000  }
0x18a: {  	_ =	swait.ge @!p1 [sflag:s7], $0x2000  }
0x18b: {  	p2 =	seq.s32 s15, s14;
	[sflag:s7] =	ssyncset.done @!p1 $0x0  }
0x18c: {  	[sflag:s7] =	ssyncadd.s32 @!p1 $0xFFFFE000;
	s7 =	simm.s32 @!p2 $0x2  }
0x18d: {  	p3 =	sne.s32 s5, s3;
	s3 =	simm.s32 $0x1;
	_ =	swait.ge @!p2 [sflag:s7], $0x2000  }
0x18e: {  	s3 =	simm.s32 @!p3 $0x0;
	p3 =	seq.s32 s19, s15;
	[sflag:s7] =	ssyncset.done @!p2 $0x0  }
0x18f: {  	[sflag:s7] =	ssyncadd.s32 @!p2 $0xFFFFE000;
	s7 =	simm.s32 @!p3 $0x2  }
0x190: {  	s5 =	smov.u32 s3;
	_ =	swait.ge @!p3 [sflag:s7], $0x2000  }
0x191: {  	s5 =	simm.s32 @!p0 $0x2;
	p0 =	seq.s32 s20, s19;
	[sflag:s7] =	ssyncset.done @!p3 $0x0  }
0x192: {  	s14 =	smov.u32 s5;
	[sflag:s7] =	ssyncadd.s32 @!p3 $0xFFFFE000;
	s7 =	simm.s32 @!p0 $0x2  }
0x193: {  	s14 =	simm.s32 @!p1 $0x3;
	_ =	swait.ge @!p0 [sflag:s7], $0x2000  }
0x194: {  	s15 =	smov.u32 s14;
	[sflag:s7] =	ssyncset.done @!p0 $0x0  }
0x195: {  	v8 =	vadd.s32 s16, v52;
	s15 =	simm.s32 @!p2 $0x4;
	[sflag:s7] =	ssyncadd.s32 @!p0 $0xFFFFE000  }
0x196: {  	s19 =	smov.u32 s15;
	_ =	swait.ge [sflag:s29], $0x380  }
0x197: {  	s19 =	simm.s32 @!p3 $0x5;
	v60 =	vld [tilespmem:$0x1FFD0]  }
0x198: {  	v9 =	vmov s19;
	s19 =	simm.s32 @!p0 $0x6;
	[sflag:s29] =	ssyncset.done $0x0;
	v0 =	vld [tilespmem:$0x1FF70]  }
0x199: {  	v9 =	vsel vm0, s19, v9;
	v61 =	vld [tilespmem:$0x1FF90];
	[sflag:s29] =	ssyncadd.s32 $0xFFFFFC80  }
0x19a: {  	v9 =	vnsel vm1, s15, v9;
	v8 =	vld.idx.msk [tilespmem:v8+s6+$0x0], $0xffff  }
0x19b: {  	v9 =	vnsel vm2, s14, v9;
	v62 =	vld [tilespmem:$0x1FFE0]  }
0x19c: {  	v9 =	vnsel vm3, s5, v9;
	v63 =	vld [tilespmem:$0x1FFB0]  }
0x19d: {  	v9 =	vnsel vm4, s3, v9;
	v1 =	vld [tilespmem:$0x1FF00]  }
0x19e: {  	v9 =	vsel vm6, $0x0, v9;
	v3 =	vld [tilespmem:$0x1FFC0]  }
0x19f: {  	v9 =	vshll.u32 v9, $0xD;
	v4 =	vld [tilespmem:$0x1FF50];
	v8 =	vand.u32 $0x7F, v8  }
0x1a0: {  	v53 =	vld [tilespmem:$0x1FF40];
	v8 =	vor.u32 v9, v8  }
0x1a1: {  	v40 =	vld [tilespmem:$0x1FDF0];
	v9 =	vor.u32 v59, v8  }
0x1a2: {  	v55 =	vld [tilespmem:$0x1FF30];
	v10 =	vor.u32 v60, v8  }
0x1a3: {  	v56 =	vld [tilespmem:$0x1FE00]  }
0x1a4: {  	v12 =	vld.idx.msk [tilespmem:v25+s25+$0x0], $0xffff  }
0x1a5: {  	v13 =	vld.idx.msk [tilespmem:v26+s25+$0x0], $0xffff  }
0x1a6: {  	v11 =	vor.u32 v0, v8;
	v9 =	vld.idx.msk [tilespmem:v9+s24+$0x0], $0xffff  }
0x1a7: {  	v10 =	vld.idx.msk [tilespmem:v10+s24+$0x0], $0xffff  }
0x1a8: {  	v57 =	vld [tilespmem:$0x1FE10]  }
0x1a9: {  	v38 =	vld [tilespmem:$0x1FCF0];
	v14 =	vor.u32 v61, v8  }
0x1aa: {  	v17 =	vld.idx.msk [tilespmem:v27+s25+$0x0], $0xffff;
	v15 =	vor.u32 v62, v8  }
0x1ab: {  	v11 =	vld.idx.msk [tilespmem:v11+s24+$0x0], $0xffff  }
0x1ac: {  	v20 =	vld.idx.msk [tilespmem:v28+s25+$0x0], $0xffff;
	v16 =	vmul.f32 v12, v9;
	v18 =	vmul.f32 v13, v10  }
0x1ad: {  	v0 =	vld [tilespmem:$0x1FFA0];
	v9 =	vmul.f32 v9, v9;
	v10 =	vmul.f32 v10, v10  }
0x1ae: {  	v19 =	vor.u32 v63, v8;
	v21 =	vor.u32 v1, v8;
	v14 =	vld.idx.msk [tilespmem:v14+s24+$0x0], $0xffff;
	v16 =	vadd.f32 $0.0e+00, v16  }
0x1af: {  	v15 =	vld.idx.msk [tilespmem:v15+s24+$0x0], $0xffff;
	v12 =	vmul.f32 v12, v12;
	v13 =	vmul.f32 v13, v13;
	v9 =	vadd.f32 v10, v9  }
0x1b0: {  	v10 =	vmul.f32 v17, v11;
	v11 =	vmul.f32 v11, v11;
	v16 =	vadd.f32 v18, v16;
	v18 =	vld.idx.msk [tilespmem:v42+s25+$0x0], $0xffff  }
0x1b1: {  	v54 =	vld [tilespmem:$0x1FE20];
	v12 =	vadd.f32 v13, v12;
	v13 =	vmul.f32 v17, v17  }
0x1b2: {  	v39 =	vld [tilespmem:$0x1FD00];
	v17 =	vor.u32 v0, v8;
	v9 =	vadd.f32 v11, v9  }
0x1b3: {  	v11 =	vadd.f32 v13, v12;
	v12 =	vmul.f32 v20, v14;
	v13 =	vld.idx.msk [tilespmem:v30+s25+$0x0], $0xffff;
	v10 =	vadd.f32 v10, v16  }
0x1b4: {  	v14 =	vmul.f32 v14, v14;
	v16 =	vld.idx.msk [tilespmem:v19+s24+$0x0], $0xffff;
	v19 =	vmul.f32 v20, v20  }
0x1b5: {  	v21 =	vld.idx.msk [tilespmem:v21+s24+$0x0], $0xffff;
	v20 =	vor.u32 v3, v8;
	v10 =	vadd.f32 v12, v10;
	v12 =	vmul.f32 v18, v15  }
0x1b6: {  	v9 =	vadd.f32 v14, v9;
	v14 =	vmul.f32 v15, v15;
	v15 =	vld.idx.msk [tilespmem:v31+s25+$0x0], $0xffff  }
0x1b7: {  	v17 =	vld.idx.msk [tilespmem:v17+s24+$0x0], $0xffff;
	v10 =	vadd.f32 v12, v10;
	v12 =	vmul.f32 v18, v18;
	v18 =	vor.u32 v4, v8  }
0x1b8: {  	v22 =	vor.u32 v53, v8;
	v11 =	vadd.f32 v19, v11;
	v19 =	vld.idx.msk [tilespmem:v32+s25+$0x0], $0xffff  }
0x1b9: {  	v41 =	vld [tilespmem:$0x1FD10];
	v9 =	vadd.f32 v14, v9;
	v14 =	vmul.f32 v13, v16;
	v16 =	vmul.f32 v16, v16  }
0x1ba: {  	v13 =	vmul.f32 v13, v13;
	v11 =	vadd.f32 v12, v11;
	v12 =	vld.idx.msk [tilespmem:v20+s24+$0x0], $0xffff;
	v20 =	vor.u32 v2, v8  }
0x1bb: {  	v10 =	vadd.f32 v14, v10;
	v9 =	vadd.f32 v16, v9;
	v14 =	vld.idx.msk [tilespmem:v33+s25+$0x0], $0xffff;
	v16 =	vmul.f32 v15, v21  }
0x1bc: {  	v21 =	vmul.f32 v21, v21;
	v11 =	vadd.f32 v13, v11;
	v13 =	vmul.f32 v15, v15;
	v15 =	vld.idx.msk [tilespmem:v18+s24+$0x0], $0xffff  }
0x1bd: {  	v10 =	vadd.f32 v16, v10;
	v16 =	vmul.f32 v19, v17;
	v18 =	vld.idx.msk [tilespmem:v34+s25+$0x0], $0xffff  }
0x1be: {  	v9 =	vadd.f32 v21, v9;
	v21 =	vld.idx.msk [tilespmem:v35+s25+$0x0], $0xffff;
	v11 =	vadd.f32 v13, v11;
	v13 =	vmul.f32 v17, v17  }
0x1bf: {  	v17 =	vld.idx.msk [tilespmem:v20+s24+$0x0], $0xffff;
	v20 =	vor.u32 v40, v8;
	v10 =	vadd.f32 v16, v10;
	v16 =	vmul.f32 v19, v19  }
0x1c0: {  	v24 =	vld [tilespmem:$0x1FE50];
	v19 =	vmul.f32 v14, v12;
	v12 =	vmul.f32 v12, v12;
	v9 =	vadd.f32 v13, v9  }
0x1c1: {  	v14 =	vmul.f32 v14, v14;
	v13 =	vld.idx.msk [tilespmem:v22+s24+$0x0], $0xffff;
	v22 =	vor.u32 v55, v8;
	v11 =	vadd.f32 v16, v11  }
0x1c2: {  	v10 =	vadd.f32 v19, v10;
	v16 =	vld.idx.msk [tilespmem:v36+s25+$0x0], $0xffff;
	v9 =	vadd.f32 v12, v9;
	v12 =	vmul.f32 v18, v15  }
0x1c3: {  	v44 =	vld [tilespmem:$0x1FD20];
	v19 =	vor.u32 v56, v8;
	v11 =	vadd.f32 v14, v11;
	v14 =	vmul.f32 v15, v15  }
0x1c4: {  	v15 =	vmul.f32 v18, v18;
	v18 =	vld.idx.msk [tilespmem:v20+s24+$0x0], $0xffff;
	v10 =	vadd.f32 v12, v10;
	v12 =	vmul.f32 v21, v17  }
0x1c5: {  	v20 =	vld.idx.msk [tilespmem:v37+s25+$0x0], $0xffff;
	v9 =	vadd.f32 v14, v9;
	v14 =	vmul.f32 v17, v17  }
0x1c6: {  	v36 =	vld [tilespmem:$0x1FFF0];
	v11 =	vadd.f32 v15, v11;
	v10 =	vadd.f32 v12, v10;
	v12 =	vmul.f32 v21, v21  }
0x1c7: {  	v15 =	vld.idx.msk [tilespmem:v22+s24+$0x0], $0xffff;
	v17 =	vmul.f32 v16, v13;
	v13 =	vmul.f32 v13, v13;
	v9 =	vadd.f32 v14, v9  }
0x1c8: {  	v25 =	vld [tilespmem:$0x1FE60];
	v23 =	vor.u32 v57, v8;
	v11 =	vadd.f32 v12, v11;
	v12 =	vmul.f32 v16, v16  }
0x1c9: {  	v14 =	vld.idx.msk [tilespmem:v19+s24+$0x0], $0xffff;
	v10 =	vadd.f32 v17, v10;
	v9 =	vadd.f32 v13, v9  }
0x1ca: {  	v31 =	vmovc v3;
	v3 =	vld [tilespmem:$0x1FE30];
	v17 =	vmul.f32 v18, v18;
	v11 =	vadd.f32 v12, v11;
	v12 =	vmul.f32 v20, v20  }
0x1cb: {  	v21 =	vld.idx.msk [tilespmem:v38+s25+$0x0], $0xffff  }
0x1cc: {  	v16 =	vld.idx.msk [tilespmem:v39+s25+$0x0], $0xffff;
	v9 =	vadd.f32 v17, v9;
	v11 =	vadd.f32 v12, v11;
	v12 =	vmul.f32 v15, v15  }
0x1cd: {  	v19 =	vor.u32 v54, v8;
	v13 =	vmul.f32 v20, v18;
	v18 =	vld.idx.msk [tilespmem:v23+s24+$0x0], $0xffff  }
0x1ce: {  	v23 =	vld [tilespmem:$0x1FE40];
	v9 =	vadd.f32 v12, v9;
	v12 =	vmul.f32 v14, v14  }
0x1cf: {  	v22 =	vor.u32 v3, v8;
	v20 =	vld.idx.msk [tilespmem:v36+s25+$0x0], $0xffff  }
0x1d0: {  	v10 =	vadd.f32 v13, v10;
	v13 =	vmul.f32 v21, v15;
	v9 =	vadd.f32 v12, v9;
	v12 =	vld.idx.msk [tilespmem:v43+s25+$0x0], $0xffff  }
0x1d1: {  	v32 =	vmovc v33;
	v33 =	vmov v34;
	v34 =	vmov v35;
	v35 =	vmov v43;
	v43 =	vld [tilespmem:$0x1FF10]  }
0x1d2: {  	v15 =	vmul.f32 v21, v21;
	v17 =	vld.idx.msk [tilespmem:v19+s24+$0x0], $0xffff;
	v10 =	vadd.f32 v13, v10;
	v13 =	vmul.f32 v16, v14  }
0x1d3: {  	v19 =	vld.idx.msk [tilespmem:v41+s25+$0x0], $0xffff;
	v21 =	vor.u32 v23, v8  }
0x1d4: {  	v29 =	vld [tilespmem:$0x1FD30];
	v11 =	vadd.f32 v15, v11;
	v10 =	vadd.f32 v13, v10;
	v13 =	vmul.f32 v16, v16  }
0x1d5: {  	v15 =	vld.idx.msk [tilespmem:v22+s24+$0x0], $0xffff;
	v14 =	vmul.f32 v20, v18;
	v16 =	vor.u32 v24, v8  }
0x1d6: {  	v11 =	vadd.f32 v13, v11  }
0x1d7: {  	v26 =	vld [tilespmem:$0x1FE70];
	v10 =	vadd.f32 v14, v10;
	v13 =	vmul.f32 v18, v18;
	v14 =	vmul.f32 v20, v20  }
0x1d8: {  	v18 =	vmul.f32 v19, v17;
	v20 =	vld.idx.msk [tilespmem:v21+s24+$0x0], $0xffff;
	v21 =	vor.u32 v25, v8  }
0x1d9: {  	v9 =	vadd.f32 v13, v9;
	v11 =	vadd.f32 v14, v11;
	v14 =	vmul.f32 v17, v17;
	v13 =	vld.idx.msk [tilespmem:v43+s25+$0x0], $0xffff  }
0x1da: {  	v10 =	vadd.f32 v18, v10;
	v17 =	vmul.f32 v19, v19;
	v16 =	vld.idx.msk [tilespmem:v16+s24+$0x0], $0xffff;
	v18 =	vmul.f32 v12, v15  }
0x1db: {  	v9 =	vadd.f32 v14, v9;
	v14 =	vmul.f32 v15, v15;
	v15 =	vld.idx.msk [tilespmem:v44+s25+$0x0], $0xffff  }
0x1dc: {  	v11 =	vadd.f32 v17, v11;
	v12 =	vmul.f32 v12, v12;
	v10 =	vadd.f32 v18, v10;
	v18 =	vld.idx.msk [tilespmem:v29+s25+$0x0], $0xffff  }
0x1dd: {  	v9 =	vadd.f32 v14, v9;
	v17 =	vld.idx.msk [tilespmem:v21+s24+$0x0], $0xffff  }
0x1de: {  	v27 =	vld [tilespmem:$0x1FE80];
	v11 =	vadd.f32 v12, v11;
	v12 =	vmul.f32 v20, v20;
	v14 =	vmul.f32 v13, v20  }
0x1df: {  	v46 =	vld [tilespmem:$0x1FD40]  }
0x1e0: {  	v45 =	vld [tilespmem:$0x1FEC0];
	v9 =	vadd.f32 v12, v9;
	v12 =	vmul.f32 v15, v16;
	v10 =	vadd.f32 v14, v10  }
0x1e1: {  	v28 =	vld [tilespmem:$0x1FE90];
	v19 =	vor.u32 v26, v8  }
0x1e2: {  	v20 =	vor.u32 v47, v8;
	v47 =	vld [tilespmem:$0x1FD50];
	v10 =	vadd.f32 v12, v10;
	v12 =	vmul.f32 v18, v17  }
0x1e3: {  	v49 =	vld [tilespmem:$0x1FD70];
	v21 =	vor.u32 v27, v8  }
0x1e4: {  	v10 =	vadd.f32 v12, v10;
	v12 =	vmul.f32 v18, v18;
	v18 =	vor.u32 v48, v8;
	v48 =	vld [tilespmem:$0x1FD60]  }
0x1e5: {  	v50 =	vld [tilespmem:$0x1FD80];
	v13 =	vmul.f32 v13, v13  }
0x1e6: {  	v14 =	vld.idx.msk [tilespmem:v19+s24+$0x0], $0xffff;
	v19 =	vor.u32 v28, v8  }
0x1e7: {  	v11 =	vadd.f32 v13, v11;
	v13 =	vld.idx.msk [tilespmem:v46+s25+$0x0], $0xffff  }
0x1e8: {  	v58 =	vld [tilespmem:$0x1FEF0];
	v16 =	vmul.f32 v16, v16;
	v15 =	vmul.f32 v15, v15  }
0x1e9: {  	v21 =	vld.idx.msk [tilespmem:v21+s24+$0x0], $0xffff  }
0x1ea: {  	v9 =	vadd.f32 v16, v9;
	v11 =	vadd.f32 v15, v11;
	v15 =	vmul.f32 v17, v17;
	v16 =	vld.idx.msk [tilespmem:v47+s25+$0x0], $0xffff  }
0x1eb: {  	v17 =	vld.idx.msk [tilespmem:v19+s24+$0x0], $0xffff  }
0x1ec: {  	v9 =	vadd.f32 v15, v9;
	v15 =	vmul.f32 v13, v14;
	v19 =	vld.idx.msk [tilespmem:v48+s25+$0x0], $0xffff  }
0x1ed: {  	v14 =	vmul.f32 v14, v14;
	v11 =	vadd.f32 v12, v11;
	v12 =	vld.idx.msk [tilespmem:v20+s24+$0x0], $0xffff;
	v20 =	vor.u32 v45, v8  }
0x1ee: {  	v13 =	vmul.f32 v13, v13;
	v10 =	vadd.f32 v15, v10  }
0x1ef: {  	v9 =	vadd.f32 v14, v9;
	v14 =	vld.idx.msk [tilespmem:v49+s25+$0x0], $0xffff;
	v15 =	vmul.f32 v16, v21;
	v21 =	vmul.f32 v21, v21  }
0x1f0: {  	v11 =	vadd.f32 v13, v11;
	v13 =	vmul.f32 v16, v16;
	v16 =	vld.idx.msk [tilespmem:v18+s24+$0x0], $0xffff  }
0x1f1: {  	v18 =	vld.idx.msk [tilespmem:v50+s25+$0x0], $0xffff;
	v10 =	vadd.f32 v15, v10;
	v9 =	vadd.f32 v21, v9;
	v15 =	vmul.f32 v19, v17  }
0x1f2: {  	v11 =	vadd.f32 v13, v11;
	v13 =	vmul.f32 v17, v17;
	v17 =	vld.idx.msk [tilespmem:v20+s24+$0x0], $0xffff;
	v20 =	vor.u32 v58, v8  }
0x1f3: {  	v10 =	vadd.f32 v15, v10;
	v15 =	vmul.f32 v19, v19  }
0x1f4: {  	v9 =	vadd.f32 v13, v9;
	v19 =	vmul.f32 v14, v12;
	v12 =	vmul.f32 v12, v12  }
0x1f5: {  	v14 =	vmul.f32 v14, v14;
	v11 =	vadd.f32 v15, v11  }
0x1f6: {  	v9 =	vadd.f32 v12, v9;
	v12 =	vmul.f32 v18, v16  }
0x1f7: {  	v11 =	vadd.f32 v14, v11;
	v14 =	vmul.f32 v16, v16;
	v16 =	vmul.f32 v18, v18;
	v18 =	vld.idx.msk [tilespmem:v20+s24+$0x0], $0xffff  }
0x1f8: {  	v20 =	vmov v0;
	v0 =	vld [tilespmem:$0x1FDA0];
	_ =	sdelay $0x2  }
0x1f9: {  	v37 =	vld [tilespmem:$0x1FED0]  }
0x1fa: {  	v51 =	vld [tilespmem:$0x1FD90];
	_ =	sdelay $0x2  }
0x1fb: {  	v5 =	vor.u32 v5, v8  }
0x1fc: {  	v6 =	vor.u32 v6, v8;
	v7 =	vor.u32 v7, v8;
	v22 =	vor.u32 v37, v8;
	v8 =	vld.idx.msk [tilespmem:v0+s25+$0x0], $0xffff  }
0x1fd: {  	v0 =	vld [tilespmem:$0x1FDB0];
	_ =	sdelay $0x2  }
0x1fe: {  	v21 =	vld.idx.msk [tilespmem:v51+s25+$0x0], $0xffff;
	_ =	sdelay $0x1  }
0x1ff: {  	v10 =	vadd.f32 v19, v10  }
0x200: {  	v19 =	vld [tilespmem:$0x1FF20]  }
0x201: {  	v10 =	vadd.f32 v12, v10  }
0x202: {  	v12 =	vmul.f32 v21, v17;
	v9 =	vadd.f32 v14, v9;
	v14 =	vmul.f32 v17, v17;
	v17 =	vld.idx.msk [tilespmem:v0+s25+$0x0], $0xffff  }
0x203: {  	v0 =	vld [tilespmem:$0x1FDC0];
	_ =	sdelay $0x3  }
0x204: {  	v13 =	vld.idx.msk [tilespmem:v22+s24+$0x0], $0xffff  }
0x205: {  	v15 =	vld.idx.msk [tilespmem:v19+s25+$0x0], $0xffff;
	_ =	sdelay $0x1  }
0x206: {  	v5 =	vld.idx.msk [tilespmem:v5+s24+$0x0], $0xffff  }
0x207: {  	v9 =	vadd.f32 v14, v9;
	v14 =	vld.idx.msk [tilespmem:v0+s25+$0x0], $0xffff  }
0x208: {  	v11 =	vadd.f32 v16, v11;
	v0 =	vld [tilespmem:$0x1FDD0]  }
0x209: {  	v10 =	vadd.f32 v12, v10;
	v16 =	vmul.f32 v15, v13;
	v13 =	vmul.f32 v13, v13  }
0x20a: {  	v6 =	vld.idx.msk [tilespmem:v6+s24+$0x0], $0xffff;
	v12 =	vmul.f32 v21, v21  }
0x20b: {  	v10 =	vadd.f32 v16, v10;
	v9 =	vadd.f32 v13, v9;
	v13 =	vmul.f32 v8, v18  }
0x20c: {  	v11 =	vadd.f32 v12, v11;
	v12 =	vmul.f32 v15, v15;
	v15 =	vmul.f32 v18, v18  }
0x20d: {  	v10 =	vadd.f32 v13, v10;
	v13 =	vmul.f32 v17, v5  }
0x20e: {  	v11 =	vadd.f32 v12, v11;
	v8 =	vmul.f32 v8, v8;
	v9 =	vadd.f32 v15, v9  }
0x20f: {  	v7 =	vld.idx.msk [tilespmem:v7+s24+$0x0], $0xffff;
	v5 =	vmul.f32 v5, v5;
	v10 =	vadd.f32 v13, v10;
	v13 =	vmul.f32 v14, v6  }
0x210: {  	v8 =	vadd.f32 v8, v11;
	v11 =	vmul.f32 v17, v17;
	v12 =	vld.idx.msk [tilespmem:v0+s25+$0x0], $0xffff  }
0x211: {  	v5 =	vadd.f32 v5, v9;
	v9 =	vadd.f32 v13, v10;
	v10 =	vmul.f32 v14, v14  }
0x212: {  	v6 =	vmul.f32 v6, v6  }
0x213: {  	v8 =	vadd.f32 v11, v8  }
0x214: {  	v5 =	vadd.f32 v6, v5;
	v0 =	vld [tilespmem:$0x1FDE0]  }
0x215: {  	v6 =	vmul.f32 v7, v7;
	v11 =	vmul.f32 v12, v7;
	v7 =	vadd.f32 v10, v8;
	v10 =	vmovc v61;
	v61 =	vld [tilespmem:$0x1FF80];
	_ =	sdelay $0x1  }
0x216: {  	v5 =	vadd.f32 v6, v5;
	v8 =	vadd.f32 v11, v9;
	v9 =	vmul.f32 v12, v12;
	_ =	sdelay $0x1  }
0x217: {  	[tilespmem:$0x1D200] =	vst v5;
	v6 =	vadd.f32 v9, v7  }
0x218: {  	[tilespmem:$0x1D180] =	vst v8  }
0x219: {  	[tilespmem:$0x1D280] =	vst v6  }
0x21a: {  	v9 =	vld.idx.msk [tilespmem:v0+s2+$0x0], $0xffff  }
0x21b: {  	v7 =	vld.idx.msk [tilespmem:v61+s2+$0x0], $0xffff;
	_ =	sdelay $0x4  }
0x21c: {  	v6 =	vadd.f32 v9, v6;
	v5 =	vadd.f32 v7, v5;
	_ =	sdelay $0x1  }
0x21d: {  	v6 =	vmax.f32 v6, $1.000000020e-16;
	v5 =	vmax.f32 v5, $1.000000020e-16  }
0x21e: {  	v5 =	vmul.f32 v6, v5;
	_ =	sdelay $0x1  }
0x21f: {  	v6 =	vshra.s32 v5, $0x1;
	v5 =	vmul.f32 $5.000000000e-01, v5  }
0x220: {  	v6 =	vsub.s32 $0x5F3759DF, v6  }
0x221: {  	v7 =	vmul.f32 v6, v5;
	_ =	sdelay $0x1  }
0x222: {  	v7 =	vmul.f32 v6, v7;
	_ =	sdelay $0x1  }
0x223: {  	v7 =	vsub.f32 $1.500000000e+00, v7;
	_ =	sdelay $0x1  }
0x224: {  	v6 =	vmul.f32 v6, v7;
	_ =	sdelay $0x1  }
0x225: {  	v7 =	vmul.f32 v6, v5  }
0x226: {  	v18 =	vmov v1;
	v1 =	vld [tilespmem:$0x1FF60]  }
0x227: {  	v7 =	vmul.f32 v7, v6;
	_ =	sdelay $0x1  }
0x228: {  	v7 =	vsub.f32 $1.500000000e+00, v7;
	_ =	sdelay $0x1  }
0x229: {  	v6 =	vmul.f32 v7, v6;
	_ =	sdelay $0x1  }
0x22a: {  	v5 =	vmul.f32 v6, v5  }
0x22b: {  	v7 =	vld.idx.msk [tilespmem:v1+s2+$0x0], $0xffff  }
0x22c: {  	v5 =	vmul.f32 v5, v6;
	_ =	sdelay $0x1  }
0x22d: {  	v5 =	vsub.f32 $1.500000000e+00, v5  }
0x22e: {  	v0 =	vld [tilespmem:$0x1FBF0]  }
0x22f: {  	v7 =	vadd.f32 v7, v8;
	v5 =	vmul.f32 v5, v6  }
0x230: {  	v22 =	vmov v2;
	v2 =	vld [tilespmem:$0x1FC00]  }
0x231: {  	v5 =	vmul.f32 v5, v7;
	_ =	sdelay $0x1  }
0x232: {  	v5 =	vmul.f32 v5, v0;
	_ =	sdelay $0x1  }
0x233: {  	v5 =	vadd.f32 v5, v2;
	_ =	sdelay $0x1  }
0x234: {  	v5 =	vsub.f32 $0.0e+00, v5;
	_ =	sdelay $0x1  }
0x235: {  	v5 =	vmul.f32 $1.442695020e+00, v5;
	_ =	sdelay $0x1  }
0x236: {  	(erf) = vpow2.f32 v5;
	_ =	sdelay $0x8  }
0x237: {  	v5 =	vpop (erf)  }
0x238: {  	v5 =	vadd.f32 $1.000000000e+00, v5;
	_ =	sdelay $0x1  }
0x239: {  	(erf) = vrcp.f32 v5;
	_ =	sdelay $0x3  }
0x23a: {  	s17 =	sadd.s32 $0x38, s17  }
0x23b: {  	p0 =	sne.s32 s17, $0x818  }
.Ltmp3:
0x23c: {  	_ = 	snop;
	(pc) =	sbr.rel @!p0 .LBB2_5-.Ltmp3, $3  }
0x23d: {  	_ =	sdelay $0x1  }
0x23e: {  	v15 =	vmov v63;
	v63 =	vld [tilespmem:$0x1FC20];
	v5 =	vpop (erf)  }
0x23f: {  	s16 =	sadd.s32 $0xE, s16;
	v21 =	vmov v35;
	v35 =	vmov v4;
	v13 =	vmov v62;
	v7 =	vld [tilespmem:$0x1FF70];
	[tilespmem:s18+$0x1CF07] =	vst.msk vm5, v5  }
.LBB2_2:
0x240: {  	s18 =	sshra.s32 s17, $0x2  }
0x241: {  	v5 =	vld [tilespmem:s18+$0x7];
	_ =	sdelay $0x4  }
0x242: {  	(v2sf) =	vpush v5, $0x0  }
0x243: {  	(v2sf) =	vpush v5, $0x1;
	_ =	sdelay $0x1  }
0x244: {  	(v2sf) =	vpush v5, $0x2  }
0x245: {  	v6 =	vld [tilespmem:s18+$0x287];
	(v2sf) =	vpush v5, $0x3;
	_ =	sdelay $0x1  }
0x246: {  	(v2sf) =	vpush v5, $0x4  }
0x247: {  	(v2sf) =	vpush v5, $0x5  }
0x248: {  	(v2sf) =	vpush v5, $0x6  }
0x249: {  	(v2sf) =	vpush v6, $0x0;
	_ =	sdelay $0x5  }
0x24a: {  	s3 =	spop (v2sf)  }
0x24b: {  	s5 =	spop (v2sf);
	(v2sf) =	vpush v6, $0x1;
	_ =	sdelay $0x1  }
0x24c: {  	s21 =	sand.u32 $0xFFFFF80, s3;
	s7 =	spop (v2sf)  }
0x24d: {  	s21 =	sadd.s32 s0, s21;
	s14 =	spop (v2sf)  }
0x24e: {  	[tilespmem:s24], [sflag:$0x2] =	stream.strided.gather [hbm4b:s21+s26], $0x2000, s30, s26, $0x38;
	[tilespmem:$0x1D480] =	vst v63  }
0x24f: {  	s15 =	spop (v2sf)  }
0x250: {  	s20 =	spop (v2sf)  }
0x251: {  	s19 =	spop (v2sf)  }
0x252: {  	(v2sf) =	vpush v6, $0x2;
	s22 =	spop (v2sf)  }
0x253: {  	s3 =	sshra.s32 s3, $0x7;
	s21 =	sshll.u32 s22, $0x4;
	s22 =	sshra.s32 s5, $0x7  }
0x254: {  	s21 =	sand.u32 $0x1FFFFFF0, s21;
	p0 =	seq.s32 s22, s3  }
0x255: {  	s23 =	sadd.s32 s8, s21;
	s3 =	sand.u32 @!p0 $0xFFFFF80, s5;
	s5 =	simm.s32 @!p0 $0x400  }
0x256: {  	[tilespmem:s25], [sflag:$0x2] =	stream.linear.gather [hbm4b:s23+s6], $0x80, $0x38;
	[tilespmem:$0x1D480] =	vst v63  }
0x257: {  	s21 =	simm.s32 @!p0 $0x7A1400;
	s3 =	sadd.s32 @!p0 s0, s3;
	s23 =	simm.s32 @!p0 $0x10700  }
0x258: {  	[tilespmem:s23], [sflag:$0x2] =	stream.strided.gather @!p0 [hbm4b:s3+s5], $0x2000, s21, s5, $0x38;
	[tilespmem:$0x1D480] =	vst v63  }
0x259: {  	s21 =	spop (v2sf)  }
0x25a: {  	(v2sf) =	vpush v6, $0x3;
	s3 =	sshll.u32 s21, $0x4  }
0x25b: {  	s5 =	sshra.s32 s7, $0x7;
	s3 =	sand.u32 $0x1FFFFFF0, s3  }
0x25c: {  	p0 =	seq.s32 s5, s22;
	s3 =	sadd.s32 s8, s3  }
0x25d: {  	[tilespmem:s10], [sflag:$0x2] =	stream.linear.gather [hbm4b:s3+s6], $0x80, $0x38;
	[tilespmem:$0x1D480] =	vst v63  }
0x25e: {  	s22 =	simm.s32 @!p0 $0x12700;
	s3 =	sand.u32 @!p0 $0xFFFFF80, s7  }
0x25f: {  	(v2sf) =	vpush v6, $0x4;
	s21 =	simm.s32 @!p0 $0x7A1400;
	s7 =	simm.s32 @!p0 $0x400;
	s3 =	sadd.s32 @!p0 s0, s3  }
0x260: {  	[tilespmem:s22], [sflag:$0x2] =	stream.strided.gather @!p0 [hbm4b:s3+s7], $0x2000, s21, s7, $0x38;
	[tilespmem:$0x1D480] =	vst v63  }
0x261: {  	s22 =	spop (v2sf)  }
0x262: {  	s3 =	sshll.u32 s22, $0x4  }
0x263: {  	s23 =	sshra.s32 s14, $0x7;
	s3 =	sand.u32 $0x1FFFFFF0, s3  }
0x264: {  	p0 =	seq.s32 s23, s5;
	s3 =	sadd.s32 s8, s3  }
0x265: {  	[tilespmem:s11], [sflag:$0x2] =	stream.linear.gather [hbm4b:s3+s6], $0x80, $0x38;
	[tilespmem:$0x1D480] =	vst v63  }
0x266: {  	(v2sf) =	vpush v6, $0x5;
	s5 =	simm.s32 @!p0 $0x400;
	s3 =	sand.u32 @!p0 $0xFFFFF80, s14  }
0x267: {  	s21 =	simm.s32 @!p0 $0x14700;
	s14 =	simm.s32 @!p0 $0x7A1400;
	s3 =	sadd.s32 @!p0 s0, s3  }
0x268: {  	[tilespmem:s21], [sflag:$0x2] =	stream.strided.gather @!p0 [hbm4b:s3+s5], $0x2000, s14, s5, $0x38;
	[tilespmem:$0x1D480] =	vst v63  }
0x269: {  	s14 =	spop (v2sf)  }
0x26a: {  	s3 =	sshll.u32 s14, $0x4  }
0x26b: {  	s21 =	sshra.s32 s15, $0x7;
	s3 =	sand.u32 $0x1FFFFFF0, s3  }
0x26c: {  	p0 =	seq.s32 s21, s23;
	s3 =	sadd.s32 s8, s3  }
0x26d: {  	(v2sf) =	vpush v6, $0x6;
	[tilespmem:s12], [sflag:$0x2] =	stream.linear.gather [hbm4b:s3+s6], $0x80, $0x38;
	[tilespmem:$0x1D480] =	vst v63  }
0x26e: {  	s22 =	spop (v2sf);
	s7 =	simm.s32 @!p0 $0x400;
	s3 =	sand.u32 @!p0 $0xFFFFF80, s15  }
0x26f: {  	s14 =	simm.s32 @!p0 $0x7A1400;
	s15 =	simm.s32 @!p0 $0x16700;
	s3 =	sadd.s32 @!p0 s0, s3  }
0x270: {  	[tilespmem:s15], [sflag:$0x2] =	stream.strided.gather @!p0 [hbm4b:s3+s7], $0x2000, s14, s7, $0x38;
	[tilespmem:$0x1D480] =	vst v63  }
0x271: {  	s3 =	sshll.u32 s22, $0x4  }
0x272: {  	s23 =	sshra.s32 s20, $0x7;
	s3 =	sand.u32 $0x1FFFFFF0, s3  }
0x273: {  	p0 =	seq.s32 s23, s21;
	s3 =	sadd.s32 s8, s3  }
0x274: {  	[tilespmem:s13], [sflag:$0x2] =	stream.linear.gather [hbm4b:s3+s6], $0x80, $0x38;
	[tilespmem:$0x1D480] =	vst v63  }
0x275: {  	s21 =	spop (v2sf);
	s5 =	simm.s32 @!p0 $0x400;
	s3 =	sand.u32 @!p0 $0xFFFFF80, s20  }
0x276: {  	s14 =	simm.s32 @!p0 $0x7A1400;
	s15 =	simm.s32 @!p0 $0x18700;
	s3 =	sadd.s32 @!p0 s0, s3  }
0x277: {  	[tilespmem:s15], [sflag:$0x2] =	stream.strided.gather @!p0 [hbm4b:s3+s5], $0x2000, s14, s5, $0x38;
	[tilespmem:$0x1D480] =	vst v63  }
0x278: {  	s3 =	sshll.u32 s21, $0x4  }
0x279: {  	s22 =	sshra.s32 s19, $0x7;
	s3 =	sand.u32 $0x1FFFFFF0, s3  }
0x27a: {  	p0 =	seq.s32 s22, s23;
	s3 =	sadd.s32 s8, s3  }
0x27b: {  	[tilespmem:s9], [sflag:$0x2] =	stream.linear.gather [hbm4b:s3+s6], $0x80, $0x38;
	[tilespmem:$0x1D480] =	vst v63  }
0x27c: {  	s23 =	spop (v2sf);
	s5 =	simm.s32 @!p0 $0x400;
	s3 =	sand.u32 @!p0 $0xFFFFF80, s19  }
0x27d: {  	s7 =	simm.s32 @!p0 $0x7A1400;
	s14 =	simm.s32 @!p0 $0x1A700;
	s3 =	sadd.s32 @!p0 s0, s3  }
0x27e: {  	[tilespmem:s14], [sflag:$0x2] =	stream.strided.gather @!p0 [hbm4b:s3+s5], $0x2000, s7, s5, $0x38;
	[tilespmem:$0x1D480] =	vst v63  }
0x27f: {  	s3 =	sshll.u32 s23, $0x4  }
0x280: {  	s3 =	sand.u32 $0x1FFFFFF0, s3  }
0x281: {  	s3 =	sadd.s32 s8, s3  }
0x282: {  	[tilespmem:s1], [sflag:$0x2] =	stream.linear.gather [hbm4b:s3+s6], $0x80, $0x38;
	[tilespmem:$0x1D480] =	vst v63  }
0x283: {  	v5 =	vld [tilespmem:s18+$0x0];
	_ =	sdelay $0x4  }
0x284: {  	v5 =	vshra.s32 v5, $0x7  }
0x285: {  	(v2sf) =	vpush v5, $0x0  }
0x286: {  	(v2sf) =	vpush v5, $0x1  }
0x287: {  	(v2sf) =	vpush v5, $0x2  }
0x288: {  	(v2sf) =	vpush v5, $0x3  }
0x289: {  	(v2sf) =	vpush v5, $0x4  }
0x28a: {  	(v2sf) =	vpush v5, $0x5  }
0x28b: {  	(v2sf) =	vpush v5, $0x6;
	_ =	sdelay $0x8  }
0x28c: {  	s5 =	spop (v2sf)  }
0x28d: {  	s23 =	spop (v2sf)  }
0x28e: {  	s14 =	spop (v2sf)  }
0x28f: {  	s15 =	spop (v2sf)  }
0x290: {  	s19 =	spop (v2sf)  }
0x291: {  	s20 =	spop (v2sf)  }
0x292: {  	s22 =	spop (v2sf)  }
0x293: {  	_ =	swait.ge [sflag:s28], $0x2000  }
0x294: {  	p0 =	seq.s32 s23, s5;
	[sflag:s28] =	ssyncset.done $0x0  }
0x295: {  	s21 =	simm.s32 @!p0 $0x1;
	[sflag:s28] =	ssyncadd.s32 $0xFFFFE000  }
0x296: {  	_ =	swait.ge @!p0 [sflag:s21], $0x2000  }
0x297: {  	p1 =	seq.s32 s14, s23;
	[sflag:s21] =	ssyncset.done @!p0 $0x0  }
0x298: {  	[sflag:s21] =	ssyncadd.s32 @!p0 $0xFFFFE000;
	s21 =	simm.s32 @!p1 $0x1  }
0x299: {  	_ =	swait.ge @!p1 [sflag:s21], $0x2000  }
0x29a: {  	p0 =	seq.s32 s15, s14;
	[sflag:s21] =	ssyncset.done @!p1 $0x0  }
0x29b: {  	s7 =	simm.s32 @!p0 $0x1;
	[sflag:s21] =	ssyncadd.s32 @!p1 $0xFFFFE000  }
0x29c: {  	_ =	swait.ge @!p0 [sflag:s7], $0x2000  }
0x29d: {  	p2 =	seq.s32 s19, s15;
	[sflag:s7] =	ssyncset.done @!p0 $0x0  }
0x29e: {  	[sflag:s7] =	ssyncadd.s32 @!p0 $0xFFFFE000;
	s7 =	simm.s32 @!p2 $0x1  }
0x29f: {  	s3 =	simm.s32 $0x1;
	p3 =	sne.s32 s23, s5;
	_ =	swait.ge @!p2 [sflag:s7], $0x2000  }
0x2a0: {  	s3 =	simm.s32 @!p3 $0x0;
	p3 =	seq.s32 s20, s19;
	[sflag:s7] =	ssyncset.done @!p2 $0x0  }
0x2a1: {  	s5 =	smov.u32 s3;
	[sflag:s7] =	ssyncadd.s32 @!p2 $0xFFFFE000;
	s7 =	simm.s32 @!p3 $0x1  }
0x2a2: {  	s5 =	simm.s32 @!p1 $0x2;
	_ =	swait.ge @!p3 [sflag:s7], $0x2000  }
0x2a3: {  	s14 =	smov.u32 s5;
	p1 =	seq.s32 s22, s20;
	[sflag:s7] =	ssyncset.done @!p3 $0x0  }
0x2a4: {  	s14 =	simm.s32 @!p0 $0x3;
	[sflag:s7] =	ssyncadd.s32 @!p3 $0xFFFFE000;
	s7 =	simm.s32 @!p1 $0x1  }
0x2a5: {  	s23 =	sadd.s32 $0xFFFFFFF9, s16;
	s15 =	smov.u32 s14;
	_ =	swait.ge @!p1 [sflag:s7], $0x2000  }
0x2a6: {  	v5 =	vadd.s32 s23, v52;
	s15 =	simm.s32 @!p2 $0x4;
	[sflag:s7] =	ssyncset.done @!p1 $0x0  }
0x2a7: {  	s19 =	smov.u32 s15;
	[sflag:s7] =	ssyncadd.s32 @!p1 $0xFFFFE000  }
0x2a8: {  	s19 =	simm.s32 @!p3 $0x5;
	_ =	swait.ge [sflag:s28], $0x380  }
0x2a9: {  	v6 =	vmov s19;
	s19 =	simm.s32 @!p1 $0x6;
	[sflag:s28] =	ssyncset.done $0x0  }
0x2aa: {  	v6 =	vsel vm0, s19, v6;
	[sflag:s28] =	ssyncadd.s32 $0xFFFFFC80  }
0x2ab: {  	v6 =	vnsel vm1, s15, v6;
	v5 =	vld.idx.msk [tilespmem:v5+s6+$0x0], $0xffff  }
0x2ac: {  	v6 =	vnsel vm2, s14, v6  }
0x2ad: {  	v6 =	vnsel vm3, s5, v6  }
0x2ae: {  	v4 =	vmov v1;
	v6 =	vnsel vm4, s3, v6;
	v1 =	vld [tilespmem:$0x1FC30]  }
0x2af: {  	v6 =	vsel vm6, $0x0, v6  }
0x2b0: {  	v6 =	vshll.u32 v6, $0xD;
	v5 =	vand.u32 $0x7F, v5  }
0x2b1: {  	v8 =	vor.u32 v6, v5  }
0x2b2: {  	v5 =	vor.u32 v59, v8  }
0x2b3: {  	v6 =	vor.u32 v60, v8;
	v60 =	vld [tilespmem:$0x1FC40]  }
0x2b4: {  	v62 =	vld [tilespmem:$0x1FC50]  }
0x2b5: {  	v9 =	vld.idx.msk [tilespmem:v63+s4+$0x0], $0xffff;
	v7 =	vor.u32 v7, v8  }
0x2b6: {  	v11 =	vld.idx.msk [tilespmem:v1+s4+$0x0], $0xffff  }
0x2b7: {  	v5 =	vld.idx.msk [tilespmem:v5+s31+$0x0], $0xffff  }
0x2b8: {  	v6 =	vld.idx.msk [tilespmem:v6+s31+$0x0], $0xffff  }
0x2b9: {  	v42 =	vld [tilespmem:$0x1FC60]  }
0x2ba: {  	v10 =	vor.u32 v10, v8;
	v7 =	vld.idx.msk [tilespmem:v7+s31+$0x0], $0xffff  }
0x2bb: {  	v13 =	vor.u32 v13, v8;
	v12 =	vld.idx.msk [tilespmem:v60+s4+$0x0], $0xffff  }
0x2bc: {  	v14 =	vmul.f32 v9, v5;
	v5 =	vmul.f32 v5, v5  }
0x2bd: {  	v18 =	vor.u32 v18, v8;
	v16 =	vmul.f32 v11, v6;
	v6 =	vmul.f32 v6, v6  }
0x2be: {  	v17 =	vld.idx.msk [tilespmem:v62+s4+$0x0], $0xffff;
	v9 =	vmul.f32 v9, v9;
	v11 =	vmul.f32 v11, v11  }
0x2bf: {  	v15 =	vor.u32 v15, v8;
	v10 =	vld.idx.msk [tilespmem:v10+s31+$0x0], $0xffff;
	v14 =	vadd.f32 $0.0e+00, v14;
	v5 =	vadd.f32 v6, v5  }
0x2c0: {  	v13 =	vld.idx.msk [tilespmem:v13+s31+$0x0], $0xffff;
	v6 =	vadd.f32 v11, v9;
	v52 =	vmul.f32 v12, v7;
	v12 =	vmul.f32 v12, v12  }
0x2c1: {  	v9 =	vld.idx.msk [tilespmem:v42+s4+$0x0], $0xffff  }
0x2c2: {  	v14 =	vadd.f32 v16, v14;
	v6 =	vadd.f32 v12, v6;
	v12 =	vld.idx.msk [tilespmem:v18+s31+$0x0], $0xffff  }
0x2c3: {  	v18 =	vor.u32 v31, v8;
	v31 =	vld [tilespmem:$0x1FC80]  }
0x2c4: {  	v7 =	vmul.f32 v7, v7;
	v11 =	vadd.f32 v52, v14;
	v14 =	vld.idx.msk [tilespmem:v15+s31+$0x0], $0xffff;
	v15 =	vor.u32 v20, v8  }
0x2c5: {  	v52 =	vmovc v19;
	v19 =	vor.u32 v35, v8;
	v35 =	vmovc v34;
	v34 =	vmov v33;
	v33 =	vmov v32;
	v32 =	vld [tilespmem:$0x1FC90]  }
0x2c6: {  	v5 =	vadd.f32 v7, v5;
	v7 =	vmul.f32 v17, v10;
	v10 =	vmul.f32 v10, v10  }
0x2c7: {  	v16 =	vld.idx.msk [tilespmem:v30+s4+$0x0], $0xffff  }
0x2c8: {  	v5 =	vadd.f32 v10, v5;
	v10 =	vmul.f32 v17, v17  }
0x2c9: {  	v20 =	vmovc v55;
	v55 =	vmovc v43;
	v43 =	vmov v36;
	v36 =	vmul.f32 v9, v13;
	v13 =	vmul.f32 v13, v13  }
0x2ca: {  	v7 =	vadd.f32 v7, v11;
	v6 =	vadd.f32 v10, v6;
	v10 =	vld.idx.msk [tilespmem:v15+s31+$0x0], $0xffff  }
0x2cb: {  	v5 =	vadd.f32 v13, v5;
	v11 =	vld.idx.msk [tilespmem:v31+s4+$0x0], $0xffff  }
0x2cc: {  	v7 =	vadd.f32 v36, v7;
	v13 =	vmul.f32 v16, v14;
	v36 =	vmul.f32 v14, v14;
	v14 =	vld.idx.msk [tilespmem:v18+s31+$0x0], $0xffff  }
0x2cd: {  	v9 =	vmul.f32 v9, v9;
	v15 =	vld.idx.msk [tilespmem:v32+s4+$0x0], $0xffff  }
0x2ce: {  	v17 =	vor.u32 v22, v8;
	v18 =	vld.idx.msk [tilespmem:v33+s4+$0x0], $0xffff  }
0x2cf: {  	v6 =	vadd.f32 v9, v6;
	v7 =	vadd.f32 v13, v7;
	v13 =	vmul.f32 v16, v16  }
0x2d0: {  	v1 =	vmovc v30;
	v30 =	vmovc v2;
	v2 =	vmov v22;
	v5 =	vadd.f32 v36, v5;
	v22 =	vmul.f32 v11, v12  }
0x2d1: {  	v36 =	vmul.f32 v12, v12;
	v16 =	vor.u32 v40, v8;
	v6 =	vadd.f32 v13, v6;
	v13 =	vld.idx.msk [tilespmem:v34+s4+$0x0], $0xffff  }
0x2d2: {  	v12 =	vld.idx.msk [tilespmem:v19+s31+$0x0], $0xffff;
	v11 =	vmul.f32 v11, v11;
	v7 =	vadd.f32 v22, v7;
	v22 =	vmul.f32 v15, v10  }
0x2d3: {  	v5 =	vadd.f32 v36, v5;
	v40 =	vmul.f32 v18, v14;
	v10 =	vmul.f32 v10, v10  }
0x2d4: {  	v6 =	vadd.f32 v11, v6;
	v36 =	vmul.f32 v15, v15;
	v15 =	vld.idx.msk [tilespmem:v17+s31+$0x0], $0xffff;
	v7 =	vadd.f32 v22, v7  }
0x2d5: {  	v19 =	vor.u32 v53, v8;
	v53 =	vmul.f32 v14, v14;
	v17 =	vld.idx.msk [tilespmem:v35+s4+$0x0], $0xffff;
	v5 =	vadd.f32 v10, v5  }
0x2d6: {  	v6 =	vadd.f32 v36, v6;
	v36 =	vld [tilespmem:$0x1FCD0];
	v7 =	vadd.f32 v40, v7  }
0x2d7: {  	v40 =	vmul.f32 v13, v12;
	v5 =	vadd.f32 v53, v5;
	v53 =	vmul.f32 v12, v12;
	v12 =	vld.idx.msk [tilespmem:v16+s31+$0x0], $0xffff  }
0x2d8: {  	v20 =	vor.u32 v20, v8;
	v16 =	vor.u32 v56, v8;
	v56 =	vld [tilespmem:$0x1FCE0];
	_ =	sdelay $0x1  }
0x2d9: {  	v22 =	vmul.f32 v18, v18;
	_ =	sdelay $0x1  }
0x2da: {  	v11 =	vld.idx.msk [tilespmem:v19+s31+$0x0], $0xffff;
	v6 =	vadd.f32 v22, v6;
	v22 =	vmul.f32 v13, v13;
	v7 =	vadd.f32 v40, v7  }
0x2db: {  	v5 =	vadd.f32 v53, v5;
	v40 =	vmul.f32 v17, v15;
	v53 =	vmul.f32 v15, v15;
	v15 =	vld.idx.msk [tilespmem:v20+s31+$0x0], $0xffff  }
0x2dc: {  	v18 =	vld.idx.msk [tilespmem:v36+s4+$0x0], $0xffff  }
0x2dd: {  	v6 =	vadd.f32 v22, v6;
	v22 =	vmul.f32 v17, v17;
	v17 =	vld.idx.msk [tilespmem:v38+s4+$0x0], $0xffff  }
0x2de: {  	v13 =	vld.idx.msk [tilespmem:v56+s4+$0x0], $0xffff  }
0x2df: {  	v9 =	vld.idx.msk [tilespmem:v43+s4+$0x0], $0xffff;
	v43 =	vor.u32 v3, v8;
	v19 =	vor.u32 v57, v8  }
0x2e0: {  	v7 =	vadd.f32 v40, v7;
	v5 =	vadd.f32 v53, v5;
	v40 =	vmul.f32 v11, v11  }
0x2e1: {  	v6 =	vadd.f32 v22, v6;
	v14 =	vld.idx.msk [tilespmem:v16+s31+$0x0], $0xffff;
	v22 =	vmul.f32 v12, v12;
	v38 =	vmul.f32 v18, v11  }
0x2e2: {  	v16 =	vld.idx.msk [tilespmem:v39+s4+$0x0], $0xffff;
	v5 =	vadd.f32 v40, v5;
	v53 =	vmul.f32 v18, v18;
	v18 =	vor.u32 v54, v8  }
0x2e3: {  	v39 =	vmul.f32 v17, v15;
	v7 =	vadd.f32 v38, v7;
	v57 =	vmul.f32 v13, v12  }
0x2e4: {  	v40 =	vld.idx.msk [tilespmem:v19+s31+$0x0], $0xffff;
	v5 =	vadd.f32 v22, v5;
	v6 =	vadd.f32 v53, v6;
	v38 =	vmul.f32 v13, v13  }
0x2e5: {  	v22 =	vor.u32 v23, v8;
	v53 =	vmul.f32 v15, v15;
	v7 =	vadd.f32 v57, v7  }
0x2e6: {  	v10 =	vld.idx.msk [tilespmem:v41+s4+$0x0], $0xffff;
	v23 =	vmul.f32 v14, v14;
	v54 =	vmul.f32 v17, v17;
	v6 =	vadd.f32 v38, v6  }
0x2e7: {  	v57 =	vmul.f32 v16, v14;
	v5 =	vadd.f32 v53, v5;
	v17 =	vld.idx.msk [tilespmem:v18+s31+$0x0], $0xffff;
	v7 =	vadd.f32 v39, v7  }
0x2e8: {  	v13 =	vld.idx.msk [tilespmem:v43+s31+$0x0], $0xffff;
	v38 =	vmul.f32 v16, v16;
	v53 =	vor.u32 v24, v8;
	v6 =	vadd.f32 v54, v6  }
0x2e9: {  	v5 =	vadd.f32 v23, v5;
	v54 =	vmul.f32 v40, v40;
	v7 =	vadd.f32 v57, v7;
	v57 =	vld.idx.msk [tilespmem:v21+s4+$0x0], $0xffff  }
0x2ea: {  	v43 =	vmov v21;
	v39 =	vmul.f32 v9, v40;
	v23 =	vld.idx.msk [tilespmem:v55+s4+$0x0], $0xffff  }
0x2eb: {  	v55 =	vor.u32 v27, v8;
	v6 =	vadd.f32 v38, v6;
	v21 =	vld.idx.msk [tilespmem:v22+s31+$0x0], $0xffff;
	v5 =	vadd.f32 v54, v5  }
0x2ec: {  	v38 =	vor.u32 v25, v8;
	v7 =	vadd.f32 v39, v7;
	v39 =	vmul.f32 v17, v17  }
0x2ed: {  	v41 =	vor.u32 v26, v8;
	v9 =	vmul.f32 v9, v9;
	v40 =	vld.idx.msk [tilespmem:v53+s31+$0x0], $0xffff  }
0x2ee: {  	v5 =	vadd.f32 v39, v5;
	v53 =	vmul.f32 v57, v13;
	v13 =	vmul.f32 v13, v13  }
0x2ef: {  	v54 =	vld.idx.msk [tilespmem:v44+s4+$0x0], $0xffff;
	v22 =	vmul.f32 v10, v17  }
0x2f0: {  	v6 =	vadd.f32 v9, v6;
	v9 =	vld.idx.msk [tilespmem:v55+s31+$0x0], $0xffff;
	v20 =	vmul.f32 v21, v21;
	v5 =	vadd.f32 v13, v5  }
0x2f1: {  	v10 =	vmul.f32 v10, v10;
	v12 =	vmul.f32 v57, v57;
	v18 =	vld.idx.msk [tilespmem:v38+s31+$0x0], $0xffff  }
0x2f2: {  	v57 =	vmul.f32 v23, v21;
	v21 =	vld.idx.msk [tilespmem:v29+s4+$0x0], $0xffff;
	v11 =	vmul.f32 v40, v40;
	v5 =	vadd.f32 v20, v5  }
0x2f3: {  	v7 =	vadd.f32 v22, v7;
	v22 =	vmul.f32 v23, v23;
	v23 =	vld.idx.msk [tilespmem:v41+s31+$0x0], $0xffff  }
0x2f4: {  	v6 =	vadd.f32 v10, v6;
	v5 =	vadd.f32 v11, v5;
	v11 =	vld.idx.msk [tilespmem:v47+s4+$0x0], $0xffff  }
0x2f5: {  	v38 =	vor.u32 v28, v8;
	v7 =	vadd.f32 v53, v7;
	v47 =	vld [tilespmem:$0x1FEA0]  }
0x2f6: {  	v39 =	vmul.f32 v54, v40;
	v40 =	vld.idx.msk [tilespmem:v46+s4+$0x0], $0xffff;
	v46 =	vor.u32 v37, v8;
	v6 =	vadd.f32 v12, v6  }
0x2f7: {  	v7 =	vadd.f32 v57, v7;
	v41 =	vmul.f32 v21, v18;
	v55 =	vmul.f32 v21, v21;
	v21 =	vld.idx.msk [tilespmem:v48+s4+$0x0], $0xffff  }
0x2f8: {  	v10 =	vmul.f32 v54, v54;
	v6 =	vadd.f32 v22, v6;
	v48 =	vld [tilespmem:$0x1FEB0]  }
0x2f9: {  	v44 =	vld.idx.msk [tilespmem:v49+s4+$0x0], $0xffff;
	v53 =	vmul.f32 v18, v18;
	v7 =	vadd.f32 v39, v7  }
0x2fa: {  	v57 =	vld.idx.msk [tilespmem:v38+s31+$0x0], $0xffff;
	v22 =	vmul.f32 v23, v23;
	v6 =	vadd.f32 v10, v6;
	v54 =	vor.u32 v47, v8  }
0x2fb: {  	v20 =	vmul.f32 v40, v23;
	v38 =	vmul.f32 v40, v40;
	v18 =	vld.idx.msk [tilespmem:v46+s31+$0x0], $0xffff;
	v7 =	vadd.f32 v41, v7  }
0x2fc: {  	v46 =	vld [tilespmem:$0x1FDD0];
	v5 =	vadd.f32 v53, v5;
	v6 =	vadd.f32 v55, v6;
	v41 =	vor.u32 v45, v8  }
0x2fd: {  	v53 =	vor.u32 v58, v8;
	v55 =	vld.idx.msk [tilespmem:v51+s4+$0x0], $0xffff;
	v23 =	vor.u32 v48, v8;
	v7 =	vadd.f32 v20, v7  }
0x2fe: {  	v58 =	vld [tilespmem:$0x1FDA0];
	v6 =	vadd.f32 v38, v6;
	v39 =	vmul.f32 v11, v9;
	v11 =	vmul.f32 v11, v11  }
0x2ff: {  	v5 =	vadd.f32 v22, v5;
	v9 =	vmul.f32 v9, v9;
	v40 =	vld.idx.msk [tilespmem:v54+s31+$0x0], $0xffff  }
0x300: {  	v45 =	vmul.f32 v21, v57;
	v7 =	vadd.f32 v39, v7;
	v6 =	vadd.f32 v11, v6;
	v11 =	vld.idx.msk [tilespmem:v50+s4+$0x0], $0xffff  }
0x301: {  	v49 =	vmul.f32 v57, v57;
	v5 =	vadd.f32 v9, v5;
	v50 =	vmul.f32 v21, v21;
	v15 =	vld.idx.msk [tilespmem:v41+s31+$0x0], $0xffff  }
0x302: {  	v12 =	vmul.f32 v44, v44;
	v13 =	vld.idx.msk [tilespmem:v23+s31+$0x0], $0xffff;
	v7 =	vadd.f32 v45, v7  }
0x303: {  	v9 =	vadd.f32 v49, v5;
	v5 =	vor.u32 $0x1D00, v59;
	v14 =	vadd.f32 v50, v6;
	v45 =	vld [tilespmem:$0x1FDC0]  }
0x304: {  	v6 =	vor.u32 $0x1E00, v59;
	v57 =	vor.u32 v5, v8;
	v54 =	vmul.f32 v44, v40;
	v44 =	vld [tilespmem:$0x1FDB0]  }
0x305: {  	v16 =	vld.idx.msk [tilespmem:v53+s31+$0x0], $0xffff;
	v50 =	vor.u32 v6, v8  }
0x306: {  	v22 =	vld.idx.msk [tilespmem:v58+s4+$0x0], $0xffff;
	v10 =	vmul.f32 v40, v40  }
0x307: {  	v49 =	vmul.f32 v11, v13;
	v13 =	vmul.f32 v13, v13  }
0x308: {  	v17 =	vadd.f32 v54, v7;
	v9 =	vadd.f32 v10, v9;
	v10 =	vld.idx.msk [tilespmem:v52+s4+$0x0], $0xffff;
	v7 =	vor.u32 $0x1F00, v59  }
0x309: {  	v58 =	vmul.f32 v18, v18;
	v12 =	vadd.f32 v12, v14;
	v53 =	vld.idx.msk [tilespmem:v57+s31+$0x0], $0xffff;
	v8 =	vor.u32 v7, v8  }
0x30a: {  	v11 =	vmul.f32 v11, v11;
	v21 =	vld.idx.msk [tilespmem:v50+s31+$0x0], $0xffff;
	v52 =	vmul.f32 v15, v15;
	v9 =	vadd.f32 v13, v9  }
0x30b: {  	v51 =	vmul.f32 v55, v15;
	v37 =	vmul.f32 v22, v16;
	v23 =	vld.idx.msk [tilespmem:v45+s4+$0x0], $0xffff;
	v14 =	vadd.f32 v49, v17  }
0x30c: {  	v11 =	vadd.f32 v11, v12;
	v54 =	vmul.f32 v55, v55;
	v9 =	vadd.f32 v52, v9;
	v57 =	vld.idx.msk [tilespmem:v44+s4+$0x0], $0xffff  }
0x30d: {  	v39 =	vld.idx.msk [tilespmem:v46+s4+$0x0], $0xffff;
	v16 =	vmul.f32 v16, v16;
	v14 =	vadd.f32 v51, v14;
	v55 =	vmul.f32 v10, v18  }
0x30e: {  	v11 =	vadd.f32 v54, v11;
	v10 =	vmul.f32 v10, v10;
	v9 =	vadd.f32 v58, v9;
	v8 =	vld.idx.msk [tilespmem:v8+s31+$0x0], $0xffff  }
0x30f: {  	v38 =	vmul.f32 v22, v22;
	v49 =	vmul.f32 v21, v21;
	v14 =	vadd.f32 v55, v14  }
0x310: {  	v44 =	vmul.f32 v53, v53;
	v10 =	vadd.f32 v10, v11;
	v9 =	vadd.f32 v16, v9  }
0x311: {  	v46 =	vmul.f32 v23, v21;
	v12 =	vadd.f32 v37, v14;
	v41 =	vmul.f32 v57, v53  }
0x312: {  	v10 =	vadd.f32 v38, v10;
	v9 =	vadd.f32 v44, v9;
	v45 =	vmul.f32 v57, v57  }
0x313: {  	v50 =	vmul.f32 v23, v23;
	v51 =	vmul.f32 v39, v8;
	v12 =	vadd.f32 v41, v12  }
0x314: {  	v40 =	vld [tilespmem:$0x1FDE0];
	v8 =	vmul.f32 v8, v8;
	v9 =	vadd.f32 v49, v9;
	v10 =	vadd.f32 v45, v10  }
0x315: {  	v12 =	vadd.f32 v46, v12  }
0x316: {  	v53 =	vmul.f32 v39, v39;
	v8 =	vadd.f32 v8, v9;
	v10 =	vadd.f32 v50, v10  }
0x317: {  	v52 =	vadd.f32 v51, v12  }
0x318: {  	[tilespmem:$0x1D200] =	vst v8;
	v54 =	vadd.f32 v53, v10  }
0x319: {  	[tilespmem:$0x1D180] =	vst v52  }
0x31a: {  	[tilespmem:$0x1D280] =	vst v54  }
0x31b: {  	v55 =	vld.idx.msk [tilespmem:v61+s2+$0x0], $0xffff  }
0x31c: {  	v57 =	vld.idx.msk [tilespmem:v40+s2+$0x0], $0xffff;
	_ =	sdelay $0x4  }
0x31d: {  	v8 =	vadd.f32 v55, v8;
	v9 =	vadd.f32 v57, v54;
	_ =	sdelay $0x1  }
0x31e: {  	v8 =	vmax.f32 v8, $1.000000020e-16;
	v9 =	vmax.f32 v9, $1.000000020e-16  }
0x31f: {  	v8 =	vmul.f32 v9, v8;
	_ =	sdelay $0x1  }
0x320: {  	v9 =	vshra.s32 v8, $0x1;
	v8 =	vmul.f32 $5.000000000e-01, v8  }
0x321: {  	v9 =	vsub.s32 $0x5F3759DF, v9  }
0x322: {  	v58 =	vmul.f32 v9, v8;
	_ =	sdelay $0x1  }
0x323: {  	v10 =	vmul.f32 v9, v58;
	_ =	sdelay $0x1  }
0x324: {  	v10 =	vsub.f32 $1.500000000e+00, v10;
	_ =	sdelay $0x1  }
0x325: {  	v9 =	vmul.f32 v9, v10;
	_ =	sdelay $0x1  }
0x326: {  	v10 =	vmul.f32 v9, v8;
	_ =	sdelay $0x1  }
0x327: {  	v10 =	vmul.f32 v10, v9;
	_ =	sdelay $0x1  }
0x328: {  	v10 =	vsub.f32 $1.500000000e+00, v10;
	_ =	sdelay $0x1  }
0x329: {  	v9 =	vmul.f32 v10, v9;
	_ =	sdelay $0x1  }
0x32a: {  	v8 =	vmul.f32 v9, v8  }
0x32b: {  	v61 =	vld.idx.msk [tilespmem:v4+s2+$0x0], $0xffff  }
0x32c: {  	v8 =	vmul.f32 v8, v9;
	_ =	sdelay $0x1  }
0x32d: {  	v8 =	vsub.f32 $1.500000000e+00, v8;
	_ =	sdelay $0x1  }
0x32e: {  	v10 =	vadd.f32 v61, v52;
	v8 =	vmul.f32 v8, v9;
	_ =	sdelay $0x1  }
0x32f: {  	v8 =	vmul.f32 v8, v10;
	_ =	sdelay $0x1  }
0x330: {  	v8 =	vmul.f32 v8, v0;
	_ =	sdelay $0x1  }
0x331: {  	v8 =	vadd.f32 v8, v30;
	_ =	sdelay $0x1  }
0x332: {  	v8 =	vsub.f32 $0.0e+00, v8;
	_ =	sdelay $0x1  }
0x333: {  	v8 =	vmul.f32 $1.442695020e+00, v8;
	_ =	sdelay $0x1  }
0x334: {  	(erf) = vpow2.f32 v8;
	_ =	sdelay $0x8  }
0x335: {  	v8 =	vpop (erf)  }
0x336: {  	v8 =	vadd.f32 $1.000000000e+00, v8;
	_ =	sdelay $0x1  }
0x337: {  	(erf) = vrcp.f32 v8;
	_ =	sdelay $0x4  }
0x338: {  	p0 =	seq.s32 s17, $0x7E0  }
.Ltmp4:
0x339: {  	_ = 	snop;
	(pc) =	sbr.rel @p0 .LBB2_4-.Ltmp4, $3  }
0x33a: {  	_ =	sdelay $0x1  }
0x33b: {  	v26 =	vld [tilespmem:$0x1FC30];
	v8 =	vpop (erf)  }
0x33c: {  	v27 =	vmovc v60;
	v25 =	vmovc v63;
	v28 =	vmov v62;
	v37 =	vmov v56;
	v52 =	vld [tilespmem:$0x1FC10];
	v30 =	vmov v1;
	[tilespmem:s18+$0x1CF00] =	vst.msk vm5, v8  }
0x33d: {  	v8 =	vld [tilespmem:s18+$0xE];
	_ =	sdelay $0x4  }
0x33e: {  	(v2sf) =	vpush v8, $0x0  }
0x33f: {  	(v2sf) =	vpush v8, $0x1  }
0x340: {  	(v2sf) =	vpush v8, $0x2  }
0x341: {  	v9 =	vld [tilespmem:s18+$0x28E];
	(v2sf) =	vpush v8, $0x3;
	_ =	sdelay $0x1  }
0x342: {  	(v2sf) =	vpush v8, $0x4  }
0x343: {  	(v2sf) =	vpush v8, $0x5  }
0x344: {  	(v2sf) =	vpush v8, $0x6  }
0x345: {  	(v2sf) =	vpush v9, $0x0;
	_ =	sdelay $0x6  }
0x346: {  	s3 =	spop (v2sf);
	(v2sf) =	vpush v9, $0x1  }
0x347: {  	s5 =	spop (v2sf)  }
0x348: {  	s21 =	sand.u32 $0xFFFFF80, s3;
	s7 =	spop (v2sf)  }
0x349: {  	s21 =	sadd.s32 s0, s21;
	s14 =	spop (v2sf)  }
0x34a: {  	[tilespmem:s31], [sflag:$0x1] =	stream.strided.gather [hbm4b:s21+s26], $0x2000, s30, s26, $0x38;
	[tilespmem:$0x1D480] =	vst v63  }
0x34b: {  	s15 =	spop (v2sf)  }
0x34c: {  	s20 =	spop (v2sf)  }
0x34d: {  	s19 =	spop (v2sf)  }
0x34e: {  	(v2sf) =	vpush v9, $0x2;
	s22 =	spop (v2sf)  }
0x34f: {  	s3 =	sshra.s32 s3, $0x7;
	s21 =	sshll.u32 s22, $0x4;
	s22 =	sshra.s32 s5, $0x7  }
0x350: {  	s21 =	sand.u32 $0x1FFFFFF0, s21;
	p0 =	seq.s32 s22, s3  }
0x351: {  	s23 =	sadd.s32 s8, s21;
	s3 =	sand.u32 @!p0 $0xFFFFF80, s5;
	s5 =	simm.s32 @!p0 $0x400  }
0x352: {  	[tilespmem:s4], [sflag:$0x1] =	stream.linear.gather [hbm4b:s23+s6], $0x80, $0x38;
	[tilespmem:$0x1D480] =	vst v63  }
0x353: {  	s21 =	simm.s32 @!p0 $0x7A1400;
	s3 =	sadd.s32 @!p0 s0, s3;
	s23 =	simm.s32 @!p0 $0x2700  }
0x354: {  	[tilespmem:s23], [sflag:$0x1] =	stream.strided.gather @!p0 [hbm4b:s3+s5], $0x2000, s21, s5, $0x38;
	[tilespmem:$0x1D480] =	vst v63  }
0x355: {  	s21 =	spop (v2sf)  }
0x356: {  	(v2sf) =	vpush v9, $0x3;
	s3 =	sshll.u32 s21, $0x4  }
0x357: {  	s5 =	sshra.s32 s7, $0x7;
	s3 =	sand.u32 $0x1FFFFFF0, s3  }
0x358: {  	s23 =	simm.s32 $0x1C780;
	p0 =	seq.s32 s5, s22;
	s3 =	sadd.s32 s8, s3  }
0x359: {  	[tilespmem:s23], [sflag:$0x1] =	stream.linear.gather [hbm4b:s3+s6], $0x80, $0x38;
	[tilespmem:$0x1D480] =	vst v63  }
0x35a: {  	s22 =	simm.s32 @!p0 $0x4700;
	s3 =	sand.u32 @!p0 $0xFFFFF80, s7  }
0x35b: {  	s21 =	simm.s32 @!p0 $0x7A1400;
	s7 =	simm.s32 @!p0 $0x400;
	s3 =	sadd.s32 @!p0 s0, s3  }
0x35c: {  	[tilespmem:s22], [sflag:$0x1] =	stream.strided.gather @!p0 [hbm4b:s3+s7], $0x2000, s21, s7, $0x38;
	[tilespmem:$0x1D480] =	vst v63  }
0x35d: {  	s21 =	spop (v2sf)  }
0x35e: {  	(v2sf) =	vpush v9, $0x4;
	s3 =	sshll.u32 s21, $0x4  }
0x35f: {  	s22 =	sshra.s32 s14, $0x7;
	s3 =	sand.u32 $0x1FFFFFF0, s3  }
0x360: {  	s23 =	simm.s32 $0x1C800;
	p0 =	seq.s32 s22, s5;
	s3 =	sadd.s32 s8, s3  }
0x361: {  	[tilespmem:s23], [sflag:$0x1] =	stream.linear.gather [hbm4b:s3+s6], $0x80, $0x38;
	[tilespmem:$0x1D480] =	vst v63  }
0x362: {  	s5 =	simm.s32 @!p0 $0x400;
	s3 =	sand.u32 @!p0 $0xFFFFF80, s14  }
0x363: {  	s21 =	simm.s32 @!p0 $0x6700;
	s14 =	simm.s32 @!p0 $0x7A1400;
	s3 =	sadd.s32 @!p0 s0, s3  }
0x364: {  	[tilespmem:s21], [sflag:$0x1] =	stream.strided.gather @!p0 [hbm4b:s3+s5], $0x2000, s14, s5, $0x38;
	[tilespmem:$0x1D480] =	vst v63  }
0x365: {  	s14 =	spop (v2sf)  }
0x366: {  	(v2sf) =	vpush v9, $0x5;
	s3 =	sshll.u32 s14, $0x4  }
0x367: {  	s5 =	sshra.s32 s15, $0x7;
	s3 =	sand.u32 $0x1FFFFFF0, s3  }
0x368: {  	s21 =	simm.s32 $0x1C880;
	p0 =	seq.s32 s5, s22;
	s3 =	sadd.s32 s8, s3  }
0x369: {  	[tilespmem:s21], [sflag:$0x1] =	stream.linear.gather [hbm4b:s3+s6], $0x80, $0x38;
	[tilespmem:$0x1D480] =	vst v63  }
0x36a: {  	s7 =	simm.s32 @!p0 $0x400;
	s3 =	sand.u32 @!p0 $0xFFFFF80, s15  }
0x36b: {  	s14 =	simm.s32 @!p0 $0x7A1400;
	s15 =	simm.s32 @!p0 $0x8700;
	s3 =	sadd.s32 @!p0 s0, s3  }
0x36c: {  	[tilespmem:s15], [sflag:$0x1] =	stream.strided.gather @!p0 [hbm4b:s3+s7], $0x2000, s14, s7, $0x38;
	[tilespmem:$0x1D480] =	vst v63  }
0x36d: {  	s22 =	spop (v2sf)  }
0x36e: {  	(v2sf) =	vpush v9, $0x6;
	s3 =	sshll.u32 s22, $0x4  }
0x36f: {  	s23 =	sshra.s32 s20, $0x7;
	s3 =	sand.u32 $0x1FFFFFF0, s3  }
0x370: {  	p0 =	seq.s32 s23, s5;
	s14 =	simm.s32 $0x1C900;
	s3 =	sadd.s32 s8, s3  }
0x371: {  	[tilespmem:s14], [sflag:$0x1] =	stream.linear.gather [hbm4b:s3+s6], $0x80, $0x38;
	[tilespmem:$0x1D480] =	vst v63  }
0x372: {  	s5 =	simm.s32 @!p0 $0x400;
	s3 =	sand.u32 @!p0 $0xFFFFF80, s20  }
0x373: {  	s15 =	simm.s32 @!p0 $0xA700;
	s14 =	simm.s32 @!p0 $0x7A1400;
	s3 =	sadd.s32 @!p0 s0, s3  }
0x374: {  	[tilespmem:s15], [sflag:$0x1] =	stream.strided.gather @!p0 [hbm4b:s3+s5], $0x2000, s14, s5, $0x38;
	[tilespmem:$0x1D480] =	vst v63  }
0x375: {  	s15 =	spop (v2sf)  }
0x376: {  	s3 =	sshll.u32 s15, $0x4  }
0x377: {  	s20 =	sshra.s32 s19, $0x7;
	s3 =	sand.u32 $0x1FFFFFF0, s3  }
0x378: {  	s21 =	simm.s32 $0x1C980;
	p0 =	seq.s32 s20, s23;
	s3 =	sadd.s32 s8, s3  }
0x379: {  	[tilespmem:s21], [sflag:$0x1] =	stream.linear.gather [hbm4b:s3+s6], $0x80, $0x38;
	[tilespmem:$0x1D480] =	vst v63  }
0x37a: {  	s5 =	simm.s32 @!p0 $0x400;
	s3 =	sand.u32 @!p0 $0xFFFFF80, s19  }
0x37b: {  	s7 =	simm.s32 @!p0 $0x7A1400;
	s14 =	simm.s32 @!p0 $0xC700;
	s3 =	sadd.s32 @!p0 s0, s3  }
0x37c: {  	[tilespmem:s14], [sflag:$0x1] =	stream.strided.gather @!p0 [hbm4b:s3+s5], $0x2000, s7, s5, $0x38;
	[tilespmem:$0x1D480] =	vst v63  }
.Ltmp5:
0x37d: {  	s22 =	spop (v2sf);
	(pc) =	sbr.rel .LBB2_4-.Ltmp5, $4  }
0x37e: {  	s3 =	sshll.u32 s22, $0x4  }
0x37f: {  	s3 =	sand.u32 $0x1FFFFFF0, s3  }
0x380: {  	s23 =	simm.s32 $0x1CA00;
	s3 =	sadd.s32 s8, s3  }
0x381: {  	[tilespmem:s23], [sflag:$0x1] =	stream.linear.gather [hbm4b:s3+s6], $0x80, $0x38;
	[tilespmem:$0x1D480] =	vst v63  }
.LBB2_6:
0x382: {  	_ =	sfence.sel $0x180000  }
0x383: {  	[bflag:$0x0] =	sbarrier.arrive $0xFFFF  }
0x384: {  	_ =	strace $0x90000047  }
0x385: {  	s0 =	stileid.u32;
	[bflag:$0x2] =	sbarrier.arrive $0xFFFF  }
0x386: {  	p0 =	sne.s32 s0, $0x0;
	s0 =	rddreg [dreg:$0x7]  }
0x387: {  	s0 =	sadd.s32 @!p0 $0x100000, s0  }
0x388: {  	[sflag:s0] =	ssyncadd.tile.s32 @!p0 $0x1;
	_ =	shalt  }
.Lfunc_end2:
_tile_overlayer_lowered:
.L_overlay_start_2:
0x389: {  	(tag) =	ssettag $0x2  }
0x38a: {  	s0 =	rddreg [dreg:$0x0];
	s2 =	stileid.u32  }
0x38b: {  	s1 =	rddreg [dreg:$0x1];
	p0 =	sne.s32 s2, $0x0  }
0x38c: {  	s3 =	rddreg [dreg:$0x2];
	[bflag:$0x3] =	sbarrier.arrive $0xFFFF;
	s2 =	simm.s32 @!p0 $0x1C03  }
0x38d: {  	[timem:s3], [sflag:s2] =	dma.local @!p0 [hbm:s0], s1  }
0x38e: {  	s0 =	simm.s32 @!p0 $0x3  }
0x38f: {  	_ =	swait.ge @!p0 [sflag:s0], s1  }
0x390: {  	s1 =	ssub.s32 @!p0 $0x0, s1;
	[sflag:s0] =	ssyncset.done @!p0 $0x0  }
0x391: {  	[sflag:s0] =	ssyncadd.s32 @!p0 s1  }
0x392: {  	[bflag:$0x3] =	sbarrier.arrive $0xFFFF  }
0x393: {  	_ =	shalt  }

</sc_bundles>
